<compile_context>
chip_gen: v7x
topology: tpu7x:2x2x1
jax: 0.10.2.dev20260603
libtpu: 0.0.44.dev20260713+nightly
codegen_flags: <defaults>
</compile_context>

<pallas_src>
import functools

import jax
import jax.numpy as jnp
from jax import lax
from jax.experimental import pallas as pl
from jax.experimental.pallas import tpu as pltpu
from jax.experimental.pallas import tpu_sc as plsc

NB = 4


@functools.lru_cache(maxsize=None)
def _build(bsz, seq, v, d):
    info = plsc.get_sparse_core_info()
    nw = info.num_cores * info.num_subcores
    BB = bsz // nw
    assert BB == 128
    n_chunks = seq
    assert n_chunks % NB == 0

    mesh = plsc.VectorSubcoreMesh(core_axis_name="c", subcore_axis_name="s")

    @functools.partial(
        pl.kernel,
        mesh=mesh,
        out_type=jax.ShapeDtypeStruct((seq, d, bsz), jnp.float32),
        scratch_types=[
            pltpu.VMEM((NB, BB), jnp.int32),
            pltpu.VMEM((NB, BB, 128), jnp.float32),
            pltpu.VMEM((NB, d, BB), jnp.float32),
            [pltpu.SemaphoreType.DMA] * NB,
            [pltpu.SemaphoreType.DMA] * NB,
            [pltpu.SemaphoreType.DMA] * NB,
        ],
        compiler_params=pltpu.CompilerParams(
            use_tc_tiling_on_sc=True, needs_layout_passes=False),
    )
    def k(table_hbm, ids_hbm, out_hbm, idx, gin, gout, sem_i, sem_g, sem_s):
        wid = lax.axis_index("s") * info.num_cores + lax.axis_index("c")
        b0 = wid * BB
        it16 = lax.iota(jnp.int32, 16)
        rotvecs = [(it16 + k) & 15 for k in range(16)]

        def idx_copy(i, b):
            return pltpu.make_async_copy(
                ids_hbm.at[i, pl.ds(b0, BB)], idx.at[b], sem_i[b])

        def gather_copy(b):
            return pltpu.make_async_copy(
                table_hbm.at[idx.at[b]], gin.at[b], sem_g[b])

        def store_copy(i, b):
            return pltpu.make_async_copy(
                gout.at[b], out_hbm.at[i, :, pl.ds(b0, BB)], sem_s[b])

        def transpose(b):
            gi, go = gin.at[b], gout.at[b]
            ne = d // 16

            def tbody(t, carry):
                r0 = (t // ne) * 16
                e0 = (t % ne) * 16
                rvec = it16 + r0
                for k0 in range(0, 16, 4):
                    evs = [rotvecs[k0 + j] + e0 for j in range(4)]
                    vals = [plsc.load_gather(gi, [rvec, evs[j]])
                            for j in range(4)]
                    for j in range(4):
                        plsc.store_scatter(go, [evs[j], rvec], vals[j])
                return carry

            lax.fori_loop(0, (BB // 16) * ne, tbody, 0)

        for j in range(NB):
            idx_copy(j, j).start()
        idx_copy(0, 0).wait()
        gather_copy(0).start()
        idx_copy(1, 1).wait()
        gather_copy(1).start()

        def body(g, carry):
            for b in range(NB):
                i = NB * g + b

                gather_copy(b).wait()

                @pl.when(i + 2 < n_chunks)
                def _():
                    b2 = (b + 2) % NB
                    idx_copy(i + 2, b2).wait()
                    gather_copy(b2).start()

                @pl.when(i + NB < n_chunks)
                def _():
                    idx_copy(i + NB, b).start()

                @pl.when(i >= NB)
                def _():
                    store_copy(i - NB, b).wait()

                transpose(b)
                store_copy(i, b).start()
            return carry

        lax.fori_loop(0, n_chunks // NB, body, 0)
        for j in range(NB):
            store_copy(n_chunks - NB + j, j).wait()

    return k


@functools.lru_cache(maxsize=None)
def _build_pad(v, d):
    info = plsc.get_sparse_core_info()
    nw = info.num_cores * info.num_subcores
    n_units = (v + 127) // 128
    vtail = v % 128
    n_t = (n_units + nw - 1) // nw

    mesh = plsc.VectorSubcoreMesh(core_axis_name="c", subcore_axis_name="s")

    @functools.partial(
        pl.kernel,
        mesh=mesh,
        out_type=jax.ShapeDtypeStruct((v, 128), jnp.float32),
        scratch_types=[
            pltpu.VMEM((2, d, 128), jnp.float32),
            pltpu.VMEM((2, 128, 128), jnp.float32),
            pltpu.VMEM((vtail, 128), jnp.float32),
            [pltpu.SemaphoreType.DMA] * 2,
            [pltpu.SemaphoreType.DMA] * 2,
            pltpu.SemaphoreType.DMA,
        ],
        compiler_params=pltpu.CompilerParams(
            use_tc_tiling_on_sc=True, needs_layout_passes=False),
    )
    def k1(tin_hbm, tail_hbm, out_hbm, gin, gout, gtail, sem_g, sem_s, sem_t):
        wid = lax.axis_index("s") * info.num_cores + lax.axis_index("c")
        it16 = lax.iota(jnp.int32, 16)
        rotvecs = [(it16 + kk) & 15 for kk in range(16)]

        def unit(t):
            return t * nw + wid

        def in_copy(t, b):
            return pltpu.make_async_copy(
                tin_hbm.at[:, pl.ds(unit(t) * 128, 128)], gin.at[b], sem_g[b])

        def store_copy(t, b):
            return pltpu.make_async_copy(
                gout.at[b], out_hbm.at[pl.ds(unit(t) * 128, 128)], sem_s[b])

        def transpose(gi, go, ncol):
            ne = d // 16

            def tbody(tt, carry):
                r0 = (tt // ne) * 16
                e0 = (tt % ne) * 16
                rvec = it16 + r0
                for k0 in range(0, 16, 4):
                    evs = [rotvecs[k0 + j] + e0 for j in range(4)]
                    vals = [plsc.load_gather(gi, [evs[j], rvec])
                            for j in range(4)]
                    for j in range(4):
                        plsc.store_scatter(go, [rvec, evs[j]], vals[j])
                return carry

            lax.fori_loop(0, (ncol // 16) * ne, tbody, 0)

        full = lambda t: unit(t) < n_units - 1
        live = lambda t: unit(t) < n_units

        @pl.when(full(0))
        def _():
            in_copy(0, 0).start()

        def step(t, b):
            @pl.when(full(t))
            def _():
                in_copy(t, b).wait()

            @pl.when(full(t + 1))
            def _():
                in_copy(t + 1, 1 - b).start()

            @pl.when(t >= 2)
            def _():
                @pl.when(full(t - 2))
                def _():
                    store_copy(t - 2, b).wait()

            @pl.when(full(t))
            def _():
                transpose(gin.at[b], gout.at[b], 128)
                store_copy(t, b).start()

            @pl.when(live(t) & jnp.logical_not(full(t)))
            def _():
                pltpu.sync_copy(tail_hbm, gtail)
                tc = pltpu.make_async_copy(
                    gtail, out_hbm.at[pl.ds(unit(t) * 128, vtail)], sem_t)
                tc.start()
                tc.wait()

        def body(g, carry):
            step(2 * g, 0)
            step(2 * g + 1, 1)
            return carry

        n_pairs = n_t // 2
        lax.fori_loop(0, n_pairs, body, 0)
        if n_t % 2:
            step(n_t - 1, (n_t - 1) % 2)
        for tt in (n_t - 2, n_t - 1):
            @pl.when(full(tt))
            def _():
                store_copy(tt, tt % 2).wait()

    return k1


def kernel(input_ids, table):
    bsz, seq = input_ids.shape
    v, d = table.shape
    ids_t = input_ids.T.astype(jnp.int32)
    tail = jnp.pad(table[v - v % 128:], ((0, 0), (0, 128 - d)))
    table_pad = _build_pad(v, d)(table.T, tail)
    out_t = _build(bsz, seq, v, d)(table_pad, ids_t)
    return (out_t.transpose(2, 0, 1),)

# --- scband reference (transcript-rebuilt; emitter-appended) ---
"""Pipeline reference for scband-simple-text-encoder-63282048139493 (READ-ONLY COPY).

The authoritative reference and input builder live on the scoring server;
editing this copy changes nothing except your own understanding.
"""

import jax, jax.numpy as jnp
import numpy as np

VOCAB = 1000000
EMBED = 64
BATCH = 4096
SEQ = 200

def setup_inputs(seed: int = 0) -> dict:
    key = jax.random.key(seed)
    k1, k2 = jax.random.split(key)
    input_ids = jax.random.randint(k1, (BATCH, SEQ), 0, VOCAB, dtype=jnp.int64 if jax.config.jax_enable_x64 else jnp.int32)
    table = jax.random.normal(k2, (VOCAB, EMBED), dtype=jnp.float32) * 0.02
    return {"input_ids": input_ids, "table": table}

def reference(input_ids, table):
    # nn.Embedding forward: gather rows of the table by token id
    embeddings = jnp.take(table, input_ids, axis=0)
    return (embeddings,)

if __name__ == "__main__":
    import jax
    _d = setup_inputs()
    print(jax.jit(kernel)(*tuple(_d.values())))

</pallas_src>

<mosaic_0001>
#map = affine_map<(d0, d1) -> (0, 0)>
#map1 = affine_map<(d0, d1) -> (0, 0, 0)>
module attributes {stable_mosaic.version = 14 : i64} {
  func.func @k(%arg0: i32, %arg1: i32, %arg2: memref<1000000x128xf32, #tpu.memory_space<hbm>>, %arg3: memref<200x4096xi32, #tpu.memory_space<hbm>>, %arg4: memref<200x64x4096xf32, #tpu.memory_space<hbm>>, %arg5: memref<4x128xi32, #tpu.memory_space<vmem>>, %arg6: memref<4x128x128xf32, #tpu.memory_space<vmem>>, %arg7: memref<4x64x128xf32, #tpu.memory_space<vmem>>, %arg8: memref<!tpu.dma_semaphore, #tpu.memory_space<semaphore_mem>>, %arg9: memref<!tpu.dma_semaphore, #tpu.memory_space<semaphore_mem>>, %arg10: memref<!tpu.dma_semaphore, #tpu.memory_space<semaphore_mem>>, %arg11: memref<!tpu.dma_semaphore, #tpu.memory_space<semaphore_mem>>, %arg12: memref<!tpu.dma_semaphore, #tpu.memory_space<semaphore_mem>>, %arg13: memref<!tpu.dma_semaphore, #tpu.memory_space<semaphore_mem>>, %arg14: memref<!tpu.dma_semaphore, #tpu.memory_space<semaphore_mem>>, %arg15: memref<!tpu.dma_semaphore, #tpu.memory_space<semaphore_mem>>, %arg16: memref<!tpu.dma_semaphore, #tpu.memory_space<semaphore_mem>>, %arg17: memref<!tpu.dma_semaphore, #tpu.memory_space<semaphore_mem>>, %arg18: memref<!tpu.dma_semaphore, #tpu.memory_space<semaphore_mem>>, %arg19: memref<!tpu.dma_semaphore, #tpu.memory_space<semaphore_mem>>) attributes {dimension_semantics = [#tpu.dimension_semantics<core_parallel>, #tpu.dimension_semantics<subcore_parallel>], iteration_bounds = array<i64: 2, 16>, scalar_prefetch = 0 : i64, scratch_operands = 15 : i64, tpu.core_type = #tpu.core_type<sc_vector_subcore>, window_params = [{transform_indices = #map}, {transform_indices = #map}, {transform_indices = #map1}]} {
    %mul3A = arith.constant 2 : i32
    %mul3A_0 = arith.muli %arg1, %mul3A : i32
    %add3A = arith.addi %mul3A_0, %arg0 : i32
    %mul3A_1 = arith.constant 128 : i32
    %mul3A_2 = arith.muli %add3A, %mul3A_1 : i32
    %iota3A = tpu.iota {dimensions = array<i32: 0>} : vector<16xi32>
    %add3A_3 = arith.constant 0 : i32
    %add3A_4 = vector.broadcast %add3A_3 : i32 to vector<16xi32>
    %add3A_5 = arith.addi %iota3A, %add3A_4 : vector<16xi32>
    %and3A = arith.constant 15 : i32
    %and3A_6 = vector.broadcast %and3A : i32 to vector<16xi32>
    %and3A_7 = arith.andi %add3A_5, %and3A_6 : vector<16xi32>
    %add3A_8 = arith.constant 1 : i32
    %add3A_9 = vector.broadcast %add3A_8 : i32 to vector<16xi32>
    %add3A_10 = arith.addi %iota3A, %add3A_9 : vector<16xi32>
    %and3A_11 = arith.constant 15 : i32
    %and3A_12 = vector.broadcast %and3A_11 : i32 to vector<16xi32>
    %and3A_13 = arith.andi %add3A_10, %and3A_12 : vector<16xi32>
    %add3A_14 = arith.constant 2 : i32
    %add3A_15 = vector.broadcast %add3A_14 : i32 to vector<16xi32>
    %add3A_16 = arith.addi %iota3A, %add3A_15 : vector<16xi32>
    %and3A_17 = arith.constant 15 : i32
    %and3A_18 = vector.broadcast %and3A_17 : i32 to vector<16xi32>
    %and3A_19 = arith.andi %add3A_16, %and3A_18 : vector<16xi32>
    %add3A_20 = arith.constant 3 : i32
    %add3A_21 = vector.broadcast %add3A_20 : i32 to vector<16xi32>
    %add3A_22 = arith.addi %iota3A, %add3A_21 : vector<16xi32>
    %and3A_23 = arith.constant 15 : i32
    %and3A_24 = vector.broadcast %and3A_23 : i32 to vector<16xi32>
    %and3A_25 = arith.andi %add3A_22, %and3A_24 : vector<16xi32>
    %add3A_26 = arith.constant 4 : i32
    %add3A_27 = vector.broadcast %add3A_26 : i32 to vector<16xi32>
    %add3A_28 = arith.addi %iota3A, %add3A_27 : vector<16xi32>
    %and3A_29 = arith.constant 15 : i32
    %and3A_30 = vector.broadcast %and3A_29 : i32 to vector<16xi32>
    %and3A_31 = arith.andi %add3A_28, %and3A_30 : vector<16xi32>
    %add3A_32 = arith.constant 5 : i32
    %add3A_33 = vector.broadcast %add3A_32 : i32 to vector<16xi32>
    %add3A_34 = arith.addi %iota3A, %add3A_33 : vector<16xi32>
    %and3A_35 = arith.constant 15 : i32
    %and3A_36 = vector.broadcast %and3A_35 : i32 to vector<16xi32>
    %and3A_37 = arith.andi %add3A_34, %and3A_36 : vector<16xi32>
    %add3A_38 = arith.constant 6 : i32
    %add3A_39 = vector.broadcast %add3A_38 : i32 to vector<16xi32>
    %add3A_40 = arith.addi %iota3A, %add3A_39 : vector<16xi32>
    %and3A_41 = arith.constant 15 : i32
    %and3A_42 = vector.broadcast %and3A_41 : i32 to vector<16xi32>
    %and3A_43 = arith.andi %add3A_40, %and3A_42 : vector<16xi32>
    %add3A_44 = arith.constant 7 : i32
    %add3A_45 = vector.broadcast %add3A_44 : i32 to vector<16xi32>
    %add3A_46 = arith.addi %iota3A, %add3A_45 : vector<16xi32>
    %and3A_47 = arith.constant 15 : i32
    %and3A_48 = vector.broadcast %and3A_47 : i32 to vector<16xi32>
    %and3A_49 = arith.andi %add3A_46, %and3A_48 : vector<16xi32>
    %add3A_50 = arith.constant 8 : i32
    %add3A_51 = vector.broadcast %add3A_50 : i32 to vector<16xi32>
    %add3A_52 = arith.addi %iota3A, %add3A_51 : vector<16xi32>
    %and3A_53 = arith.constant 15 : i32
    %and3A_54 = vector.broadcast %and3A_53 : i32 to vector<16xi32>
    %and3A_55 = arith.andi %add3A_52, %and3A_54 : vector<16xi32>
    %add3A_56 = arith.constant 9 : i32
    %add3A_57 = vector.broadcast %add3A_56 : i32 to vector<16xi32>
    %add3A_58 = arith.addi %iota3A, %add3A_57 : vector<16xi32>
    %and3A_59 = arith.constant 15 : i32
    %and3A_60 = vector.broadcast %and3A_59 : i32 to vector<16xi32>
    %and3A_61 = arith.andi %add3A_58, %and3A_60 : vector<16xi32>
    %add3A_62 = arith.constant 10 : i32
    %add3A_63 = vector.broadcast %add3A_62 : i32 to vector<16xi32>
    %add3A_64 = arith.addi %iota3A, %add3A_63 : vector<16xi32>
    %and3A_65 = arith.constant 15 : i32
    %and3A_66 = vector.broadcast %and3A_65 : i32 to vector<16xi32>
    %and3A_67 = arith.andi %add3A_64, %and3A_66 : vector<16xi32>
    %add3A_68 = arith.constant 11 : i32
    %add3A_69 = vector.broadcast %add3A_68 : i32 to vector<16xi32>
    %add3A_70 = arith.addi %iota3A, %add3A_69 : vector<16xi32>
    %and3A_71 = arith.constant 15 : i32
    %and3A_72 = vector.broadcast %and3A_71 : i32 to vector<16xi32>
    %and3A_73 = arith.andi %add3A_70, %and3A_72 : vector<16xi32>
    %add3A_74 = arith.constant 12 : i32
    %add3A_75 = vector.broadcast %add3A_74 : i32 to vector<16xi32>
    %add3A_76 = arith.addi %iota3A, %add3A_75 : vector<16xi32>
    %and3A_77 = arith.constant 15 : i32
    %and3A_78 = vector.broadcast %and3A_77 : i32 to vector<16xi32>
    %and3A_79 = arith.andi %add3A_76, %and3A_78 : vector<16xi32>
    %add3A_80 = arith.constant 13 : i32
    %add3A_81 = vector.broadcast %add3A_80 : i32 to vector<16xi32>
    %add3A_82 = arith.addi %iota3A, %add3A_81 : vector<16xi32>
    %and3A_83 = arith.constant 15 : i32
    %and3A_84 = vector.broadcast %and3A_83 : i32 to vector<16xi32>
    %and3A_85 = arith.andi %add3A_82, %and3A_84 : vector<16xi32>
    %add3A_86 = arith.constant 14 : i32
    %add3A_87 = vector.broadcast %add3A_86 : i32 to vector<16xi32>
    %add3A_88 = arith.addi %iota3A, %add3A_87 : vector<16xi32>
    %and3A_89 = arith.constant 15 : i32
    %and3A_90 = vector.broadcast %and3A_89 : i32 to vector<16xi32>
    %and3A_91 = arith.andi %add3A_88, %and3A_90 : vector<16xi32>
    %add3A_92 = arith.constant 15 : i32
    %add3A_93 = vector.broadcast %add3A_92 : i32 to vector<16xi32>
    %add3A_94 = arith.addi %iota3A, %add3A_93 : vector<16xi32>
    %and3A_95 = arith.constant 15 : i32
    %and3A_96 = vector.broadcast %and3A_95 : i32 to vector<16xi32>
    %and3A_97 = arith.andi %add3A_94, %and3A_96 : vector<16xi32>
    %dma_start3A = arith.constant 0 : i32
    %dma_start3A_98 = arith.constant 0 : i32
    %dma_start3A_99 = arith.constant 0 : i32
    %dma_start3A_100 = tpu.memref_slice %arg5[%dma_start3A_98, %dma_start3A_99] : memref<4x128xi32, #tpu.memory_space<vmem>> -> memref<1x128xi32, #tpu.memory_space<vmem>>
    %dma_start3A_101 = tpu.memref_squeeze %dma_start3A_100 : memref<1x128xi32, #tpu.memory_space<vmem>> -> memref<128xi32, #tpu.memory_space<vmem>>
    %dma_start3A_102 = tpu.memref_slice %arg3[%dma_start3A, %mul3A_2] : memref<200x4096xi32, #tpu.memory_space<hbm>> -> memref<1x128xi32, #tpu.memory_space<hbm>>
    %dma_start3A_103 = tpu.memref_squeeze %dma_start3A_102 : memref<1x128xi32, #tpu.memory_space<hbm>> -> memref<128xi32, #tpu.memory_space<hbm>>
    %dma_start3A_104 = arith.constant 0 : i32
    %dma_start3A_105 = tpu.memref_slice %arg5[%dma_start3A_98, %dma_start3A_104] : memref<4x128xi32, #tpu.memory_space<vmem>> -> memref<1x128xi32, #tpu.memory_space<vmem>>
    %dma_start3A_106 = tpu.memref_squeeze %dma_start3A_105 : memref<1x128xi32, #tpu.memory_space<vmem>> -> memref<128xi32, #tpu.memory_space<vmem>>
    %dma_start3A_107 = tpu.memref_slice %arg3[%dma_start3A, %mul3A_2] : memref<200x4096xi32, #tpu.memory_space<hbm>> -> memref<1x128xi32, #tpu.memory_space<hbm>>
    %dma_start3A_108 = tpu.memref_squeeze %dma_start3A_107 : memref<1x128xi32, #tpu.memory_space<hbm>> -> memref<128xi32, #tpu.memory_space<hbm>>
    tpu.enqueue_dma source(%dma_start3A_108 : memref<128xi32, #tpu.memory_space<hbm>>) target(%dma_start3A_106 : memref<128xi32, #tpu.memory_space<vmem>>) target_semaphore(%arg8 : memref<!tpu.dma_semaphore, #tpu.memory_space<semaphore_mem>>)
    %dma_start3A_109 = arith.constant 1 : i32
    %dma_start3A_110 = arith.constant 1 : i32
    %dma_start3A_111 = arith.constant 0 : i32
    %dma_start3A_112 = tpu.memref_slice %arg5[%dma_start3A_110, %dma_start3A_111] : memref<4x128xi32, #tpu.memory_space<vmem>> -> memref<1x128xi32, #tpu.memory_space<vmem>>
    %dma_start3A_113 = tpu.memref_squeeze %dma_start3A_112 : memref<1x128xi32, #tpu.memory_space<vmem>> -> memref<128xi32, #tpu.memory_space<vmem>>
    %dma_start3A_114 = tpu.memref_slice %arg3[%dma_start3A_109, %mul3A_2] : memref<200x4096xi32, #tpu.memory_space<hbm>> -> memref<1x128xi32, #tpu.memory_space<hbm>>
    %dma_start3A_115 = tpu.memref_squeeze %dma_start3A_114 : memref<1x128xi32, #tpu.memory_space<hbm>> -> memref<128xi32, #tpu.memory_space<hbm>>
    %dma_start3A_116 = arith.constant 0 : i32
    %dma_start3A_117 = tpu.memref_slice %arg5[%dma_start3A_110, %dma_start3A_116] : memref<4x128xi32, #tpu.memory_space<vmem>> -> memref<1x128xi32, #tpu.memory_space<vmem>>
    %dma_start3A_118 = tpu.memref_squeeze %dma_start3A_117 : memref<1x128xi32, #tpu.memory_space<vmem>> -> memref<128xi32, #tpu.memory_space<vmem>>
    %dma_start3A_119 = tpu.memref_slice %arg3[%dma_start3A_109, %mul3A_2] : memref<200x4096xi32, #tpu.memory_space<hbm>> -> memref<1x128xi32, #tpu.memory_space<hbm>>
    %dma_start3A_120 = tpu.memref_squeeze %dma_start3A_119 : memref<1x128xi32, #tpu.memory_space<hbm>> -> memref<128xi32, #tpu.memory_space<hbm>>
    tpu.enqueue_dma source(%dma_start3A_120 : memref<128xi32, #tpu.memory_space<hbm>>) target(%dma_start3A_118 : memref<128xi32, #tpu.memory_space<vmem>>) target_semaphore(%arg9 : memref<!tpu.dma_semaphore, #tpu.memory_space<semaphore_mem>>)
    %dma_start3A_121 = arith.constant 2 : i32
    %dma_start3A_122 = arith.constant 2 : i32
    %dma_start3A_123 = arith.constant 0 : i32
    %dma_start3A_124 = tpu.memref_slice %arg5[%dma_start3A_122, %dma_start3A_123] : memref<4x128xi32, #tpu.memory_space<vmem>> -> memref<1x128xi32, #tpu.memory_space<vmem>>
    %dma_start3A_125 = tpu.memref_squeeze %dma_start3A_124 : memref<1x128xi32, #tpu.memory_space<vmem>> -> memref<128xi32, #tpu.memory_space<vmem>>
    %dma_start3A_126 = tpu.memref_slice %arg3[%dma_start3A_121, %mul3A_2] : memref<200x4096xi32, #tpu.memory_space<hbm>> -> memref<1x128xi32, #tpu.memory_space<hbm>>
    %dma_start3A_127 = tpu.memref_squeeze %dma_start3A_126 : memref<1x128xi32, #tpu.memory_space<hbm>> -> memref<128xi32, #tpu.memory_space<hbm>>
    %dma_start3A_128 = arith.constant 0 : i32
    %dma_start3A_129 = tpu.memref_slice %arg5[%dma_start3A_122, %dma_start3A_128] : memref<4x128xi32, #tpu.memory_space<vmem>> -> memref<1x128xi32, #tpu.memory_space<vmem>>
    %dma_start3A_130 = tpu.memref_squeeze %dma_start3A_129 : memref<1x128xi32, #tpu.memory_space<vmem>> -> memref<128xi32, #tpu.memory_space<vmem>>
    %dma_start3A_131 = tpu.memref_slice %arg3[%dma_start3A_121, %mul3A_2] : memref<200x4096xi32, #tpu.memory_space<hbm>> -> memref<1x128xi32, #tpu.memory_space<hbm>>
    %dma_start3A_132 = tpu.memref_squeeze %dma_start3A_131 : memref<1x128xi32, #tpu.memory_space<hbm>> -> memref<128xi32, #tpu.memory_space<hbm>>
    tpu.enqueue_dma source(%dma_start3A_132 : memref<128xi32, #tpu.memory_space<hbm>>) target(%dma_start3A_130 : memref<128xi32, #tpu.memory_space<vmem>>) target_semaphore(%arg10 : memref<!tpu.dma_semaphore, #tpu.memory_space<semaphore_mem>>)
    %dma_start3A_133 = arith.constant 3 : i32
    %dma_start3A_134 = arith.constant 3 : i32
    %dma_start3A_135 = arith.constant 0 : i32
    %dma_start3A_136 = tpu.memref_slice %arg5[%dma_start3A_134, %dma_start3A_135] : memref<4x128xi32, #tpu.memory_space<vmem>> -> memref<1x128xi32, #tpu.memory_space<vmem>>
    %dma_start3A_137 = tpu.memref_squeeze %dma_start3A_136 : memref<1x128xi32, #tpu.memory_space<vmem>> -> memref<128xi32, #tpu.memory_space<vmem>>
    %dma_start3A_138 = tpu.memref_slice %arg3[%dma_start3A_133, %mul3A_2] : memref<200x4096xi32, #tpu.memory_space<hbm>> -> memref<1x128xi32, #tpu.memory_space<hbm>>
    %dma_start3A_139 = tpu.memref_squeeze %dma_start3A_138 : memref<1x128xi32, #tpu.memory_space<hbm>> -> memref<128xi32, #tpu.memory_space<hbm>>
    %dma_start3A_140 = arith.constant 0 : i32
    %dma_start3A_141 = tpu.memref_slice %arg5[%dma_start3A_134, %dma_start3A_140] : memref<4x128xi32, #tpu.memory_space<vmem>> -> memref<1x128xi32, #tpu.memory_space<vmem>>
    %dma_start3A_142 = tpu.memref_squeeze %dma_start3A_141 : memref<1x128xi32, #tpu.memory_space<vmem>> -> memref<128xi32, #tpu.memory_space<vmem>>
    %dma_start3A_143 = tpu.memref_slice %arg3[%dma_start3A_133, %mul3A_2] : memref<200x4096xi32, #tpu.memory_space<hbm>> -> memref<1x128xi32, #tpu.memory_space<hbm>>
    %dma_start3A_144 = tpu.memref_squeeze %dma_start3A_143 : memref<1x128xi32, #tpu.memory_space<hbm>> -> memref<128xi32, #tpu.memory_space<hbm>>
    tpu.enqueue_dma source(%dma_start3A_144 : memref<128xi32, #tpu.memory_space<hbm>>) target(%dma_start3A_142 : memref<128xi32, #tpu.memory_space<vmem>>) target_semaphore(%arg11 : memref<!tpu.dma_semaphore, #tpu.memory_space<semaphore_mem>>)
    %dma_wait3A = arith.constant 0 : i32
    %dma_wait3A_145 = arith.constant 0 : i32
    %dma_wait3A_146 = arith.constant 0 : i32
    %dma_wait3A_147 = tpu.memref_slice %arg5[%dma_wait3A_145, %dma_wait3A_146] : memref<4x128xi32, #tpu.memory_space<vmem>> -> memref<1x128xi32, #tpu.memory_space<vmem>>
    %dma_wait3A_148 = tpu.memref_squeeze %dma_wait3A_147 : memref<1x128xi32, #tpu.memory_space<vmem>> -> memref<128xi32, #tpu.memory_space<vmem>>
    %dma_wait3A_149 = tpu.memref_slice %arg3[%dma_wait3A, %mul3A_2] : memref<200x4096xi32, #tpu.memory_space<hbm>> -> memref<1x128xi32, #tpu.memory_space<hbm>>
    %dma_wait3A_150 = tpu.memref_squeeze %dma_wait3A_149 : memref<1x128xi32, #tpu.memory_space<hbm>> -> memref<128xi32, #tpu.memory_space<hbm>>
    %dma_wait3A_151 = arith.constant 0 : i32
    %dma_wait3A_152 = tpu.memref_slice %arg5[%dma_wait3A_145, %dma_wait3A_151] : memref<4x128xi32, #tpu.memory_space<vmem>> -> memref<1x128xi32, #tpu.memory_space<vmem>>
    %dma_wait3A_153 = tpu.memref_squeeze %dma_wait3A_152 : memref<1x128xi32, #tpu.memory_space<vmem>> -> memref<128xi32, #tpu.memory_space<vmem>>
    %dma_wait3A_154 = tpu.memref_slice %arg3[%dma_wait3A, %mul3A_2] : memref<200x4096xi32, #tpu.memory_space<hbm>> -> memref<1x128xi32, #tpu.memory_space<hbm>>
    %dma_wait3A_155 = tpu.memref_squeeze %dma_wait3A_154 : memref<1x128xi32, #tpu.memory_space<hbm>> -> memref<128xi32, #tpu.memory_space<hbm>>
    tpu.wait_dma2 semaphore(%arg8 : memref<!tpu.dma_semaphore, #tpu.memory_space<semaphore_mem>>) src(%dma_wait3A_155 : memref<128xi32, #tpu.memory_space<hbm>>) dst(%dma_wait3A_153 : memref<128xi32, #tpu.memory_space<vmem>>)
    %dma_start3A_156 = arith.constant 0 : i32
    %dma_start3A_157 = arith.constant 0 : i32
    %dma_start3A_158 = arith.constant 0 : i32
    %dma_start3A_159 = arith.constant 0 : i32
    %dma_start3A_160 = tpu.memref_slice %arg6[%dma_start3A_157, %dma_start3A_158, %dma_start3A_159] : memref<4x128x128xf32, #tpu.memory_space<vmem>> -> memref<1x128x128xf32, #tpu.memory_space<vmem>>
    %dma_start3A_161 = tpu.memref_squeeze %dma_start3A_160 : memref<1x128x128xf32, #tpu.memory_space<vmem>> -> memref<128x128xf32, #tpu.memory_space<vmem>>
    %dma_start3A_162 = arith.constant 0 : i32
    %dma_start3A_163 = tpu.memref_slice %arg5[%dma_start3A_156, %dma_start3A_162] : memref<4x128xi32, #tpu.memory_space<vmem>> -> memref<1x128xi32, #tpu.memory_space<vmem>>
    %dma_start3A_164 = tpu.memref_squeeze %dma_start3A_163 : memref<1x128xi32, #tpu.memory_space<vmem>> -> memref<128xi32, #tpu.memory_space<vmem>>
    %dma_start3A_165 = arith.constant 0 : i32
    %dma_start3A_166 = arith.constant 0 : i32
    %dma_start3A_167 = tpu.memref_slice %arg2[%dma_start3A_165, %dma_start3A_166] : memref<1000000x128xf32, #tpu.memory_space<hbm>> -> memref<1000000x128xf32, #tpu.memory_space<hbm>>
    tpu.enqueue_indirect_dma source(%dma_start3A_167 : memref<1000000x128xf32, #tpu.memory_space<hbm>>) target(%dma_start3A_161 : memref<128x128xf32, #tpu.memory_space<vmem>>) offsets(%dma_start3A_164 : memref<128xi32, #tpu.memory_space<vmem>>) semaphore(%arg12 : memref<!tpu.dma_semaphore, #tpu.memory_space<semaphore_mem>>)
    %dma_wait3A_168 = arith.constant 1 : i32
    %dma_wait3A_169 = arith.constant 1 : i32
    %dma_wait3A_170 = arith.constant 0 : i32
    %dma_wait3A_171 = tpu.memref_slice %arg5[%dma_wait3A_169, %dma_wait3A_170] : memref<4x128xi32, #tpu.memory_space<vmem>> -> memref<1x128xi32, #tpu.memory_space<vmem>>
    %dma_wait3A_172 = tpu.memref_squeeze %dma_wait3A_171 : memref<1x128xi32, #tpu.memory_space<vmem>> -> memref<128xi32, #tpu.memory_space<vmem>>
    %dma_wait3A_173 = tpu.memref_slice %arg3[%dma_wait3A_168, %mul3A_2] : memref<200x4096xi32, #tpu.memory_space<hbm>> -> memref<1x128xi32, #tpu.memory_space<hbm>>
    %dma_wait3A_174 = tpu.memref_squeeze %dma_wait3A_173 : memref<1x128xi32, #tpu.memory_space<hbm>> -> memref<128xi32, #tpu.memory_space<hbm>>
    %dma_wait3A_175 = arith.constant 0 : i32
    %dma_wait3A_176 = tpu.memref_slice %arg5[%dma_wait3A_169, %dma_wait3A_175] : memref<4x128xi32, #tpu.memory_space<vmem>> -> memref<1x128xi32, #tpu.memory_space<vmem>>
    %dma_wait3A_177 = tpu.memref_squeeze %dma_wait3A_176 : memref<1x128xi32, #tpu.memory_space<vmem>> -> memref<128xi32, #tpu.memory_space<vmem>>
    %dma_wait3A_178 = tpu.memref_slice %arg3[%dma_wait3A_168, %mul3A_2] : memref<200x4096xi32, #tpu.memory_space<hbm>> -> memref<1x128xi32, #tpu.memory_space<hbm>>
    %dma_wait3A_179 = tpu.memref_squeeze %dma_wait3A_178 : memref<1x128xi32, #tpu.memory_space<hbm>> -> memref<128xi32, #tpu.memory_space<hbm>>
    tpu.wait_dma2 semaphore(%arg9 : memref<!tpu.dma_semaphore, #tpu.memory_space<semaphore_mem>>) src(%dma_wait3A_179 : memref<128xi32, #tpu.memory_space<hbm>>) dst(%dma_wait3A_177 : memref<128xi32, #tpu.memory_space<vmem>>)
    %dma_start3A_180 = arith.constant 1 : i32
    %dma_start3A_181 = arith.constant 1 : i32
    %dma_start3A_182 = arith.constant 0 : i32
    %dma_start3A_183 = arith.constant 0 : i32
    %dma_start3A_184 = tpu.memref_slice %arg6[%dma_start3A_181, %dma_start3A_182, %dma_start3A_183] : memref<4x128x128xf32, #tpu.memory_space<vmem>> -> memref<1x128x128xf32, #tpu.memory_space<vmem>>
    %dma_start3A_185 = tpu.memref_squeeze %dma_start3A_184 : memref<1x128x128xf32, #tpu.memory_space<vmem>> -> memref<128x128xf32, #tpu.memory_space<vmem>>
    %dma_start3A_186 = arith.constant 0 : i32
    %dma_start3A_187 = tpu.memref_slice %arg5[%dma_start3A_180, %dma_start3A_186] : memref<4x128xi32, #tpu.memory_space<vmem>> -> memref<1x128xi32, #tpu.memory_space<vmem>>
    %dma_start3A_188 = tpu.memref_squeeze %dma_start3A_187 : memref<1x128xi32, #tpu.memory_space<vmem>> -> memref<128xi32, #tpu.memory_space<vmem>>
    %dma_start3A_189 = arith.constant 0 : i32
    %dma_start3A_190 = arith.constant 0 : i32
    %dma_start3A_191 = tpu.memref_slice %arg2[%dma_start3A_189, %dma_start3A_190] : memref<1000000x128xf32, #tpu.memory_space<hbm>> -> memref<1000000x128xf32, #tpu.memory_space<hbm>>
    tpu.enqueue_indirect_dma source(%dma_start3A_191 : memref<1000000x128xf32, #tpu.memory_space<hbm>>) target(%dma_start3A_185 : memref<128x128xf32, #tpu.memory_space<vmem>>) offsets(%dma_start3A_188 : memref<128xi32, #tpu.memory_space<vmem>>) semaphore(%arg13 : memref<!tpu.dma_semaphore, #tpu.memory_space<semaphore_mem>>)
    %scan3A = arith.constant 0 : i32
    %scan3A_192 = arith.constant 0 : i32
    %scan3A_193 = arith.constant 50 : i32
    %scan3A_194 = arith.addi %scan3A_192, %scan3A_193 : i32
    %scan3A_195 = arith.constant 1 : i32
    scf.for %scan3A_261 = %scan3A_192 to %scan3A_194 step %scan3A_195  : i32 {
      %mul3A_262 = arith.constant 4 : i32
      %mul3A_263 = arith.muli %mul3A_262, %scan3A_261 : i32
      %add3A_264 = arith.constant 0 : i32
      %add3A_265 = arith.addi %mul3A_263, %add3A_264 : i32
      %dma_wait3A_266 = arith.constant 0 : i32
      %dma_wait3A_267 = arith.constant 0 : i32
      %dma_wait3A_268 = arith.constant 0 : i32
      %dma_wait3A_269 = arith.constant 0 : i32
      %dma_wait3A_270 = tpu.memref_slice %arg6[%dma_wait3A_267, %dma_wait3A_268, %dma_wait3A_269] : memref<4x128x128xf32, #tpu.memory_space<vmem>> -> memref<1x128x128xf32, #tpu.memory_space<vmem>>
      %dma_wait3A_271 = tpu.memref_squeeze %dma_wait3A_270 : memref<1x128x128xf32, #tpu.memory_space<vmem>> -> memref<128x128xf32, #tpu.memory_space<vmem>>
      %dma_wait3A_272 = arith.constant 0 : i32
      %dma_wait3A_273 = tpu.memref_slice %arg5[%dma_wait3A_266, %dma_wait3A_272] : memref<4x128xi32, #tpu.memory_space<vmem>> -> memref<1x128xi32, #tpu.memory_space<vmem>>
      %dma_wait3A_274 = tpu.memref_squeeze %dma_wait3A_273 : memref<1x128xi32, #tpu.memory_space<vmem>> -> memref<128xi32, #tpu.memory_space<vmem>>
      %dma_wait3A_275 = arith.constant 0 : i32
      %dma_wait3A_276 = arith.constant 0 : i32
      %dma_wait3A_277 = tpu.memref_slice %arg2[%dma_wait3A_275, %dma_wait3A_276] : memref<1000000x128xf32, #tpu.memory_space<hbm>> -> memref<1000000x128xf32, #tpu.memory_space<hbm>>
      tpu.wait_indirect_dma semaphore(%arg12 : memref<!tpu.dma_semaphore, #tpu.memory_space<semaphore_mem>>) src(%dma_wait3A_277 : memref<1000000x128xf32, #tpu.memory_space<hbm>>) dst(%dma_wait3A_271 : memref<128x128xf32, #tpu.memory_space<vmem>>)
      %add3A_278 = arith.constant 2 : i32
      %add3A_279 = arith.addi %add3A_265, %add3A_278 : i32
      %lt3A = arith.constant 200 : i32
      %lt3A_280 = arith.cmpi slt, %add3A_279, %lt3A : i32
      %convert_element_type3A = arith.extui %lt3A_280 : i1 to i32
      %cond3A = arith.constant 0 : i32
      %cond3A_281 = arith.cmpi ne, %convert_element_type3A, %cond3A : i32
      scf.if %cond3A_281 {
        %add3A_490 = arith.constant 2 : i32
        %add3A_491 = arith.addi %add3A_265, %add3A_490 : i32
        %dma_wait3A_492 = arith.constant 2 : i32
        %dma_wait3A_493 = arith.constant 0 : i32
        %dma_wait3A_494 = tpu.memref_slice %arg5[%dma_wait3A_492, %dma_wait3A_493] : memref<4x128xi32, #tpu.memory_space<vmem>> -> memref<1x128xi32, #tpu.memory_space<vmem>>
        %dma_wait3A_495 = tpu.memref_squeeze %dma_wait3A_494 : memref<1x128xi32, #tpu.memory_space<vmem>> -> memref<128xi32, #tpu.memory_space<vmem>>
        %dma_wait3A_496 = tpu.memref_slice %arg3[%add3A_491, %mul3A_2] : memref<200x4096xi32, #tpu.memory_space<hbm>> -> memref<1x128xi32, #tpu.memory_space<hbm>>
        %dma_wait3A_497 = tpu.memref_squeeze %dma_wait3A_496 : memref<1x128xi32, #tpu.memory_space<hbm>> -> memref<128xi32, #tpu.memory_space<hbm>>
        %dma_wait3A_498 = arith.constant 0 : i32
        %dma_wait3A_499 = tpu.memref_slice %arg5[%dma_wait3A_492, %dma_wait3A_498] : memref<4x128xi32, #tpu.memory_space<vmem>> -> memref<1x128xi32, #tpu.memory_space<vmem>>
        %dma_wait3A_500 = tpu.memref_squeeze %dma_wait3A_499 : memref<1x128xi32, #tpu.memory_space<vmem>> -> memref<128xi32, #tpu.memory_space<vmem>>
        %dma_wait3A_501 = tpu.memref_slice %arg3[%add3A_491, %mul3A_2] : memref<200x4096xi32, #tpu.memory_space<hbm>> -> memref<1x128xi32, #tpu.memory_space<hbm>>
        %dma_wait3A_502 = tpu.memref_squeeze %dma_wait3A_501 : memref<1x128xi32, #tpu.memory_space<hbm>> -> memref<128xi32, #tpu.memory_space<hbm>>
        tpu.wait_dma2 semaphore(%arg10 : memref<!tpu.dma_semaphore, #tpu.memory_space<semaphore_mem>>) src(%dma_wait3A_502 : memref<128xi32, #tpu.memory_space<hbm>>) dst(%dma_wait3A_500 : memref<128xi32, #tpu.memory_space<vmem>>)
        %dma_start3A_503 = arith.constant 2 : i32
        %dma_start3A_504 = arith.constant 2 : i32
        %dma_start3A_505 = arith.constant 0 : i32
        %dma_start3A_506 = arith.constant 0 : i32
        %dma_start3A_507 = tpu.memref_slice %arg6[%dma_start3A_504, %dma_start3A_505, %dma_start3A_506] : memref<4x128x128xf32, #tpu.memory_space<vmem>> -> memref<1x128x128xf32, #tpu.memory_space<vmem>>
        %dma_start3A_508 = tpu.memref_squeeze %dma_start3A_507 : memref<1x128x128xf32, #tpu.memory_space<vmem>> -> memref<128x128xf32, #tpu.memory_space<vmem>>
        %dma_start3A_509 = arith.constant 0 : i32
        %dma_start3A_510 = tpu.memref_slice %arg5[%dma_start3A_503, %dma_start3A_509] : memref<4x128xi32, #tpu.memory_space<vmem>> -> memref<1x128xi32, #tpu.memory_space<vmem>>
        %dma_start3A_511 = tpu.memref_squeeze %dma_start3A_510 : memref<1x128xi32, #tpu.memory_space<vmem>> -> memref<128xi32, #tpu.memory_space<vmem>>
        %dma_start3A_512 = arith.constant 0 : i32
        %dma_start3A_513 = arith.constant 0 : i32
        %dma_start3A_514 = tpu.memref_slice %arg2[%dma_start3A_512, %dma_start3A_513] : memref<1000000x128xf32, #tpu.memory_space<hbm>> -> memref<1000000x128xf32, #tpu.memory_space<hbm>>
        tpu.enqueue_indirect_dma source(%dma_start3A_514 : memref<1000000x128xf32, #tpu.memory_space<hbm>>) target(%dma_start3A_508 : memref<128x128xf32, #tpu.memory_space<vmem>>) offsets(%dma_start3A_511 : memref<128xi32, #tpu.memory_space<vmem>>) semaphore(%arg14 : memref<!tpu.dma_semaphore, #tpu.memory_space<semaphore_mem>>)
      } else {
      }
      %add3A_282 = arith.constant 4 : i32
      %add3A_283 = arith.addi %add3A_265, %add3A_282 : i32
      %lt3A_284 = arith.constant 200 : i32
      %lt3A_285 = arith.cmpi slt, %add3A_283, %lt3A_284 : i32
      %convert_element_type3A_286 = arith.extui %lt3A_285 : i1 to i32
      %cond3A_287 = arith.constant 0 : i32
      %cond3A_288 = arith.cmpi ne, %convert_element_type3A_286, %cond3A_287 : i32
      scf.if %cond3A_288 {
        %add3A_490 = arith.constant 4 : i32
        %add3A_491 = arith.addi %add3A_265, %add3A_490 : i32
        %dma_start3A_492 = arith.constant 0 : i32
        %dma_start3A_493 = arith.constant 0 : i32
        %dma_start3A_494 = tpu.memref_slice %arg5[%dma_start3A_492, %dma_start3A_493] : memref<4x128xi32, #tpu.memory_space<vmem>> -> memref<1x128xi32, #tpu.memory_space<vmem>>
        %dma_start3A_495 = tpu.memref_squeeze %dma_start3A_494 : memref<1x128xi32, #tpu.memory_space<vmem>> -> memref<128xi32, #tpu.memory_space<vmem>>
        %dma_start3A_496 = tpu.memref_slice %arg3[%add3A_491, %mul3A_2] : memref<200x4096xi32, #tpu.memory_space<hbm>> -> memref<1x128xi32, #tpu.memory_space<hbm>>
        %dma_start3A_497 = tpu.memref_squeeze %dma_start3A_496 : memref<1x128xi32, #tpu.memory_space<hbm>> -> memref<128xi32, #tpu.memory_space<hbm>>
        %dma_start3A_498 = arith.constant 0 : i32
        %dma_start3A_499 = tpu.memref_slice %arg5[%dma_start3A_492, %dma_start3A_498] : memref<4x128xi32, #tpu.memory_space<vmem>> -> memref<1x128xi32, #tpu.memory_space<vmem>>
        %dma_start3A_500 = tpu.memref_squeeze %dma_start3A_499 : memref<1x128xi32, #tpu.memory_space<vmem>> -> memref<128xi32, #tpu.memory_space<vmem>>
        %dma_start3A_501 = tpu.memref_slice %arg3[%add3A_491, %mul3A_2] : memref<200x4096xi32, #tpu.memory_space<hbm>> -> memref<1x128xi32, #tpu.memory_space<hbm>>
        %dma_start3A_502 = tpu.memref_squeeze %dma_start3A_501 : memref<1x128xi32, #tpu.memory_space<hbm>> -> memref<128xi32, #tpu.memory_space<hbm>>
        tpu.enqueue_dma source(%dma_start3A_502 : memref<128xi32, #tpu.memory_space<hbm>>) target(%dma_start3A_500 : memref<128xi32, #tpu.memory_space<vmem>>) target_semaphore(%arg8 : memref<!tpu.dma_semaphore, #tpu.memory_space<semaphore_mem>>)
      } else {
      }
      %ge3A = arith.constant 4 : i32
      %ge3A_289 = arith.cmpi sge, %add3A_265, %ge3A : i32
      %convert_element_type3A_290 = arith.extui %ge3A_289 : i1 to i32
      %cond3A_291 = arith.constant 0 : i32
      %cond3A_292 = arith.cmpi ne, %convert_element_type3A_290, %cond3A_291 : i32
      scf.if %cond3A_292 {
        %sub3A = arith.constant 4 : i32
        %sub3A_490 = arith.subi %add3A_265, %sub3A : i32
        %dma_wait3A_491 = arith.constant 0 : i32
        %dma_wait3A_492 = arith.constant 0 : i32
        %dma_wait3A_493 = arith.constant 0 : i32
        %dma_wait3A_494 = tpu.memref_slice %arg7[%dma_wait3A_491, %dma_wait3A_492, %dma_wait3A_493] : memref<4x64x128xf32, #tpu.memory_space<vmem>> -> memref<1x64x128xf32, #tpu.memory_space<vmem>>
        %dma_wait3A_495 = tpu.memref_squeeze %dma_wait3A_494 : memref<1x64x128xf32, #tpu.memory_space<vmem>> -> memref<64x128xf32, #tpu.memory_space<vmem>>
        %dma_wait3A_496 = arith.constant 0 : i32
        %dma_wait3A_497 = tpu.memref_slice %arg4[%sub3A_490, %dma_wait3A_496, %mul3A_2] : memref<200x64x4096xf32, #tpu.memory_space<hbm>> -> memref<1x64x128xf32, #tpu.memory_space<hbm>>
        %dma_wait3A_498 = tpu.memref_squeeze %dma_wait3A_497 : memref<1x64x128xf32, #tpu.memory_space<hbm>> -> memref<64x128xf32, #tpu.memory_space<hbm>>
        %dma_wait3A_499 = arith.constant 0 : i32
        %dma_wait3A_500 = tpu.memref_slice %arg4[%sub3A_490, %dma_wait3A_499, %mul3A_2] : memref<200x64x4096xf32, #tpu.memory_space<hbm>> -> memref<1x64x128xf32, #tpu.memory_space<hbm>>
        %dma_wait3A_501 = tpu.memref_squeeze %dma_wait3A_500 : memref<1x64x128xf32, #tpu.memory_space<hbm>> -> memref<64x128xf32, #tpu.memory_space<hbm>>
        %dma_wait3A_502 = arith.constant 0 : i32
        %dma_wait3A_503 = arith.constant 0 : i32
        %dma_wait3A_504 = tpu.memref_slice %arg7[%dma_wait3A_491, %dma_wait3A_502, %dma_wait3A_503] : memref<4x64x128xf32, #tpu.memory_space<vmem>> -> memref<1x64x128xf32, #tpu.memory_space<vmem>>
        %dma_wait3A_505 = tpu.memref_squeeze %dma_wait3A_504 : memref<1x64x128xf32, #tpu.memory_space<vmem>> -> memref<64x128xf32, #tpu.memory_space<vmem>>
        tpu.wait_dma2 semaphore(%arg16 : memref<!tpu.dma_semaphore, #tpu.memory_space<semaphore_mem>>) src(%dma_wait3A_505 : memref<64x128xf32, #tpu.memory_space<vmem>>) dst(%dma_wait3A_501 : memref<64x128xf32, #tpu.memory_space<hbm>>)
      } else {
      }
      %scan3A_293 = arith.constant 0 : i32
      %scan3A_294 = arith.constant 0 : i32
      %scan3A_295 = arith.constant 0 : i32
      %scan3A_296 = arith.constant 0 : i32
      %scan3A_297 = arith.constant 32 : i32
      %scan3A_298 = arith.addi %scan3A_296, %scan3A_297 : i32
      %scan3A_299 = arith.constant 1 : i32
      scf.for %scan3A_490 = %scan3A_296 to %scan3A_298 step %scan3A_299  : i32 {
        %jit3A = arith.constant 4 : i32
        %div3A = arith.divsi %scan3A_490, %jit3A : i32
        %sign3A = arith.constant 0 : i32
        %sign3A_491 = arith.cmpi sgt, %scan3A_490, %sign3A : i32
        %sign3A_492 = arith.extui %sign3A_491 : i1 to i32
        %sign3A_493 = arith.constant 0 : i32
        %sign3A_494 = arith.cmpi slt, %scan3A_490, %sign3A_493 : i32
        %sign3A_495 = arith.extui %sign3A_494 : i1 to i32
        %sign3A_496 = arith.subi %sign3A_492, %sign3A_495 : i32
        %sign3A_497 = arith.constant 0 : i32
        %sign3A_498 = arith.cmpi sgt, %jit3A, %sign3A_497 : i32
        %sign3A_499 = arith.extui %sign3A_498 : i1 to i32
        %sign3A_500 = arith.constant 0 : i32
        %sign3A_501 = arith.cmpi slt, %jit3A, %sign3A_500 : i32
        %sign3A_502 = arith.extui %sign3A_501 : i1 to i32
        %sign3A_503 = arith.subi %sign3A_499, %sign3A_502 : i32
        %ne3A = arith.cmpi ne, %sign3A_496, %sign3A_503 : i32
        %rem3A = arith.remsi %scan3A_490, %jit3A : i32
        %ne3A_504 = arith.constant 0 : i32
        %ne3A_505 = arith.cmpi ne, %rem3A, %ne3A_504 : i32
        %and3A_506 = arith.andi %ne3A, %ne3A_505 : i1
        %sub3A = arith.constant 1 : i32
        %sub3A_507 = arith.subi %div3A, %sub3A : i32
        %select_n3A = arith.select %and3A_506, %sub3A_507, %div3A : i32
        %mul3A_508 = arith.constant 16 : i32
        %mul3A_509 = arith.muli %select_n3A, %mul3A_508 : i32
        %jit3A_510 = arith.constant 4 : i32
        %eq3A = arith.constant 0 : i32
        %eq3A_511 = arith.cmpi eq, %jit3A_510, %eq3A : i32
        %jit3A_512 = arith.constant 1 : i32
        %select_n3A_513 = arith.select %eq3A_511, %jit3A_512, %jit3A_510 : i32
        %rem3A_514 = arith.remsi %scan3A_490, %select_n3A_513 : i32
        %ne3A_515 = arith.constant 0 : i32
        %ne3A_516 = arith.cmpi ne, %rem3A_514, %ne3A_515 : i32
        %lt3A_517 = arith.constant 0 : i32
        %lt3A_518 = arith.cmpi slt, %rem3A_514, %lt3A_517 : i32
        %lt3A_519 = arith.constant 0 : i32
        %lt3A_520 = arith.cmpi slt, %select_n3A_513, %lt3A_519 : i32
        %ne3A_521 = arith.xori %lt3A_518, %lt3A_520 : i1
        %and3A_522 = arith.andi %ne3A_521, %ne3A_516 : i1
        %add3A_523 = arith.addi %rem3A_514, %select_n3A_513 : i32
        %select_n3A_524 = arith.select %and3A_522, %add3A_523, %rem3A_514 : i32
        %mul3A_525 = arith.constant 16 : i32
        %mul3A_526 = arith.muli %select_n3A_524, %mul3A_525 : i32
        %add3A_527 = vector.broadcast %mul3A_509 : i32 to vector<16xi32>
        %add3A_528 = arith.addi %iota3A, %add3A_527 : vector<16xi32>
        %add3A_529 = vector.broadcast %mul3A_526 : i32 to vector<16xi32>
        %add3A_530 = arith.addi %and3A_7, %add3A_529 : vector<16xi32>
        %add3A_531 = vector.broadcast %mul3A_526 : i32 to vector<16xi32>
        %add3A_532 = arith.addi %and3A_13, %add3A_531 : vector<16xi32>
        %add3A_533 = vector.broadcast %mul3A_526 : i32 to vector<16xi32>
        %add3A_534 = arith.addi %and3A_19, %add3A_533 : vector<16xi32>
        %add3A_535 = vector.broadcast %mul3A_526 : i32 to vector<16xi32>
        %add3A_536 = arith.addi %and3A_25, %add3A_535 : vector<16xi32>
        %gather3A = arith.constant 0 : i32
        %gather3A_537 = arith.constant 0 : i32
        %gather3A_538 = tpu.memref_slice %arg6[%scan3A_294, %gather3A, %gather3A_537] : memref<4x128x128xf32, #tpu.memory_space<vmem>> -> memref<1x128x128xf32, #tpu.memory_space<vmem>>
        %gather3A_539 = tpu.memref_squeeze %gather3A_538 : memref<1x128x128xf32, #tpu.memory_space<vmem>> -> memref<128x128xf32, #tpu.memory_space<vmem>>
        %gather3A_540 = tpu.vector_load_idx %gather3A_539[%add3A_528, %add3A_530] : memref<128x128xf32, #tpu.memory_space<vmem>>[vector<16xi32>, vector<16xi32>], vector<16xf32>,
        %gather3A_541 = arith.constant 0 : i32
        %gather3A_542 = arith.constant 0 : i32
        %gather3A_543 = tpu.memref_slice %arg6[%scan3A_294, %gather3A_541, %gather3A_542] : memref<4x128x128xf32, #tpu.memory_space<vmem>> -> memref<1x128x128xf32, #tpu.memory_space<vmem>>
        %gather3A_544 = tpu.memref_squeeze %gather3A_543 : memref<1x128x128xf32, #tpu.memory_space<vmem>> -> memref<128x128xf32, #tpu.memory_space<vmem>>
        %gather3A_545 = tpu.vector_load_idx %gather3A_544[%add3A_528, %add3A_532] : memref<128x128xf32, #tpu.memory_space<vmem>>[vector<16xi32>, vector<16xi32>], vector<16xf32>,
        %gather3A_546 = arith.constant 0 : i32
        %gather3A_547 = arith.constant 0 : i32
        %gather3A_548 = tpu.memref_slice %arg6[%scan3A_294, %gather3A_546, %gather3A_547] : memref<4x128x128xf32, #tpu.memory_space<vmem>> -> memref<1x128x128xf32, #tpu.memory_space<vmem>>
        %gather3A_549 = tpu.memref_squeeze %gather3A_548 : memref<1x128x128xf32, #tpu.memory_space<vmem>> -> memref<128x128xf32, #tpu.memory_space<vmem>>
        %gather3A_550 = tpu.vector_load_idx %gather3A_549[%add3A_528, %add3A_534] : memref<128x128xf32, #tpu.memory_space<vmem>>[vector<16xi32>, vector<16xi32>], vector<16xf32>,
        %gather3A_551 = arith.constant 0 : i32
        %gather3A_552 = arith.constant 0 : i32
        %gather3A_553 = tpu.memref_slice %arg6[%scan3A_294, %gather3A_551, %gather3A_552] : memref<4x128x128xf32, #tpu.memory_space<vmem>> -> memref<1x128x128xf32, #tpu.memory_space<vmem>>
        %gather3A_554 = tpu.memref_squeeze %gather3A_553 : memref<1x128x128xf32, #tpu.memory_space<vmem>> -> memref<128x128xf32, #tpu.memory_space<vmem>>
        %gather3A_555 = tpu.vector_load_idx %gather3A_554[%add3A_528, %add3A_536] : memref<128x128xf32, #tpu.memory_space<vmem>>[vector<16xi32>, vector<16xi32>], vector<16xf32>,
        %scatter3A = arith.constant 0 : i32
        %scatter3A_556 = arith.constant 0 : i32
        %scatter3A_557 = tpu.memref_slice %arg7[%scan3A_295, %scatter3A, %scatter3A_556] : memref<4x64x128xf32, #tpu.memory_space<vmem>> -> memref<1x64x128xf32, #tpu.memory_space<vmem>>
        %scatter3A_558 = tpu.memref_squeeze %scatter3A_557 : memref<1x64x128xf32, #tpu.memory_space<vmem>> -> memref<64x128xf32, #tpu.memory_space<vmem>>
        tpu.vector_store_idx %scatter3A_558[%add3A_530, %add3A_528], %gather3A_540 : memref<64x128xf32, #tpu.memory_space<vmem>>[vector<16xi32>, vector<16xi32>], vector<16xf32>,
        %scatter3A_559 = arith.constant 0 : i32
        %scatter3A_560 = arith.constant 0 : i32
        %scatter3A_561 = tpu.memref_slice %arg7[%scan3A_295, %scatter3A_559, %scatter3A_560] : memref<4x64x128xf32, #tpu.memory_space<vmem>> -> memref<1x64x128xf32, #tpu.memory_space<vmem>>
        %scatter3A_562 = tpu.memref_squeeze %scatter3A_561 : memref<1x64x128xf32, #tpu.memory_space<vmem>> -> memref<64x128xf32, #tpu.memory_space<vmem>>
        tpu.vector_store_idx %scatter3A_562[%add3A_532, %add3A_528], %gather3A_545 : memref<64x128xf32, #tpu.memory_space<vmem>>[vector<16xi32>, vector<16xi32>], vector<16xf32>,
        %scatter3A_563 = arith.constant 0 : i32
        %scatter3A_564 = arith.constant 0 : i32
        %scatter3A_565 = tpu.memref_slice %arg7[%scan3A_295, %scatter3A_563, %scatter3A_564] : memref<4x64x128xf32, #tpu.memory_space<vmem>> -> memref<1x64x128xf32, #tpu.memory_space<vmem>>
        %scatter3A_566 = tpu.memref_squeeze %scatter3A_565 : memref<1x64x128xf32, #tpu.memory_space<vmem>> -> memref<64x128xf32, #tpu.memory_space<vmem>>
        tpu.vector_store_idx %scatter3A_566[%add3A_534, %add3A_528], %gather3A_550 : memref<64x128xf32, #tpu.memory_space<vmem>>[vector<16xi32>, vector<16xi32>], vector<16xf32>,
        %scatter3A_567 = arith.constant 0 : i32
        %scatter3A_568 = arith.constant 0 : i32
        %scatter3A_569 = tpu.memref_slice %arg7[%scan3A_295, %scatter3A_567, %scatter3A_568] : memref<4x64x128xf32, #tpu.memory_space<vmem>> -> memref<1x64x128xf32, #tpu.memory_space<vmem>>
        %scatter3A_570 = tpu.memref_squeeze %scatter3A_569 : memref<1x64x128xf32, #tpu.memory_space<vmem>> -> memref<64x128xf32, #tpu.memory_space<vmem>>
        tpu.vector_store_idx %scatter3A_570[%add3A_536, %add3A_528], %gather3A_555 : memref<64x128xf32, #tpu.memory_space<vmem>>[vector<16xi32>, vector<16xi32>], vector<16xf32>,
        %add3A_571 = vector.broadcast %mul3A_526 : i32 to vector<16xi32>
        %add3A_572 = arith.addi %and3A_31, %add3A_571 : vector<16xi32>
        %add3A_573 = vector.broadcast %mul3A_526 : i32 to vector<16xi32>
        %add3A_574 = arith.addi %and3A_37, %add3A_573 : vector<16xi32>
        %add3A_575 = vector.broadcast %mul3A_526 : i32 to vector<16xi32>
        %add3A_576 = arith.addi %and3A_43, %add3A_575 : vector<16xi32>
        %add3A_577 = vector.broadcast %mul3A_526 : i32 to vector<16xi32>
        %add3A_578 = arith.addi %and3A_49, %add3A_577 : vector<16xi32>
        %gather3A_579 = arith.constant 0 : i32
        %gather3A_580 = arith.constant 0 : i32
        %gather3A_581 = tpu.memref_slice %arg6[%scan3A_294, %gather3A_579, %gather3A_580] : memref<4x128x128xf32, #tpu.memory_space<vmem>> -> memref<1x128x128xf32, #tpu.memory_space<vmem>>
        %gather3A_582 = tpu.memref_squeeze %gather3A_581 : memref<1x128x128xf32, #tpu.memory_space<vmem>> -> memref<128x128xf32, #tpu.memory_space<vmem>>
        %gather3A_583 = tpu.vector_load_idx %gather3A_582[%add3A_528, %add3A_572] : memref<128x128xf32, #tpu.memory_space<vmem>>[vector<16xi32>, vector<16xi32>], vector<16xf32>,
        %gather3A_584 = arith.constant 0 : i32
        %gather3A_585 = arith.constant 0 : i32
        %gather3A_586 = tpu.memref_slice %arg6[%scan3A_294, %gather3A_584, %gather3A_585] : memref<4x128x128xf32, #tpu.memory_space<vmem>> -> memref<1x128x128xf32, #tpu.memory_space<vmem>>
        %gather3A_587 = tpu.memref_squeeze %gather3A_586 : memref<1x128x128xf32, #tpu.memory_space<vmem>> -> memref<128x128xf32, #tpu.memory_space<vmem>>
        %gather3A_588 = tpu.vector_load_idx %gather3A_587[%add3A_528, %add3A_574] : memref<128x128xf32, #tpu.memory_space<vmem>>[vector<16xi32>, vector<16xi32>], vector<16xf32>,
        %gather3A_589 = arith.constant 0 : i32
        %gather3A_590 = arith.constant 0 : i32
        %gather3A_591 = tpu.memref_slice %arg6[%scan3A_294, %gather3A_589, %gather3A_590] : memref<4x128x128xf32, #tpu.memory_space<vmem>> -> memref<1x128x128xf32, #tpu.memory_space<vmem>>
        %gather3A_592 = tpu.memref_squeeze %gather3A_591 : memref<1x128x128xf32, #tpu.memory_space<vmem>> -> memref<128x128xf32, #tpu.memory_space<vmem>>
        %gather3A_593 = tpu.vector_load_idx %gather3A_592[%add3A_528, %add3A_576] : memref<128x128xf32, #tpu.memory_space<vmem>>[vector<16xi32>, vector<16xi32>], vector<16xf32>,
        %gather3A_594 = arith.constant 0 : i32
        %gather3A_595 = arith.constant 0 : i32
        %gather3A_596 = tpu.memref_slice %arg6[%scan3A_294, %gather3A_594, %gather3A_595] : memref<4x128x128xf32, #tpu.memory_space<vmem>> -> memref<1x128x128xf32, #tpu.memory_space<vmem>>
        %gather3A_597 = tpu.memref_squeeze %gather3A_596 : memref<1x128x128xf32, #tpu.memory_space<vmem>> -> memref<128x128xf32, #tpu.memory_space<vmem>>
        %gather3A_598 = tpu.vector_load_idx %gather3A_597[%add3A_528, %add3A_578] : memref<128x128xf32, #tpu.memory_space<vmem>>[vector<16xi32>, vector<16xi32>], vector<16xf32>,
        %scatter3A_599 = arith.constant 0 : i32
        %scatter3A_600 = arith.constant 0 : i32
        %scatter3A_601 = tpu.memref_slice %arg7[%scan3A_295, %scatter3A_599, %scatter3A_600] : memref<4x64x128xf32, #tpu.memory_space<vmem>> -> memref<1x64x128xf32, #tpu.memory_space<vmem>>
        %scatter3A_602 = tpu.memref_squeeze %scatter3A_601 : memref<1x64x128xf32, #tpu.memory_space<vmem>> -> memref<64x128xf32, #tpu.memory_space<vmem>>
        tpu.vector_store_idx %scatter3A_602[%add3A_572, %add3A_528], %gather3A_583 : memref<64x128xf32, #tpu.memory_space<vmem>>[vector<16xi32>, vector<16xi32>], vector<16xf32>,
        %scatter3A_603 = arith.constant 0 : i32
        %scatter3A_604 = arith.constant 0 : i32
        %scatter3A_605 = tpu.memref_slice %arg7[%scan3A_295, %scatter3A_603, %scatter3A_604] : memref<4x64x128xf32, #tpu.memory_space<vmem>> -> memref<1x64x128xf32, #tpu.memory_space<vmem>>
        %scatter3A_606 = tpu.memref_squeeze %scatter3A_605 : memref<1x64x128xf32, #tpu.memory_space<vmem>> -> memref<64x128xf32, #tpu.memory_space<vmem>>
        tpu.vector_store_idx %scatter3A_606[%add3A_574, %add3A_528], %gather3A_588 : memref<64x128xf32, #tpu.memory_space<vmem>>[vector<16xi32>, vector<16xi32>], vector<16xf32>,
        %scatter3A_607 = arith.constant 0 : i32
        %scatter3A_608 = arith.constant 0 : i32
        %scatter3A_609 = tpu.memref_slice %arg7[%scan3A_295, %scatter3A_607, %scatter3A_608] : memref<4x64x128xf32, #tpu.memory_space<vmem>> -> memref<1x64x128xf32, #tpu.memory_space<vmem>>
        %scatter3A_610 = tpu.memref_squeeze %scatter3A_609 : memref<1x64x128xf32, #tpu.memory_space<vmem>> -> memref<64x128xf32, #tpu.memory_space<vmem>>
        tpu.vector_store_idx %scatter3A_610[%add3A_576, %add3A_528], %gather3A_593 : memref<64x128xf32, #tpu.memory_space<vmem>>[vector<16xi32>, vector<16xi32>], vector<16xf32>,
        %scatter3A_611 = arith.constant 0 : i32
        %scatter3A_612 = arith.constant 0 : i32
        %scatter3A_613 = tpu.memref_slice %arg7[%scan3A_295, %scatter3A_611, %scatter3A_612] : memref<4x64x128xf32, #tpu.memory_space<vmem>> -> memref<1x64x128xf32, #tpu.memory_space<vmem>>
        %scatter3A_614 = tpu.memref_squeeze %scatter3A_613 : memref<1x64x128xf32, #tpu.memory_space<vmem>> -> memref<64x128xf32, #tpu.memory_space<vmem>>
        tpu.vector_store_idx %scatter3A_614[%add3A_578, %add3A_528], %gather3A_598 : memref<64x128xf32, #tpu.memory_space<vmem>>[vector<16xi32>, vector<16xi32>], vector<16xf32>,
        %add3A_615 = vector.broadcast %mul3A_526 : i32 to vector<16xi32>
        %add3A_616 = arith.addi %and3A_55, %add3A_615 : vector<16xi32>
        %add3A_617 = vector.broadcast %mul3A_526 : i32 to vector<16xi32>
        %add3A_618 = arith.addi %and3A_61, %add3A_617 : vector<16xi32>
        %add3A_619 = vector.broadcast %mul3A_526 : i32 to vector<16xi32>
        %add3A_620 = arith.addi %and3A_67, %add3A_619 : vector<16xi32>
        %add3A_621 = vector.broadcast %mul3A_526 : i32 to vector<16xi32>
        %add3A_622 = arith.addi %and3A_73, %add3A_621 : vector<16xi32>
        %gather3A_623 = arith.constant 0 : i32
        %gather3A_624 = arith.constant 0 : i32
        %gather3A_625 = tpu.memref_slice %arg6[%scan3A_294, %gather3A_623, %gather3A_624] : memref<4x128x128xf32, #tpu.memory_space<vmem>> -> memref<1x128x128xf32, #tpu.memory_space<vmem>>
        %gather3A_626 = tpu.memref_squeeze %gather3A_625 : memref<1x128x128xf32, #tpu.memory_space<vmem>> -> memref<128x128xf32, #tpu.memory_space<vmem>>
        %gather3A_627 = tpu.vector_load_idx %gather3A_626[%add3A_528, %add3A_616] : memref<128x128xf32, #tpu.memory_space<vmem>>[vector<16xi32>, vector<16xi32>], vector<16xf32>,
        %gather3A_628 = arith.constant 0 : i32
        %gather3A_629 = arith.constant 0 : i32
        %gather3A_630 = tpu.memref_slice %arg6[%scan3A_294, %gather3A_628, %gather3A_629] : memref<4x128x128xf32, #tpu.memory_space<vmem>> -> memref<1x128x128xf32, #tpu.memory_space<vmem>>
        %gather3A_631 = tpu.memref_squeeze %gather3A_630 : memref<1x128x128xf32, #tpu.memory_space<vmem>> -> memref<128x128xf32, #tpu.memory_space<vmem>>
        %gather3A_632 = tpu.vector_load_idx %gather3A_631[%add3A_528, %add3A_618] : memref<128x128xf32, #tpu.memory_space<vmem>>[vector<16xi32>, vector<16xi32>], vector<16xf32>,
        %gather3A_633 = arith.constant 0 : i32
        %gather3A_634 = arith.constant 0 : i32
        %gather3A_635 = tpu.memref_slice %arg6[%scan3A_294, %gather3A_633, %gather3A_634] : memref<4x128x128xf32, #tpu.memory_space<vmem>> -> memref<1x128x128xf32, #tpu.memory_space<vmem>>
        %gather3A_636 = tpu.memref_squeeze %gather3A_635 : memref<1x128x128xf32, #tpu.memory_space<vmem>> -> memref<128x128xf32, #tpu.memory_space<vmem>>
        %gather3A_637 = tpu.vector_load_idx %gather3A_636[%add3A_528, %add3A_620] : memref<128x128xf32, #tpu.memory_space<vmem>>[vector<16xi32>, vector<16xi32>], vector<16xf32>,
        %gather3A_638 = arith.constant 0 : i32
        %gather3A_639 = arith.constant 0 : i32
        %gather3A_640 = tpu.memref_slice %arg6[%scan3A_294, %gather3A_638, %gather3A_639] : memref<4x128x128xf32, #tpu.memory_space<vmem>> -> memref<1x128x128xf32, #tpu.memory_space<vmem>>
        %gather3A_641 = tpu.memref_squeeze %gather3A_640 : memref<1x128x128xf32, #tpu.memory_space<vmem>> -> memref<128x128xf32, #tpu.memory_space<vmem>>
        %gather3A_642 = tpu.vector_load_idx %gather3A_641[%add3A_528, %add3A_622] : memref<128x128xf32, #tpu.memory_space<vmem>>[vector<16xi32>, vector<16xi32>], vector<16xf32>,
        %scatter3A_643 = arith.constant 0 : i32
        %scatter3A_644 = arith.constant 0 : i32
        %scatter3A_645 = tpu.memref_slice %arg7[%scan3A_295, %scatter3A_643, %scatter3A_644] : memref<4x64x128xf32, #tpu.memory_space<vmem>> -> memref<1x64x128xf32, #tpu.memory_space<vmem>>
        %scatter3A_646 = tpu.memref_squeeze %scatter3A_645 : memref<1x64x128xf32, #tpu.memory_space<vmem>> -> memref<64x128xf32, #tpu.memory_space<vmem>>
        tpu.vector_store_idx %scatter3A_646[%add3A_616, %add3A_528], %gather3A_627 : memref<64x128xf32, #tpu.memory_space<vmem>>[vector<16xi32>, vector<16xi32>], vector<16xf32>,
        %scatter3A_647 = arith.constant 0 : i32
        %scatter3A_648 = arith.constant 0 : i32
        %scatter3A_649 = tpu.memref_slice %arg7[%scan3A_295, %scatter3A_647, %scatter3A_648] : memref<4x64x128xf32, #tpu.memory_space<vmem>> -> memref<1x64x128xf32, #tpu.memory_space<vmem>>
        %scatter3A_650 = tpu.memref_squeeze %scatter3A_649 : memref<1x64x128xf32, #tpu.memory_space<vmem>> -> memref<64x128xf32, #tpu.memory_space<vmem>>
        tpu.vector_store_idx %scatter3A_650[%add3A_618, %add3A_528], %gather3A_632 : memref<64x128xf32, #tpu.memory_space<vmem>>[vector<16xi32>, vector<16xi32>], vector<16xf32>,
        %scatter3A_651 = arith.constant 0 : i32
        %scatter3A_652 = arith.constant 0 : i32
        %scatter3A_653 = tpu.memref_slice %arg7[%scan3A_295, %scatter3A_651, %scatter3A_652] : memref<4x64x128xf32, #tpu.memory_space<vmem>> -> memref<1x64x128xf32, #tpu.memory_space<vmem>>
        %scatter3A_654 = tpu.memref_squeeze %scatter3A_653 : memref<1x64x128xf32, #tpu.memory_space<vmem>> -> memref<64x128xf32, #tpu.memory_space<vmem>>
        tpu.vector_store_idx %scatter3A_654[%add3A_620, %add3A_528], %gather3A_637 : memref<64x128xf32, #tpu.memory_space<vmem>>[vector<16xi32>, vector<16xi32>], vector<16xf32>,
        %scatter3A_655 = arith.constant 0 : i32
        %scatter3A_656 = arith.constant 0 : i32
        %scatter3A_657 = tpu.memref_slice %arg7[%scan3A_295, %scatter3A_655, %scatter3A_656] : memref<4x64x128xf32, #tpu.memory_space<vmem>> -> memref<1x64x128xf32, #tpu.memory_space<vmem>>
        %scatter3A_658 = tpu.memref_squeeze %scatter3A_657 : memref<1x64x128xf32, #tpu.memory_space<vmem>> -> memref<64x128xf32, #tpu.memory_space<vmem>>
        tpu.vector_store_idx %scatter3A_658[%add3A_622, %add3A_528], %gather3A_642 : memref<64x128xf32, #tpu.memory_space<vmem>>[vector<16xi32>, vector<16xi32>], vector<16xf32>,
        %add3A_659 = vector.broadcast %mul3A_526 : i32 to vector<16xi32>
        %add3A_660 = arith.addi %and3A_79, %add3A_659 : vector<16xi32>
        %add3A_661 = vector.broadcast %mul3A_526 : i32 to vector<16xi32>
        %add3A_662 = arith.addi %and3A_85, %add3A_661 : vector<16xi32>
        %add3A_663 = vector.broadcast %mul3A_526 : i32 to vector<16xi32>
        %add3A_664 = arith.addi %and3A_91, %add3A_663 : vector<16xi32>
        %add3A_665 = vector.broadcast %mul3A_526 : i32 to vector<16xi32>
        %add3A_666 = arith.addi %and3A_97, %add3A_665 : vector<16xi32>
        %gather3A_667 = arith.constant 0 : i32
        %gather3A_668 = arith.constant 0 : i32
        %gather3A_669 = tpu.memref_slice %arg6[%scan3A_294, %gather3A_667, %gather3A_668] : memref<4x128x128xf32, #tpu.memory_space<vmem>> -> memref<1x128x128xf32, #tpu.memory_space<vmem>>
        %gather3A_670 = tpu.memref_squeeze %gather3A_669 : memref<1x128x128xf32, #tpu.memory_space<vmem>> -> memref<128x128xf32, #tpu.memory_space<vmem>>
        %gather3A_671 = tpu.vector_load_idx %gather3A_670[%add3A_528, %add3A_660] : memref<128x128xf32, #tpu.memory_space<vmem>>[vector<16xi32>, vector<16xi32>], vector<16xf32>,
        %gather3A_672 = arith.constant 0 : i32
        %gather3A_673 = arith.constant 0 : i32
        %gather3A_674 = tpu.memref_slice %arg6[%scan3A_294, %gather3A_672, %gather3A_673] : memref<4x128x128xf32, #tpu.memory_space<vmem>> -> memref<1x128x128xf32, #tpu.memory_space<vmem>>
        %gather3A_675 = tpu.memref_squeeze %gather3A_674 : memref<1x128x128xf32, #tpu.memory_space<vmem>> -> memref<128x128xf32, #tpu.memory_space<vmem>>
        %gather3A_676 = tpu.vector_load_idx %gather3A_675[%add3A_528, %add3A_662] : memref<128x128xf32, #tpu.memory_space<vmem>>[vector<16xi32>, vector<16xi32>], vector<16xf32>,
        %gather3A_677 = arith.constant 0 : i32
        %gather3A_678 = arith.constant 0 : i32
        %gather3A_679 = tpu.memref_slice %arg6[%scan3A_294, %gather3A_677, %gather3A_678] : memref<4x128x128xf32, #tpu.memory_space<vmem>> -> memref<1x128x128xf32, #tpu.memory_space<vmem>>
        %gather3A_680 = tpu.memref_squeeze %gather3A_679 : memref<1x128x128xf32, #tpu.memory_space<vmem>> -> memref<128x128xf32, #tpu.memory_space<vmem>>
        %gather3A_681 = tpu.vector_load_idx %gather3A_680[%add3A_528, %add3A_664] : memref<128x128xf32, #tpu.memory_space<vmem>>[vector<16xi32>, vector<16xi32>], vector<16xf32>,
        %gather3A_682 = arith.constant 0 : i32
        %gather3A_683 = arith.constant 0 : i32
        %gather3A_684 = tpu.memref_slice %arg6[%scan3A_294, %gather3A_682, %gather3A_683] : memref<4x128x128xf32, #tpu.memory_space<vmem>> -> memref<1x128x128xf32, #tpu.memory_space<vmem>>
        %gather3A_685 = tpu.memref_squeeze %gather3A_684 : memref<1x128x128xf32, #tpu.memory_space<vmem>> -> memref<128x128xf32, #tpu.memory_space<vmem>>
        %gather3A_686 = tpu.vector_load_idx %gather3A_685[%add3A_528, %add3A_666] : memref<128x128xf32, #tpu.memory_space<vmem>>[vector<16xi32>, vector<16xi32>], vector<16xf32>,
        %scatter3A_687 = arith.constant 0 : i32
        %scatter3A_688 = arith.constant 0 : i32
        %scatter3A_689 = tpu.memref_slice %arg7[%scan3A_295, %scatter3A_687, %scatter3A_688] : memref<4x64x128xf32, #tpu.memory_space<vmem>> -> memref<1x64x128xf32, #tpu.memory_space<vmem>>
        %scatter3A_690 = tpu.memref_squeeze %scatter3A_689 : memref<1x64x128xf32, #tpu.memory_space<vmem>> -> memref<64x128xf32, #tpu.memory_space<vmem>>
        tpu.vector_store_idx %scatter3A_690[%add3A_660, %add3A_528], %gather3A_671 : memref<64x128xf32, #tpu.memory_space<vmem>>[vector<16xi32>, vector<16xi32>], vector<16xf32>,
        %scatter3A_691 = arith.constant 0 : i32
        %scatter3A_692 = arith.constant 0 : i32
        %scatter3A_693 = tpu.memref_slice %arg7[%scan3A_295, %scatter3A_691, %scatter3A_692] : memref<4x64x128xf32, #tpu.memory_space<vmem>> -> memref<1x64x128xf32, #tpu.memory_space<vmem>>
        %scatter3A_694 = tpu.memref_squeeze %scatter3A_693 : memref<1x64x128xf32, #tpu.memory_space<vmem>> -> memref<64x128xf32, #tpu.memory_space<vmem>>
        tpu.vector_store_idx %scatter3A_694[%add3A_662, %add3A_528], %gather3A_676 : memref<64x128xf32, #tpu.memory_space<vmem>>[vector<16xi32>, vector<16xi32>], vector<16xf32>,
        %scatter3A_695 = arith.constant 0 : i32
        %scatter3A_696 = arith.constant 0 : i32
        %scatter3A_697 = tpu.memref_slice %arg7[%scan3A_295, %scatter3A_695, %scatter3A_696] : memref<4x64x128xf32, #tpu.memory_space<vmem>> -> memref<1x64x128xf32, #tpu.memory_space<vmem>>
        %scatter3A_698 = tpu.memref_squeeze %scatter3A_697 : memref<1x64x128xf32, #tpu.memory_space<vmem>> -> memref<64x128xf32, #tpu.memory_space<vmem>>
        tpu.vector_store_idx %scatter3A_698[%add3A_664, %add3A_528], %gather3A_681 : memref<64x128xf32, #tpu.memory_space<vmem>>[vector<16xi32>, vector<16xi32>], vector<16xf32>,
        %scatter3A_699 = arith.constant 0 : i32
        %scatter3A_700 = arith.constant 0 : i32
        %scatter3A_701 = tpu.memref_slice %arg7[%scan3A_295, %scatter3A_699, %scatter3A_700] : memref<4x64x128xf32, #tpu.memory_space<vmem>> -> memref<1x64x128xf32, #tpu.memory_space<vmem>>
        %scatter3A_702 = tpu.memref_squeeze %scatter3A_701 : memref<1x64x128xf32, #tpu.memory_space<vmem>> -> memref<64x128xf32, #tpu.memory_space<vmem>>
        tpu.vector_store_idx %scatter3A_702[%add3A_666, %add3A_528], %gather3A_686 : memref<64x128xf32, #tpu.memory_space<vmem>>[vector<16xi32>, vector<16xi32>], vector<16xf32>,
      }
      %scan3A_300 = arith.constant 32 : i32
      %dma_start3A_301 = arith.constant 0 : i32
      %dma_start3A_302 = arith.constant 0 : i32
      %dma_start3A_303 = arith.constant 0 : i32
      %dma_start3A_304 = tpu.memref_slice %arg7[%dma_start3A_301, %dma_start3A_302, %dma_start3A_303] : memref<4x64x128xf32, #tpu.memory_space<vmem>> -> memref<1x64x128xf32, #tpu.memory_space<vmem>>
      %dma_start3A_305 = tpu.memref_squeeze %dma_start3A_304 : memref<1x64x128xf32, #tpu.memory_space<vmem>> -> memref<64x128xf32, #tpu.memory_space<vmem>>
      %dma_start3A_306 = arith.constant 0 : i32
      %dma_start3A_307 = tpu.memref_slice %arg4[%add3A_265, %dma_start3A_306, %mul3A_2] : memref<200x64x4096xf32, #tpu.memory_space<hbm>> -> memref<1x64x128xf32, #tpu.memory_space<hbm>>
      %dma_start3A_308 = tpu.memref_squeeze %dma_start3A_307 : memref<1x64x128xf32, #tpu.memory_space<hbm>> -> memref<64x128xf32, #tpu.memory_space<hbm>>
      %dma_start3A_309 = arith.constant 0 : i32
      %dma_start3A_310 = tpu.memref_slice %arg4[%add3A_265, %dma_start3A_309, %mul3A_2] : memref<200x64x4096xf32, #tpu.memory_space<hbm>> -> memref<1x64x128xf32, #tpu.memory_space<hbm>>
      %dma_start3A_311 = tpu.memref_squeeze %dma_start3A_310 : memref<1x64x128xf32, #tpu.memory_space<hbm>> -> memref<64x128xf32, #tpu.memory_space<hbm>>
      %dma_start3A_312 = arith.constant 0 : i32
      %dma_start3A_313 = arith.constant 0 : i32
      %dma_start3A_314 = tpu.memref_slice %arg7[%dma_start3A_301, %dma_start3A_312, %dma_start3A_313] : memref<4x64x128xf32, #tpu.memory_space<vmem>> -> memref<1x64x128xf32, #tpu.memory_space<vmem>>
      %dma_start3A_315 = tpu.memref_squeeze %dma_start3A_314 : memref<1x64x128xf32, #tpu.memory_space<vmem>> -> memref<64x128xf32, #tpu.memory_space<vmem>>
      tpu.enqueue_dma source(%dma_start3A_315 : memref<64x128xf32, #tpu.memory_space<vmem>>) target(%dma_start3A_311 : memref<64x128xf32, #tpu.memory_space<hbm>>) target_semaphore(%arg16 : memref<!tpu.dma_semaphore, #tpu.memory_space<semaphore_mem>>)
      %mul3A_316 = arith.constant 4 : i32
      %mul3A_317 = arith.muli %mul3A_316, %scan3A_261 : i32
      %add3A_318 = arith.constant 1 : i32
      %add3A_319 = arith.addi %mul3A_317, %add3A_318 : i32
      %dma_wait3A_320 = arith.constant 1 : i32
      %dma_wait3A_321 = arith.constant 1 : i32
      %dma_wait3A_322 = arith.constant 0 : i32
      %dma_wait3A_323 = arith.constant 0 : i32
      %dma_wait3A_324 = tpu.memref_slice %arg6[%dma_wait3A_321, %dma_wait3A_322, %dma_wait3A_323] : memref<4x128x128xf32, #tpu.memory_space<vmem>> -> memref<1x128x128xf32, #tpu.memory_space<vmem>>
      %dma_wait3A_325 = tpu.memref_squeeze %dma_wait3A_324 : memref<1x128x128xf32, #tpu.memory_space<vmem>> -> memref<128x128xf32, #tpu.memory_space<vmem>>
      %dma_wait3A_326 = arith.constant 0 : i32
      %dma_wait3A_327 = tpu.memref_slice %arg5[%dma_wait3A_320, %dma_wait3A_326] : memref<4x128xi32, #tpu.memory_space<vmem>> -> memref<1x128xi32, #tpu.memory_space<vmem>>
      %dma_wait3A_328 = tpu.memref_squeeze %dma_wait3A_327 : memref<1x128xi32, #tpu.memory_space<vmem>> -> memref<128xi32, #tpu.memory_space<vmem>>
      %dma_wait3A_329 = arith.constant 0 : i32
      %dma_wait3A_330 = arith.constant 0 : i32
      %dma_wait3A_331 = tpu.memref_slice %arg2[%dma_wait3A_329, %dma_wait3A_330] : memref<1000000x128xf32, #tpu.memory_space<hbm>> -> memref<1000000x128xf32, #tpu.memory_space<hbm>>
      tpu.wait_indirect_dma semaphore(%arg13 : memref<!tpu.dma_semaphore, #tpu.memory_space<semaphore_mem>>) src(%dma_wait3A_331 : memref<1000000x128xf32, #tpu.memory_space<hbm>>) dst(%dma_wait3A_325 : memref<128x128xf32, #tpu.memory_space<vmem>>)
      %add3A_332 = arith.constant 2 : i32
      %add3A_333 = arith.addi %add3A_319, %add3A_332 : i32
      %lt3A_334 = arith.constant 200 : i32
      %lt3A_335 = arith.cmpi slt, %add3A_333, %lt3A_334 : i32
      %convert_element_type3A_336 = arith.extui %lt3A_335 : i1 to i32
      %cond3A_337 = arith.constant 0 : i32
      %cond3A_338 = arith.cmpi ne, %convert_element_type3A_336, %cond3A_337 : i32
      scf.if %cond3A_338 {
        %add3A_490 = arith.constant 2 : i32
        %add3A_491 = arith.addi %add3A_319, %add3A_490 : i32
        %dma_wait3A_492 = arith.constant 3 : i32
        %dma_wait3A_493 = arith.constant 0 : i32
        %dma_wait3A_494 = tpu.memref_slice %arg5[%dma_wait3A_492, %dma_wait3A_493] : memref<4x128xi32, #tpu.memory_space<vmem>> -> memref<1x128xi32, #tpu.memory_space<vmem>>
        %dma_wait3A_495 = tpu.memref_squeeze %dma_wait3A_494 : memref<1x128xi32, #tpu.memory_space<vmem>> -> memref<128xi32, #tpu.memory_space<vmem>>
        %dma_wait3A_496 = tpu.memref_slice %arg3[%add3A_491, %mul3A_2] : memref<200x4096xi32, #tpu.memory_space<hbm>> -> memref<1x128xi32, #tpu.memory_space<hbm>>
        %dma_wait3A_497 = tpu.memref_squeeze %dma_wait3A_496 : memref<1x128xi32, #tpu.memory_space<hbm>> -> memref<128xi32, #tpu.memory_space<hbm>>
        %dma_wait3A_498 = arith.constant 0 : i32
        %dma_wait3A_499 = tpu.memref_slice %arg5[%dma_wait3A_492, %dma_wait3A_498] : memref<4x128xi32, #tpu.memory_space<vmem>> -> memref<1x128xi32, #tpu.memory_space<vmem>>
        %dma_wait3A_500 = tpu.memref_squeeze %dma_wait3A_499 : memref<1x128xi32, #tpu.memory_space<vmem>> -> memref<128xi32, #tpu.memory_space<vmem>>
        %dma_wait3A_501 = tpu.memref_slice %arg3[%add3A_491, %mul3A_2] : memref<200x4096xi32, #tpu.memory_space<hbm>> -> memref<1x128xi32, #tpu.memory_space<hbm>>
        %dma_wait3A_502 = tpu.memref_squeeze %dma_wait3A_501 : memref<1x128xi32, #tpu.memory_space<hbm>> -> memref<128xi32, #tpu.memory_space<hbm>>
        tpu.wait_dma2 semaphore(%arg11 : memref<!tpu.dma_semaphore, #tpu.memory_space<semaphore_mem>>) src(%dma_wait3A_502 : memref<128xi32, #tpu.memory_space<hbm>>) dst(%dma_wait3A_500 : memref<128xi32, #tpu.memory_space<vmem>>)
        %dma_start3A_503 = arith.constant 3 : i32
        %dma_start3A_504 = arith.constant 3 : i32
        %dma_start3A_505 = arith.constant 0 : i32
        %dma_start3A_506 = arith.constant 0 : i32
        %dma_start3A_507 = tpu.memref_slice %arg6[%dma_start3A_504, %dma_start3A_505, %dma_start3A_506] : memref<4x128x128xf32, #tpu.memory_space<vmem>> -> memref<1x128x128xf32, #tpu.memory_space<vmem>>
        %dma_start3A_508 = tpu.memref_squeeze %dma_start3A_507 : memref<1x128x128xf32, #tpu.memory_space<vmem>> -> memref<128x128xf32, #tpu.memory_space<vmem>>
        %dma_start3A_509 = arith.constant 0 : i32
        %dma_start3A_510 = tpu.memref_slice %arg5[%dma_start3A_503, %dma_start3A_509] : memref<4x128xi32, #tpu.memory_space<vmem>> -> memref<1x128xi32, #tpu.memory_space<vmem>>
        %dma_start3A_511 = tpu.memref_squeeze %dma_start3A_510 : memref<1x128xi32, #tpu.memory_space<vmem>> -> memref<128xi32, #tpu.memory_space<vmem>>
        %dma_start3A_512 = arith.constant 0 : i32
        %dma_start3A_513 = arith.constant 0 : i32
        %dma_start3A_514 = tpu.memref_slice %arg2[%dma_start3A_512, %dma_start3A_513] : memref<1000000x128xf32, #tpu.memory_space<hbm>> -> memref<1000000x128xf32, #tpu.memory_space<hbm>>
        tpu.enqueue_indirect_dma source(%dma_start3A_514 : memref<1000000x128xf32, #tpu.memory_space<hbm>>) target(%dma_start3A_508 : memref<128x128xf32, #tpu.memory_space<vmem>>) offsets(%dma_start3A_511 : memref<128xi32, #tpu.memory_space<vmem>>) semaphore(%arg15 : memref<!tpu.dma_semaphore, #tpu.memory_space<semaphore_mem>>)
      } else {
      }
      %add3A_339 = arith.constant 4 : i32
      %add3A_340 = arith.addi %add3A_319, %add3A_339 : i32
      %lt3A_341 = arith.constant 200 : i32
      %lt3A_342 = arith.cmpi slt, %add3A_340, %lt3A_341 : i32
      %convert_element_type3A_343 = arith.extui %lt3A_342 : i1 to i32
      %cond3A_344 = arith.constant 0 : i32
      %cond3A_345 = arith.cmpi ne, %convert_element_type3A_343, %cond3A_344 : i32
      scf.if %cond3A_345 {
        %add3A_490 = arith.constant 4 : i32
        %add3A_491 = arith.addi %add3A_319, %add3A_490 : i32
        %dma_start3A_492 = arith.constant 1 : i32
        %dma_start3A_493 = arith.constant 0 : i32
        %dma_start3A_494 = tpu.memref_slice %arg5[%dma_start3A_492, %dma_start3A_493] : memref<4x128xi32, #tpu.memory_space<vmem>> -> memref<1x128xi32, #tpu.memory_space<vmem>>
        %dma_start3A_495 = tpu.memref_squeeze %dma_start3A_494 : memref<1x128xi32, #tpu.memory_space<vmem>> -> memref<128xi32, #tpu.memory_space<vmem>>
        %dma_start3A_496 = tpu.memref_slice %arg3[%add3A_491, %mul3A_2] : memref<200x4096xi32, #tpu.memory_space<hbm>> -> memref<1x128xi32, #tpu.memory_space<hbm>>
        %dma_start3A_497 = tpu.memref_squeeze %dma_start3A_496 : memref<1x128xi32, #tpu.memory_space<hbm>> -> memref<128xi32, #tpu.memory_space<hbm>>
        %dma_start3A_498 = arith.constant 0 : i32
        %dma_start3A_499 = tpu.memref_slice %arg5[%dma_start3A_492, %dma_start3A_498] : memref<4x128xi32, #tpu.memory_space<vmem>> -> memref<1x128xi32, #tpu.memory_space<vmem>>
        %dma_start3A_500 = tpu.memref_squeeze %dma_start3A_499 : memref<1x128xi32, #tpu.memory_space<vmem>> -> memref<128xi32, #tpu.memory_space<vmem>>
        %dma_start3A_501 = tpu.memref_slice %arg3[%add3A_491, %mul3A_2] : memref<200x4096xi32, #tpu.memory_space<hbm>> -> memref<1x128xi32, #tpu.memory_space<hbm>>
        %dma_start3A_502 = tpu.memref_squeeze %dma_start3A_501 : memref<1x128xi32, #tpu.memory_space<hbm>> -> memref<128xi32, #tpu.memory_space<hbm>>
        tpu.enqueue_dma source(%dma_start3A_502 : memref<128xi32, #tpu.memory_space<hbm>>) target(%dma_start3A_500 : memref<128xi32, #tpu.memory_space<vmem>>) target_semaphore(%arg9 : memref<!tpu.dma_semaphore, #tpu.memory_space<semaphore_mem>>)
      } else {
      }
      %ge3A_346 = arith.constant 4 : i32
      %ge3A_347 = arith.cmpi sge, %add3A_319, %ge3A_346 : i32
      %convert_element_type3A_348 = arith.extui %ge3A_347 : i1 to i32
      %cond3A_349 = arith.constant 0 : i32
      %cond3A_350 = arith.cmpi ne, %convert_element_type3A_348, %cond3A_349 : i32
      scf.if %cond3A_350 {
        %sub3A = arith.constant 4 : i32
        %sub3A_490 = arith.subi %add3A_319, %sub3A : i32
        %dma_wait3A_491 = arith.constant 1 : i32
        %dma_wait3A_492 = arith.constant 0 : i32
        %dma_wait3A_493 = arith.constant 0 : i32
        %dma_wait3A_494 = tpu.memref_slice %arg7[%dma_wait3A_491, %dma_wait3A_492, %dma_wait3A_493] : memref<4x64x128xf32, #tpu.memory_space<vmem>> -> memref<1x64x128xf32, #tpu.memory_space<vmem>>
        %dma_wait3A_495 = tpu.memref_squeeze %dma_wait3A_494 : memref<1x64x128xf32, #tpu.memory_space<vmem>> -> memref<64x128xf32, #tpu.memory_space<vmem>>
        %dma_wait3A_496 = arith.constant 0 : i32
        %dma_wait3A_497 = tpu.memref_slice %arg4[%sub3A_490, %dma_wait3A_496, %mul3A_2] : memref<200x64x4096xf32, #tpu.memory_space<hbm>> -> memref<1x64x128xf32, #tpu.memory_space<hbm>>
        %dma_wait3A_498 = tpu.memref_squeeze %dma_wait3A_497 : memref<1x64x128xf32, #tpu.memory_space<hbm>> -> memref<64x128xf32, #tpu.memory_space<hbm>>
        %dma_wait3A_499 = arith.constant 0 : i32
        %dma_wait3A_500 = tpu.memref_slice %arg4[%sub3A_490, %dma_wait3A_499, %mul3A_2] : memref<200x64x4096xf32, #tpu.memory_space<hbm>> -> memref<1x64x128xf32, #tpu.memory_space<hbm>>
        %dma_wait3A_501 = tpu.memref_squeeze %dma_wait3A_500 : memref<1x64x128xf32, #tpu.memory_space<hbm>> -> memref<64x128xf32, #tpu.memory_space<hbm>>
        %dma_wait3A_502 = arith.constant 0 : i32
        %dma_wait3A_503 = arith.constant 0 : i32
        %dma_wait3A_504 = tpu.memref_slice %arg7[%dma_wait3A_491, %dma_wait3A_502, %dma_wait3A_503] : memref<4x64x128xf32, #tpu.memory_space<vmem>> -> memref<1x64x128xf32, #tpu.memory_space<vmem>>
        %dma_wait3A_505 = tpu.memref_squeeze %dma_wait3A_504 : memref<1x64x128xf32, #tpu.memory_space<vmem>> -> memref<64x128xf32, #tpu.memory_space<vmem>>
        tpu.wait_dma2 semaphore(%arg17 : memref<!tpu.dma_semaphore, #tpu.memory_space<semaphore_mem>>) src(%dma_wait3A_505 : memref<64x128xf32, #tpu.memory_space<vmem>>) dst(%dma_wait3A_501 : memref<64x128xf32, #tpu.memory_space<hbm>>)
      } else {
      }
      %scan3A_351 = arith.constant 0 : i32
      %scan3A_352 = arith.constant 1 : i32
      %scan3A_353 = arith.constant 1 : i32
      %scan3A_354 = arith.constant 0 : i32
      %scan3A_355 = arith.constant 32 : i32
      %scan3A_356 = arith.addi %scan3A_354, %scan3A_355 : i32
      %scan3A_357 = arith.constant 1 : i32
      scf.for %scan3A_490 = %scan3A_354 to %scan3A_356 step %scan3A_357  : i32 {
        %jit3A = arith.constant 4 : i32
        %div3A = arith.divsi %scan3A_490, %jit3A : i32
        %sign3A = arith.constant 0 : i32
        %sign3A_491 = arith.cmpi sgt, %scan3A_490, %sign3A : i32
        %sign3A_492 = arith.extui %sign3A_491 : i1 to i32
        %sign3A_493 = arith.constant 0 : i32
        %sign3A_494 = arith.cmpi slt, %scan3A_490, %sign3A_493 : i32
        %sign3A_495 = arith.extui %sign3A_494 : i1 to i32
        %sign3A_496 = arith.subi %sign3A_492, %sign3A_495 : i32
        %sign3A_497 = arith.constant 0 : i32
        %sign3A_498 = arith.cmpi sgt, %jit3A, %sign3A_497 : i32
        %sign3A_499 = arith.extui %sign3A_498 : i1 to i32
        %sign3A_500 = arith.constant 0 : i32
        %sign3A_501 = arith.cmpi slt, %jit3A, %sign3A_500 : i32
        %sign3A_502 = arith.extui %sign3A_501 : i1 to i32
        %sign3A_503 = arith.subi %sign3A_499, %sign3A_502 : i32
        %ne3A = arith.cmpi ne, %sign3A_496, %sign3A_503 : i32
        %rem3A = arith.remsi %scan3A_490, %jit3A : i32
        %ne3A_504 = arith.constant 0 : i32
        %ne3A_505 = arith.cmpi ne, %rem3A, %ne3A_504 : i32
        %and3A_506 = arith.andi %ne3A, %ne3A_505 : i1
        %sub3A = arith.constant 1 : i32
        %sub3A_507 = arith.subi %div3A, %sub3A : i32
        %select_n3A = arith.select %and3A_506, %sub3A_507, %div3A : i32
        %mul3A_508 = arith.constant 16 : i32
        %mul3A_509 = arith.muli %select_n3A, %mul3A_508 : i32
        %jit3A_510 = arith.constant 4 : i32
        %eq3A = arith.constant 0 : i32
        %eq3A_511 = arith.cmpi eq, %jit3A_510, %eq3A : i32
        %jit3A_512 = arith.constant 1 : i32
        %select_n3A_513 = arith.select %eq3A_511, %jit3A_512, %jit3A_510 : i32
        %rem3A_514 = arith.remsi %scan3A_490, %select_n3A_513 : i32
        %ne3A_515 = arith.constant 0 : i32
        %ne3A_516 = arith.cmpi ne, %rem3A_514, %ne3A_515 : i32
        %lt3A_517 = arith.constant 0 : i32
        %lt3A_518 = arith.cmpi slt, %rem3A_514, %lt3A_517 : i32
        %lt3A_519 = arith.constant 0 : i32
        %lt3A_520 = arith.cmpi slt, %select_n3A_513, %lt3A_519 : i32
        %ne3A_521 = arith.xori %lt3A_518, %lt3A_520 : i1
        %and3A_522 = arith.andi %ne3A_521, %ne3A_516 : i1
        %add3A_523 = arith.addi %rem3A_514, %select_n3A_513 : i32
        %select_n3A_524 = arith.select %and3A_522, %add3A_523, %rem3A_514 : i32
        %mul3A_525 = arith.constant 16 : i32
        %mul3A_526 = arith.muli %select_n3A_524, %mul3A_525 : i32
        %add3A_527 = vector.broadcast %mul3A_509 : i32 to vector<16xi32>
        %add3A_528 = arith.addi %iota3A, %add3A_527 : vector<16xi32>
        %add3A_529 = vector.broadcast %mul3A_526 : i32 to vector<16xi32>
        %add3A_530 = arith.addi %and3A_7, %add3A_529 : vector<16xi32>
        %add3A_531 = vector.broadcast %mul3A_526 : i32 to vector<16xi32>
        %add3A_532 = arith.addi %and3A_13, %add3A_531 : vector<16xi32>
        %add3A_533 = vector.broadcast %mul3A_526 : i32 to vector<16xi32>
        %add3A_534 = arith.addi %and3A_19, %add3A_533 : vector<16xi32>
        %add3A_535 = vector.broadcast %mul3A_526 : i32 to vector<16xi32>
        %add3A_536 = arith.addi %and3A_25, %add3A_535 : vector<16xi32>
        %gather3A = arith.constant 0 : i32
        %gather3A_537 = arith.constant 0 : i32
        %gather3A_538 = tpu.memref_slice %arg6[%scan3A_352, %gather3A, %gather3A_537] : memref<4x128x128xf32, #tpu.memory_space<vmem>> -> memref<1x128x128xf32, #tpu.memory_space<vmem>>
        %gather3A_539 = tpu.memref_squeeze %gather3A_538 : memref<1x128x128xf32, #tpu.memory_space<vmem>> -> memref<128x128xf32, #tpu.memory_space<vmem>>
        %gather3A_540 = tpu.vector_load_idx %gather3A_539[%add3A_528, %add3A_530] : memref<128x128xf32, #tpu.memory_space<vmem>>[vector<16xi32>, vector<16xi32>], vector<16xf32>,
        %gather3A_541 = arith.constant 0 : i32
        %gather3A_542 = arith.constant 0 : i32
        %gather3A_543 = tpu.memref_slice %arg6[%scan3A_352, %gather3A_541, %gather3A_542] : memref<4x128x128xf32, #tpu.memory_space<vmem>> -> memref<1x128x128xf32, #tpu.memory_space<vmem>>
        %gather3A_544 = tpu.memref_squeeze %gather3A_543 : memref<1x128x128xf32, #tpu.memory_space<vmem>> -> memref<128x128xf32, #tpu.memory_space<vmem>>
        %gather3A_545 = tpu.vector_load_idx %gather3A_544[%add3A_528, %add3A_532] : memref<128x128xf32, #tpu.memory_space<vmem>>[vector<16xi32>, vector<16xi32>], vector<16xf32>,
        %gather3A_546 = arith.constant 0 : i32
        %gather3A_547 = arith.constant 0 : i32
        %gather3A_548 = tpu.memref_slice %arg6[%scan3A_352, %gather3A_546, %gather3A_547] : memref<4x128x128xf32, #tpu.memory_space<vmem>> -> memref<1x128x128xf32, #tpu.memory_space<vmem>>
        %gather3A_549 = tpu.memref_squeeze %gather3A_548 : memref<1x128x128xf32, #tpu.memory_space<vmem>> -> memref<128x128xf32, #tpu.memory_space<vmem>>
        %gather3A_550 = tpu.vector_load_idx %gather3A_549[%add3A_528, %add3A_534] : memref<128x128xf32, #tpu.memory_space<vmem>>[vector<16xi32>, vector<16xi32>], vector<16xf32>,
        %gather3A_551 = arith.constant 0 : i32
        %gather3A_552 = arith.constant 0 : i32
        %gather3A_553 = tpu.memref_slice %arg6[%scan3A_352, %gather3A_551, %gather3A_552] : memref<4x128x128xf32, #tpu.memory_space<vmem>> -> memref<1x128x128xf32, #tpu.memory_space<vmem>>
        %gather3A_554 = tpu.memref_squeeze %gather3A_553 : memref<1x128x128xf32, #tpu.memory_space<vmem>> -> memref<128x128xf32, #tpu.memory_space<vmem>>
        %gather3A_555 = tpu.vector_load_idx %gather3A_554[%add3A_528, %add3A_536] : memref<128x128xf32, #tpu.memory_space<vmem>>[vector<16xi32>, vector<16xi32>], vector<16xf32>,
        %scatter3A = arith.constant 0 : i32
        %scatter3A_556 = arith.constant 0 : i32
        %scatter3A_557 = tpu.memref_slice %arg7[%scan3A_353, %scatter3A, %scatter3A_556] : memref<4x64x128xf32, #tpu.memory_space<vmem>> -> memref<1x64x128xf32, #tpu.memory_space<vmem>>
        %scatter3A_558 = tpu.memref_squeeze %scatter3A_557 : memref<1x64x128xf32, #tpu.memory_space<vmem>> -> memref<64x128xf32, #tpu.memory_space<vmem>>
        tpu.vector_store_idx %scatter3A_558[%add3A_530, %add3A_528], %gather3A_540 : memref<64x128xf32, #tpu.memory_space<vmem>>[vector<16xi32>, vector<16xi32>], vector<16xf32>,
        %scatter3A_559 = arith.constant 0 : i32
        %scatter3A_560 = arith.constant 0 : i32
        %scatter3A_561 = tpu.memref_slice %arg7[%scan3A_353, %scatter3A_559, %scatter3A_560] : memref<4x64x128xf32, #tpu.memory_space<vmem>> -> memref<1x64x128xf32, #tpu.memory_space<vmem>>
        %scatter3A_562 = tpu.memref_squeeze %scatter3A_561 : memref<1x64x128xf32, #tpu.memory_space<vmem>> -> memref<64x128xf32, #tpu.memory_space<vmem>>
        tpu.vector_store_idx %scatter3A_562[%add3A_532, %add3A_528], %gather3A_545 : memref<64x128xf32, #tpu.memory_space<vmem>>[vector<16xi32>, vector<16xi32>], vector<16xf32>,
        %scatter3A_563 = arith.constant 0 : i32
        %scatter3A_564 = arith.constant 0 : i32
        %scatter3A_565 = tpu.memref_slice %arg7[%scan3A_353, %scatter3A_563, %scatter3A_564] : memref<4x64x128xf32, #tpu.memory_space<vmem>> -> memref<1x64x128xf32, #tpu.memory_space<vmem>>
        %scatter3A_566 = tpu.memref_squeeze %scatter3A_565 : memref<1x64x128xf32, #tpu.memory_space<vmem>> -> memref<64x128xf32, #tpu.memory_space<vmem>>
        tpu.vector_store_idx %scatter3A_566[%add3A_534, %add3A_528], %gather3A_550 : memref<64x128xf32, #tpu.memory_space<vmem>>[vector<16xi32>, vector<16xi32>], vector<16xf32>,
        %scatter3A_567 = arith.constant 0 : i32
        %scatter3A_568 = arith.constant 0 : i32
        %scatter3A_569 = tpu.memref_slice %arg7[%scan3A_353, %scatter3A_567, %scatter3A_568] : memref<4x64x128xf32, #tpu.memory_space<vmem>> -> memref<1x64x128xf32, #tpu.memory_space<vmem>>
        %scatter3A_570 = tpu.memref_squeeze %scatter3A_569 : memref<1x64x128xf32, #tpu.memory_space<vmem>> -> memref<64x128xf32, #tpu.memory_space<vmem>>
        tpu.vector_store_idx %scatter3A_570[%add3A_536, %add3A_528], %gather3A_555 : memref<64x128xf32, #tpu.memory_space<vmem>>[vector<16xi32>, vector<16xi32>], vector<16xf32>,
        %add3A_571 = vector.broadcast %mul3A_526 : i32 to vector<16xi32>
        %add3A_572 = arith.addi %and3A_31, %add3A_571 : vector<16xi32>
        %add3A_573 = vector.broadcast %mul3A_526 : i32 to vector<16xi32>
        %add3A_574 = arith.addi %and3A_37, %add3A_573 : vector<16xi32>
        %add3A_575 = vector.broadcast %mul3A_526 : i32 to vector<16xi32>
        %add3A_576 = arith.addi %and3A_43, %add3A_575 : vector<16xi32>
        %add3A_577 = vector.broadcast %mul3A_526 : i32 to vector<16xi32>
        %add3A_578 = arith.addi %and3A_49, %add3A_577 : vector<16xi32>
        %gather3A_579 = arith.constant 0 : i32
        %gather3A_580 = arith.constant 0 : i32
        %gather3A_581 = tpu.memref_slice %arg6[%scan3A_352, %gather3A_579, %gather3A_580] : memref<4x128x128xf32, #tpu.memory_space<vmem>> -> memref<1x128x128xf32, #tpu.memory_space<vmem>>
        %gather3A_582 = tpu.memref_squeeze %gather3A_581 : memref<1x128x128xf32, #tpu.memory_space<vmem>> -> memref<128x128xf32, #tpu.memory_space<vmem>>
        %gather3A_583 = tpu.vector_load_idx %gather3A_582[%add3A_528, %add3A_572] : memref<128x128xf32, #tpu.memory_space<vmem>>[vector<16xi32>, vector<16xi32>], vector<16xf32>,
        %gather3A_584 = arith.constant 0 : i32
        %gather3A_585 = arith.constant 0 : i32
        %gather3A_586 = tpu.memref_slice %arg6[%scan3A_352, %gather3A_584, %gather3A_585] : memref<4x128x128xf32, #tpu.memory_space<vmem>> -> memref<1x128x128xf32, #tpu.memory_space<vmem>>
        %gather3A_587 = tpu.memref_squeeze %gather3A_586 : memref<1x128x128xf32, #tpu.memory_space<vmem>> -> memref<128x128xf32, #tpu.memory_space<vmem>>
        %gather3A_588 = tpu.vector_load_idx %gather3A_587[%add3A_528, %add3A_574] : memref<128x128xf32, #tpu.memory_space<vmem>>[vector<16xi32>, vector<16xi32>], vector<16xf32>,
        %gather3A_589 = arith.constant 0 : i32
        %gather3A_590 = arith.constant 0 : i32
        %gather3A_591 = tpu.memref_slice %arg6[%scan3A_352, %gather3A_589, %gather3A_590] : memref<4x128x128xf32, #tpu.memory_space<vmem>> -> memref<1x128x128xf32, #tpu.memory_space<vmem>>
        %gather3A_592 = tpu.memref_squeeze %gather3A_591 : memref<1x128x128xf32, #tpu.memory_space<vmem>> -> memref<128x128xf32, #tpu.memory_space<vmem>>
        %gather3A_593 = tpu.vector_load_idx %gather3A_592[%add3A_528, %add3A_576] : memref<128x128xf32, #tpu.memory_space<vmem>>[vector<16xi32>, vector<16xi32>], vector<16xf32>,
        %gather3A_594 = arith.constant 0 : i32
        %gather3A_595 = arith.constant 0 : i32
        %gather3A_596 = tpu.memref_slice %arg6[%scan3A_352, %gather3A_594, %gather3A_595] : memref<4x128x128xf32, #tpu.memory_space<vmem>> -> memref<1x128x128xf32, #tpu.memory_space<vmem>>
        %gather3A_597 = tpu.memref_squeeze %gather3A_596 : memref<1x128x128xf32, #tpu.memory_space<vmem>> -> memref<128x128xf32, #tpu.memory_space<vmem>>
        %gather3A_598 = tpu.vector_load_idx %gather3A_597[%add3A_528, %add3A_578] : memref<128x128xf32, #tpu.memory_space<vmem>>[vector<16xi32>, vector<16xi32>], vector<16xf32>,
        %scatter3A_599 = arith.constant 0 : i32
        %scatter3A_600 = arith.constant 0 : i32
        %scatter3A_601 = tpu.memref_slice %arg7[%scan3A_353, %scatter3A_599, %scatter3A_600] : memref<4x64x128xf32, #tpu.memory_space<vmem>> -> memref<1x64x128xf32, #tpu.memory_space<vmem>>
        %scatter3A_602 = tpu.memref_squeeze %scatter3A_601 : memref<1x64x128xf32, #tpu.memory_space<vmem>> -> memref<64x128xf32, #tpu.memory_space<vmem>>
        tpu.vector_store_idx %scatter3A_602[%add3A_572, %add3A_528], %gather3A_583 : memref<64x128xf32, #tpu.memory_space<vmem>>[vector<16xi32>, vector<16xi32>], vector<16xf32>,
        %scatter3A_603 = arith.constant 0 : i32
        %scatter3A_604 = arith.constant 0 : i32
        %scatter3A_605 = tpu.memref_slice %arg7[%scan3A_353, %scatter3A_603, %scatter3A_604] : memref<4x64x128xf32, #tpu.memory_space<vmem>> -> memref<1x64x128xf32, #tpu.memory_space<vmem>>
        %scatter3A_606 = tpu.memref_squeeze %scatter3A_605 : memref<1x64x128xf32, #tpu.memory_space<vmem>> -> memref<64x128xf32, #tpu.memory_space<vmem>>
        tpu.vector_store_idx %scatter3A_606[%add3A_574, %add3A_528], %gather3A_588 : memref<64x128xf32, #tpu.memory_space<vmem>>[vector<16xi32>, vector<16xi32>], vector<16xf32>,
        %scatter3A_607 = arith.constant 0 : i32
        %scatter3A_608 = arith.constant 0 : i32
        %scatter3A_609 = tpu.memref_slice %arg7[%scan3A_353, %scatter3A_607, %scatter3A_608] : memref<4x64x128xf32, #tpu.memory_space<vmem>> -> memref<1x64x128xf32, #tpu.memory_space<vmem>>
        %scatter3A_610 = tpu.memref_squeeze %scatter3A_609 : memref<1x64x128xf32, #tpu.memory_space<vmem>> -> memref<64x128xf32, #tpu.memory_space<vmem>>
        tpu.vector_store_idx %scatter3A_610[%add3A_576, %add3A_528], %gather3A_593 : memref<64x128xf32, #tpu.memory_space<vmem>>[vector<16xi32>, vector<16xi32>], vector<16xf32>,
        %scatter3A_611 = arith.constant 0 : i32
        %scatter3A_612 = arith.constant 0 : i32
        %scatter3A_613 = tpu.memref_slice %arg7[%scan3A_353, %scatter3A_611, %scatter3A_612] : memref<4x64x128xf32, #tpu.memory_space<vmem>> -> memref<1x64x128xf32, #tpu.memory_space<vmem>>
        %scatter3A_614 = tpu.memref_squeeze %scatter3A_613 : memref<1x64x128xf32, #tpu.memory_space<vmem>> -> memref<64x128xf32, #tpu.memory_space<vmem>>
        tpu.vector_store_idx %scatter3A_614[%add3A_578, %add3A_528], %gather3A_598 : memref<64x128xf32, #tpu.memory_space<vmem>>[vector<16xi32>, vector<16xi32>], vector<16xf32>,
        %add3A_615 = vector.broadcast %mul3A_526 : i32 to vector<16xi32>
        %add3A_616 = arith.addi %and3A_55, %add3A_615 : vector<16xi32>
        %add3A_617 = vector.broadcast %mul3A_526 : i32 to vector<16xi32>
        %add3A_618 = arith.addi %and3A_61, %add3A_617 : vector<16xi32>
        %add3A_619 = vector.broadcast %mul3A_526 : i32 to vector<16xi32>
        %add3A_620 = arith.addi %and3A_67, %add3A_619 : vector<16xi32>
        %add3A_621 = vector.broadcast %mul3A_526 : i32 to vector<16xi32>
        %add3A_622 = arith.addi %and3A_73, %add3A_621 : vector<16xi32>
        %gather3A_623 = arith.constant 0 : i32
        %gather3A_624 = arith.constant 0 : i32
        %gather3A_625 = tpu.memref_slice %arg6[%scan3A_352, %gather3A_623, %gather3A_624] : memref<4x128x128xf32, #tpu.memory_space<vmem>> -> memref<1x128x128xf32, #tpu.memory_space<vmem>>
        %gather3A_626 = tpu.memref_squeeze %gather3A_625 : memref<1x128x128xf32, #tpu.memory_space<vmem>> -> memref<128x128xf32, #tpu.memory_space<vmem>>
        %gather3A_627 = tpu.vector_load_idx %gather3A_626[%add3A_528, %add3A_616] : memref<128x128xf32, #tpu.memory_space<vmem>>[vector<16xi32>, vector<16xi32>], vector<16xf32>,
        %gather3A_628 = arith.constant 0 : i32
        %gather3A_629 = arith.constant 0 : i32
        %gather3A_630 = tpu.memref_slice %arg6[%scan3A_352, %gather3A_628, %gather3A_629] : memref<4x128x128xf32, #tpu.memory_space<vmem>> -> memref<1x128x128xf32, #tpu.memory_space<vmem>>
        %gather3A_631 = tpu.memref_squeeze %gather3A_630 : memref<1x128x128xf32, #tpu.memory_space<vmem>> -> memref<128x128xf32, #tpu.memory_space<vmem>>
        %gather3A_632 = tpu.vector_load_idx %gather3A_631[%add3A_528, %add3A_618] : memref<128x128xf32, #tpu.memory_space<vmem>>[vector<16xi32>, vector<16xi32>], vector<16xf32>,
        %gather3A_633 = arith.constant 0 : i32
        %gather3A_634 = arith.constant 0 : i32
        %gather3A_635 = tpu.memref_slice %arg6[%scan3A_352, %gather3A_633, %gather3A_634] : memref<4x128x128xf32, #tpu.memory_space<vmem>> -> memref<1x128x128xf32, #tpu.memory_space<vmem>>
        %gather3A_636 = tpu.memref_squeeze %gather3A_635 : memref<1x128x128xf32, #tpu.memory_space<vmem>> -> memref<128x128xf32, #tpu.memory_space<vmem>>
        %gather3A_637 = tpu.vector_load_idx %gather3A_636[%add3A_528, %add3A_620] : memref<128x128xf32, #tpu.memory_space<vmem>>[vector<16xi32>, vector<16xi32>], vector<16xf32>,
        %gather3A_638 = arith.constant 0 : i32
        %gather3A_639 = arith.constant 0 : i32
        %gather3A_640 = tpu.memref_slice %arg6[%scan3A_352, %gather3A_638, %gather3A_639] : memref<4x128x128xf32, #tpu.memory_space<vmem>> -> memref<1x128x128xf32, #tpu.memory_space<vmem>>
        %gather3A_641 = tpu.memref_squeeze %gather3A_640 : memref<1x128x128xf32, #tpu.memory_space<vmem>> -> memref<128x128xf32, #tpu.memory_space<vmem>>
        %gather3A_642 = tpu.vector_load_idx %gather3A_641[%add3A_528, %add3A_622] : memref<128x128xf32, #tpu.memory_space<vmem>>[vector<16xi32>, vector<16xi32>], vector<16xf32>,
        %scatter3A_643 = arith.constant 0 : i32
        %scatter3A_644 = arith.constant 0 : i32
        %scatter3A_645 = tpu.memref_slice %arg7[%scan3A_353, %scatter3A_643, %scatter3A_644] : memref<4x64x128xf32, #tpu.memory_space<vmem>> -> memref<1x64x128xf32, #tpu.memory_space<vmem>>
        %scatter3A_646 = tpu.memref_squeeze %scatter3A_645 : memref<1x64x128xf32, #tpu.memory_space<vmem>> -> memref<64x128xf32, #tpu.memory_space<vmem>>
        tpu.vector_store_idx %scatter3A_646[%add3A_616, %add3A_528], %gather3A_627 : memref<64x128xf32, #tpu.memory_space<vmem>>[vector<16xi32>, vector<16xi32>], vector<16xf32>,
        %scatter3A_647 = arith.constant 0 : i32
        %scatter3A_648 = arith.constant 0 : i32
        %scatter3A_649 = tpu.memref_slice %arg7[%scan3A_353, %scatter3A_647, %scatter3A_648] : memref<4x64x128xf32, #tpu.memory_space<vmem>> -> memref<1x64x128xf32, #tpu.memory_space<vmem>>
        %scatter3A_650 = tpu.memref_squeeze %scatter3A_649 : memref<1x64x128xf32, #tpu.memory_space<vmem>> -> memref<64x128xf32, #tpu.memory_space<vmem>>
        tpu.vector_store_idx %scatter3A_650[%add3A_618, %add3A_528], %gather3A_632 : memref<64x128xf32, #tpu.memory_space<vmem>>[vector<16xi32>, vector<16xi32>], vector<16xf32>,
        %scatter3A_651 = arith.constant 0 : i32
        %scatter3A_652 = arith.constant 0 : i32
        %scatter3A_653 = tpu.memref_slice %arg7[%scan3A_353, %scatter3A_651, %scatter3A_652] : memref<4x64x128xf32, #tpu.memory_space<vmem>> -> memref<1x64x128xf32, #tpu.memory_space<vmem>>
        %scatter3A_654 = tpu.memref_squeeze %scatter3A_653 : memref<1x64x128xf32, #tpu.memory_space<vmem>> -> memref<64x128xf32, #tpu.memory_space<vmem>>
        tpu.vector_store_idx %scatter3A_654[%add3A_620, %add3A_528], %gather3A_637 : memref<64x128xf32, #tpu.memory_space<vmem>>[vector<16xi32>, vector<16xi32>], vector<16xf32>,
        %scatter3A_655 = arith.constant 0 : i32
        %scatter3A_656 = arith.constant 0 : i32
        %scatter3A_657 = tpu.memref_slice %arg7[%scan3A_353, %scatter3A_655, %scatter3A_656] : memref<4x64x128xf32, #tpu.memory_space<vmem>> -> memref<1x64x128xf32, #tpu.memory_space<vmem>>
        %scatter3A_658 = tpu.memref_squeeze %scatter3A_657 : memref<1x64x128xf32, #tpu.memory_space<vmem>> -> memref<64x128xf32, #tpu.memory_space<vmem>>
        tpu.vector_store_idx %scatter3A_658[%add3A_622, %add3A_528], %gather3A_642 : memref<64x128xf32, #tpu.memory_space<vmem>>[vector<16xi32>, vector<16xi32>], vector<16xf32>,
        %add3A_659 = vector.broadcast %mul3A_526 : i32 to vector<16xi32>
        %add3A_660 = arith.addi %and3A_79, %add3A_659 : vector<16xi32>
        %add3A_661 = vector.broadcast %mul3A_526 : i32 to vector<16xi32>
        %add3A_662 = arith.addi %and3A_85, %add3A_661 : vector<16xi32>
        %add3A_663 = vector.broadcast %mul3A_526 : i32 to vector<16xi32>
        %add3A_664 = arith.addi %and3A_91, %add3A_663 : vector<16xi32>
        %add3A_665 = vector.broadcast %mul3A_526 : i32 to vector<16xi32>
        %add3A_666 = arith.addi %and3A_97, %add3A_665 : vector<16xi32>
        %gather3A_667 = arith.constant 0 : i32
        %gather3A_668 = arith.constant 0 : i32
        %gather3A_669 = tpu.memref_slice %arg6[%scan3A_352, %gather3A_667, %gather3A_668] : memref<4x128x128xf32, #tpu.memory_space<vmem>> -> memref<1x128x128xf32, #tpu.memory_space<vmem>>
        %gather3A_670 = tpu.memref_squeeze %gather3A_669 : memref<1x128x128xf32, #tpu.memory_space<vmem>> -> memref<128x128xf32, #tpu.memory_space<vmem>>
        %gather3A_671 = tpu.vector_load_idx %gather3A_670[%add3A_528, %add3A_660] : memref<128x128xf32, #tpu.memory_space<vmem>>[vector<16xi32>, vector<16xi32>], vector<16xf32>,
        %gather3A_672 = arith.constant 0 : i32
        %gather3A_673 = arith.constant 0 : i32
        %gather3A_674 = tpu.memref_slice %arg6[%scan3A_352, %gather3A_672, %gather3A_673] : memref<4x128x128xf32, #tpu.memory_space<vmem>> -> memref<1x128x128xf32, #tpu.memory_space<vmem>>
        %gather3A_675 = tpu.memref_squeeze %gather3A_674 : memref<1x128x128xf32, #tpu.memory_space<vmem>> -> memref<128x128xf32, #tpu.memory_space<vmem>>
        %gather3A_676 = tpu.vector_load_idx %gather3A_675[%add3A_528, %add3A_662] : memref<128x128xf32, #tpu.memory_space<vmem>>[vector<16xi32>, vector<16xi32>], vector<16xf32>,
        %gather3A_677 = arith.constant 0 : i32
        %gather3A_678 = arith.constant 0 : i32
        %gather3A_679 = tpu.memref_slice %arg6[%scan3A_352, %gather3A_677, %gather3A_678] : memref<4x128x128xf32, #tpu.memory_space<vmem>> -> memref<1x128x128xf32, #tpu.memory_space<vmem>>
        %gather3A_680 = tpu.memref_squeeze %gather3A_679 : memref<1x128x128xf32, #tpu.memory_space<vmem>> -> memref<128x128xf32, #tpu.memory_space<vmem>>
        %gather3A_681 = tpu.vector_load_idx %gather3A_680[%add3A_528, %add3A_664] : memref<128x128xf32, #tpu.memory_space<vmem>>[vector<16xi32>, vector<16xi32>], vector<16xf32>,
        %gather3A_682 = arith.constant 0 : i32
        %gather3A_683 = arith.constant 0 : i32
        %gather3A_684 = tpu.memref_slice %arg6[%scan3A_352, %gather3A_682, %gather3A_683] : memref<4x128x128xf32, #tpu.memory_space<vmem>> -> memref<1x128x128xf32, #tpu.memory_space<vmem>>
        %gather3A_685 = tpu.memref_squeeze %gather3A_684 : memref<1x128x128xf32, #tpu.memory_space<vmem>> -> memref<128x128xf32, #tpu.memory_space<vmem>>
        %gather3A_686 = tpu.vector_load_idx %gather3A_685[%add3A_528, %add3A_666] : memref<128x128xf32, #tpu.memory_space<vmem>>[vector<16xi32>, vector<16xi32>], vector<16xf32>,
        %scatter3A_687 = arith.constant 0 : i32
        %scatter3A_688 = arith.constant 0 : i32
        %scatter3A_689 = tpu.memref_slice %arg7[%scan3A_353, %scatter3A_687, %scatter3A_688] : memref<4x64x128xf32, #tpu.memory_space<vmem>> -> memref<1x64x128xf32, #tpu.memory_space<vmem>>
        %scatter3A_690 = tpu.memref_squeeze %scatter3A_689 : memref<1x64x128xf32, #tpu.memory_space<vmem>> -> memref<64x128xf32, #tpu.memory_space<vmem>>
        tpu.vector_store_idx %scatter3A_690[%add3A_660, %add3A_528], %gather3A_671 : memref<64x128xf32, #tpu.memory_space<vmem>>[vector<16xi32>, vector<16xi32>], vector<16xf32>,
        %scatter3A_691 = arith.constant 0 : i32
        %scatter3A_692 = arith.constant 0 : i32
        %scatter3A_693 = tpu.memref_slice %arg7[%scan3A_353, %scatter3A_691, %scatter3A_692] : memref<4x64x128xf32, #tpu.memory_space<vmem>> -> memref<1x64x128xf32, #tpu.memory_space<vmem>>
        %scatter3A_694 = tpu.memref_squeeze %scatter3A_693 : memref<1x64x128xf32, #tpu.memory_space<vmem>> -> memref<64x128xf32, #tpu.memory_space<vmem>>
        tpu.vector_store_idx %scatter3A_694[%add3A_662, %add3A_528], %gather3A_676 : memref<64x128xf32, #tpu.memory_space<vmem>>[vector<16xi32>, vector<16xi32>], vector<16xf32>,
        %scatter3A_695 = arith.constant 0 : i32
        %scatter3A_696 = arith.constant 0 : i32
        %scatter3A_697 = tpu.memref_slice %arg7[%scan3A_353, %scatter3A_695, %scatter3A_696] : memref<4x64x128xf32, #tpu.memory_space<vmem>> -> memref<1x64x128xf32, #tpu.memory_space<vmem>>
        %scatter3A_698 = tpu.memref_squeeze %scatter3A_697 : memref<1x64x128xf32, #tpu.memory_space<vmem>> -> memref<64x128xf32, #tpu.memory_space<vmem>>
        tpu.vector_store_idx %scatter3A_698[%add3A_664, %add3A_528], %gather3A_681 : memref<64x128xf32, #tpu.memory_space<vmem>>[vector<16xi32>, vector<16xi32>], vector<16xf32>,
        %scatter3A_699 = arith.constant 0 : i32
        %scatter3A_700 = arith.constant 0 : i32
        %scatter3A_701 = tpu.memref_slice %arg7[%scan3A_353, %scatter3A_699, %scatter3A_700] : memref<4x64x128xf32, #tpu.memory_space<vmem>> -> memref<1x64x128xf32, #tpu.memory_space<vmem>>
        %scatter3A_702 = tpu.memref_squeeze %scatter3A_701 : memref<1x64x128xf32, #tpu.memory_space<vmem>> -> memref<64x128xf32, #tpu.memory_space<vmem>>
        tpu.vector_store_idx %scatter3A_702[%add3A_666, %add3A_528], %gather3A_686 : memref<64x128xf32, #tpu.memory_space<vmem>>[vector<16xi32>, vector<16xi32>], vector<16xf32>,
      }
      %scan3A_358 = arith.constant 32 : i32
      %dma_start3A_359 = arith.constant 1 : i32
      %dma_start3A_360 = arith.constant 0 : i32
      %dma_start3A_361 = arith.constant 0 : i32
      %dma_start3A_362 = tpu.memref_slice %arg7[%dma_start3A_359, %dma_start3A_360, %dma_start3A_361] : memref<4x64x128xf32, #tpu.memory_space<vmem>> -> memref<1x64x128xf32, #tpu.memory_space<vmem>>
      %dma_start3A_363 = tpu.memref_squeeze %dma_start3A_362 : memref<1x64x128xf32, #tpu.memory_space<vmem>> -> memref<64x128xf32, #tpu.memory_space<vmem>>
      %dma_start3A_364 = arith.constant 0 : i32
      %dma_start3A_365 = tpu.memref_slice %arg4[%add3A_319, %dma_start3A_364, %mul3A_2] : memref<200x64x4096xf32, #tpu.memory_space<hbm>> -> memref<1x64x128xf32, #tpu.memory_space<hbm>>
      %dma_start3A_366 = tpu.memref_squeeze %dma_start3A_365 : memref<1x64x128xf32, #tpu.memory_space<hbm>> -> memref<64x128xf32, #tpu.memory_space<hbm>>
      %dma_start3A_367 = arith.constant 0 : i32
      %dma_start3A_368 = tpu.memref_slice %arg4[%add3A_319, %dma_start3A_367, %mul3A_2] : memref<200x64x4096xf32, #tpu.memory_space<hbm>> -> memref<1x64x128xf32, #tpu.memory_space<hbm>>
      %dma_start3A_369 = tpu.memref_squeeze %dma_start3A_368 : memref<1x64x128xf32, #tpu.memory_space<hbm>> -> memref<64x128xf32, #tpu.memory_space<hbm>>
      %dma_start3A_370 = arith.constant 0 : i32
      %dma_start3A_371 = arith.constant 0 : i32
      %dma_start3A_372 = tpu.memref_slice %arg7[%dma_start3A_359, %dma_start3A_370, %dma_start3A_371] : memref<4x64x128xf32, #tpu.memory_space<vmem>> -> memref<1x64x128xf32, #tpu.memory_space<vmem>>
      %dma_start3A_373 = tpu.memref_squeeze %dma_start3A_372 : memref<1x64x128xf32, #tpu.memory_space<vmem>> -> memref<64x128xf32, #tpu.memory_space<vmem>>
      tpu.enqueue_dma source(%dma_start3A_373 : memref<64x128xf32, #tpu.memory_space<vmem>>) target(%dma_start3A_369 : memref<64x128xf32, #tpu.memory_space<hbm>>) target_semaphore(%arg17 : memref<!tpu.dma_semaphore, #tpu.memory_space<semaphore_mem>>)
      %mul3A_374 = arith.constant 4 : i32
      %mul3A_375 = arith.muli %mul3A_374, %scan3A_261 : i32
      %add3A_376 = arith.constant 2 : i32
      %add3A_377 = arith.addi %mul3A_375, %add3A_376 : i32
      %dma_wait3A_378 = arith.constant 2 : i32
      %dma_wait3A_379 = arith.constant 2 : i32
      %dma_wait3A_380 = arith.constant 0 : i32
      %dma_wait3A_381 = arith.constant 0 : i32
      %dma_wait3A_382 = tpu.memref_slice %arg6[%dma_wait3A_379, %dma_wait3A_380, %dma_wait3A_381] : memref<4x128x128xf32, #tpu.memory_space<vmem>> -> memref<1x128x128xf32, #tpu.memory_space<vmem>>
      %dma_wait3A_383 = tpu.memref_squeeze %dma_wait3A_382 : memref<1x128x128xf32, #tpu.memory_space<vmem>> -> memref<128x128xf32, #tpu.memory_space<vmem>>
      %dma_wait3A_384 = arith.constant 0 : i32
      %dma_wait3A_385 = tpu.memref_slice %arg5[%dma_wait3A_378, %dma_wait3A_384] : memref<4x128xi32, #tpu.memory_space<vmem>> -> memref<1x128xi32, #tpu.memory_space<vmem>>
      %dma_wait3A_386 = tpu.memref_squeeze %dma_wait3A_385 : memref<1x128xi32, #tpu.memory_space<vmem>> -> memref<128xi32, #tpu.memory_space<vmem>>
      %dma_wait3A_387 = arith.constant 0 : i32
      %dma_wait3A_388 = arith.constant 0 : i32
      %dma_wait3A_389 = tpu.memref_slice %arg2[%dma_wait3A_387, %dma_wait3A_388] : memref<1000000x128xf32, #tpu.memory_space<hbm>> -> memref<1000000x128xf32, #tpu.memory_space<hbm>>
      tpu.wait_indirect_dma semaphore(%arg14 : memref<!tpu.dma_semaphore, #tpu.memory_space<semaphore_mem>>) src(%dma_wait3A_389 : memref<1000000x128xf32, #tpu.memory_space<hbm>>) dst(%dma_wait3A_383 : memref<128x128xf32, #tpu.memory_space<vmem>>)
      %add3A_390 = arith.constant 2 : i32
      %add3A_391 = arith.addi %add3A_377, %add3A_390 : i32
      %lt3A_392 = arith.constant 200 : i32
      %lt3A_393 = arith.cmpi slt, %add3A_391, %lt3A_392 : i32
      %convert_element_type3A_394 = arith.extui %lt3A_393 : i1 to i32
      %cond3A_395 = arith.constant 0 : i32
      %cond3A_396 = arith.cmpi ne, %convert_element_type3A_394, %cond3A_395 : i32
      scf.if %cond3A_396 {
        %add3A_490 = arith.constant 2 : i32
        %add3A_491 = arith.addi %add3A_377, %add3A_490 : i32
        %dma_wait3A_492 = arith.constant 0 : i32
        %dma_wait3A_493 = arith.constant 0 : i32
        %dma_wait3A_494 = tpu.memref_slice %arg5[%dma_wait3A_492, %dma_wait3A_493] : memref<4x128xi32, #tpu.memory_space<vmem>> -> memref<1x128xi32, #tpu.memory_space<vmem>>
        %dma_wait3A_495 = tpu.memref_squeeze %dma_wait3A_494 : memref<1x128xi32, #tpu.memory_space<vmem>> -> memref<128xi32, #tpu.memory_space<vmem>>
        %dma_wait3A_496 = tpu.memref_slice %arg3[%add3A_491, %mul3A_2] : memref<200x4096xi32, #tpu.memory_space<hbm>> -> memref<1x128xi32, #tpu.memory_space<hbm>>
        %dma_wait3A_497 = tpu.memref_squeeze %dma_wait3A_496 : memref<1x128xi32, #tpu.memory_space<hbm>> -> memref<128xi32, #tpu.memory_space<hbm>>
        %dma_wait3A_498 = arith.constant 0 : i32
        %dma_wait3A_499 = tpu.memref_slice %arg5[%dma_wait3A_492, %dma_wait3A_498] : memref<4x128xi32, #tpu.memory_space<vmem>> -> memref<1x128xi32, #tpu.memory_space<vmem>>
        %dma_wait3A_500 = tpu.memref_squeeze %dma_wait3A_499 : memref<1x128xi32, #tpu.memory_space<vmem>> -> memref<128xi32, #tpu.memory_space<vmem>>
        %dma_wait3A_501 = tpu.memref_slice %arg3[%add3A_491, %mul3A_2] : memref<200x4096xi32, #tpu.memory_space<hbm>> -> memref<1x128xi32, #tpu.memory_space<hbm>>
        %dma_wait3A_502 = tpu.memref_squeeze %dma_wait3A_501 : memref<1x128xi32, #tpu.memory_space<hbm>> -> memref<128xi32, #tpu.memory_space<hbm>>
        tpu.wait_dma2 semaphore(%arg8 : memref<!tpu.dma_semaphore, #tpu.memory_space<semaphore_mem>>) src(%dma_wait3A_502 : memref<128xi32, #tpu.memory_space<hbm>>) dst(%dma_wait3A_500 : memref<128xi32, #tpu.memory_space<vmem>>)
        %dma_start3A_503 = arith.constant 0 : i32
        %dma_start3A_504 = arith.constant 0 : i32
        %dma_start3A_505 = arith.constant 0 : i32
        %dma_start3A_506 = arith.constant 0 : i32
        %dma_start3A_507 = tpu.memref_slice %arg6[%dma_start3A_504, %dma_start3A_505, %dma_start3A_506] : memref<4x128x128xf32, #tpu.memory_space<vmem>> -> memref<1x128x128xf32, #tpu.memory_space<vmem>>
        %dma_start3A_508 = tpu.memref_squeeze %dma_start3A_507 : memref<1x128x128xf32, #tpu.memory_space<vmem>> -> memref<128x128xf32, #tpu.memory_space<vmem>>
        %dma_start3A_509 = arith.constant 0 : i32
        %dma_start3A_510 = tpu.memref_slice %arg5[%dma_start3A_503, %dma_start3A_509] : memref<4x128xi32, #tpu.memory_space<vmem>> -> memref<1x128xi32, #tpu.memory_space<vmem>>
        %dma_start3A_511 = tpu.memref_squeeze %dma_start3A_510 : memref<1x128xi32, #tpu.memory_space<vmem>> -> memref<128xi32, #tpu.memory_space<vmem>>
        %dma_start3A_512 = arith.constant 0 : i32
        %dma_start3A_513 = arith.constant 0 : i32
        %dma_start3A_514 = tpu.memref_slice %arg2[%dma_start3A_512, %dma_start3A_513] : memref<1000000x128xf32, #tpu.memory_space<hbm>> -> memref<1000000x128xf32, #tpu.memory_space<hbm>>
        tpu.enqueue_indirect_dma source(%dma_start3A_514 : memref<1000000x128xf32, #tpu.memory_space<hbm>>) target(%dma_start3A_508 : memref<128x128xf32, #tpu.memory_space<vmem>>) offsets(%dma_start3A_511 : memref<128xi32, #tpu.memory_space<vmem>>) semaphore(%arg12 : memref<!tpu.dma_semaphore, #tpu.memory_space<semaphore_mem>>)
      } else {
      }
      %add3A_397 = arith.constant 4 : i32
      %add3A_398 = arith.addi %add3A_377, %add3A_397 : i32
      %lt3A_399 = arith.constant 200 : i32
      %lt3A_400 = arith.cmpi slt, %add3A_398, %lt3A_399 : i32
      %convert_element_type3A_401 = arith.extui %lt3A_400 : i1 to i32
      %cond3A_402 = arith.constant 0 : i32
      %cond3A_403 = arith.cmpi ne, %convert_element_type3A_401, %cond3A_402 : i32
      scf.if %cond3A_403 {
        %add3A_490 = arith.constant 4 : i32
        %add3A_491 = arith.addi %add3A_377, %add3A_490 : i32
        %dma_start3A_492 = arith.constant 2 : i32
        %dma_start3A_493 = arith.constant 0 : i32
        %dma_start3A_494 = tpu.memref_slice %arg5[%dma_start3A_492, %dma_start3A_493] : memref<4x128xi32, #tpu.memory_space<vmem>> -> memref<1x128xi32, #tpu.memory_space<vmem>>
        %dma_start3A_495 = tpu.memref_squeeze %dma_start3A_494 : memref<1x128xi32, #tpu.memory_space<vmem>> -> memref<128xi32, #tpu.memory_space<vmem>>
        %dma_start3A_496 = tpu.memref_slice %arg3[%add3A_491, %mul3A_2] : memref<200x4096xi32, #tpu.memory_space<hbm>> -> memref<1x128xi32, #tpu.memory_space<hbm>>
        %dma_start3A_497 = tpu.memref_squeeze %dma_start3A_496 : memref<1x128xi32, #tpu.memory_space<hbm>> -> memref<128xi32, #tpu.memory_space<hbm>>
        %dma_start3A_498 = arith.constant 0 : i32
        %dma_start3A_499 = tpu.memref_slice %arg5[%dma_start3A_492, %dma_start3A_498] : memref<4x128xi32, #tpu.memory_space<vmem>> -> memref<1x128xi32, #tpu.memory_space<vmem>>
        %dma_start3A_500 = tpu.memref_squeeze %dma_start3A_499 : memref<1x128xi32, #tpu.memory_space<vmem>> -> memref<128xi32, #tpu.memory_space<vmem>>
        %dma_start3A_501 = tpu.memref_slice %arg3[%add3A_491, %mul3A_2] : memref<200x4096xi32, #tpu.memory_space<hbm>> -> memref<1x128xi32, #tpu.memory_space<hbm>>
        %dma_start3A_502 = tpu.memref_squeeze %dma_start3A_501 : memref<1x128xi32, #tpu.memory_space<hbm>> -> memref<128xi32, #tpu.memory_space<hbm>>
        tpu.enqueue_dma source(%dma_start3A_502 : memref<128xi32, #tpu.memory_space<hbm>>) target(%dma_start3A_500 : memref<128xi32, #tpu.memory_space<vmem>>) target_semaphore(%arg10 : memref<!tpu.dma_semaphore, #tpu.memory_space<semaphore_mem>>)
      } else {
      }
      %ge3A_404 = arith.constant 4 : i32
      %ge3A_405 = arith.cmpi sge, %add3A_377, %ge3A_404 : i32
      %convert_element_type3A_406 = arith.extui %ge3A_405 : i1 to i32
      %cond3A_407 = arith.constant 0 : i32
      %cond3A_408 = arith.cmpi ne, %convert_element_type3A_406, %cond3A_407 : i32
      scf.if %cond3A_408 {
        %sub3A = arith.constant 4 : i32
        %sub3A_490 = arith.subi %add3A_377, %sub3A : i32
        %dma_wait3A_491 = arith.constant 2 : i32
        %dma_wait3A_492 = arith.constant 0 : i32
        %dma_wait3A_493 = arith.constant 0 : i32
        %dma_wait3A_494 = tpu.memref_slice %arg7[%dma_wait3A_491, %dma_wait3A_492, %dma_wait3A_493] : memref<4x64x128xf32, #tpu.memory_space<vmem>> -> memref<1x64x128xf32, #tpu.memory_space<vmem>>
        %dma_wait3A_495 = tpu.memref_squeeze %dma_wait3A_494 : memref<1x64x128xf32, #tpu.memory_space<vmem>> -> memref<64x128xf32, #tpu.memory_space<vmem>>
        %dma_wait3A_496 = arith.constant 0 : i32
        %dma_wait3A_497 = tpu.memref_slice %arg4[%sub3A_490, %dma_wait3A_496, %mul3A_2] : memref<200x64x4096xf32, #tpu.memory_space<hbm>> -> memref<1x64x128xf32, #tpu.memory_space<hbm>>
        %dma_wait3A_498 = tpu.memref_squeeze %dma_wait3A_497 : memref<1x64x128xf32, #tpu.memory_space<hbm>> -> memref<64x128xf32, #tpu.memory_space<hbm>>
        %dma_wait3A_499 = arith.constant 0 : i32
        %dma_wait3A_500 = tpu.memref_slice %arg4[%sub3A_490, %dma_wait3A_499, %mul3A_2] : memref<200x64x4096xf32, #tpu.memory_space<hbm>> -> memref<1x64x128xf32, #tpu.memory_space<hbm>>
        %dma_wait3A_501 = tpu.memref_squeeze %dma_wait3A_500 : memref<1x64x128xf32, #tpu.memory_space<hbm>> -> memref<64x128xf32, #tpu.memory_space<hbm>>
        %dma_wait3A_502 = arith.constant 0 : i32
        %dma_wait3A_503 = arith.constant 0 : i32
        %dma_wait3A_504 = tpu.memref_slice %arg7[%dma_wait3A_491, %dma_wait3A_502, %dma_wait3A_503] : memref<4x64x128xf32, #tpu.memory_space<vmem>> -> memref<1x64x128xf32, #tpu.memory_space<vmem>>
        %dma_wait3A_505 = tpu.memref_squeeze %dma_wait3A_504 : memref<1x64x128xf32, #tpu.memory_space<vmem>> -> memref<64x128xf32, #tpu.memory_space<vmem>>
        tpu.wait_dma2 semaphore(%arg18 : memref<!tpu.dma_semaphore, #tpu.memory_space<semaphore_mem>>) src(%dma_wait3A_505 : memref<64x128xf32, #tpu.memory_space<vmem>>) dst(%dma_wait3A_501 : memref<64x128xf32, #tpu.memory_space<hbm>>)
      } else {
      }
      %scan3A_409 = arith.constant 0 : i32
      %scan3A_410 = arith.constant 2 : i32
      %scan3A_411 = arith.constant 2 : i32
      %scan3A_412 = arith.constant 0 : i32
      %scan3A_413 = arith.constant 32 : i32
      %scan3A_414 = arith.addi %scan3A_412, %scan3A_413 : i32
      %scan3A_415 = arith.constant 1 : i32
      scf.for %scan3A_490 = %scan3A_412 to %scan3A_414 step %scan3A_415  : i32 {
        %jit3A = arith.constant 4 : i32
        %div3A = arith.divsi %scan3A_490, %jit3A : i32
        %sign3A = arith.constant 0 : i32
        %sign3A_491 = arith.cmpi sgt, %scan3A_490, %sign3A : i32
        %sign3A_492 = arith.extui %sign3A_491 : i1 to i32
        %sign3A_493 = arith.constant 0 : i32
        %sign3A_494 = arith.cmpi slt, %scan3A_490, %sign3A_493 : i32
        %sign3A_495 = arith.extui %sign3A_494 : i1 to i32
        %sign3A_496 = arith.subi %sign3A_492, %sign3A_495 : i32
        %sign3A_497 = arith.constant 0 : i32
        %sign3A_498 = arith.cmpi sgt, %jit3A, %sign3A_497 : i32
        %sign3A_499 = arith.extui %sign3A_498 : i1 to i32
        %sign3A_500 = arith.constant 0 : i32
        %sign3A_501 = arith.cmpi slt, %jit3A, %sign3A_500 : i32
        %sign3A_502 = arith.extui %sign3A_501 : i1 to i32
        %sign3A_503 = arith.subi %sign3A_499, %sign3A_502 : i32
        %ne3A = arith.cmpi ne, %sign3A_496, %sign3A_503 : i32
        %rem3A = arith.remsi %scan3A_490, %jit3A : i32
        %ne3A_504 = arith.constant 0 : i32
        %ne3A_505 = arith.cmpi ne, %rem3A, %ne3A_504 : i32
        %and3A_506 = arith.andi %ne3A, %ne3A_505 : i1
        %sub3A = arith.constant 1 : i32
        %sub3A_507 = arith.subi %div3A, %sub3A : i32
        %select_n3A = arith.select %and3A_506, %sub3A_507, %div3A : i32
        %mul3A_508 = arith.constant 16 : i32
        %mul3A_509 = arith.muli %select_n3A, %mul3A_508 : i32
        %jit3A_510 = arith.constant 4 : i32
        %eq3A = arith.constant 0 : i32
        %eq3A_511 = arith.cmpi eq, %jit3A_510, %eq3A : i32
        %jit3A_512 = arith.constant 1 : i32
        %select_n3A_513 = arith.select %eq3A_511, %jit3A_512, %jit3A_510 : i32
        %rem3A_514 = arith.remsi %scan3A_490, %select_n3A_513 : i32
        %ne3A_515 = arith.constant 0 : i32
        %ne3A_516 = arith.cmpi ne, %rem3A_514, %ne3A_515 : i32
        %lt3A_517 = arith.constant 0 : i32
        %lt3A_518 = arith.cmpi slt, %rem3A_514, %lt3A_517 : i32
        %lt3A_519 = arith.constant 0 : i32
        %lt3A_520 = arith.cmpi slt, %select_n3A_513, %lt3A_519 : i32
        %ne3A_521 = arith.xori %lt3A_518, %lt3A_520 : i1
        %and3A_522 = arith.andi %ne3A_521, %ne3A_516 : i1
        %add3A_523 = arith.addi %rem3A_514, %select_n3A_513 : i32
        %select_n3A_524 = arith.select %and3A_522, %add3A_523, %rem3A_514 : i32
        %mul3A_525 = arith.constant 16 : i32
        %mul3A_526 = arith.muli %select_n3A_524, %mul3A_525 : i32
        %add3A_527 = vector.broadcast %mul3A_509 : i32 to vector<16xi32>
        %add3A_528 = arith.addi %iota3A, %add3A_527 : vector<16xi32>
        %add3A_529 = vector.broadcast %mul3A_526 : i32 to vector<16xi32>
        %add3A_530 = arith.addi %and3A_7, %add3A_529 : vector<16xi32>
        %add3A_531 = vector.broadcast %mul3A_526 : i32 to vector<16xi32>
        %add3A_532 = arith.addi %and3A_13, %add3A_531 : vector<16xi32>
        %add3A_533 = vector.broadcast %mul3A_526 : i32 to vector<16xi32>
        %add3A_534 = arith.addi %and3A_19, %add3A_533 : vector<16xi32>
        %add3A_535 = vector.broadcast %mul3A_526 : i32 to vector<16xi32>
        %add3A_536 = arith.addi %and3A_25, %add3A_535 : vector<16xi32>
        %gather3A = arith.constant 0 : i32
        %gather3A_537 = arith.constant 0 : i32
        %gather3A_538 = tpu.memref_slice %arg6[%scan3A_410, %gather3A, %gather3A_537] : memref<4x128x128xf32, #tpu.memory_space<vmem>> -> memref<1x128x128xf32, #tpu.memory_space<vmem>>
        %gather3A_539 = tpu.memref_squeeze %gather3A_538 : memref<1x128x128xf32, #tpu.memory_space<vmem>> -> memref<128x128xf32, #tpu.memory_space<vmem>>
        %gather3A_540 = tpu.vector_load_idx %gather3A_539[%add3A_528, %add3A_530] : memref<128x128xf32, #tpu.memory_space<vmem>>[vector<16xi32>, vector<16xi32>], vector<16xf32>,
        %gather3A_541 = arith.constant 0 : i32
        %gather3A_542 = arith.constant 0 : i32
        %gather3A_543 = tpu.memref_slice %arg6[%scan3A_410, %gather3A_541, %gather3A_542] : memref<4x128x128xf32, #tpu.memory_space<vmem>> -> memref<1x128x128xf32, #tpu.memory_space<vmem>>
        %gather3A_544 = tpu.memref_squeeze %gather3A_543 : memref<1x128x128xf32, #tpu.memory_space<vmem>> -> memref<128x128xf32, #tpu.memory_space<vmem>>
        %gather3A_545 = tpu.vector_load_idx %gather3A_544[%add3A_528, %add3A_532] : memref<128x128xf32, #tpu.memory_space<vmem>>[vector<16xi32>, vector<16xi32>], vector<16xf32>,
        %gather3A_546 = arith.constant 0 : i32
        %gather3A_547 = arith.constant 0 : i32
        %gather3A_548 = tpu.memref_slice %arg6[%scan3A_410, %gather3A_546, %gather3A_547] : memref<4x128x128xf32, #tpu.memory_space<vmem>> -> memref<1x128x128xf32, #tpu.memory_space<vmem>>
        %gather3A_549 = tpu.memref_squeeze %gather3A_548 : memref<1x128x128xf32, #tpu.memory_space<vmem>> -> memref<128x128xf32, #tpu.memory_space<vmem>>
        %gather3A_550 = tpu.vector_load_idx %gather3A_549[%add3A_528, %add3A_534] : memref<128x128xf32, #tpu.memory_space<vmem>>[vector<16xi32>, vector<16xi32>], vector<16xf32>,
        %gather3A_551 = arith.constant 0 : i32
        %gather3A_552 = arith.constant 0 : i32
        %gather3A_553 = tpu.memref_slice %arg6[%scan3A_410, %gather3A_551, %gather3A_552] : memref<4x128x128xf32, #tpu.memory_space<vmem>> -> memref<1x128x128xf32, #tpu.memory_space<vmem>>
        %gather3A_554 = tpu.memref_squeeze %gather3A_553 : memref<1x128x128xf32, #tpu.memory_space<vmem>> -> memref<128x128xf32, #tpu.memory_space<vmem>>
        %gather3A_555 = tpu.vector_load_idx %gather3A_554[%add3A_528, %add3A_536] : memref<128x128xf32, #tpu.memory_space<vmem>>[vector<16xi32>, vector<16xi32>], vector<16xf32>,
        %scatter3A = arith.constant 0 : i32
        %scatter3A_556 = arith.constant 0 : i32
        %scatter3A_557 = tpu.memref_slice %arg7[%scan3A_411, %scatter3A, %scatter3A_556] : memref<4x64x128xf32, #tpu.memory_space<vmem>> -> memref<1x64x128xf32, #tpu.memory_space<vmem>>
        %scatter3A_558 = tpu.memref_squeeze %scatter3A_557 : memref<1x64x128xf32, #tpu.memory_space<vmem>> -> memref<64x128xf32, #tpu.memory_space<vmem>>
        tpu.vector_store_idx %scatter3A_558[%add3A_530, %add3A_528], %gather3A_540 : memref<64x128xf32, #tpu.memory_space<vmem>>[vector<16xi32>, vector<16xi32>], vector<16xf32>,
        %scatter3A_559 = arith.constant 0 : i32
        %scatter3A_560 = arith.constant 0 : i32
        %scatter3A_561 = tpu.memref_slice %arg7[%scan3A_411, %scatter3A_559, %scatter3A_560] : memref<4x64x128xf32, #tpu.memory_space<vmem>> -> memref<1x64x128xf32, #tpu.memory_space<vmem>>
        %scatter3A_562 = tpu.memref_squeeze %scatter3A_561 : memref<1x64x128xf32, #tpu.memory_space<vmem>> -> memref<64x128xf32, #tpu.memory_space<vmem>>
        tpu.vector_store_idx %scatter3A_562[%add3A_532, %add3A_528], %gather3A_545 : memref<64x128xf32, #tpu.memory_space<vmem>>[vector<16xi32>, vector<16xi32>], vector<16xf32>,
        %scatter3A_563 = arith.constant 0 : i32
        %scatter3A_564 = arith.constant 0 : i32
        %scatter3A_565 = tpu.memref_slice %arg7[%scan3A_411, %scatter3A_563, %scatter3A_564] : memref<4x64x128xf32, #tpu.memory_space<vmem>> -> memref<1x64x128xf32, #tpu.memory_space<vmem>>
        %scatter3A_566 = tpu.memref_squeeze %scatter3A_565 : memref<1x64x128xf32, #tpu.memory_space<vmem>> -> memref<64x128xf32, #tpu.memory_space<vmem>>
        tpu.vector_store_idx %scatter3A_566[%add3A_534, %add3A_528], %gather3A_550 : memref<64x128xf32, #tpu.memory_space<vmem>>[vector<16xi32>, vector<16xi32>], vector<16xf32>,
        %scatter3A_567 = arith.constant 0 : i32
        %scatter3A_568 = arith.constant 0 : i32
        %scatter3A_569 = tpu.memref_slice %arg7[%scan3A_411, %scatter3A_567, %scatter3A_568] : memref<4x64x128xf32, #tpu.memory_space<vmem>> -> memref<1x64x128xf32, #tpu.memory_space<vmem>>
        %scatter3A_570 = tpu.memref_squeeze %scatter3A_569 : memref<1x64x128xf32, #tpu.memory_space<vmem>> -> memref<64x128xf32, #tpu.memory_space<vmem>>
        tpu.vector_store_idx %scatter3A_570[%add3A_536, %add3A_528], %gather3A_555 : memref<64x128xf32, #tpu.memory_space<vmem>>[vector<16xi32>, vector<16xi32>], vector<16xf32>,
        %add3A_571 = vector.broadcast %mul3A_526 : i32 to vector<16xi32>
        %add3A_572 = arith.addi %and3A_31, %add3A_571 : vector<16xi32>
        %add3A_573 = vector.broadcast %mul3A_526 : i32 to vector<16xi32>
        %add3A_574 = arith.addi %and3A_37, %add3A_573 : vector<16xi32>
        %add3A_575 = vector.broadcast %mul3A_526 : i32 to vector<16xi32>
        %add3A_576 = arith.addi %and3A_43, %add3A_575 : vector<16xi32>
        %add3A_577 = vector.broadcast %mul3A_526 : i32 to vector<16xi32>
        %add3A_578 = arith.addi %and3A_49, %add3A_577 : vector<16xi32>
        %gather3A_579 = arith.constant 0 : i32
        %gather3A_580 = arith.constant 0 : i32
        %gather3A_581 = tpu.memref_slice %arg6[%scan3A_410, %gather3A_579, %gather3A_580] : memref<4x128x128xf32, #tpu.memory_space<vmem>> -> memref<1x128x128xf32, #tpu.memory_space<vmem>>
        %gather3A_582 = tpu.memref_squeeze %gather3A_581 : memref<1x128x128xf32, #tpu.memory_space<vmem>> -> memref<128x128xf32, #tpu.memory_space<vmem>>
        %gather3A_583 = tpu.vector_load_idx %gather3A_582[%add3A_528, %add3A_572] : memref<128x128xf32, #tpu.memory_space<vmem>>[vector<16xi32>, vector<16xi32>], vector<16xf32>,
        %gather3A_584 = arith.constant 0 : i32
        %gather3A_585 = arith.constant 0 : i32
        %gather3A_586 = tpu.memref_slice %arg6[%scan3A_410, %gather3A_584, %gather3A_585] : memref<4x128x128xf32, #tpu.memory_space<vmem>> -> memref<1x128x128xf32, #tpu.memory_space<vmem>>
        %gather3A_587 = tpu.memref_squeeze %gather3A_586 : memref<1x128x128xf32, #tpu.memory_space<vmem>> -> memref<128x128xf32, #tpu.memory_space<vmem>>
        %gather3A_588 = tpu.vector_load_idx %gather3A_587[%add3A_528, %add3A_574] : memref<128x128xf32, #tpu.memory_space<vmem>>[vector<16xi32>, vector<16xi32>], vector<16xf32>,
        %gather3A_589 = arith.constant 0 : i32
        %gather3A_590 = arith.constant 0 : i32
        %gather3A_591 = tpu.memref_slice %arg6[%scan3A_410, %gather3A_589, %gather3A_590] : memref<4x128x128xf32, #tpu.memory_space<vmem>> -> memref<1x128x128xf32, #tpu.memory_space<vmem>>
        %gather3A_592 = tpu.memref_squeeze %gather3A_591 : memref<1x128x128xf32, #tpu.memory_space<vmem>> -> memref<128x128xf32, #tpu.memory_space<vmem>>
        %gather3A_593 = tpu.vector_load_idx %gather3A_592[%add3A_528, %add3A_576] : memref<128x128xf32, #tpu.memory_space<vmem>>[vector<16xi32>, vector<16xi32>], vector<16xf32>,
        %gather3A_594 = arith.constant 0 : i32
        %gather3A_595 = arith.constant 0 : i32
        %gather3A_596 = tpu.memref_slice %arg6[%scan3A_410, %gather3A_594, %gather3A_595] : memref<4x128x128xf32, #tpu.memory_space<vmem>> -> memref<1x128x128xf32, #tpu.memory_space<vmem>>
        %gather3A_597 = tpu.memref_squeeze %gather3A_596 : memref<1x128x128xf32, #tpu.memory_space<vmem>> -> memref<128x128xf32, #tpu.memory_space<vmem>>
        %gather3A_598 = tpu.vector_load_idx %gather3A_597[%add3A_528, %add3A_578] : memref<128x128xf32, #tpu.memory_space<vmem>>[vector<16xi32>, vector<16xi32>], vector<16xf32>,
        %scatter3A_599 = arith.constant 0 : i32
        %scatter3A_600 = arith.constant 0 : i32
        %scatter3A_601 = tpu.memref_slice %arg7[%scan3A_411, %scatter3A_599, %scatter3A_600] : memref<4x64x128xf32, #tpu.memory_space<vmem>> -> memref<1x64x128xf32, #tpu.memory_space<vmem>>
        %scatter3A_602 = tpu.memref_squeeze %scatter3A_601 : memref<1x64x128xf32, #tpu.memory_space<vmem>> -> memref<64x128xf32, #tpu.memory_space<vmem>>
        tpu.vector_store_idx %scatter3A_602[%add3A_572, %add3A_528], %gather3A_583 : memref<64x128xf32, #tpu.memory_space<vmem>>[vector<16xi32>, vector<16xi32>], vector<16xf32>,
        %scatter3A_603 = arith.constant 0 : i32
        %scatter3A_604 = arith.constant 0 : i32
        %scatter3A_605 = tpu.memref_slice %arg7[%scan3A_411, %scatter3A_603, %scatter3A_604] : memref<4x64x128xf32, #tpu.memory_space<vmem>> -> memref<1x64x128xf32, #tpu.memory_space<vmem>>
        %scatter3A_606 = tpu.memref_squeeze %scatter3A_605 : memref<1x64x128xf32, #tpu.memory_space<vmem>> -> memref<64x128xf32, #tpu.memory_space<vmem>>
        tpu.vector_store_idx %scatter3A_606[%add3A_574, %add3A_528], %gather3A_588 : memref<64x128xf32, #tpu.memory_space<vmem>>[vector<16xi32>, vector<16xi32>], vector<16xf32>,
        %scatter3A_607 = arith.constant 0 : i32
        %scatter3A_608 = arith.constant 0 : i32
        %scatter3A_609 = tpu.memref_slice %arg7[%scan3A_411, %scatter3A_607, %scatter3A_608] : memref<4x64x128xf32, #tpu.memory_space<vmem>> -> memref<1x64x128xf32, #tpu.memory_space<vmem>>
        %scatter3A_610 = tpu.memref_squeeze %scatter3A_609 : memref<1x64x128xf32, #tpu.memory_space<vmem>> -> memref<64x128xf32, #tpu.memory_space<vmem>>
        tpu.vector_store_idx %scatter3A_610[%add3A_576, %add3A_528], %gather3A_593 : memref<64x128xf32, #tpu.memory_space<vmem>>[vector<16xi32>, vector<16xi32>], vector<16xf32>,
        %scatter3A_611 = arith.constant 0 : i32
        %scatter3A_612 = arith.constant 0 : i32
        %scatter3A_613 = tpu.memref_slice %arg7[%scan3A_411, %scatter3A_611, %scatter3A_612] : memref<4x64x128xf32, #tpu.memory_space<vmem>> -> memref<1x64x128xf32, #tpu.memory_space<vmem>>
        %scatter3A_614 = tpu.memref_squeeze %scatter3A_613 : memref<1x64x128xf32, #tpu.memory_space<vmem>> -> memref<64x128xf32, #tpu.memory_space<vmem>>
        tpu.vector_store_idx %scatter3A_614[%add3A_578, %add3A_528], %gather3A_598 : memref<64x128xf32, #tpu.memory_space<vmem>>[vector<16xi32>, vector<16xi32>], vector<16xf32>,
        %add3A_615 = vector.broadcast %mul3A_526 : i32 to vector<16xi32>
        %add3A_616 = arith.addi %and3A_55, %add3A_615 : vector<16xi32>
        %add3A_617 = vector.broadcast %mul3A_526 : i32 to vector<16xi32>
        %add3A_618 = arith.addi %and3A_61, %add3A_617 : vector<16xi32>
        %add3A_619 = vector.broadcast %mul3A_526 : i32 to vector<16xi32>
        %add3A_620 = arith.addi %and3A_67, %add3A_619 : vector<16xi32>
        %add3A_621 = vector.broadcast %mul3A_526 : i32 to vector<16xi32>
        %add3A_622 = arith.addi %and3A_73, %add3A_621 : vector<16xi32>
        %gather3A_623 = arith.constant 0 : i32
        %gather3A_624 = arith.constant 0 : i32
        %gather3A_625 = tpu.memref_slice %arg6[%scan3A_410, %gather3A_623, %gather3A_624] : memref<4x128x128xf32, #tpu.memory_space<vmem>> -> memref<1x128x128xf32, #tpu.memory_space<vmem>>
        %gather3A_626 = tpu.memref_squeeze %gather3A_625 : memref<1x128x128xf32, #tpu.memory_space<vmem>> -> memref<128x128xf32, #tpu.memory_space<vmem>>
        %gather3A_627 = tpu.vector_load_idx %gather3A_626[%add3A_528, %add3A_616] : memref<128x128xf32, #tpu.memory_space<vmem>>[vector<16xi32>, vector<16xi32>], vector<16xf32>,
        %gather3A_628 = arith.constant 0 : i32
        %gather3A_629 = arith.constant 0 : i32
        %gather3A_630 = tpu.memref_slice %arg6[%scan3A_410, %gather3A_628, %gather3A_629] : memref<4x128x128xf32, #tpu.memory_space<vmem>> -> memref<1x128x128xf32, #tpu.memory_space<vmem>>
        %gather3A_631 = tpu.memref_squeeze %gather3A_630 : memref<1x128x128xf32, #tpu.memory_space<vmem>> -> memref<128x128xf32, #tpu.memory_space<vmem>>
        %gather3A_632 = tpu.vector_load_idx %gather3A_631[%add3A_528, %add3A_618] : memref<128x128xf32, #tpu.memory_space<vmem>>[vector<16xi32>, vector<16xi32>], vector<16xf32>,
        %gather3A_633 = arith.constant 0 : i32
        %gather3A_634 = arith.constant 0 : i32
        %gather3A_635 = tpu.memref_slice %arg6[%scan3A_410, %gather3A_633, %gather3A_634] : memref<4x128x128xf32, #tpu.memory_space<vmem>> -> memref<1x128x128xf32, #tpu.memory_space<vmem>>
        %gather3A_636 = tpu.memref_squeeze %gather3A_635 : memref<1x128x128xf32, #tpu.memory_space<vmem>> -> memref<128x128xf32, #tpu.memory_space<vmem>>
        %gather3A_637 = tpu.vector_load_idx %gather3A_636[%add3A_528, %add3A_620] : memref<128x128xf32, #tpu.memory_space<vmem>>[vector<16xi32>, vector<16xi32>], vector<16xf32>,
        %gather3A_638 = arith.constant 0 : i32
        %gather3A_639 = arith.constant 0 : i32
        %gather3A_640 = tpu.memref_slice %arg6[%scan3A_410, %gather3A_638, %gather3A_639] : memref<4x128x128xf32, #tpu.memory_space<vmem>> -> memref<1x128x128xf32, #tpu.memory_space<vmem>>
        %gather3A_641 = tpu.memref_squeeze %gather3A_640 : memref<1x128x128xf32, #tpu.memory_space<vmem>> -> memref<128x128xf32, #tpu.memory_space<vmem>>
        %gather3A_642 = tpu.vector_load_idx %gather3A_641[%add3A_528, %add3A_622] : memref<128x128xf32, #tpu.memory_space<vmem>>[vector<16xi32>, vector<16xi32>], vector<16xf32>,
        %scatter3A_643 = arith.constant 0 : i32
        %scatter3A_644 = arith.constant 0 : i32
        %scatter3A_645 = tpu.memref_slice %arg7[%scan3A_411, %scatter3A_643, %scatter3A_644] : memref<4x64x128xf32, #tpu.memory_space<vmem>> -> memref<1x64x128xf32, #tpu.memory_space<vmem>>
        %scatter3A_646 = tpu.memref_squeeze %scatter3A_645 : memref<1x64x128xf32, #tpu.memory_space<vmem>> -> memref<64x128xf32, #tpu.memory_space<vmem>>
        tpu.vector_store_idx %scatter3A_646[%add3A_616, %add3A_528], %gather3A_627 : memref<64x128xf32, #tpu.memory_space<vmem>>[vector<16xi32>, vector<16xi32>], vector<16xf32>,
        %scatter3A_647 = arith.constant 0 : i32
        %scatter3A_648 = arith.constant 0 : i32
        %scatter3A_649 = tpu.memref_slice %arg7[%scan3A_411, %scatter3A_647, %scatter3A_648] : memref<4x64x128xf32, #tpu.memory_space<vmem>> -> memref<1x64x128xf32, #tpu.memory_space<vmem>>
        %scatter3A_650 = tpu.memref_squeeze %scatter3A_649 : memref<1x64x128xf32, #tpu.memory_space<vmem>> -> memref<64x128xf32, #tpu.memory_space<vmem>>
        tpu.vector_store_idx %scatter3A_650[%add3A_618, %add3A_528], %gather3A_632 : memref<64x128xf32, #tpu.memory_space<vmem>>[vector<16xi32>, vector<16xi32>], vector<16xf32>,
        %scatter3A_651 = arith.constant 0 : i32
        %scatter3A_652 = arith.constant 0 : i32
        %scatter3A_653 = tpu.memref_slice %arg7[%scan3A_411, %scatter3A_651, %scatter3A_652] : memref<4x64x128xf32, #tpu.memory_space<vmem>> -> memref<1x64x128xf32, #tpu.memory_space<vmem>>
        %scatter3A_654 = tpu.memref_squeeze %scatter3A_653 : memref<1x64x128xf32, #tpu.memory_space<vmem>> -> memref<64x128xf32, #tpu.memory_space<vmem>>
        tpu.vector_store_idx %scatter3A_654[%add3A_620, %add3A_528], %gather3A_637 : memref<64x128xf32, #tpu.memory_space<vmem>>[vector<16xi32>, vector<16xi32>], vector<16xf32>,
        %scatter3A_655 = arith.constant 0 : i32
        %scatter3A_656 = arith.constant 0 : i32
        %scatter3A_657 = tpu.memref_slice %arg7[%scan3A_411, %scatter3A_655, %scatter3A_656] : memref<4x64x128xf32, #tpu.memory_space<vmem>> -> memref<1x64x128xf32, #tpu.memory_space<vmem>>
        %scatter3A_658 = tpu.memref_squeeze %scatter3A_657 : memref<1x64x128xf32, #tpu.memory_space<vmem>> -> memref<64x128xf32, #tpu.memory_space<vmem>>
        tpu.vector_store_idx %scatter3A_658[%add3A_622, %add3A_528], %gather3A_642 : memref<64x128xf32, #tpu.memory_space<vmem>>[vector<16xi32>, vector<16xi32>], vector<16xf32>,
        %add3A_659 = vector.broadcast %mul3A_526 : i32 to vector<16xi32>
        %add3A_660 = arith.addi %and3A_79, %add3A_659 : vector<16xi32>
        %add3A_661 = vector.broadcast %mul3A_526 : i32 to vector<16xi32>
        %add3A_662 = arith.addi %and3A_85, %add3A_661 : vector<16xi32>
        %add3A_663 = vector.broadcast %mul3A_526 : i32 to vector<16xi32>
        %add3A_664 = arith.addi %and3A_91, %add3A_663 : vector<16xi32>
        %add3A_665 = vector.broadcast %mul3A_526 : i32 to vector<16xi32>
        %add3A_666 = arith.addi %and3A_97, %add3A_665 : vector<16xi32>
        %gather3A_667 = arith.constant 0 : i32
        %gather3A_668 = arith.constant 0 : i32
        %gather3A_669 = tpu.memref_slice %arg6[%scan3A_410, %gather3A_667, %gather3A_668] : memref<4x128x128xf32, #tpu.memory_space<vmem>> -> memref<1x128x128xf32, #tpu.memory_space<vmem>>
        %gather3A_670 = tpu.memref_squeeze %gather3A_669 : memref<1x128x128xf32, #tpu.memory_space<vmem>> -> memref<128x128xf32, #tpu.memory_space<vmem>>
        %gather3A_671 = tpu.vector_load_idx %gather3A_670[%add3A_528, %add3A_660] : memref<128x128xf32, #tpu.memory_space<vmem>>[vector<16xi32>, vector<16xi32>], vector<16xf32>,
        %gather3A_672 = arith.constant 0 : i32
        %gather3A_673 = arith.constant 0 : i32
        %gather3A_674 = tpu.memref_slice %arg6[%scan3A_410, %gather3A_672, %gather3A_673] : memref<4x128x128xf32, #tpu.memory_space<vmem>> -> memref<1x128x128xf32, #tpu.memory_space<vmem>>
        %gather3A_675 = tpu.memref_squeeze %gather3A_674 : memref<1x128x128xf32, #tpu.memory_space<vmem>> -> memref<128x128xf32, #tpu.memory_space<vmem>>
        %gather3A_676 = tpu.vector_load_idx %gather3A_675[%add3A_528, %add3A_662] : memref<128x128xf32, #tpu.memory_space<vmem>>[vector<16xi32>, vector<16xi32>], vector<16xf32>,
        %gather3A_677 = arith.constant 0 : i32
        %gather3A_678 = arith.constant 0 : i32
        %gather3A_679 = tpu.memref_slice %arg6[%scan3A_410, %gather3A_677, %gather3A_678] : memref<4x128x128xf32, #tpu.memory_space<vmem>> -> memref<1x128x128xf32, #tpu.memory_space<vmem>>
        %gather3A_680 = tpu.memref_squeeze %gather3A_679 : memref<1x128x128xf32, #tpu.memory_space<vmem>> -> memref<128x128xf32, #tpu.memory_space<vmem>>
        %gather3A_681 = tpu.vector_load_idx %gather3A_680[%add3A_528, %add3A_664] : memref<128x128xf32, #tpu.memory_space<vmem>>[vector<16xi32>, vector<16xi32>], vector<16xf32>,
        %gather3A_682 = arith.constant 0 : i32
        %gather3A_683 = arith.constant 0 : i32
        %gather3A_684 = tpu.memref_slice %arg6[%scan3A_410, %gather3A_682, %gather3A_683] : memref<4x128x128xf32, #tpu.memory_space<vmem>> -> memref<1x128x128xf32, #tpu.memory_space<vmem>>
        %gather3A_685 = tpu.memref_squeeze %gather3A_684 : memref<1x128x128xf32, #tpu.memory_space<vmem>> -> memref<128x128xf32, #tpu.memory_space<vmem>>
        %gather3A_686 = tpu.vector_load_idx %gather3A_685[%add3A_528, %add3A_666] : memref<128x128xf32, #tpu.memory_space<vmem>>[vector<16xi32>, vector<16xi32>], vector<16xf32>,
        %scatter3A_687 = arith.constant 0 : i32
        %scatter3A_688 = arith.constant 0 : i32
        %scatter3A_689 = tpu.memref_slice %arg7[%scan3A_411, %scatter3A_687, %scatter3A_688] : memref<4x64x128xf32, #tpu.memory_space<vmem>> -> memref<1x64x128xf32, #tpu.memory_space<vmem>>
        %scatter3A_690 = tpu.memref_squeeze %scatter3A_689 : memref<1x64x128xf32, #tpu.memory_space<vmem>> -> memref<64x128xf32, #tpu.memory_space<vmem>>
        tpu.vector_store_idx %scatter3A_690[%add3A_660, %add3A_528], %gather3A_671 : memref<64x128xf32, #tpu.memory_space<vmem>>[vector<16xi32>, vector<16xi32>], vector<16xf32>,
        %scatter3A_691 = arith.constant 0 : i32
        %scatter3A_692 = arith.constant 0 : i32
        %scatter3A_693 = tpu.memref_slice %arg7[%scan3A_411, %scatter3A_691, %scatter3A_692] : memref<4x64x128xf32, #tpu.memory_space<vmem>> -> memref<1x64x128xf32, #tpu.memory_space<vmem>>
        %scatter3A_694 = tpu.memref_squeeze %scatter3A_693 : memref<1x64x128xf32, #tpu.memory_space<vmem>> -> memref<64x128xf32, #tpu.memory_space<vmem>>
        tpu.vector_store_idx %scatter3A_694[%add3A_662, %add3A_528], %gather3A_676 : memref<64x128xf32, #tpu.memory_space<vmem>>[vector<16xi32>, vector<16xi32>], vector<16xf32>,
        %scatter3A_695 = arith.constant 0 : i32
        %scatter3A_696 = arith.constant 0 : i32
        %scatter3A_697 = tpu.memref_slice %arg7[%scan3A_411, %scatter3A_695, %scatter3A_696] : memref<4x64x128xf32, #tpu.memory_space<vmem>> -> memref<1x64x128xf32, #tpu.memory_space<vmem>>
        %scatter3A_698 = tpu.memref_squeeze %scatter3A_697 : memref<1x64x128xf32, #tpu.memory_space<vmem>> -> memref<64x128xf32, #tpu.memory_space<vmem>>
        tpu.vector_store_idx %scatter3A_698[%add3A_664, %add3A_528], %gather3A_681 : memref<64x128xf32, #tpu.memory_space<vmem>>[vector<16xi32>, vector<16xi32>], vector<16xf32>,
        %scatter3A_699 = arith.constant 0 : i32
        %scatter3A_700 = arith.constant 0 : i32
        %scatter3A_701 = tpu.memref_slice %arg7[%scan3A_411, %scatter3A_699, %scatter3A_700] : memref<4x64x128xf32, #tpu.memory_space<vmem>> -> memref<1x64x128xf32, #tpu.memory_space<vmem>>
        %scatter3A_702 = tpu.memref_squeeze %scatter3A_701 : memref<1x64x128xf32, #tpu.memory_space<vmem>> -> memref<64x128xf32, #tpu.memory_space<vmem>>
        tpu.vector_store_idx %scatter3A_702[%add3A_666, %add3A_528], %gather3A_686 : memref<64x128xf32, #tpu.memory_space<vmem>>[vector<16xi32>, vector<16xi32>], vector<16xf32>,
      }
      %scan3A_416 = arith.constant 32 : i32
      %dma_start3A_417 = arith.constant 2 : i32
      %dma_start3A_418 = arith.constant 0 : i32
      %dma_start3A_419 = arith.constant 0 : i32
      %dma_start3A_420 = tpu.memref_slice %arg7[%dma_start3A_417, %dma_start3A_418, %dma_start3A_419] : memref<4x64x128xf32, #tpu.memory_space<vmem>> -> memref<1x64x128xf32, #tpu.memory_space<vmem>>
      %dma_start3A_421 = tpu.memref_squeeze %dma_start3A_420 : memref<1x64x128xf32, #tpu.memory_space<vmem>> -> memref<64x128xf32, #tpu.memory_space<vmem>>
      %dma_start3A_422 = arith.constant 0 : i32
      %dma_start3A_423 = tpu.memref_slice %arg4[%add3A_377, %dma_start3A_422, %mul3A_2] : memref<200x64x4096xf32, #tpu.memory_space<hbm>> -> memref<1x64x128xf32, #tpu.memory_space<hbm>>
      %dma_start3A_424 = tpu.memref_squeeze %dma_start3A_423 : memref<1x64x128xf32, #tpu.memory_space<hbm>> -> memref<64x128xf32, #tpu.memory_space<hbm>>
      %dma_start3A_425 = arith.constant 0 : i32
      %dma_start3A_426 = tpu.memref_slice %arg4[%add3A_377, %dma_start3A_425, %mul3A_2] : memref<200x64x4096xf32, #tpu.memory_space<hbm>> -> memref<1x64x128xf32, #tpu.memory_space<hbm>>
      %dma_start3A_427 = tpu.memref_squeeze %dma_start3A_426 : memref<1x64x128xf32, #tpu.memory_space<hbm>> -> memref<64x128xf32, #tpu.memory_space<hbm>>
      %dma_start3A_428 = arith.constant 0 : i32
      %dma_start3A_429 = arith.constant 0 : i32
      %dma_start3A_430 = tpu.memref_slice %arg7[%dma_start3A_417, %dma_start3A_428, %dma_start3A_429] : memref<4x64x128xf32, #tpu.memory_space<vmem>> -> memref<1x64x128xf32, #tpu.memory_space<vmem>>
      %dma_start3A_431 = tpu.memref_squeeze %dma_start3A_430 : memref<1x64x128xf32, #tpu.memory_space<vmem>> -> memref<64x128xf32, #tpu.memory_space<vmem>>
      tpu.enqueue_dma source(%dma_start3A_431 : memref<64x128xf32, #tpu.memory_space<vmem>>) target(%dma_start3A_427 : memref<64x128xf32, #tpu.memory_space<hbm>>) target_semaphore(%arg18 : memref<!tpu.dma_semaphore, #tpu.memory_space<semaphore_mem>>)
      %mul3A_432 = arith.constant 4 : i32
      %mul3A_433 = arith.muli %mul3A_432, %scan3A_261 : i32
      %add3A_434 = arith.constant 3 : i32
      %add3A_435 = arith.addi %mul3A_433, %add3A_434 : i32
      %dma_wait3A_436 = arith.constant 3 : i32
      %dma_wait3A_437 = arith.constant 3 : i32
      %dma_wait3A_438 = arith.constant 0 : i32
      %dma_wait3A_439 = arith.constant 0 : i32
      %dma_wait3A_440 = tpu.memref_slice %arg6[%dma_wait3A_437, %dma_wait3A_438, %dma_wait3A_439] : memref<4x128x128xf32, #tpu.memory_space<vmem>> -> memref<1x128x128xf32, #tpu.memory_space<vmem>>
      %dma_wait3A_441 = tpu.memref_squeeze %dma_wait3A_440 : memref<1x128x128xf32, #tpu.memory_space<vmem>> -> memref<128x128xf32, #tpu.memory_space<vmem>>
      %dma_wait3A_442 = arith.constant 0 : i32
      %dma_wait3A_443 = tpu.memref_slice %arg5[%dma_wait3A_436, %dma_wait3A_442] : memref<4x128xi32, #tpu.memory_space<vmem>> -> memref<1x128xi32, #tpu.memory_space<vmem>>
      %dma_wait3A_444 = tpu.memref_squeeze %dma_wait3A_443 : memref<1x128xi32, #tpu.memory_space<vmem>> -> memref<128xi32, #tpu.memory_space<vmem>>
      %dma_wait3A_445 = arith.constant 0 : i32
      %dma_wait3A_446 = arith.constant 0 : i32
      %dma_wait3A_447 = tpu.memref_slice %arg2[%dma_wait3A_445, %dma_wait3A_446] : memref<1000000x128xf32, #tpu.memory_space<hbm>> -> memref<1000000x128xf32, #tpu.memory_space<hbm>>
      tpu.wait_indirect_dma semaphore(%arg15 : memref<!tpu.dma_semaphore, #tpu.memory_space<semaphore_mem>>) src(%dma_wait3A_447 : memref<1000000x128xf32, #tpu.memory_space<hbm>>) dst(%dma_wait3A_441 : memref<128x128xf32, #tpu.memory_space<vmem>>)
      %add3A_448 = arith.constant 2 : i32
      %add3A_449 = arith.addi %add3A_435, %add3A_448 : i32
      %lt3A_450 = arith.constant 200 : i32
      %lt3A_451 = arith.cmpi slt, %add3A_449, %lt3A_450 : i32
      %convert_element_type3A_452 = arith.extui %lt3A_451 : i1 to i32
      %cond3A_453 = arith.constant 0 : i32
      %cond3A_454 = arith.cmpi ne, %convert_element_type3A_452, %cond3A_453 : i32
      scf.if %cond3A_454 {
        %add3A_490 = arith.constant 2 : i32
        %add3A_491 = arith.addi %add3A_435, %add3A_490 : i32
        %dma_wait3A_492 = arith.constant 1 : i32
        %dma_wait3A_493 = arith.constant 0 : i32
        %dma_wait3A_494 = tpu.memref_slice %arg5[%dma_wait3A_492, %dma_wait3A_493] : memref<4x128xi32, #tpu.memory_space<vmem>> -> memref<1x128xi32, #tpu.memory_space<vmem>>
        %dma_wait3A_495 = tpu.memref_squeeze %dma_wait3A_494 : memref<1x128xi32, #tpu.memory_space<vmem>> -> memref<128xi32, #tpu.memory_space<vmem>>
        %dma_wait3A_496 = tpu.memref_slice %arg3[%add3A_491, %mul3A_2] : memref<200x4096xi32, #tpu.memory_space<hbm>> -> memref<1x128xi32, #tpu.memory_space<hbm>>
        %dma_wait3A_497 = tpu.memref_squeeze %dma_wait3A_496 : memref<1x128xi32, #tpu.memory_space<hbm>> -> memref<128xi32, #tpu.memory_space<hbm>>
        %dma_wait3A_498 = arith.constant 0 : i32
        %dma_wait3A_499 = tpu.memref_slice %arg5[%dma_wait3A_492, %dma_wait3A_498] : memref<4x128xi32, #tpu.memory_space<vmem>> -> memref<1x128xi32, #tpu.memory_space<vmem>>
        %dma_wait3A_500 = tpu.memref_squeeze %dma_wait3A_499 : memref<1x128xi32, #tpu.memory_space<vmem>> -> memref<128xi32, #tpu.memory_space<vmem>>
        %dma_wait3A_501 = tpu.memref_slice %arg3[%add3A_491, %mul3A_2] : memref<200x4096xi32, #tpu.memory_space<hbm>> -> memref<1x128xi32, #tpu.memory_space<hbm>>
        %dma_wait3A_502 = tpu.memref_squeeze %dma_wait3A_501 : memref<1x128xi32, #tpu.memory_space<hbm>> -> memref<128xi32, #tpu.memory_space<hbm>>
        tpu.wait_dma2 semaphore(%arg9 : memref<!tpu.dma_semaphore, #tpu.memory_space<semaphore_mem>>) src(%dma_wait3A_502 : memref<128xi32, #tpu.memory_space<hbm>>) dst(%dma_wait3A_500 : memref<128xi32, #tpu.memory_space<vmem>>)
        %dma_start3A_503 = arith.constant 1 : i32
        %dma_start3A_504 = arith.constant 1 : i32
        %dma_start3A_505 = arith.constant 0 : i32
        %dma_start3A_506 = arith.constant 0 : i32
        %dma_start3A_507 = tpu.memref_slice %arg6[%dma_start3A_504, %dma_start3A_505, %dma_start3A_506] : memref<4x128x128xf32, #tpu.memory_space<vmem>> -> memref<1x128x128xf32, #tpu.memory_space<vmem>>
        %dma_start3A_508 = tpu.memref_squeeze %dma_start3A_507 : memref<1x128x128xf32, #tpu.memory_space<vmem>> -> memref<128x128xf32, #tpu.memory_space<vmem>>
        %dma_start3A_509 = arith.constant 0 : i32
        %dma_start3A_510 = tpu.memref_slice %arg5[%dma_start3A_503, %dma_start3A_509] : memref<4x128xi32, #tpu.memory_space<vmem>> -> memref<1x128xi32, #tpu.memory_space<vmem>>
        %dma_start3A_511 = tpu.memref_squeeze %dma_start3A_510 : memref<1x128xi32, #tpu.memory_space<vmem>> -> memref<128xi32, #tpu.memory_space<vmem>>
        %dma_start3A_512 = arith.constant 0 : i32
        %dma_start3A_513 = arith.constant 0 : i32
        %dma_start3A_514 = tpu.memref_slice %arg2[%dma_start3A_512, %dma_start3A_513] : memref<1000000x128xf32, #tpu.memory_space<hbm>> -> memref<1000000x128xf32, #tpu.memory_space<hbm>>
        tpu.enqueue_indirect_dma source(%dma_start3A_514 : memref<1000000x128xf32, #tpu.memory_space<hbm>>) target(%dma_start3A_508 : memref<128x128xf32, #tpu.memory_space<vmem>>) offsets(%dma_start3A_511 : memref<128xi32, #tpu.memory_space<vmem>>) semaphore(%arg13 : memref<!tpu.dma_semaphore, #tpu.memory_space<semaphore_mem>>)
      } else {
      }
      %add3A_455 = arith.constant 4 : i32
      %add3A_456 = arith.addi %add3A_435, %add3A_455 : i32
      %lt3A_457 = arith.constant 200 : i32
      %lt3A_458 = arith.cmpi slt, %add3A_456, %lt3A_457 : i32
      %convert_element_type3A_459 = arith.extui %lt3A_458 : i1 to i32
      %cond3A_460 = arith.constant 0 : i32
      %cond3A_461 = arith.cmpi ne, %convert_element_type3A_459, %cond3A_460 : i32
      scf.if %cond3A_461 {
        %add3A_490 = arith.constant 4 : i32
        %add3A_491 = arith.addi %add3A_435, %add3A_490 : i32
        %dma_start3A_492 = arith.constant 3 : i32
        %dma_start3A_493 = arith.constant 0 : i32
        %dma_start3A_494 = tpu.memref_slice %arg5[%dma_start3A_492, %dma_start3A_493] : memref<4x128xi32, #tpu.memory_space<vmem>> -> memref<1x128xi32, #tpu.memory_space<vmem>>
        %dma_start3A_495 = tpu.memref_squeeze %dma_start3A_494 : memref<1x128xi32, #tpu.memory_space<vmem>> -> memref<128xi32, #tpu.memory_space<vmem>>
        %dma_start3A_496 = tpu.memref_slice %arg3[%add3A_491, %mul3A_2] : memref<200x4096xi32, #tpu.memory_space<hbm>> -> memref<1x128xi32, #tpu.memory_space<hbm>>
        %dma_start3A_497 = tpu.memref_squeeze %dma_start3A_496 : memref<1x128xi32, #tpu.memory_space<hbm>> -> memref<128xi32, #tpu.memory_space<hbm>>
        %dma_start3A_498 = arith.constant 0 : i32
        %dma_start3A_499 = tpu.memref_slice %arg5[%dma_start3A_492, %dma_start3A_498] : memref<4x128xi32, #tpu.memory_space<vmem>> -> memref<1x128xi32, #tpu.memory_space<vmem>>
        %dma_start3A_500 = tpu.memref_squeeze %dma_start3A_499 : memref<1x128xi32, #tpu.memory_space<vmem>> -> memref<128xi32, #tpu.memory_space<vmem>>
        %dma_start3A_501 = tpu.memref_slice %arg3[%add3A_491, %mul3A_2] : memref<200x4096xi32, #tpu.memory_space<hbm>> -> memref<1x128xi32, #tpu.memory_space<hbm>>
        %dma_start3A_502 = tpu.memref_squeeze %dma_start3A_501 : memref<1x128xi32, #tpu.memory_space<hbm>> -> memref<128xi32, #tpu.memory_space<hbm>>
        tpu.enqueue_dma source(%dma_start3A_502 : memref<128xi32, #tpu.memory_space<hbm>>) target(%dma_start3A_500 : memref<128xi32, #tpu.memory_space<vmem>>) target_semaphore(%arg11 : memref<!tpu.dma_semaphore, #tpu.memory_space<semaphore_mem>>)
      } else {
      }
      %ge3A_462 = arith.constant 4 : i32
      %ge3A_463 = arith.cmpi sge, %add3A_435, %ge3A_462 : i32
      %convert_element_type3A_464 = arith.extui %ge3A_463 : i1 to i32
      %cond3A_465 = arith.constant 0 : i32
      %cond3A_466 = arith.cmpi ne, %convert_element_type3A_464, %cond3A_465 : i32
      scf.if %cond3A_466 {
        %sub3A = arith.constant 4 : i32
        %sub3A_490 = arith.subi %add3A_435, %sub3A : i32
        %dma_wait3A_491 = arith.constant 3 : i32
        %dma_wait3A_492 = arith.constant 0 : i32
        %dma_wait3A_493 = arith.constant 0 : i32
        %dma_wait3A_494 = tpu.memref_slice %arg7[%dma_wait3A_491, %dma_wait3A_492, %dma_wait3A_493] : memref<4x64x128xf32, #tpu.memory_space<vmem>> -> memref<1x64x128xf32, #tpu.memory_space<vmem>>
        %dma_wait3A_495 = tpu.memref_squeeze %dma_wait3A_494 : memref<1x64x128xf32, #tpu.memory_space<vmem>> -> memref<64x128xf32, #tpu.memory_space<vmem>>
        %dma_wait3A_496 = arith.constant 0 : i32
        %dma_wait3A_497 = tpu.memref_slice %arg4[%sub3A_490, %dma_wait3A_496, %mul3A_2] : memref<200x64x4096xf32, #tpu.memory_space<hbm>> -> memref<1x64x128xf32, #tpu.memory_space<hbm>>
        %dma_wait3A_498 = tpu.memref_squeeze %dma_wait3A_497 : memref<1x64x128xf32, #tpu.memory_space<hbm>> -> memref<64x128xf32, #tpu.memory_space<hbm>>
        %dma_wait3A_499 = arith.constant 0 : i32
        %dma_wait3A_500 = tpu.memref_slice %arg4[%sub3A_490, %dma_wait3A_499, %mul3A_2] : memref<200x64x4096xf32, #tpu.memory_space<hbm>> -> memref<1x64x128xf32, #tpu.memory_space<hbm>>
        %dma_wait3A_501 = tpu.memref_squeeze %dma_wait3A_500 : memref<1x64x128xf32, #tpu.memory_space<hbm>> -> memref<64x128xf32, #tpu.memory_space<hbm>>
        %dma_wait3A_502 = arith.constant 0 : i32
        %dma_wait3A_503 = arith.constant 0 : i32
        %dma_wait3A_504 = tpu.memref_slice %arg7[%dma_wait3A_491, %dma_wait3A_502, %dma_wait3A_503] : memref<4x64x128xf32, #tpu.memory_space<vmem>> -> memref<1x64x128xf32, #tpu.memory_space<vmem>>
        %dma_wait3A_505 = tpu.memref_squeeze %dma_wait3A_504 : memref<1x64x128xf32, #tpu.memory_space<vmem>> -> memref<64x128xf32, #tpu.memory_space<vmem>>
        tpu.wait_dma2 semaphore(%arg19 : memref<!tpu.dma_semaphore, #tpu.memory_space<semaphore_mem>>) src(%dma_wait3A_505 : memref<64x128xf32, #tpu.memory_space<vmem>>) dst(%dma_wait3A_501 : memref<64x128xf32, #tpu.memory_space<hbm>>)
      } else {
      }
      %scan3A_467 = arith.constant 0 : i32
      %scan3A_468 = arith.constant 3 : i32
      %scan3A_469 = arith.constant 3 : i32
      %scan3A_470 = arith.constant 0 : i32
      %scan3A_471 = arith.constant 32 : i32
      %scan3A_472 = arith.addi %scan3A_470, %scan3A_471 : i32
      %scan3A_473 = arith.constant 1 : i32
      scf.for %scan3A_490 = %scan3A_470 to %scan3A_472 step %scan3A_473  : i32 {
        %jit3A = arith.constant 4 : i32
        %div3A = arith.divsi %scan3A_490, %jit3A : i32
        %sign3A = arith.constant 0 : i32
        %sign3A_491 = arith.cmpi sgt, %scan3A_490, %sign3A : i32
        %sign3A_492 = arith.extui %sign3A_491 : i1 to i32
        %sign3A_493 = arith.constant 0 : i32
        %sign3A_494 = arith.cmpi slt, %scan3A_490, %sign3A_493 : i32
        %sign3A_495 = arith.extui %sign3A_494 : i1 to i32
        %sign3A_496 = arith.subi %sign3A_492, %sign3A_495 : i32
        %sign3A_497 = arith.constant 0 : i32
        %sign3A_498 = arith.cmpi sgt, %jit3A, %sign3A_497 : i32
        %sign3A_499 = arith.extui %sign3A_498 : i1 to i32
        %sign3A_500 = arith.constant 0 : i32
        %sign3A_501 = arith.cmpi slt, %jit3A, %sign3A_500 : i32
        %sign3A_502 = arith.extui %sign3A_501 : i1 to i32
        %sign3A_503 = arith.subi %sign3A_499, %sign3A_502 : i32
        %ne3A = arith.cmpi ne, %sign3A_496, %sign3A_503 : i32
        %rem3A = arith.remsi %scan3A_490, %jit3A : i32
        %ne3A_504 = arith.constant 0 : i32
        %ne3A_505 = arith.cmpi ne, %rem3A, %ne3A_504 : i32
        %and3A_506 = arith.andi %ne3A, %ne3A_505 : i1
        %sub3A = arith.constant 1 : i32
        %sub3A_507 = arith.subi %div3A, %sub3A : i32
        %select_n3A = arith.select %and3A_506, %sub3A_507, %div3A : i32
        %mul3A_508 = arith.constant 16 : i32
        %mul3A_509 = arith.muli %select_n3A, %mul3A_508 : i32
        %jit3A_510 = arith.constant 4 : i32
        %eq3A = arith.constant 0 : i32
        %eq3A_511 = arith.cmpi eq, %jit3A_510, %eq3A : i32
        %jit3A_512 = arith.constant 1 : i32
        %select_n3A_513 = arith.select %eq3A_511, %jit3A_512, %jit3A_510 : i32
        %rem3A_514 = arith.remsi %scan3A_490, %select_n3A_513 : i32
        %ne3A_515 = arith.constant 0 : i32
        %ne3A_516 = arith.cmpi ne, %rem3A_514, %ne3A_515 : i32
        %lt3A_517 = arith.constant 0 : i32
        %lt3A_518 = arith.cmpi slt, %rem3A_514, %lt3A_517 : i32
        %lt3A_519 = arith.constant 0 : i32
        %lt3A_520 = arith.cmpi slt, %select_n3A_513, %lt3A_519 : i32
        %ne3A_521 = arith.xori %lt3A_518, %lt3A_520 : i1
        %and3A_522 = arith.andi %ne3A_521, %ne3A_516 : i1
        %add3A_523 = arith.addi %rem3A_514, %select_n3A_513 : i32
        %select_n3A_524 = arith.select %and3A_522, %add3A_523, %rem3A_514 : i32
        %mul3A_525 = arith.constant 16 : i32
        %mul3A_526 = arith.muli %select_n3A_524, %mul3A_525 : i32
        %add3A_527 = vector.broadcast %mul3A_509 : i32 to vector<16xi32>
        %add3A_528 = arith.addi %iota3A, %add3A_527 : vector<16xi32>
        %add3A_529 = vector.broadcast %mul3A_526 : i32 to vector<16xi32>
        %add3A_530 = arith.addi %and3A_7, %add3A_529 : vector<16xi32>
        %add3A_531 = vector.broadcast %mul3A_526 : i32 to vector<16xi32>
        %add3A_532 = arith.addi %and3A_13, %add3A_531 : vector<16xi32>
        %add3A_533 = vector.broadcast %mul3A_526 : i32 to vector<16xi32>
        %add3A_534 = arith.addi %and3A_19, %add3A_533 : vector<16xi32>
        %add3A_535 = vector.broadcast %mul3A_526 : i32 to vector<16xi32>
        %add3A_536 = arith.addi %and3A_25, %add3A_535 : vector<16xi32>
        %gather3A = arith.constant 0 : i32
        %gather3A_537 = arith.constant 0 : i32
        %gather3A_538 = tpu.memref_slice %arg6[%scan3A_468, %gather3A, %gather3A_537] : memref<4x128x128xf32, #tpu.memory_space<vmem>> -> memref<1x128x128xf32, #tpu.memory_space<vmem>>
        %gather3A_539 = tpu.memref_squeeze %gather3A_538 : memref<1x128x128xf32, #tpu.memory_space<vmem>> -> memref<128x128xf32, #tpu.memory_space<vmem>>
        %gather3A_540 = tpu.vector_load_idx %gather3A_539[%add3A_528, %add3A_530] : memref<128x128xf32, #tpu.memory_space<vmem>>[vector<16xi32>, vector<16xi32>], vector<16xf32>,
        %gather3A_541 = arith.constant 0 : i32
        %gather3A_542 = arith.constant 0 : i32
        %gather3A_543 = tpu.memref_slice %arg6[%scan3A_468, %gather3A_541, %gather3A_542] : memref<4x128x128xf32, #tpu.memory_space<vmem>> -> memref<1x128x128xf32, #tpu.memory_space<vmem>>
        %gather3A_544 = tpu.memref_squeeze %gather3A_543 : memref<1x128x128xf32, #tpu.memory_space<vmem>> -> memref<128x128xf32, #tpu.memory_space<vmem>>
        %gather3A_545 = tpu.vector_load_idx %gather3A_544[%add3A_528, %add3A_532] : memref<128x128xf32, #tpu.memory_space<vmem>>[vector<16xi32>, vector<16xi32>], vector<16xf32>,
        %gather3A_546 = arith.constant 0 : i32
        %gather3A_547 = arith.constant 0 : i32
        %gather3A_548 = tpu.memref_slice %arg6[%scan3A_468, %gather3A_546, %gather3A_547] : memref<4x128x128xf32, #tpu.memory_space<vmem>> -> memref<1x128x128xf32, #tpu.memory_space<vmem>>
        %gather3A_549 = tpu.memref_squeeze %gather3A_548 : memref<1x128x128xf32, #tpu.memory_space<vmem>> -> memref<128x128xf32, #tpu.memory_space<vmem>>
        %gather3A_550 = tpu.vector_load_idx %gather3A_549[%add3A_528, %add3A_534] : memref<128x128xf32, #tpu.memory_space<vmem>>[vector<16xi32>, vector<16xi32>], vector<16xf32>,
        %gather3A_551 = arith.constant 0 : i32
        %gather3A_552 = arith.constant 0 : i32
        %gather3A_553 = tpu.memref_slice %arg6[%scan3A_468, %gather3A_551, %gather3A_552] : memref<4x128x128xf32, #tpu.memory_space<vmem>> -> memref<1x128x128xf32, #tpu.memory_space<vmem>>
        %gather3A_554 = tpu.memref_squeeze %gather3A_553 : memref<1x128x128xf32, #tpu.memory_space<vmem>> -> memref<128x128xf32, #tpu.memory_space<vmem>>
        %gather3A_555 = tpu.vector_load_idx %gather3A_554[%add3A_528, %add3A_536] : memref<128x128xf32, #tpu.memory_space<vmem>>[vector<16xi32>, vector<16xi32>], vector<16xf32>,
        %scatter3A = arith.constant 0 : i32
        %scatter3A_556 = arith.constant 0 : i32
        %scatter3A_557 = tpu.memref_slice %arg7[%scan3A_469, %scatter3A, %scatter3A_556] : memref<4x64x128xf32, #tpu.memory_space<vmem>> -> memref<1x64x128xf32, #tpu.memory_space<vmem>>
        %scatter3A_558 = tpu.memref_squeeze %scatter3A_557 : memref<1x64x128xf32, #tpu.memory_space<vmem>> -> memref<64x128xf32, #tpu.memory_space<vmem>>
        tpu.vector_store_idx %scatter3A_558[%add3A_530, %add3A_528], %gather3A_540 : memref<64x128xf32, #tpu.memory_space<vmem>>[vector<16xi32>, vector<16xi32>], vector<16xf32>,
        %scatter3A_559 = arith.constant 0 : i32
        %scatter3A_560 = arith.constant 0 : i32
        %scatter3A_561 = tpu.memref_slice %arg7[%scan3A_469, %scatter3A_559, %scatter3A_560] : memref<4x64x128xf32, #tpu.memory_space<vmem>> -> memref<1x64x128xf32, #tpu.memory_space<vmem>>
        %scatter3A_562 = tpu.memref_squeeze %scatter3A_561 : memref<1x64x128xf32, #tpu.memory_space<vmem>> -> memref<64x128xf32, #tpu.memory_space<vmem>>
        tpu.vector_store_idx %scatter3A_562[%add3A_532, %add3A_528], %gather3A_545 : memref<64x128xf32, #tpu.memory_space<vmem>>[vector<16xi32>, vector<16xi32>], vector<16xf32>,
        %scatter3A_563 = arith.constant 0 : i32
        %scatter3A_564 = arith.constant 0 : i32
        %scatter3A_565 = tpu.memref_slice %arg7[%scan3A_469, %scatter3A_563, %scatter3A_564] : memref<4x64x128xf32, #tpu.memory_space<vmem>> -> memref<1x64x128xf32, #tpu.memory_space<vmem>>
        %scatter3A_566 = tpu.memref_squeeze %scatter3A_565 : memref<1x64x128xf32, #tpu.memory_space<vmem>> -> memref<64x128xf32, #tpu.memory_space<vmem>>
        tpu.vector_store_idx %scatter3A_566[%add3A_534, %add3A_528], %gather3A_550 : memref<64x128xf32, #tpu.memory_space<vmem>>[vector<16xi32>, vector<16xi32>], vector<16xf32>,
        %scatter3A_567 = arith.constant 0 : i32
        %scatter3A_568 = arith.constant 0 : i32
        %scatter3A_569 = tpu.memref_slice %arg7[%scan3A_469, %scatter3A_567, %scatter3A_568] : memref<4x64x128xf32, #tpu.memory_space<vmem>> -> memref<1x64x128xf32, #tpu.memory_space<vmem>>
        %scatter3A_570 = tpu.memref_squeeze %scatter3A_569 : memref<1x64x128xf32, #tpu.memory_space<vmem>> -> memref<64x128xf32, #tpu.memory_space<vmem>>
        tpu.vector_store_idx %scatter3A_570[%add3A_536, %add3A_528], %gather3A_555 : memref<64x128xf32, #tpu.memory_space<vmem>>[vector<16xi32>, vector<16xi32>], vector<16xf32>,
        %add3A_571 = vector.broadcast %mul3A_526 : i32 to vector<16xi32>
        %add3A_572 = arith.addi %and3A_31, %add3A_571 : vector<16xi32>
        %add3A_573 = vector.broadcast %mul3A_526 : i32 to vector<16xi32>
        %add3A_574 = arith.addi %and3A_37, %add3A_573 : vector<16xi32>
        %add3A_575 = vector.broadcast %mul3A_526 : i32 to vector<16xi32>
        %add3A_576 = arith.addi %and3A_43, %add3A_575 : vector<16xi32>
        %add3A_577 = vector.broadcast %mul3A_526 : i32 to vector<16xi32>
        %add3A_578 = arith.addi %and3A_49, %add3A_577 : vector<16xi32>
        %gather3A_579 = arith.constant 0 : i32
        %gather3A_580 = arith.constant 0 : i32
        %gather3A_581 = tpu.memref_slice %arg6[%scan3A_468, %gather3A_579, %gather3A_580] : memref<4x128x128xf32, #tpu.memory_space<vmem>> -> memref<1x128x128xf32, #tpu.memory_space<vmem>>
        %gather3A_582 = tpu.memref_squeeze %gather3A_581 : memref<1x128x128xf32, #tpu.memory_space<vmem>> -> memref<128x128xf32, #tpu.memory_space<vmem>>
        %gather3A_583 = tpu.vector_load_idx %gather3A_582[%add3A_528, %add3A_572] : memref<128x128xf32, #tpu.memory_space<vmem>>[vector<16xi32>, vector<16xi32>], vector<16xf32>,
        %gather3A_584 = arith.constant 0 : i32
        %gather3A_585 = arith.constant 0 : i32
        %gather3A_586 = tpu.memref_slice %arg6[%scan3A_468, %gather3A_584, %gather3A_585] : memref<4x128x128xf32, #tpu.memory_space<vmem>> -> memref<1x128x128xf32, #tpu.memory_space<vmem>>
        %gather3A_587 = tpu.memref_squeeze %gather3A_586 : memref<1x128x128xf32, #tpu.memory_space<vmem>> -> memref<128x128xf32, #tpu.memory_space<vmem>>
        %gather3A_588 = tpu.vector_load_idx %gather3A_587[%add3A_528, %add3A_574] : memref<128x128xf32, #tpu.memory_space<vmem>>[vector<16xi32>, vector<16xi32>], vector<16xf32>,
        %gather3A_589 = arith.constant 0 : i32
        %gather3A_590 = arith.constant 0 : i32
        %gather3A_591 = tpu.memref_slice %arg6[%scan3A_468, %gather3A_589, %gather3A_590] : memref<4x128x128xf32, #tpu.memory_space<vmem>> -> memref<1x128x128xf32, #tpu.memory_space<vmem>>
        %gather3A_592 = tpu.memref_squeeze %gather3A_591 : memref<1x128x128xf32, #tpu.memory_space<vmem>> -> memref<128x128xf32, #tpu.memory_space<vmem>>
        %gather3A_593 = tpu.vector_load_idx %gather3A_592[%add3A_528, %add3A_576] : memref<128x128xf32, #tpu.memory_space<vmem>>[vector<16xi32>, vector<16xi32>], vector<16xf32>,
        %gather3A_594 = arith.constant 0 : i32
        %gather3A_595 = arith.constant 0 : i32
        %gather3A_596 = tpu.memref_slice %arg6[%scan3A_468, %gather3A_594, %gather3A_595] : memref<4x128x128xf32, #tpu.memory_space<vmem>> -> memref<1x128x128xf32, #tpu.memory_space<vmem>>
        %gather3A_597 = tpu.memref_squeeze %gather3A_596 : memref<1x128x128xf32, #tpu.memory_space<vmem>> -> memref<128x128xf32, #tpu.memory_space<vmem>>
        %gather3A_598 = tpu.vector_load_idx %gather3A_597[%add3A_528, %add3A_578] : memref<128x128xf32, #tpu.memory_space<vmem>>[vector<16xi32>, vector<16xi32>], vector<16xf32>,
        %scatter3A_599 = arith.constant 0 : i32
        %scatter3A_600 = arith.constant 0 : i32
        %scatter3A_601 = tpu.memref_slice %arg7[%scan3A_469, %scatter3A_599, %scatter3A_600] : memref<4x64x128xf32, #tpu.memory_space<vmem>> -> memref<1x64x128xf32, #tpu.memory_space<vmem>>
        %scatter3A_602 = tpu.memref_squeeze %scatter3A_601 : memref<1x64x128xf32, #tpu.memory_space<vmem>> -> memref<64x128xf32, #tpu.memory_space<vmem>>
        tpu.vector_store_idx %scatter3A_602[%add3A_572, %add3A_528], %gather3A_583 : memref<64x128xf32, #tpu.memory_space<vmem>>[vector<16xi32>, vector<16xi32>], vector<16xf32>,
        %scatter3A_603 = arith.constant 0 : i32
        %scatter3A_604 = arith.constant 0 : i32
        %scatter3A_605 = tpu.memref_slice %arg7[%scan3A_469, %scatter3A_603, %scatter3A_604] : memref<4x64x128xf32, #tpu.memory_space<vmem>> -> memref<1x64x128xf32, #tpu.memory_space<vmem>>
        %scatter3A_606 = tpu.memref_squeeze %scatter3A_605 : memref<1x64x128xf32, #tpu.memory_space<vmem>> -> memref<64x128xf32, #tpu.memory_space<vmem>>
        tpu.vector_store_idx %scatter3A_606[%add3A_574, %add3A_528], %gather3A_588 : memref<64x128xf32, #tpu.memory_space<vmem>>[vector<16xi32>, vector<16xi32>], vector<16xf32>,
        %scatter3A_607 = arith.constant 0 : i32
        %scatter3A_608 = arith.constant 0 : i32
        %scatter3A_609 = tpu.memref_slice %arg7[%scan3A_469, %scatter3A_607, %scatter3A_608] : memref<4x64x128xf32, #tpu.memory_space<vmem>> -> memref<1x64x128xf32, #tpu.memory_space<vmem>>
        %scatter3A_610 = tpu.memref_squeeze %scatter3A_609 : memref<1x64x128xf32, #tpu.memory_space<vmem>> -> memref<64x128xf32, #tpu.memory_space<vmem>>
        tpu.vector_store_idx %scatter3A_610[%add3A_576, %add3A_528], %gather3A_593 : memref<64x128xf32, #tpu.memory_space<vmem>>[vector<16xi32>, vector<16xi32>], vector<16xf32>,
        %scatter3A_611 = arith.constant 0 : i32
        %scatter3A_612 = arith.constant 0 : i32
        %scatter3A_613 = tpu.memref_slice %arg7[%scan3A_469, %scatter3A_611, %scatter3A_612] : memref<4x64x128xf32, #tpu.memory_space<vmem>> -> memref<1x64x128xf32, #tpu.memory_space<vmem>>
        %scatter3A_614 = tpu.memref_squeeze %scatter3A_613 : memref<1x64x128xf32, #tpu.memory_space<vmem>> -> memref<64x128xf32, #tpu.memory_space<vmem>>
        tpu.vector_store_idx %scatter3A_614[%add3A_578, %add3A_528], %gather3A_598 : memref<64x128xf32, #tpu.memory_space<vmem>>[vector<16xi32>, vector<16xi32>], vector<16xf32>,
        %add3A_615 = vector.broadcast %mul3A_526 : i32 to vector<16xi32>
        %add3A_616 = arith.addi %and3A_55, %add3A_615 : vector<16xi32>
        %add3A_617 = vector.broadcast %mul3A_526 : i32 to vector<16xi32>
        %add3A_618 = arith.addi %and3A_61, %add3A_617 : vector<16xi32>
        %add3A_619 = vector.broadcast %mul3A_526 : i32 to vector<16xi32>
        %add3A_620 = arith.addi %and3A_67, %add3A_619 : vector<16xi32>
        %add3A_621 = vector.broadcast %mul3A_526 : i32 to vector<16xi32>
        %add3A_622 = arith.addi %and3A_73, %add3A_621 : vector<16xi32>
        %gather3A_623 = arith.constant 0 : i32
        %gather3A_624 = arith.constant 0 : i32
        %gather3A_625 = tpu.memref_slice %arg6[%scan3A_468, %gather3A_623, %gather3A_624] : memref<4x128x128xf32, #tpu.memory_space<vmem>> -> memref<1x128x128xf32, #tpu.memory_space<vmem>>
        %gather3A_626 = tpu.memref_squeeze %gather3A_625 : memref<1x128x128xf32, #tpu.memory_space<vmem>> -> memref<128x128xf32, #tpu.memory_space<vmem>>
        %gather3A_627 = tpu.vector_load_idx %gather3A_626[%add3A_528, %add3A_616] : memref<128x128xf32, #tpu.memory_space<vmem>>[vector<16xi32>, vector<16xi32>], vector<16xf32>,
        %gather3A_628 = arith.constant 0 : i32
        %gather3A_629 = arith.constant 0 : i32
        %gather3A_630 = tpu.memref_slice %arg6[%scan3A_468, %gather3A_628, %gather3A_629] : memref<4x128x128xf32, #tpu.memory_space<vmem>> -> memref<1x128x128xf32, #tpu.memory_space<vmem>>
        %gather3A_631 = tpu.memref_squeeze %gather3A_630 : memref<1x128x128xf32, #tpu.memory_space<vmem>> -> memref<128x128xf32, #tpu.memory_space<vmem>>
        %gather3A_632 = tpu.vector_load_idx %gather3A_631[%add3A_528, %add3A_618] : memref<128x128xf32, #tpu.memory_space<vmem>>[vector<16xi32>, vector<16xi32>], vector<16xf32>,
        %gather3A_633 = arith.constant 0 : i32
        %gather3A_634 = arith.constant 0 : i32
        %gather3A_635 = tpu.memref_slice %arg6[%scan3A_468, %gather3A_633, %gather3A_634] : memref<4x128x128xf32, #tpu.memory_space<vmem>> -> memref<1x128x128xf32, #tpu.memory_space<vmem>>
        %gather3A_636 = tpu.memref_squeeze %gather3A_635 : memref<1x128x128xf32, #tpu.memory_space<vmem>> -> memref<128x128xf32, #tpu.memory_space<vmem>>
        %gather3A_637 = tpu.vector_load_idx %gather3A_636[%add3A_528, %add3A_620] : memref<128x128xf32, #tpu.memory_space<vmem>>[vector<16xi32>, vector<16xi32>], vector<16xf32>,
        %gather3A_638 = arith.constant 0 : i32
        %gather3A_639 = arith.constant 0 : i32
        %gather3A_640 = tpu.memref_slice %arg6[%scan3A_468, %gather3A_638, %gather3A_639] : memref<4x128x128xf32, #tpu.memory_space<vmem>> -> memref<1x128x128xf32, #tpu.memory_space<vmem>>
        %gather3A_641 = tpu.memref_squeeze %gather3A_640 : memref<1x128x128xf32, #tpu.memory_space<vmem>> -> memref<128x128xf32, #tpu.memory_space<vmem>>
        %gather3A_642 = tpu.vector_load_idx %gather3A_641[%add3A_528, %add3A_622] : memref<128x128xf32, #tpu.memory_space<vmem>>[vector<16xi32>, vector<16xi32>], vector<16xf32>,
        %scatter3A_643 = arith.constant 0 : i32
        %scatter3A_644 = arith.constant 0 : i32
        %scatter3A_645 = tpu.memref_slice %arg7[%scan3A_469, %scatter3A_643, %scatter3A_644] : memref<4x64x128xf32, #tpu.memory_space<vmem>> -> memref<1x64x128xf32, #tpu.memory_space<vmem>>
        %scatter3A_646 = tpu.memref_squeeze %scatter3A_645 : memref<1x64x128xf32, #tpu.memory_space<vmem>> -> memref<64x128xf32, #tpu.memory_space<vmem>>
        tpu.vector_store_idx %scatter3A_646[%add3A_616, %add3A_528], %gather3A_627 : memref<64x128xf32, #tpu.memory_space<vmem>>[vector<16xi32>, vector<16xi32>], vector<16xf32>,
        %scatter3A_647 = arith.constant 0 : i32
        %scatter3A_648 = arith.constant 0 : i32
        %scatter3A_649 = tpu.memref_slice %arg7[%scan3A_469, %scatter3A_647, %scatter3A_648] : memref<4x64x128xf32, #tpu.memory_space<vmem>> -> memref<1x64x128xf32, #tpu.memory_space<vmem>>
        %scatter3A_650 = tpu.memref_squeeze %scatter3A_649 : memref<1x64x128xf32, #tpu.memory_space<vmem>> -> memref<64x128xf32, #tpu.memory_space<vmem>>
        tpu.vector_store_idx %scatter3A_650[%add3A_618, %add3A_528], %gather3A_632 : memref<64x128xf32, #tpu.memory_space<vmem>>[vector<16xi32>, vector<16xi32>], vector<16xf32>,
        %scatter3A_651 = arith.constant 0 : i32
        %scatter3A_652 = arith.constant 0 : i32
        %scatter3A_653 = tpu.memref_slice %arg7[%scan3A_469, %scatter3A_651, %scatter3A_652] : memref<4x64x128xf32, #tpu.memory_space<vmem>> -> memref<1x64x128xf32, #tpu.memory_space<vmem>>
        %scatter3A_654 = tpu.memref_squeeze %scatter3A_653 : memref<1x64x128xf32, #tpu.memory_space<vmem>> -> memref<64x128xf32, #tpu.memory_space<vmem>>
        tpu.vector_store_idx %scatter3A_654[%add3A_620, %add3A_528], %gather3A_637 : memref<64x128xf32, #tpu.memory_space<vmem>>[vector<16xi32>, vector<16xi32>], vector<16xf32>,
        %scatter3A_655 = arith.constant 0 : i32
        %scatter3A_656 = arith.constant 0 : i32
        %scatter3A_657 = tpu.memref_slice %arg7[%scan3A_469, %scatter3A_655, %scatter3A_656] : memref<4x64x128xf32, #tpu.memory_space<vmem>> -> memref<1x64x128xf32, #tpu.memory_space<vmem>>
        %scatter3A_658 = tpu.memref_squeeze %scatter3A_657 : memref<1x64x128xf32, #tpu.memory_space<vmem>> -> memref<64x128xf32, #tpu.memory_space<vmem>>
        tpu.vector_store_idx %scatter3A_658[%add3A_622, %add3A_528], %gather3A_642 : memref<64x128xf32, #tpu.memory_space<vmem>>[vector<16xi32>, vector<16xi32>], vector<16xf32>,
        %add3A_659 = vector.broadcast %mul3A_526 : i32 to vector<16xi32>
        %add3A_660 = arith.addi %and3A_79, %add3A_659 : vector<16xi32>
        %add3A_661 = vector.broadcast %mul3A_526 : i32 to vector<16xi32>
        %add3A_662 = arith.addi %and3A_85, %add3A_661 : vector<16xi32>
        %add3A_663 = vector.broadcast %mul3A_526 : i32 to vector<16xi32>
        %add3A_664 = arith.addi %and3A_91, %add3A_663 : vector<16xi32>
        %add3A_665 = vector.broadcast %mul3A_526 : i32 to vector<16xi32>
        %add3A_666 = arith.addi %and3A_97, %add3A_665 : vector<16xi32>
        %gather3A_667 = arith.constant 0 : i32
        %gather3A_668 = arith.constant 0 : i32
        %gather3A_669 = tpu.memref_slice %arg6[%scan3A_468, %gather3A_667, %gather3A_668] : memref<4x128x128xf32, #tpu.memory_space<vmem>> -> memref<1x128x128xf32, #tpu.memory_space<vmem>>
        %gather3A_670 = tpu.memref_squeeze %gather3A_669 : memref<1x128x128xf32, #tpu.memory_space<vmem>> -> memref<128x128xf32, #tpu.memory_space<vmem>>
        %gather3A_671 = tpu.vector_load_idx %gather3A_670[%add3A_528, %add3A_660] : memref<128x128xf32, #tpu.memory_space<vmem>>[vector<16xi32>, vector<16xi32>], vector<16xf32>,
        %gather3A_672 = arith.constant 0 : i32
        %gather3A_673 = arith.constant 0 : i32
        %gather3A_674 = tpu.memref_slice %arg6[%scan3A_468, %gather3A_672, %gather3A_673] : memref<4x128x128xf32, #tpu.memory_space<vmem>> -> memref<1x128x128xf32, #tpu.memory_space<vmem>>
        %gather3A_675 = tpu.memref_squeeze %gather3A_674 : memref<1x128x128xf32, #tpu.memory_space<vmem>> -> memref<128x128xf32, #tpu.memory_space<vmem>>
        %gather3A_676 = tpu.vector_load_idx %gather3A_675[%add3A_528, %add3A_662] : memref<128x128xf32, #tpu.memory_space<vmem>>[vector<16xi32>, vector<16xi32>], vector<16xf32>,
        %gather3A_677 = arith.constant 0 : i32
        %gather3A_678 = arith.constant 0 : i32
        %gather3A_679 = tpu.memref_slice %arg6[%scan3A_468, %gather3A_677, %gather3A_678] : memref<4x128x128xf32, #tpu.memory_space<vmem>> -> memref<1x128x128xf32, #tpu.memory_space<vmem>>
        %gather3A_680 = tpu.memref_squeeze %gather3A_679 : memref<1x128x128xf32, #tpu.memory_space<vmem>> -> memref<128x128xf32, #tpu.memory_space<vmem>>
        %gather3A_681 = tpu.vector_load_idx %gather3A_680[%add3A_528, %add3A_664] : memref<128x128xf32, #tpu.memory_space<vmem>>[vector<16xi32>, vector<16xi32>], vector<16xf32>,
        %gather3A_682 = arith.constant 0 : i32
        %gather3A_683 = arith.constant 0 : i32
        %gather3A_684 = tpu.memref_slice %arg6[%scan3A_468, %gather3A_682, %gather3A_683] : memref<4x128x128xf32, #tpu.memory_space<vmem>> -> memref<1x128x128xf32, #tpu.memory_space<vmem>>
        %gather3A_685 = tpu.memref_squeeze %gather3A_684 : memref<1x128x128xf32, #tpu.memory_space<vmem>> -> memref<128x128xf32, #tpu.memory_space<vmem>>
        %gather3A_686 = tpu.vector_load_idx %gather3A_685[%add3A_528, %add3A_666] : memref<128x128xf32, #tpu.memory_space<vmem>>[vector<16xi32>, vector<16xi32>], vector<16xf32>,
        %scatter3A_687 = arith.constant 0 : i32
        %scatter3A_688 = arith.constant 0 : i32
        %scatter3A_689 = tpu.memref_slice %arg7[%scan3A_469, %scatter3A_687, %scatter3A_688] : memref<4x64x128xf32, #tpu.memory_space<vmem>> -> memref<1x64x128xf32, #tpu.memory_space<vmem>>
        %scatter3A_690 = tpu.memref_squeeze %scatter3A_689 : memref<1x64x128xf32, #tpu.memory_space<vmem>> -> memref<64x128xf32, #tpu.memory_space<vmem>>
        tpu.vector_store_idx %scatter3A_690[%add3A_660, %add3A_528], %gather3A_671 : memref<64x128xf32, #tpu.memory_space<vmem>>[vector<16xi32>, vector<16xi32>], vector<16xf32>,
        %scatter3A_691 = arith.constant 0 : i32
        %scatter3A_692 = arith.constant 0 : i32
        %scatter3A_693 = tpu.memref_slice %arg7[%scan3A_469, %scatter3A_691, %scatter3A_692] : memref<4x64x128xf32, #tpu.memory_space<vmem>> -> memref<1x64x128xf32, #tpu.memory_space<vmem>>
        %scatter3A_694 = tpu.memref_squeeze %scatter3A_693 : memref<1x64x128xf32, #tpu.memory_space<vmem>> -> memref<64x128xf32, #tpu.memory_space<vmem>>
        tpu.vector_store_idx %scatter3A_694[%add3A_662, %add3A_528], %gather3A_676 : memref<64x128xf32, #tpu.memory_space<vmem>>[vector<16xi32>, vector<16xi32>], vector<16xf32>,
        %scatter3A_695 = arith.constant 0 : i32
        %scatter3A_696 = arith.constant 0 : i32
        %scatter3A_697 = tpu.memref_slice %arg7[%scan3A_469, %scatter3A_695, %scatter3A_696] : memref<4x64x128xf32, #tpu.memory_space<vmem>> -> memref<1x64x128xf32, #tpu.memory_space<vmem>>
        %scatter3A_698 = tpu.memref_squeeze %scatter3A_697 : memref<1x64x128xf32, #tpu.memory_space<vmem>> -> memref<64x128xf32, #tpu.memory_space<vmem>>
        tpu.vector_store_idx %scatter3A_698[%add3A_664, %add3A_528], %gather3A_681 : memref<64x128xf32, #tpu.memory_space<vmem>>[vector<16xi32>, vector<16xi32>], vector<16xf32>,
        %scatter3A_699 = arith.constant 0 : i32
        %scatter3A_700 = arith.constant 0 : i32
        %scatter3A_701 = tpu.memref_slice %arg7[%scan3A_469, %scatter3A_699, %scatter3A_700] : memref<4x64x128xf32, #tpu.memory_space<vmem>> -> memref<1x64x128xf32, #tpu.memory_space<vmem>>
        %scatter3A_702 = tpu.memref_squeeze %scatter3A_701 : memref<1x64x128xf32, #tpu.memory_space<vmem>> -> memref<64x128xf32, #tpu.memory_space<vmem>>
        tpu.vector_store_idx %scatter3A_702[%add3A_666, %add3A_528], %gather3A_686 : memref<64x128xf32, #tpu.memory_space<vmem>>[vector<16xi32>, vector<16xi32>], vector<16xf32>,
      }
      %scan3A_474 = arith.constant 32 : i32
      %dma_start3A_475 = arith.constant 3 : i32
      %dma_start3A_476 = arith.constant 0 : i32
      %dma_start3A_477 = arith.constant 0 : i32
      %dma_start3A_478 = tpu.memref_slice %arg7[%dma_start3A_475, %dma_start3A_476, %dma_start3A_477] : memref<4x64x128xf32, #tpu.memory_space<vmem>> -> memref<1x64x128xf32, #tpu.memory_space<vmem>>
      %dma_start3A_479 = tpu.memref_squeeze %dma_start3A_478 : memref<1x64x128xf32, #tpu.memory_space<vmem>> -> memref<64x128xf32, #tpu.memory_space<vmem>>
      %dma_start3A_480 = arith.constant 0 : i32
      %dma_start3A_481 = tpu.memref_slice %arg4[%add3A_435, %dma_start3A_480, %mul3A_2] : memref<200x64x4096xf32, #tpu.memory_space<hbm>> -> memref<1x64x128xf32, #tpu.memory_space<hbm>>
      %dma_start3A_482 = tpu.memref_squeeze %dma_start3A_481 : memref<1x64x128xf32, #tpu.memory_space<hbm>> -> memref<64x128xf32, #tpu.memory_space<hbm>>
      %dma_start3A_483 = arith.constant 0 : i32
      %dma_start3A_484 = tpu.memref_slice %arg4[%add3A_435, %dma_start3A_483, %mul3A_2] : memref<200x64x4096xf32, #tpu.memory_space<hbm>> -> memref<1x64x128xf32, #tpu.memory_space<hbm>>
      %dma_start3A_485 = tpu.memref_squeeze %dma_start3A_484 : memref<1x64x128xf32, #tpu.memory_space<hbm>> -> memref<64x128xf32, #tpu.memory_space<hbm>>
      %dma_start3A_486 = arith.constant 0 : i32
      %dma_start3A_487 = arith.constant 0 : i32
      %dma_start3A_488 = tpu.memref_slice %arg7[%dma_start3A_475, %dma_start3A_486, %dma_start3A_487] : memref<4x64x128xf32, #tpu.memory_space<vmem>> -> memref<1x64x128xf32, #tpu.memory_space<vmem>>
      %dma_start3A_489 = tpu.memref_squeeze %dma_start3A_488 : memref<1x64x128xf32, #tpu.memory_space<vmem>> -> memref<64x128xf32, #tpu.memory_space<vmem>>
      tpu.enqueue_dma source(%dma_start3A_489 : memref<64x128xf32, #tpu.memory_space<vmem>>) target(%dma_start3A_485 : memref<64x128xf32, #tpu.memory_space<hbm>>) target_semaphore(%arg19 : memref<!tpu.dma_semaphore, #tpu.memory_space<semaphore_mem>>)
    }
    %scan3A_196 = arith.constant 50 : i32
    %dma_wait3A_197 = arith.constant 0 : i32
    %dma_wait3A_198 = arith.constant 196 : i32
    %dma_wait3A_199 = arith.constant 0 : i32
    %dma_wait3A_200 = arith.constant 0 : i32
    %dma_wait3A_201 = tpu.memref_slice %arg7[%dma_wait3A_197, %dma_wait3A_199, %dma_wait3A_200] : memref<4x64x128xf32, #tpu.memory_space<vmem>> -> memref<1x64x128xf32, #tpu.memory_space<vmem>>
    %dma_wait3A_202 = tpu.memref_squeeze %dma_wait3A_201 : memref<1x64x128xf32, #tpu.memory_space<vmem>> -> memref<64x128xf32, #tpu.memory_space<vmem>>
    %dma_wait3A_203 = arith.constant 0 : i32
    %dma_wait3A_204 = tpu.memref_slice %arg4[%dma_wait3A_198, %dma_wait3A_203, %mul3A_2] : memref<200x64x4096xf32, #tpu.memory_space<hbm>> -> memref<1x64x128xf32, #tpu.memory_space<hbm>>
    %dma_wait3A_205 = tpu.memref_squeeze %dma_wait3A_204 : memref<1x64x128xf32, #tpu.memory_space<hbm>> -> memref<64x128xf32, #tpu.memory_space<hbm>>
    %dma_wait3A_206 = arith.constant 0 : i32
    %dma_wait3A_207 = tpu.memref_slice %arg4[%dma_wait3A_198, %dma_wait3A_206, %mul3A_2] : memref<200x64x4096xf32, #tpu.memory_space<hbm>> -> memref<1x64x128xf32, #tpu.memory_space<hbm>>
    %dma_wait3A_208 = tpu.memref_squeeze %dma_wait3A_207 : memref<1x64x128xf32, #tpu.memory_space<hbm>> -> memref<64x128xf32, #tpu.memory_space<hbm>>
    %dma_wait3A_209 = arith.constant 0 : i32
    %dma_wait3A_210 = arith.constant 0 : i32
    %dma_wait3A_211 = tpu.memref_slice %arg7[%dma_wait3A_197, %dma_wait3A_209, %dma_wait3A_210] : memref<4x64x128xf32, #tpu.memory_space<vmem>> -> memref<1x64x128xf32, #tpu.memory_space<vmem>>
    %dma_wait3A_212 = tpu.memref_squeeze %dma_wait3A_211 : memref<1x64x128xf32, #tpu.memory_space<vmem>> -> memref<64x128xf32, #tpu.memory_space<vmem>>
    tpu.wait_dma2 semaphore(%arg16 : memref<!tpu.dma_semaphore, #tpu.memory_space<semaphore_mem>>) src(%dma_wait3A_212 : memref<64x128xf32, #tpu.memory_space<vmem>>) dst(%dma_wait3A_208 : memref<64x128xf32, #tpu.memory_space<hbm>>)
    %dma_wait3A_213 = arith.constant 1 : i32
    %dma_wait3A_214 = arith.constant 197 : i32
    %dma_wait3A_215 = arith.constant 0 : i32
    %dma_wait3A_216 = arith.constant 0 : i32
    %dma_wait3A_217 = tpu.memref_slice %arg7[%dma_wait3A_213, %dma_wait3A_215, %dma_wait3A_216] : memref<4x64x128xf32, #tpu.memory_space<vmem>> -> memref<1x64x128xf32, #tpu.memory_space<vmem>>
    %dma_wait3A_218 = tpu.memref_squeeze %dma_wait3A_217 : memref<1x64x128xf32, #tpu.memory_space<vmem>> -> memref<64x128xf32, #tpu.memory_space<vmem>>
    %dma_wait3A_219 = arith.constant 0 : i32
    %dma_wait3A_220 = tpu.memref_slice %arg4[%dma_wait3A_214, %dma_wait3A_219, %mul3A_2] : memref<200x64x4096xf32, #tpu.memory_space<hbm>> -> memref<1x64x128xf32, #tpu.memory_space<hbm>>
    %dma_wait3A_221 = tpu.memref_squeeze %dma_wait3A_220 : memref<1x64x128xf32, #tpu.memory_space<hbm>> -> memref<64x128xf32, #tpu.memory_space<hbm>>
    %dma_wait3A_222 = arith.constant 0 : i32
    %dma_wait3A_223 = tpu.memref_slice %arg4[%dma_wait3A_214, %dma_wait3A_222, %mul3A_2] : memref<200x64x4096xf32, #tpu.memory_space<hbm>> -> memref<1x64x128xf32, #tpu.memory_space<hbm>>
    %dma_wait3A_224 = tpu.memref_squeeze %dma_wait3A_223 : memref<1x64x128xf32, #tpu.memory_space<hbm>> -> memref<64x128xf32, #tpu.memory_space<hbm>>
    %dma_wait3A_225 = arith.constant 0 : i32
    %dma_wait3A_226 = arith.constant 0 : i32
    %dma_wait3A_227 = tpu.memref_slice %arg7[%dma_wait3A_213, %dma_wait3A_225, %dma_wait3A_226] : memref<4x64x128xf32, #tpu.memory_space<vmem>> -> memref<1x64x128xf32, #tpu.memory_space<vmem>>
    %dma_wait3A_228 = tpu.memref_squeeze %dma_wait3A_227 : memref<1x64x128xf32, #tpu.memory_space<vmem>> -> memref<64x128xf32, #tpu.memory_space<vmem>>
    tpu.wait_dma2 semaphore(%arg17 : memref<!tpu.dma_semaphore, #tpu.memory_space<semaphore_mem>>) src(%dma_wait3A_228 : memref<64x128xf32, #tpu.memory_space<vmem>>) dst(%dma_wait3A_224 : memref<64x128xf32, #tpu.memory_space<hbm>>)
    %dma_wait3A_229 = arith.constant 2 : i32
    %dma_wait3A_230 = arith.constant 198 : i32
    %dma_wait3A_231 = arith.constant 0 : i32
    %dma_wait3A_232 = arith.constant 0 : i32
    %dma_wait3A_233 = tpu.memref_slice %arg7[%dma_wait3A_229, %dma_wait3A_231, %dma_wait3A_232] : memref<4x64x128xf32, #tpu.memory_space<vmem>> -> memref<1x64x128xf32, #tpu.memory_space<vmem>>
    %dma_wait3A_234 = tpu.memref_squeeze %dma_wait3A_233 : memref<1x64x128xf32, #tpu.memory_space<vmem>> -> memref<64x128xf32, #tpu.memory_space<vmem>>
    %dma_wait3A_235 = arith.constant 0 : i32
    %dma_wait3A_236 = tpu.memref_slice %arg4[%dma_wait3A_230, %dma_wait3A_235, %mul3A_2] : memref<200x64x4096xf32, #tpu.memory_space<hbm>> -> memref<1x64x128xf32, #tpu.memory_space<hbm>>
    %dma_wait3A_237 = tpu.memref_squeeze %dma_wait3A_236 : memref<1x64x128xf32, #tpu.memory_space<hbm>> -> memref<64x128xf32, #tpu.memory_space<hbm>>
    %dma_wait3A_238 = arith.constant 0 : i32
    %dma_wait3A_239 = tpu.memref_slice %arg4[%dma_wait3A_230, %dma_wait3A_238, %mul3A_2] : memref<200x64x4096xf32, #tpu.memory_space<hbm>> -> memref<1x64x128xf32, #tpu.memory_space<hbm>>
    %dma_wait3A_240 = tpu.memref_squeeze %dma_wait3A_239 : memref<1x64x128xf32, #tpu.memory_space<hbm>> -> memref<64x128xf32, #tpu.memory_space<hbm>>
    %dma_wait3A_241 = arith.constant 0 : i32
    %dma_wait3A_242 = arith.constant 0 : i32
    %dma_wait3A_243 = tpu.memref_slice %arg7[%dma_wait3A_229, %dma_wait3A_241, %dma_wait3A_242] : memref<4x64x128xf32, #tpu.memory_space<vmem>> -> memref<1x64x128xf32, #tpu.memory_space<vmem>>
    %dma_wait3A_244 = tpu.memref_squeeze %dma_wait3A_243 : memref<1x64x128xf32, #tpu.memory_space<vmem>> -> memref<64x128xf32, #tpu.memory_space<vmem>>
    tpu.wait_dma2 semaphore(%arg18 : memref<!tpu.dma_semaphore, #tpu.memory_space<semaphore_mem>>) src(%dma_wait3A_244 : memref<64x128xf32, #tpu.memory_space<vmem>>) dst(%dma_wait3A_240 : memref<64x128xf32, #tpu.memory_space<hbm>>)
    %dma_wait3A_245 = arith.constant 3 : i32
    %dma_wait3A_246 = arith.constant 199 : i32
    %dma_wait3A_247 = arith.constant 0 : i32
    %dma_wait3A_248 = arith.constant 0 : i32
    %dma_wait3A_249 = tpu.memref_slice %arg7[%dma_wait3A_245, %dma_wait3A_247, %dma_wait3A_248] : memref<4x64x128xf32, #tpu.memory_space<vmem>> -> memref<1x64x128xf32, #tpu.memory_space<vmem>>
    %dma_wait3A_250 = tpu.memref_squeeze %dma_wait3A_249 : memref<1x64x128xf32, #tpu.memory_space<vmem>> -> memref<64x128xf32, #tpu.memory_space<vmem>>
    %dma_wait3A_251 = arith.constant 0 : i32
    %dma_wait3A_252 = tpu.memref_slice %arg4[%dma_wait3A_246, %dma_wait3A_251, %mul3A_2] : memref<200x64x4096xf32, #tpu.memory_space<hbm>> -> memref<1x64x128xf32, #tpu.memory_space<hbm>>
    %dma_wait3A_253 = tpu.memref_squeeze %dma_wait3A_252 : memref<1x64x128xf32, #tpu.memory_space<hbm>> -> memref<64x128xf32, #tpu.memory_space<hbm>>
    %dma_wait3A_254 = arith.constant 0 : i32
    %dma_wait3A_255 = tpu.memref_slice %arg4[%dma_wait3A_246, %dma_wait3A_254, %mul3A_2] : memref<200x64x4096xf32, #tpu.memory_space<hbm>> -> memref<1x64x128xf32, #tpu.memory_space<hbm>>
    %dma_wait3A_256 = tpu.memref_squeeze %dma_wait3A_255 : memref<1x64x128xf32, #tpu.memory_space<hbm>> -> memref<64x128xf32, #tpu.memory_space<hbm>>
    %dma_wait3A_257 = arith.constant 0 : i32
    %dma_wait3A_258 = arith.constant 0 : i32
    %dma_wait3A_259 = tpu.memref_slice %arg7[%dma_wait3A_245, %dma_wait3A_257, %dma_wait3A_258] : memref<4x64x128xf32, #tpu.memory_space<vmem>> -> memref<1x64x128xf32, #tpu.memory_space<vmem>>
    %dma_wait3A_260 = tpu.memref_squeeze %dma_wait3A_259 : memref<1x64x128xf32, #tpu.memory_space<vmem>> -> memref<64x128xf32, #tpu.memory_space<vmem>>
    tpu.wait_dma2 semaphore(%arg19 : memref<!tpu.dma_semaphore, #tpu.memory_space<semaphore_mem>>) src(%dma_wait3A_260 : memref<64x128xf32, #tpu.memory_space<vmem>>) dst(%dma_wait3A_256 : memref<64x128xf32, #tpu.memory_space<hbm>>)
    return
  }
}

#map = affine_map<(d0, d1) -> (0, 0)>
module attributes {stable_mosaic.version = 14 : i64} {
  func.func @k1(%arg0: i32, %arg1: i32, %arg2: memref<64x1000000xf32, #tpu.memory_space<hbm>>, %arg3: memref<64x128xf32, #tpu.memory_space<hbm>>, %arg4: memref<1000000x128xf32, #tpu.memory_space<hbm>>, %arg5: memref<2x64x128xf32, #tpu.memory_space<vmem>>, %arg6: memref<2x128x128xf32, #tpu.memory_space<vmem>>, %arg7: memref<64x128xf32, #tpu.memory_space<vmem>>, %arg8: memref<!tpu.dma_semaphore, #tpu.memory_space<semaphore_mem>>, %arg9: memref<!tpu.dma_semaphore, #tpu.memory_space<semaphore_mem>>, %arg10: memref<!tpu.dma_semaphore, #tpu.memory_space<semaphore_mem>>, %arg11: memref<!tpu.dma_semaphore, #tpu.memory_space<semaphore_mem>>, %arg12: memref<!tpu.dma_semaphore, #tpu.memory_space<semaphore_mem>>) attributes {dimension_semantics = [#tpu.dimension_semantics<core_parallel>, #tpu.dimension_semantics<subcore_parallel>], iteration_bounds = array<i64: 2, 16>, scalar_prefetch = 0 : i64, scratch_operands = 8 : i64, tpu.core_type = #tpu.core_type<sc_vector_subcore>, window_params = [{transform_indices = #map}, {transform_indices = #map}, {transform_indices = #map}]} {
    %mul3A = arith.constant 2 : i32
    %mul3A_0 = arith.muli %arg1, %mul3A : i32
    %add3A = arith.addi %mul3A_0, %arg0 : i32
    %iota3A = tpu.iota {dimensions = array<i32: 0>} : vector<16xi32>
    %add3A_1 = arith.constant 0 : i32
    %add3A_2 = vector.broadcast %add3A_1 : i32 to vector<16xi32>
    %add3A_3 = arith.addi %iota3A, %add3A_2 : vector<16xi32>
    %and3A = arith.constant 15 : i32
    %and3A_4 = vector.broadcast %and3A : i32 to vector<16xi32>
    %and3A_5 = arith.andi %add3A_3, %and3A_4 : vector<16xi32>
    %add3A_6 = arith.constant 1 : i32
    %add3A_7 = vector.broadcast %add3A_6 : i32 to vector<16xi32>
    %add3A_8 = arith.addi %iota3A, %add3A_7 : vector<16xi32>
    %and3A_9 = arith.constant 15 : i32
    %and3A_10 = vector.broadcast %and3A_9 : i32 to vector<16xi32>
    %and3A_11 = arith.andi %add3A_8, %and3A_10 : vector<16xi32>
    %add3A_12 = arith.constant 2 : i32
    %add3A_13 = vector.broadcast %add3A_12 : i32 to vector<16xi32>
    %add3A_14 = arith.addi %iota3A, %add3A_13 : vector<16xi32>
    %and3A_15 = arith.constant 15 : i32
    %and3A_16 = vector.broadcast %and3A_15 : i32 to vector<16xi32>
    %and3A_17 = arith.andi %add3A_14, %and3A_16 : vector<16xi32>
    %add3A_18 = arith.constant 3 : i32
    %add3A_19 = vector.broadcast %add3A_18 : i32 to vector<16xi32>
    %add3A_20 = arith.addi %iota3A, %add3A_19 : vector<16xi32>
    %and3A_21 = arith.constant 15 : i32
    %and3A_22 = vector.broadcast %and3A_21 : i32 to vector<16xi32>
    %and3A_23 = arith.andi %add3A_20, %and3A_22 : vector<16xi32>
    %add3A_24 = arith.constant 4 : i32
    %add3A_25 = vector.broadcast %add3A_24 : i32 to vector<16xi32>
    %add3A_26 = arith.addi %iota3A, %add3A_25 : vector<16xi32>
    %and3A_27 = arith.constant 15 : i32
    %and3A_28 = vector.broadcast %and3A_27 : i32 to vector<16xi32>
    %and3A_29 = arith.andi %add3A_26, %and3A_28 : vector<16xi32>
    %add3A_30 = arith.constant 5 : i32
    %add3A_31 = vector.broadcast %add3A_30 : i32 to vector<16xi32>
    %add3A_32 = arith.addi %iota3A, %add3A_31 : vector<16xi32>
    %and3A_33 = arith.constant 15 : i32
    %and3A_34 = vector.broadcast %and3A_33 : i32 to vector<16xi32>
    %and3A_35 = arith.andi %add3A_32, %and3A_34 : vector<16xi32>
    %add3A_36 = arith.constant 6 : i32
    %add3A_37 = vector.broadcast %add3A_36 : i32 to vector<16xi32>
    %add3A_38 = arith.addi %iota3A, %add3A_37 : vector<16xi32>
    %and3A_39 = arith.constant 15 : i32
    %and3A_40 = vector.broadcast %and3A_39 : i32 to vector<16xi32>
    %and3A_41 = arith.andi %add3A_38, %and3A_40 : vector<16xi32>
    %add3A_42 = arith.constant 7 : i32
    %add3A_43 = vector.broadcast %add3A_42 : i32 to vector<16xi32>
    %add3A_44 = arith.addi %iota3A, %add3A_43 : vector<16xi32>
    %and3A_45 = arith.constant 15 : i32
    %and3A_46 = vector.broadcast %and3A_45 : i32 to vector<16xi32>
    %and3A_47 = arith.andi %add3A_44, %and3A_46 : vector<16xi32>
    %add3A_48 = arith.constant 8 : i32
    %add3A_49 = vector.broadcast %add3A_48 : i32 to vector<16xi32>
    %add3A_50 = arith.addi %iota3A, %add3A_49 : vector<16xi32>
    %and3A_51 = arith.constant 15 : i32
    %and3A_52 = vector.broadcast %and3A_51 : i32 to vector<16xi32>
    %and3A_53 = arith.andi %add3A_50, %and3A_52 : vector<16xi32>
    %add3A_54 = arith.constant 9 : i32
    %add3A_55 = vector.broadcast %add3A_54 : i32 to vector<16xi32>
    %add3A_56 = arith.addi %iota3A, %add3A_55 : vector<16xi32>
    %and3A_57 = arith.constant 15 : i32
    %and3A_58 = vector.broadcast %and3A_57 : i32 to vector<16xi32>
    %and3A_59 = arith.andi %add3A_56, %and3A_58 : vector<16xi32>
    %add3A_60 = arith.constant 10 : i32
    %add3A_61 = vector.broadcast %add3A_60 : i32 to vector<16xi32>
    %add3A_62 = arith.addi %iota3A, %add3A_61 : vector<16xi32>
    %and3A_63 = arith.constant 15 : i32
    %and3A_64 = vector.broadcast %and3A_63 : i32 to vector<16xi32>
    %and3A_65 = arith.andi %add3A_62, %and3A_64 : vector<16xi32>
    %add3A_66 = arith.constant 11 : i32
    %add3A_67 = vector.broadcast %add3A_66 : i32 to vector<16xi32>
    %add3A_68 = arith.addi %iota3A, %add3A_67 : vector<16xi32>
    %and3A_69 = arith.constant 15 : i32
    %and3A_70 = vector.broadcast %and3A_69 : i32 to vector<16xi32>
    %and3A_71 = arith.andi %add3A_68, %and3A_70 : vector<16xi32>
    %add3A_72 = arith.constant 12 : i32
    %add3A_73 = vector.broadcast %add3A_72 : i32 to vector<16xi32>
    %add3A_74 = arith.addi %iota3A, %add3A_73 : vector<16xi32>
    %and3A_75 = arith.constant 15 : i32
    %and3A_76 = vector.broadcast %and3A_75 : i32 to vector<16xi32>
    %and3A_77 = arith.andi %add3A_74, %and3A_76 : vector<16xi32>
    %add3A_78 = arith.constant 13 : i32
    %add3A_79 = vector.broadcast %add3A_78 : i32 to vector<16xi32>
    %add3A_80 = arith.addi %iota3A, %add3A_79 : vector<16xi32>
    %and3A_81 = arith.constant 15 : i32
    %and3A_82 = vector.broadcast %and3A_81 : i32 to vector<16xi32>
    %and3A_83 = arith.andi %add3A_80, %and3A_82 : vector<16xi32>
    %add3A_84 = arith.constant 14 : i32
    %add3A_85 = vector.broadcast %add3A_84 : i32 to vector<16xi32>
    %add3A_86 = arith.addi %iota3A, %add3A_85 : vector<16xi32>
    %and3A_87 = arith.constant 15 : i32
    %and3A_88 = vector.broadcast %and3A_87 : i32 to vector<16xi32>
    %and3A_89 = arith.andi %add3A_86, %and3A_88 : vector<16xi32>
    %add3A_90 = arith.constant 15 : i32
    %add3A_91 = vector.broadcast %add3A_90 : i32 to vector<16xi32>
    %add3A_92 = arith.addi %iota3A, %add3A_91 : vector<16xi32>
    %and3A_93 = arith.constant 15 : i32
    %and3A_94 = vector.broadcast %and3A_93 : i32 to vector<16xi32>
    %and3A_95 = arith.andi %add3A_92, %and3A_94 : vector<16xi32>
    %add3A_96 = arith.constant 0 : i32
    %add3A_97 = arith.addi %add3A_96, %add3A : i32
    %lt3A = arith.constant 7812 : i32
    %lt3A_98 = arith.cmpi slt, %add3A_97, %lt3A : i32
    %convert_element_type3A = arith.extui %lt3A_98 : i1 to i32
    %cond3A = arith.constant 0 : i32
    %cond3A_99 = arith.cmpi ne, %convert_element_type3A, %cond3A : i32
    scf.if %cond3A_99 {
      %add3A_160 = arith.constant 0 : i32
      %add3A_161 = arith.addi %add3A_160, %add3A : i32
      %mul3A_162 = arith.constant 128 : i32
      %mul3A_163 = arith.muli %add3A_161, %mul3A_162 : i32
      %dma_start3A = arith.constant 0 : i32
      %dma_start3A_164 = arith.constant 0 : i32
      %dma_start3A_165 = arith.constant 0 : i32
      %dma_start3A_166 = tpu.memref_slice %arg5[%dma_start3A, %dma_start3A_164, %dma_start3A_165] : memref<2x64x128xf32, #tpu.memory_space<vmem>> -> memref<1x64x128xf32, #tpu.memory_space<vmem>>
      %dma_start3A_167 = tpu.memref_squeeze %dma_start3A_166 : memref<1x64x128xf32, #tpu.memory_space<vmem>> -> memref<64x128xf32, #tpu.memory_space<vmem>>
      %dma_start3A_168 = arith.constant 0 : i32
      %dma_start3A_169 = tpu.memref_slice %arg2[%dma_start3A_168, %mul3A_163] : memref<64x1000000xf32, #tpu.memory_space<hbm>> -> memref<64x128xf32, #tpu.memory_space<hbm>>
      %dma_start3A_170 = arith.constant 0 : i32
      %dma_start3A_171 = arith.constant 0 : i32
      %dma_start3A_172 = tpu.memref_slice %arg5[%dma_start3A, %dma_start3A_170, %dma_start3A_171] : memref<2x64x128xf32, #tpu.memory_space<vmem>> -> memref<1x64x128xf32, #tpu.memory_space<vmem>>
      %dma_start3A_173 = tpu.memref_squeeze %dma_start3A_172 : memref<1x64x128xf32, #tpu.memory_space<vmem>> -> memref<64x128xf32, #tpu.memory_space<vmem>>
      %dma_start3A_174 = arith.constant 0 : i32
      %dma_start3A_175 = tpu.memref_slice %arg2[%dma_start3A_174, %mul3A_163] : memref<64x1000000xf32, #tpu.memory_space<hbm>> -> memref<64x128xf32, #tpu.memory_space<hbm>>
      tpu.enqueue_dma source(%dma_start3A_175 : memref<64x128xf32, #tpu.memory_space<hbm>>) target(%dma_start3A_173 : memref<64x128xf32, #tpu.memory_space<vmem>>) target_semaphore(%arg8 : memref<!tpu.dma_semaphore, #tpu.memory_space<semaphore_mem>>)
    } else {
    }
    %scan3A = arith.constant 0 : i32
    %scan3A_100 = arith.constant 0 : i32
    %scan3A_101 = arith.constant 122 : i32
    %scan3A_102 = arith.addi %scan3A_100, %scan3A_101 : i32
    %scan3A_103 = arith.constant 1 : i32
    scf.for %scan3A_160 = %scan3A_100 to %scan3A_102 step %scan3A_103  : i32 {
      %mul3A_161 = arith.constant 2 : i32
      %mul3A_162 = arith.muli %mul3A_161, %scan3A_160 : i32
      %mul3A_163 = arith.constant 32 : i32
      %mul3A_164 = arith.muli %mul3A_162, %mul3A_163 : i32
      %add3A_165 = arith.addi %mul3A_164, %add3A : i32
      %lt3A_166 = arith.constant 7812 : i32
      %lt3A_167 = arith.cmpi slt, %add3A_165, %lt3A_166 : i32
      %convert_element_type3A_168 = arith.extui %lt3A_167 : i1 to i32
      %cond3A_169 = arith.constant 0 : i32
      %cond3A_170 = arith.cmpi ne, %convert_element_type3A_168, %cond3A_169 : i32
      scf.if %cond3A_170 {
        %mul3A_260 = arith.constant 32 : i32
        %mul3A_261 = arith.muli %mul3A_162, %mul3A_260 : i32
        %add3A_262 = arith.addi %mul3A_261, %add3A : i32
        %mul3A_263 = arith.constant 128 : i32
        %mul3A_264 = arith.muli %add3A_262, %mul3A_263 : i32
        %dma_wait3A = arith.constant 0 : i32
        %dma_wait3A_265 = arith.constant 0 : i32
        %dma_wait3A_266 = arith.constant 0 : i32
        %dma_wait3A_267 = tpu.memref_slice %arg5[%dma_wait3A, %dma_wait3A_265, %dma_wait3A_266] : memref<2x64x128xf32, #tpu.memory_space<vmem>> -> memref<1x64x128xf32, #tpu.memory_space<vmem>>
        %dma_wait3A_268 = tpu.memref_squeeze %dma_wait3A_267 : memref<1x64x128xf32, #tpu.memory_space<vmem>> -> memref<64x128xf32, #tpu.memory_space<vmem>>
        %dma_wait3A_269 = arith.constant 0 : i32
        %dma_wait3A_270 = tpu.memref_slice %arg2[%dma_wait3A_269, %mul3A_264] : memref<64x1000000xf32, #tpu.memory_space<hbm>> -> memref<64x128xf32, #tpu.memory_space<hbm>>
        %dma_wait3A_271 = arith.constant 0 : i32
        %dma_wait3A_272 = arith.constant 0 : i32
        %dma_wait3A_273 = tpu.memref_slice %arg5[%dma_wait3A, %dma_wait3A_271, %dma_wait3A_272] : memref<2x64x128xf32, #tpu.memory_space<vmem>> -> memref<1x64x128xf32, #tpu.memory_space<vmem>>
        %dma_wait3A_274 = tpu.memref_squeeze %dma_wait3A_273 : memref<1x64x128xf32, #tpu.memory_space<vmem>> -> memref<64x128xf32, #tpu.memory_space<vmem>>
        %dma_wait3A_275 = arith.constant 0 : i32
        %dma_wait3A_276 = tpu.memref_slice %arg2[%dma_wait3A_275, %mul3A_264] : memref<64x1000000xf32, #tpu.memory_space<hbm>> -> memref<64x128xf32, #tpu.memory_space<hbm>>
        tpu.wait_dma2 semaphore(%arg8 : memref<!tpu.dma_semaphore, #tpu.memory_space<semaphore_mem>>) src(%dma_wait3A_276 : memref<64x128xf32, #tpu.memory_space<hbm>>) dst(%dma_wait3A_274 : memref<64x128xf32, #tpu.memory_space<vmem>>)
      } else {
      }
      %add3A_171 = arith.constant 1 : i32
      %add3A_172 = arith.addi %mul3A_162, %add3A_171 : i32
      %mul3A_173 = arith.constant 32 : i32
      %mul3A_174 = arith.muli %add3A_172, %mul3A_173 : i32
      %add3A_175 = arith.addi %mul3A_174, %add3A : i32
      %lt3A_176 = arith.constant 7812 : i32
      %lt3A_177 = arith.cmpi slt, %add3A_175, %lt3A_176 : i32
      %convert_element_type3A_178 = arith.extui %lt3A_177 : i1 to i32
      %cond3A_179 = arith.constant 0 : i32
      %cond3A_180 = arith.cmpi ne, %convert_element_type3A_178, %cond3A_179 : i32
      scf.if %cond3A_180 {
        %add3A_260 = arith.constant 1 : i32
        %add3A_261 = arith.addi %mul3A_162, %add3A_260 : i32
        %mul3A_262 = arith.constant 32 : i32
        %mul3A_263 = arith.muli %add3A_261, %mul3A_262 : i32
        %add3A_264 = arith.addi %mul3A_263, %add3A : i32
        %mul3A_265 = arith.constant 128 : i32
        %mul3A_266 = arith.muli %add3A_264, %mul3A_265 : i32
        %dma_start3A = arith.constant 1 : i32
        %dma_start3A_267 = arith.constant 0 : i32
        %dma_start3A_268 = arith.constant 0 : i32
        %dma_start3A_269 = tpu.memref_slice %arg5[%dma_start3A, %dma_start3A_267, %dma_start3A_268] : memref<2x64x128xf32, #tpu.memory_space<vmem>> -> memref<1x64x128xf32, #tpu.memory_space<vmem>>
        %dma_start3A_270 = tpu.memref_squeeze %dma_start3A_269 : memref<1x64x128xf32, #tpu.memory_space<vmem>> -> memref<64x128xf32, #tpu.memory_space<vmem>>
        %dma_start3A_271 = arith.constant 0 : i32
        %dma_start3A_272 = tpu.memref_slice %arg2[%dma_start3A_271, %mul3A_266] : memref<64x1000000xf32, #tpu.memory_space<hbm>> -> memref<64x128xf32, #tpu.memory_space<hbm>>
        %dma_start3A_273 = arith.constant 0 : i32
        %dma_start3A_274 = arith.constant 0 : i32
        %dma_start3A_275 = tpu.memref_slice %arg5[%dma_start3A, %dma_start3A_273, %dma_start3A_274] : memref<2x64x128xf32, #tpu.memory_space<vmem>> -> memref<1x64x128xf32, #tpu.memory_space<vmem>>
        %dma_start3A_276 = tpu.memref_squeeze %dma_start3A_275 : memref<1x64x128xf32, #tpu.memory_space<vmem>> -> memref<64x128xf32, #tpu.memory_space<vmem>>
        %dma_start3A_277 = arith.constant 0 : i32
        %dma_start3A_278 = tpu.memref_slice %arg2[%dma_start3A_277, %mul3A_266] : memref<64x1000000xf32, #tpu.memory_space<hbm>> -> memref<64x128xf32, #tpu.memory_space<hbm>>
        tpu.enqueue_dma source(%dma_start3A_278 : memref<64x128xf32, #tpu.memory_space<hbm>>) target(%dma_start3A_276 : memref<64x128xf32, #tpu.memory_space<vmem>>) target_semaphore(%arg9 : memref<!tpu.dma_semaphore, #tpu.memory_space<semaphore_mem>>)
      } else {
      }
      %ge3A = arith.constant 2 : i32
      %ge3A_181 = arith.cmpi sge, %mul3A_162, %ge3A : i32
      %convert_element_type3A_182 = arith.extui %ge3A_181 : i1 to i32
      %cond3A_183 = arith.constant 0 : i32
      %cond3A_184 = arith.cmpi ne, %convert_element_type3A_182, %cond3A_183 : i32
      scf.if %cond3A_184 {
        %sub3A = arith.constant 2 : i32
        %sub3A_260 = arith.subi %mul3A_162, %sub3A : i32
        %mul3A_261 = arith.constant 32 : i32
        %mul3A_262 = arith.muli %sub3A_260, %mul3A_261 : i32
        %add3A_263 = arith.addi %mul3A_262, %add3A : i32
        %lt3A_264 = arith.constant 7812 : i32
        %lt3A_265 = arith.cmpi slt, %add3A_263, %lt3A_264 : i32
        %convert_element_type3A_266 = arith.extui %lt3A_265 : i1 to i32
        %cond3A_267 = arith.constant 0 : i32
        %cond3A_268 = arith.cmpi ne, %convert_element_type3A_266, %cond3A_267 : i32
        scf.if %cond3A_268 {
          %sub3A_269 = arith.constant 2 : i32
          %sub3A_270 = arith.subi %mul3A_162, %sub3A_269 : i32
          %mul3A_271 = arith.constant 32 : i32
          %mul3A_272 = arith.muli %sub3A_270, %mul3A_271 : i32
          %add3A_273 = arith.addi %mul3A_272, %add3A : i32
          %mul3A_274 = arith.constant 128 : i32
          %mul3A_275 = arith.muli %add3A_273, %mul3A_274 : i32
          %dma_wait3A = arith.constant 0 : i32
          %dma_wait3A_276 = arith.constant 0 : i32
          %dma_wait3A_277 = arith.constant 0 : i32
          %dma_wait3A_278 = tpu.memref_slice %arg6[%dma_wait3A, %dma_wait3A_276, %dma_wait3A_277] : memref<2x128x128xf32, #tpu.memory_space<vmem>> -> memref<1x128x128xf32, #tpu.memory_space<vmem>>
          %dma_wait3A_279 = tpu.memref_squeeze %dma_wait3A_278 : memref<1x128x128xf32, #tpu.memory_space<vmem>> -> memref<128x128xf32, #tpu.memory_space<vmem>>
          %dma_wait3A_280 = arith.constant 0 : i32
          %dma_wait3A_281 = tpu.memref_slice %arg4[%mul3A_275, %dma_wait3A_280] : memref<1000000x128xf32, #tpu.memory_space<hbm>> -> memref<128x128xf32, #tpu.memory_space<hbm>>
          %dma_wait3A_282 = arith.constant 0 : i32
          %dma_wait3A_283 = tpu.memref_slice %arg4[%mul3A_275, %dma_wait3A_282] : memref<1000000x128xf32, #tpu.memory_space<hbm>> -> memref<128x128xf32, #tpu.memory_space<hbm>>
          %dma_wait3A_284 = arith.constant 0 : i32
          %dma_wait3A_285 = arith.constant 0 : i32
          %dma_wait3A_286 = tpu.memref_slice %arg6[%dma_wait3A, %dma_wait3A_284, %dma_wait3A_285] : memref<2x128x128xf32, #tpu.memory_space<vmem>> -> memref<1x128x128xf32, #tpu.memory_space<vmem>>
          %dma_wait3A_287 = tpu.memref_squeeze %dma_wait3A_286 : memref<1x128x128xf32, #tpu.memory_space<vmem>> -> memref<128x128xf32, #tpu.memory_space<vmem>>
          tpu.wait_dma2 semaphore(%arg10 : memref<!tpu.dma_semaphore, #tpu.memory_space<semaphore_mem>>) src(%dma_wait3A_287 : memref<128x128xf32, #tpu.memory_space<vmem>>) dst(%dma_wait3A_283 : memref<128x128xf32, #tpu.memory_space<hbm>>)
        } else {
        }
      } else {
      }
      %mul3A_185 = arith.constant 32 : i32
      %mul3A_186 = arith.muli %mul3A_162, %mul3A_185 : i32
      %add3A_187 = arith.addi %mul3A_186, %add3A : i32
      %lt3A_188 = arith.constant 7812 : i32
      %lt3A_189 = arith.cmpi slt, %add3A_187, %lt3A_188 : i32
      %convert_element_type3A_190 = arith.extui %lt3A_189 : i1 to i32
      %cond3A_191 = arith.constant 0 : i32
      %cond3A_192 = arith.cmpi ne, %convert_element_type3A_190, %cond3A_191 : i32
      scf.if %cond3A_192 {
        %scan3A_260 = arith.constant 0 : i32
        %scan3A_261 = arith.constant 0 : i32
        %scan3A_262 = arith.constant 0 : i32
        %scan3A_263 = arith.constant 0 : i32
        %scan3A_264 = arith.constant 32 : i32
        %scan3A_265 = arith.addi %scan3A_263, %scan3A_264 : i32
        %scan3A_266 = arith.constant 1 : i32
        scf.for %scan3A_285 = %scan3A_263 to %scan3A_265 step %scan3A_266  : i32 {
          %jit3A = arith.constant 4 : i32
          %div3A = arith.divsi %scan3A_285, %jit3A : i32
          %sign3A = arith.constant 0 : i32
          %sign3A_286 = arith.cmpi sgt, %scan3A_285, %sign3A : i32
          %sign3A_287 = arith.extui %sign3A_286 : i1 to i32
          %sign3A_288 = arith.constant 0 : i32
          %sign3A_289 = arith.cmpi slt, %scan3A_285, %sign3A_288 : i32
          %sign3A_290 = arith.extui %sign3A_289 : i1 to i32
          %sign3A_291 = arith.subi %sign3A_287, %sign3A_290 : i32
          %sign3A_292 = arith.constant 0 : i32
          %sign3A_293 = arith.cmpi sgt, %jit3A, %sign3A_292 : i32
          %sign3A_294 = arith.extui %sign3A_293 : i1 to i32
          %sign3A_295 = arith.constant 0 : i32
          %sign3A_296 = arith.cmpi slt, %jit3A, %sign3A_295 : i32
          %sign3A_297 = arith.extui %sign3A_296 : i1 to i32
          %sign3A_298 = arith.subi %sign3A_294, %sign3A_297 : i32
          %ne3A = arith.cmpi ne, %sign3A_291, %sign3A_298 : i32
          %rem3A = arith.remsi %scan3A_285, %jit3A : i32
          %ne3A_299 = arith.constant 0 : i32
          %ne3A_300 = arith.cmpi ne, %rem3A, %ne3A_299 : i32
          %and3A_301 = arith.andi %ne3A, %ne3A_300 : i1
          %sub3A = arith.constant 1 : i32
          %sub3A_302 = arith.subi %div3A, %sub3A : i32
          %select_n3A = arith.select %and3A_301, %sub3A_302, %div3A : i32
          %mul3A_303 = arith.constant 16 : i32
          %mul3A_304 = arith.muli %select_n3A, %mul3A_303 : i32
          %jit3A_305 = arith.constant 4 : i32
          %eq3A = arith.constant 0 : i32
          %eq3A_306 = arith.cmpi eq, %jit3A_305, %eq3A : i32
          %jit3A_307 = arith.constant 1 : i32
          %select_n3A_308 = arith.select %eq3A_306, %jit3A_307, %jit3A_305 : i32
          %rem3A_309 = arith.remsi %scan3A_285, %select_n3A_308 : i32
          %ne3A_310 = arith.constant 0 : i32
          %ne3A_311 = arith.cmpi ne, %rem3A_309, %ne3A_310 : i32
          %lt3A_312 = arith.constant 0 : i32
          %lt3A_313 = arith.cmpi slt, %rem3A_309, %lt3A_312 : i32
          %lt3A_314 = arith.constant 0 : i32
          %lt3A_315 = arith.cmpi slt, %select_n3A_308, %lt3A_314 : i32
          %ne3A_316 = arith.xori %lt3A_313, %lt3A_315 : i1
          %and3A_317 = arith.andi %ne3A_316, %ne3A_311 : i1
          %add3A_318 = arith.addi %rem3A_309, %select_n3A_308 : i32
          %select_n3A_319 = arith.select %and3A_317, %add3A_318, %rem3A_309 : i32
          %mul3A_320 = arith.constant 16 : i32
          %mul3A_321 = arith.muli %select_n3A_319, %mul3A_320 : i32
          %add3A_322 = vector.broadcast %mul3A_304 : i32 to vector<16xi32>
          %add3A_323 = arith.addi %iota3A, %add3A_322 : vector<16xi32>
          %add3A_324 = vector.broadcast %mul3A_321 : i32 to vector<16xi32>
          %add3A_325 = arith.addi %and3A_5, %add3A_324 : vector<16xi32>
          %add3A_326 = vector.broadcast %mul3A_321 : i32 to vector<16xi32>
          %add3A_327 = arith.addi %and3A_11, %add3A_326 : vector<16xi32>
          %add3A_328 = vector.broadcast %mul3A_321 : i32 to vector<16xi32>
          %add3A_329 = arith.addi %and3A_17, %add3A_328 : vector<16xi32>
          %add3A_330 = vector.broadcast %mul3A_321 : i32 to vector<16xi32>
          %add3A_331 = arith.addi %and3A_23, %add3A_330 : vector<16xi32>
          %gather3A = arith.constant 0 : i32
          %gather3A_332 = arith.constant 0 : i32
          %gather3A_333 = tpu.memref_slice %arg5[%scan3A_261, %gather3A, %gather3A_332] : memref<2x64x128xf32, #tpu.memory_space<vmem>> -> memref<1x64x128xf32, #tpu.memory_space<vmem>>
          %gather3A_334 = tpu.memref_squeeze %gather3A_333 : memref<1x64x128xf32, #tpu.memory_space<vmem>> -> memref<64x128xf32, #tpu.memory_space<vmem>>
          %gather3A_335 = tpu.vector_load_idx %gather3A_334[%add3A_325, %add3A_323] : memref<64x128xf32, #tpu.memory_space<vmem>>[vector<16xi32>, vector<16xi32>], vector<16xf32>,
          %gather3A_336 = arith.constant 0 : i32
          %gather3A_337 = arith.constant 0 : i32
          %gather3A_338 = tpu.memref_slice %arg5[%scan3A_261, %gather3A_336, %gather3A_337] : memref<2x64x128xf32, #tpu.memory_space<vmem>> -> memref<1x64x128xf32, #tpu.memory_space<vmem>>
          %gather3A_339 = tpu.memref_squeeze %gather3A_338 : memref<1x64x128xf32, #tpu.memory_space<vmem>> -> memref<64x128xf32, #tpu.memory_space<vmem>>
          %gather3A_340 = tpu.vector_load_idx %gather3A_339[%add3A_327, %add3A_323] : memref<64x128xf32, #tpu.memory_space<vmem>>[vector<16xi32>, vector<16xi32>], vector<16xf32>,
          %gather3A_341 = arith.constant 0 : i32
          %gather3A_342 = arith.constant 0 : i32
          %gather3A_343 = tpu.memref_slice %arg5[%scan3A_261, %gather3A_341, %gather3A_342] : memref<2x64x128xf32, #tpu.memory_space<vmem>> -> memref<1x64x128xf32, #tpu.memory_space<vmem>>
          %gather3A_344 = tpu.memref_squeeze %gather3A_343 : memref<1x64x128xf32, #tpu.memory_space<vmem>> -> memref<64x128xf32, #tpu.memory_space<vmem>>
          %gather3A_345 = tpu.vector_load_idx %gather3A_344[%add3A_329, %add3A_323] : memref<64x128xf32, #tpu.memory_space<vmem>>[vector<16xi32>, vector<16xi32>], vector<16xf32>,
          %gather3A_346 = arith.constant 0 : i32
          %gather3A_347 = arith.constant 0 : i32
          %gather3A_348 = tpu.memref_slice %arg5[%scan3A_261, %gather3A_346, %gather3A_347] : memref<2x64x128xf32, #tpu.memory_space<vmem>> -> memref<1x64x128xf32, #tpu.memory_space<vmem>>
          %gather3A_349 = tpu.memref_squeeze %gather3A_348 : memref<1x64x128xf32, #tpu.memory_space<vmem>> -> memref<64x128xf32, #tpu.memory_space<vmem>>
          %gather3A_350 = tpu.vector_load_idx %gather3A_349[%add3A_331, %add3A_323] : memref<64x128xf32, #tpu.memory_space<vmem>>[vector<16xi32>, vector<16xi32>], vector<16xf32>,
          %scatter3A = arith.constant 0 : i32
          %scatter3A_351 = arith.constant 0 : i32
          %scatter3A_352 = tpu.memref_slice %arg6[%scan3A_262, %scatter3A, %scatter3A_351] : memref<2x128x128xf32, #tpu.memory_space<vmem>> -> memref<1x128x128xf32, #tpu.memory_space<vmem>>
          %scatter3A_353 = tpu.memref_squeeze %scatter3A_352 : memref<1x128x128xf32, #tpu.memory_space<vmem>> -> memref<128x128xf32, #tpu.memory_space<vmem>>
          tpu.vector_store_idx %scatter3A_353[%add3A_323, %add3A_325], %gather3A_335 : memref<128x128xf32, #tpu.memory_space<vmem>>[vector<16xi32>, vector<16xi32>], vector<16xf32>,
          %scatter3A_354 = arith.constant 0 : i32
          %scatter3A_355 = arith.constant 0 : i32
          %scatter3A_356 = tpu.memref_slice %arg6[%scan3A_262, %scatter3A_354, %scatter3A_355] : memref<2x128x128xf32, #tpu.memory_space<vmem>> -> memref<1x128x128xf32, #tpu.memory_space<vmem>>
          %scatter3A_357 = tpu.memref_squeeze %scatter3A_356 : memref<1x128x128xf32, #tpu.memory_space<vmem>> -> memref<128x128xf32, #tpu.memory_space<vmem>>
          tpu.vector_store_idx %scatter3A_357[%add3A_323, %add3A_327], %gather3A_340 : memref<128x128xf32, #tpu.memory_space<vmem>>[vector<16xi32>, vector<16xi32>], vector<16xf32>,
          %scatter3A_358 = arith.constant 0 : i32
          %scatter3A_359 = arith.constant 0 : i32
          %scatter3A_360 = tpu.memref_slice %arg6[%scan3A_262, %scatter3A_358, %scatter3A_359] : memref<2x128x128xf32, #tpu.memory_space<vmem>> -> memref<1x128x128xf32, #tpu.memory_space<vmem>>
          %scatter3A_361 = tpu.memref_squeeze %scatter3A_360 : memref<1x128x128xf32, #tpu.memory_space<vmem>> -> memref<128x128xf32, #tpu.memory_space<vmem>>
          tpu.vector_store_idx %scatter3A_361[%add3A_323, %add3A_329], %gather3A_345 : memref<128x128xf32, #tpu.memory_space<vmem>>[vector<16xi32>, vector<16xi32>], vector<16xf32>,
          %scatter3A_362 = arith.constant 0 : i32
          %scatter3A_363 = arith.constant 0 : i32
          %scatter3A_364 = tpu.memref_slice %arg6[%scan3A_262, %scatter3A_362, %scatter3A_363] : memref<2x128x128xf32, #tpu.memory_space<vmem>> -> memref<1x128x128xf32, #tpu.memory_space<vmem>>
          %scatter3A_365 = tpu.memref_squeeze %scatter3A_364 : memref<1x128x128xf32, #tpu.memory_space<vmem>> -> memref<128x128xf32, #tpu.memory_space<vmem>>
          tpu.vector_store_idx %scatter3A_365[%add3A_323, %add3A_331], %gather3A_350 : memref<128x128xf32, #tpu.memory_space<vmem>>[vector<16xi32>, vector<16xi32>], vector<16xf32>,
          %add3A_366 = vector.broadcast %mul3A_321 : i32 to vector<16xi32>
          %add3A_367 = arith.addi %and3A_29, %add3A_366 : vector<16xi32>
          %add3A_368 = vector.broadcast %mul3A_321 : i32 to vector<16xi32>
          %add3A_369 = arith.addi %and3A_35, %add3A_368 : vector<16xi32>
          %add3A_370 = vector.broadcast %mul3A_321 : i32 to vector<16xi32>
          %add3A_371 = arith.addi %and3A_41, %add3A_370 : vector<16xi32>
          %add3A_372 = vector.broadcast %mul3A_321 : i32 to vector<16xi32>
          %add3A_373 = arith.addi %and3A_47, %add3A_372 : vector<16xi32>
          %gather3A_374 = arith.constant 0 : i32
          %gather3A_375 = arith.constant 0 : i32
          %gather3A_376 = tpu.memref_slice %arg5[%scan3A_261, %gather3A_374, %gather3A_375] : memref<2x64x128xf32, #tpu.memory_space<vmem>> -> memref<1x64x128xf32, #tpu.memory_space<vmem>>
          %gather3A_377 = tpu.memref_squeeze %gather3A_376 : memref<1x64x128xf32, #tpu.memory_space<vmem>> -> memref<64x128xf32, #tpu.memory_space<vmem>>
          %gather3A_378 = tpu.vector_load_idx %gather3A_377[%add3A_367, %add3A_323] : memref<64x128xf32, #tpu.memory_space<vmem>>[vector<16xi32>, vector<16xi32>], vector<16xf32>,
          %gather3A_379 = arith.constant 0 : i32
          %gather3A_380 = arith.constant 0 : i32
          %gather3A_381 = tpu.memref_slice %arg5[%scan3A_261, %gather3A_379, %gather3A_380] : memref<2x64x128xf32, #tpu.memory_space<vmem>> -> memref<1x64x128xf32, #tpu.memory_space<vmem>>
          %gather3A_382 = tpu.memref_squeeze %gather3A_381 : memref<1x64x128xf32, #tpu.memory_space<vmem>> -> memref<64x128xf32, #tpu.memory_space<vmem>>
          %gather3A_383 = tpu.vector_load_idx %gather3A_382[%add3A_369, %add3A_323] : memref<64x128xf32, #tpu.memory_space<vmem>>[vector<16xi32>, vector<16xi32>], vector<16xf32>,
          %gather3A_384 = arith.constant 0 : i32
          %gather3A_385 = arith.constant 0 : i32
          %gather3A_386 = tpu.memref_slice %arg5[%scan3A_261, %gather3A_384, %gather3A_385] : memref<2x64x128xf32, #tpu.memory_space<vmem>> -> memref<1x64x128xf32, #tpu.memory_space<vmem>>
          %gather3A_387 = tpu.memref_squeeze %gather3A_386 : memref<1x64x128xf32, #tpu.memory_space<vmem>> -> memref<64x128xf32, #tpu.memory_space<vmem>>
          %gather3A_388 = tpu.vector_load_idx %gather3A_387[%add3A_371, %add3A_323] : memref<64x128xf32, #tpu.memory_space<vmem>>[vector<16xi32>, vector<16xi32>], vector<16xf32>,
          %gather3A_389 = arith.constant 0 : i32
          %gather3A_390 = arith.constant 0 : i32
          %gather3A_391 = tpu.memref_slice %arg5[%scan3A_261, %gather3A_389, %gather3A_390] : memref<2x64x128xf32, #tpu.memory_space<vmem>> -> memref<1x64x128xf32, #tpu.memory_space<vmem>>
          %gather3A_392 = tpu.memref_squeeze %gather3A_391 : memref<1x64x128xf32, #tpu.memory_space<vmem>> -> memref<64x128xf32, #tpu.memory_space<vmem>>
          %gather3A_393 = tpu.vector_load_idx %gather3A_392[%add3A_373, %add3A_323] : memref<64x128xf32, #tpu.memory_space<vmem>>[vector<16xi32>, vector<16xi32>], vector<16xf32>,
          %scatter3A_394 = arith.constant 0 : i32
          %scatter3A_395 = arith.constant 0 : i32
          %scatter3A_396 = tpu.memref_slice %arg6[%scan3A_262, %scatter3A_394, %scatter3A_395] : memref<2x128x128xf32, #tpu.memory_space<vmem>> -> memref<1x128x128xf32, #tpu.memory_space<vmem>>
          %scatter3A_397 = tpu.memref_squeeze %scatter3A_396 : memref<1x128x128xf32, #tpu.memory_space<vmem>> -> memref<128x128xf32, #tpu.memory_space<vmem>>
          tpu.vector_store_idx %scatter3A_397[%add3A_323, %add3A_367], %gather3A_378 : memref<128x128xf32, #tpu.memory_space<vmem>>[vector<16xi32>, vector<16xi32>], vector<16xf32>,
          %scatter3A_398 = arith.constant 0 : i32
          %scatter3A_399 = arith.constant 0 : i32
          %scatter3A_400 = tpu.memref_slice %arg6[%scan3A_262, %scatter3A_398, %scatter3A_399] : memref<2x128x128xf32, #tpu.memory_space<vmem>> -> memref<1x128x128xf32, #tpu.memory_space<vmem>>
          %scatter3A_401 = tpu.memref_squeeze %scatter3A_400 : memref<1x128x128xf32, #tpu.memory_space<vmem>> -> memref<128x128xf32, #tpu.memory_space<vmem>>
          tpu.vector_store_idx %scatter3A_401[%add3A_323, %add3A_369], %gather3A_383 : memref<128x128xf32, #tpu.memory_space<vmem>>[vector<16xi32>, vector<16xi32>], vector<16xf32>,
          %scatter3A_402 = arith.constant 0 : i32
          %scatter3A_403 = arith.constant 0 : i32
          %scatter3A_404 = tpu.memref_slice %arg6[%scan3A_262, %scatter3A_402, %scatter3A_403] : memref<2x128x128xf32, #tpu.memory_space<vmem>> -> memref<1x128x128xf32, #tpu.memory_space<vmem>>
          %scatter3A_405 = tpu.memref_squeeze %scatter3A_404 : memref<1x128x128xf32, #tpu.memory_space<vmem>> -> memref<128x128xf32, #tpu.memory_space<vmem>>
          tpu.vector_store_idx %scatter3A_405[%add3A_323, %add3A_371], %gather3A_388 : memref<128x128xf32, #tpu.memory_space<vmem>>[vector<16xi32>, vector<16xi32>], vector<16xf32>,
          %scatter3A_406 = arith.constant 0 : i32
          %scatter3A_407 = arith.constant 0 : i32
          %scatter3A_408 = tpu.memref_slice %arg6[%scan3A_262, %scatter3A_406, %scatter3A_407] : memref<2x128x128xf32, #tpu.memory_space<vmem>> -> memref<1x128x128xf32, #tpu.memory_space<vmem>>
          %scatter3A_409 = tpu.memref_squeeze %scatter3A_408 : memref<1x128x128xf32, #tpu.memory_space<vmem>> -> memref<128x128xf32, #tpu.memory_space<vmem>>
          tpu.vector_store_idx %scatter3A_409[%add3A_323, %add3A_373], %gather3A_393 : memref<128x128xf32, #tpu.memory_space<vmem>>[vector<16xi32>, vector<16xi32>], vector<16xf32>,
          %add3A_410 = vector.broadcast %mul3A_321 : i32 to vector<16xi32>
          %add3A_411 = arith.addi %and3A_53, %add3A_410 : vector<16xi32>
          %add3A_412 = vector.broadcast %mul3A_321 : i32 to vector<16xi32>
          %add3A_413 = arith.addi %and3A_59, %add3A_412 : vector<16xi32>
          %add3A_414 = vector.broadcast %mul3A_321 : i32 to vector<16xi32>
          %add3A_415 = arith.addi %and3A_65, %add3A_414 : vector<16xi32>
          %add3A_416 = vector.broadcast %mul3A_321 : i32 to vector<16xi32>
          %add3A_417 = arith.addi %and3A_71, %add3A_416 : vector<16xi32>
          %gather3A_418 = arith.constant 0 : i32
          %gather3A_419 = arith.constant 0 : i32
          %gather3A_420 = tpu.memref_slice %arg5[%scan3A_261, %gather3A_418, %gather3A_419] : memref<2x64x128xf32, #tpu.memory_space<vmem>> -> memref<1x64x128xf32, #tpu.memory_space<vmem>>
          %gather3A_421 = tpu.memref_squeeze %gather3A_420 : memref<1x64x128xf32, #tpu.memory_space<vmem>> -> memref<64x128xf32, #tpu.memory_space<vmem>>
          %gather3A_422 = tpu.vector_load_idx %gather3A_421[%add3A_411, %add3A_323] : memref<64x128xf32, #tpu.memory_space<vmem>>[vector<16xi32>, vector<16xi32>], vector<16xf32>,
          %gather3A_423 = arith.constant 0 : i32
          %gather3A_424 = arith.constant 0 : i32
          %gather3A_425 = tpu.memref_slice %arg5[%scan3A_261, %gather3A_423, %gather3A_424] : memref<2x64x128xf32, #tpu.memory_space<vmem>> -> memref<1x64x128xf32, #tpu.memory_space<vmem>>
          %gather3A_426 = tpu.memref_squeeze %gather3A_425 : memref<1x64x128xf32, #tpu.memory_space<vmem>> -> memref<64x128xf32, #tpu.memory_space<vmem>>
          %gather3A_427 = tpu.vector_load_idx %gather3A_426[%add3A_413, %add3A_323] : memref<64x128xf32, #tpu.memory_space<vmem>>[vector<16xi32>, vector<16xi32>], vector<16xf32>,
          %gather3A_428 = arith.constant 0 : i32
          %gather3A_429 = arith.constant 0 : i32
          %gather3A_430 = tpu.memref_slice %arg5[%scan3A_261, %gather3A_428, %gather3A_429] : memref<2x64x128xf32, #tpu.memory_space<vmem>> -> memref<1x64x128xf32, #tpu.memory_space<vmem>>
          %gather3A_431 = tpu.memref_squeeze %gather3A_430 : memref<1x64x128xf32, #tpu.memory_space<vmem>> -> memref<64x128xf32, #tpu.memory_space<vmem>>
          %gather3A_432 = tpu.vector_load_idx %gather3A_431[%add3A_415, %add3A_323] : memref<64x128xf32, #tpu.memory_space<vmem>>[vector<16xi32>, vector<16xi32>], vector<16xf32>,
          %gather3A_433 = arith.constant 0 : i32
          %gather3A_434 = arith.constant 0 : i32
          %gather3A_435 = tpu.memref_slice %arg5[%scan3A_261, %gather3A_433, %gather3A_434] : memref<2x64x128xf32, #tpu.memory_space<vmem>> -> memref<1x64x128xf32, #tpu.memory_space<vmem>>
          %gather3A_436 = tpu.memref_squeeze %gather3A_435 : memref<1x64x128xf32, #tpu.memory_space<vmem>> -> memref<64x128xf32, #tpu.memory_space<vmem>>
          %gather3A_437 = tpu.vector_load_idx %gather3A_436[%add3A_417, %add3A_323] : memref<64x128xf32, #tpu.memory_space<vmem>>[vector<16xi32>, vector<16xi32>], vector<16xf32>,
          %scatter3A_438 = arith.constant 0 : i32
          %scatter3A_439 = arith.constant 0 : i32
          %scatter3A_440 = tpu.memref_slice %arg6[%scan3A_262, %scatter3A_438, %scatter3A_439] : memref<2x128x128xf32, #tpu.memory_space<vmem>> -> memref<1x128x128xf32, #tpu.memory_space<vmem>>
          %scatter3A_441 = tpu.memref_squeeze %scatter3A_440 : memref<1x128x128xf32, #tpu.memory_space<vmem>> -> memref<128x128xf32, #tpu.memory_space<vmem>>
          tpu.vector_store_idx %scatter3A_441[%add3A_323, %add3A_411], %gather3A_422 : memref<128x128xf32, #tpu.memory_space<vmem>>[vector<16xi32>, vector<16xi32>], vector<16xf32>,
          %scatter3A_442 = arith.constant 0 : i32
          %scatter3A_443 = arith.constant 0 : i32
          %scatter3A_444 = tpu.memref_slice %arg6[%scan3A_262, %scatter3A_442, %scatter3A_443] : memref<2x128x128xf32, #tpu.memory_space<vmem>> -> memref<1x128x128xf32, #tpu.memory_space<vmem>>
          %scatter3A_445 = tpu.memref_squeeze %scatter3A_444 : memref<1x128x128xf32, #tpu.memory_space<vmem>> -> memref<128x128xf32, #tpu.memory_space<vmem>>
          tpu.vector_store_idx %scatter3A_445[%add3A_323, %add3A_413], %gather3A_427 : memref<128x128xf32, #tpu.memory_space<vmem>>[vector<16xi32>, vector<16xi32>], vector<16xf32>,
          %scatter3A_446 = arith.constant 0 : i32
          %scatter3A_447 = arith.constant 0 : i32
          %scatter3A_448 = tpu.memref_slice %arg6[%scan3A_262, %scatter3A_446, %scatter3A_447] : memref<2x128x128xf32, #tpu.memory_space<vmem>> -> memref<1x128x128xf32, #tpu.memory_space<vmem>>
          %scatter3A_449 = tpu.memref_squeeze %scatter3A_448 : memref<1x128x128xf32, #tpu.memory_space<vmem>> -> memref<128x128xf32, #tpu.memory_space<vmem>>
          tpu.vector_store_idx %scatter3A_449[%add3A_323, %add3A_415], %gather3A_432 : memref<128x128xf32, #tpu.memory_space<vmem>>[vector<16xi32>, vector<16xi32>], vector<16xf32>,
          %scatter3A_450 = arith.constant 0 : i32
          %scatter3A_451 = arith.constant 0 : i32
          %scatter3A_452 = tpu.memref_slice %arg6[%scan3A_262, %scatter3A_450, %scatter3A_451] : memref<2x128x128xf32, #tpu.memory_space<vmem>> -> memref<1x128x128xf32, #tpu.memory_space<vmem>>
          %scatter3A_453 = tpu.memref_squeeze %scatter3A_452 : memref<1x128x128xf32, #tpu.memory_space<vmem>> -> memref<128x128xf32, #tpu.memory_space<vmem>>
          tpu.vector_store_idx %scatter3A_453[%add3A_323, %add3A_417], %gather3A_437 : memref<128x128xf32, #tpu.memory_space<vmem>>[vector<16xi32>, vector<16xi32>], vector<16xf32>,
          %add3A_454 = vector.broadcast %mul3A_321 : i32 to vector<16xi32>
          %add3A_455 = arith.addi %and3A_77, %add3A_454 : vector<16xi32>
          %add3A_456 = vector.broadcast %mul3A_321 : i32 to vector<16xi32>
          %add3A_457 = arith.addi %and3A_83, %add3A_456 : vector<16xi32>
          %add3A_458 = vector.broadcast %mul3A_321 : i32 to vector<16xi32>
          %add3A_459 = arith.addi %and3A_89, %add3A_458 : vector<16xi32>
          %add3A_460 = vector.broadcast %mul3A_321 : i32 to vector<16xi32>
          %add3A_461 = arith.addi %and3A_95, %add3A_460 : vector<16xi32>
          %gather3A_462 = arith.constant 0 : i32
          %gather3A_463 = arith.constant 0 : i32
          %gather3A_464 = tpu.memref_slice %arg5[%scan3A_261, %gather3A_462, %gather3A_463] : memref<2x64x128xf32, #tpu.memory_space<vmem>> -> memref<1x64x128xf32, #tpu.memory_space<vmem>>
          %gather3A_465 = tpu.memref_squeeze %gather3A_464 : memref<1x64x128xf32, #tpu.memory_space<vmem>> -> memref<64x128xf32, #tpu.memory_space<vmem>>
          %gather3A_466 = tpu.vector_load_idx %gather3A_465[%add3A_455, %add3A_323] : memref<64x128xf32, #tpu.memory_space<vmem>>[vector<16xi32>, vector<16xi32>], vector<16xf32>,
          %gather3A_467 = arith.constant 0 : i32
          %gather3A_468 = arith.constant 0 : i32
          %gather3A_469 = tpu.memref_slice %arg5[%scan3A_261, %gather3A_467, %gather3A_468] : memref<2x64x128xf32, #tpu.memory_space<vmem>> -> memref<1x64x128xf32, #tpu.memory_space<vmem>>
          %gather3A_470 = tpu.memref_squeeze %gather3A_469 : memref<1x64x128xf32, #tpu.memory_space<vmem>> -> memref<64x128xf32, #tpu.memory_space<vmem>>
          %gather3A_471 = tpu.vector_load_idx %gather3A_470[%add3A_457, %add3A_323] : memref<64x128xf32, #tpu.memory_space<vmem>>[vector<16xi32>, vector<16xi32>], vector<16xf32>,
          %gather3A_472 = arith.constant 0 : i32
          %gather3A_473 = arith.constant 0 : i32
          %gather3A_474 = tpu.memref_slice %arg5[%scan3A_261, %gather3A_472, %gather3A_473] : memref<2x64x128xf32, #tpu.memory_space<vmem>> -> memref<1x64x128xf32, #tpu.memory_space<vmem>>
          %gather3A_475 = tpu.memref_squeeze %gather3A_474 : memref<1x64x128xf32, #tpu.memory_space<vmem>> -> memref<64x128xf32, #tpu.memory_space<vmem>>
          %gather3A_476 = tpu.vector_load_idx %gather3A_475[%add3A_459, %add3A_323] : memref<64x128xf32, #tpu.memory_space<vmem>>[vector<16xi32>, vector<16xi32>], vector<16xf32>,
          %gather3A_477 = arith.constant 0 : i32
          %gather3A_478 = arith.constant 0 : i32
          %gather3A_479 = tpu.memref_slice %arg5[%scan3A_261, %gather3A_477, %gather3A_478] : memref<2x64x128xf32, #tpu.memory_space<vmem>> -> memref<1x64x128xf32, #tpu.memory_space<vmem>>
          %gather3A_480 = tpu.memref_squeeze %gather3A_479 : memref<1x64x128xf32, #tpu.memory_space<vmem>> -> memref<64x128xf32, #tpu.memory_space<vmem>>
          %gather3A_481 = tpu.vector_load_idx %gather3A_480[%add3A_461, %add3A_323] : memref<64x128xf32, #tpu.memory_space<vmem>>[vector<16xi32>, vector<16xi32>], vector<16xf32>,
          %scatter3A_482 = arith.constant 0 : i32
          %scatter3A_483 = arith.constant 0 : i32
          %scatter3A_484 = tpu.memref_slice %arg6[%scan3A_262, %scatter3A_482, %scatter3A_483] : memref<2x128x128xf32, #tpu.memory_space<vmem>> -> memref<1x128x128xf32, #tpu.memory_space<vmem>>
          %scatter3A_485 = tpu.memref_squeeze %scatter3A_484 : memref<1x128x128xf32, #tpu.memory_space<vmem>> -> memref<128x128xf32, #tpu.memory_space<vmem>>
          tpu.vector_store_idx %scatter3A_485[%add3A_323, %add3A_455], %gather3A_466 : memref<128x128xf32, #tpu.memory_space<vmem>>[vector<16xi32>, vector<16xi32>], vector<16xf32>,
          %scatter3A_486 = arith.constant 0 : i32
          %scatter3A_487 = arith.constant 0 : i32
          %scatter3A_488 = tpu.memref_slice %arg6[%scan3A_262, %scatter3A_486, %scatter3A_487] : memref<2x128x128xf32, #tpu.memory_space<vmem>> -> memref<1x128x128xf32, #tpu.memory_space<vmem>>
          %scatter3A_489 = tpu.memref_squeeze %scatter3A_488 : memref<1x128x128xf32, #tpu.memory_space<vmem>> -> memref<128x128xf32, #tpu.memory_space<vmem>>
          tpu.vector_store_idx %scatter3A_489[%add3A_323, %add3A_457], %gather3A_471 : memref<128x128xf32, #tpu.memory_space<vmem>>[vector<16xi32>, vector<16xi32>], vector<16xf32>,
          %scatter3A_490 = arith.constant 0 : i32
          %scatter3A_491 = arith.constant 0 : i32
          %scatter3A_492 = tpu.memref_slice %arg6[%scan3A_262, %scatter3A_490, %scatter3A_491] : memref<2x128x128xf32, #tpu.memory_space<vmem>> -> memref<1x128x128xf32, #tpu.memory_space<vmem>>
          %scatter3A_493 = tpu.memref_squeeze %scatter3A_492 : memref<1x128x128xf32, #tpu.memory_space<vmem>> -> memref<128x128xf32, #tpu.memory_space<vmem>>
          tpu.vector_store_idx %scatter3A_493[%add3A_323, %add3A_459], %gather3A_476 : memref<128x128xf32, #tpu.memory_space<vmem>>[vector<16xi32>, vector<16xi32>], vector<16xf32>,
          %scatter3A_494 = arith.constant 0 : i32
          %scatter3A_495 = arith.constant 0 : i32
          %scatter3A_496 = tpu.memref_slice %arg6[%scan3A_262, %scatter3A_494, %scatter3A_495] : memref<2x128x128xf32, #tpu.memory_space<vmem>> -> memref<1x128x128xf32, #tpu.memory_space<vmem>>
          %scatter3A_497 = tpu.memref_squeeze %scatter3A_496 : memref<1x128x128xf32, #tpu.memory_space<vmem>> -> memref<128x128xf32, #tpu.memory_space<vmem>>
          tpu.vector_store_idx %scatter3A_497[%add3A_323, %add3A_461], %gather3A_481 : memref<128x128xf32, #tpu.memory_space<vmem>>[vector<16xi32>, vector<16xi32>], vector<16xf32>,
        }
        %scan3A_267 = arith.constant 32 : i32
        %mul3A_268 = arith.constant 32 : i32
        %mul3A_269 = arith.muli %mul3A_162, %mul3A_268 : i32
        %add3A_270 = arith.addi %mul3A_269, %add3A : i32
        %mul3A_271 = arith.constant 128 : i32
        %mul3A_272 = arith.muli %add3A_270, %mul3A_271 : i32
        %dma_start3A = arith.constant 0 : i32
        %dma_start3A_273 = arith.constant 0 : i32
        %dma_start3A_274 = arith.constant 0 : i32
        %dma_start3A_275 = tpu.memref_slice %arg6[%dma_start3A, %dma_start3A_273, %dma_start3A_274] : memref<2x128x128xf32, #tpu.memory_space<vmem>> -> memref<1x128x128xf32, #tpu.memory_space<vmem>>
        %dma_start3A_276 = tpu.memref_squeeze %dma_start3A_275 : memref<1x128x128xf32, #tpu.memory_space<vmem>> -> memref<128x128xf32, #tpu.memory_space<vmem>>
        %dma_start3A_277 = arith.constant 0 : i32
        %dma_start3A_278 = tpu.memref_slice %arg4[%mul3A_272, %dma_start3A_277] : memref<1000000x128xf32, #tpu.memory_space<hbm>> -> memref<128x128xf32, #tpu.memory_space<hbm>>
        %dma_start3A_279 = arith.constant 0 : i32
        %dma_start3A_280 = tpu.memref_slice %arg4[%mul3A_272, %dma_start3A_279] : memref<1000000x128xf32, #tpu.memory_space<hbm>> -> memref<128x128xf32, #tpu.memory_space<hbm>>
        %dma_start3A_281 = arith.constant 0 : i32
        %dma_start3A_282 = arith.constant 0 : i32
        %dma_start3A_283 = tpu.memref_slice %arg6[%dma_start3A, %dma_start3A_281, %dma_start3A_282] : memref<2x128x128xf32, #tpu.memory_space<vmem>> -> memref<1x128x128xf32, #tpu.memory_space<vmem>>
        %dma_start3A_284 = tpu.memref_squeeze %dma_start3A_283 : memref<1x128x128xf32, #tpu.memory_space<vmem>> -> memref<128x128xf32, #tpu.memory_space<vmem>>
        tpu.enqueue_dma source(%dma_start3A_284 : memref<128x128xf32, #tpu.memory_space<vmem>>) target(%dma_start3A_280 : memref<128x128xf32, #tpu.memory_space<hbm>>) target_semaphore(%arg10 : memref<!tpu.dma_semaphore, #tpu.memory_space<semaphore_mem>>)
      } else {
      }
      %mul3A_193 = arith.constant 32 : i32
      %mul3A_194 = arith.muli %mul3A_162, %mul3A_193 : i32
      %add3A_195 = arith.addi %mul3A_194, %add3A : i32
      %lt3A_196 = arith.constant 7813 : i32
      %lt3A_197 = arith.cmpi slt, %add3A_195, %lt3A_196 : i32
      %mul3A_198 = arith.constant 32 : i32
      %mul3A_199 = arith.muli %mul3A_162, %mul3A_198 : i32
      %add3A_200 = arith.addi %mul3A_199, %add3A : i32
      %lt3A_201 = arith.constant 7812 : i32
      %lt3A_202 = arith.cmpi slt, %add3A_200, %lt3A_201 : i32
      %not3A_203 = arith.constant true
      %not3A_204 = arith.xori %lt3A_202, %not3A_203 : i1
      %and3A_205 = arith.andi %lt3A_197, %not3A_204 : i1
      %convert_element_type3A_206 = arith.extui %and3A_205 : i1 to i32
      %cond3A_207 = arith.constant 0 : i32
      %cond3A_208 = arith.cmpi ne, %convert_element_type3A_206, %cond3A_207 : i32
      scf.if %cond3A_208 {
        "tpu.region"() ({
          %run_scoped3A = tpu.sem_alloc : memref<!tpu.dma_semaphore, #tpu.memory_space<semaphore_mem>>
          tpu.enqueue_dma source(%arg3 : memref<64x128xf32, #tpu.memory_space<hbm>>) target(%arg7 : memref<64x128xf32, #tpu.memory_space<vmem>>) target_semaphore(%run_scoped3A : memref<!tpu.dma_semaphore, #tpu.memory_space<semaphore_mem>>)
          tpu.wait_dma2 semaphore(%run_scoped3A : memref<!tpu.dma_semaphore, #tpu.memory_space<semaphore_mem>>) src(%arg3 : memref<64x128xf32, #tpu.memory_space<hbm>>) dst(%arg7 : memref<64x128xf32, #tpu.memory_space<vmem>>)
          tpu.yield
        }) : () -> ()
        %mul3A_260 = arith.constant 32 : i32
        %mul3A_261 = arith.muli %mul3A_162, %mul3A_260 : i32
        %add3A_262 = arith.addi %mul3A_261, %add3A : i32
        %mul3A_263 = arith.constant 128 : i32
        %mul3A_264 = arith.muli %add3A_262, %mul3A_263 : i32
        %dma_start3A = arith.constant 0 : i32
        %dma_start3A_265 = tpu.memref_slice %arg4[%mul3A_264, %dma_start3A] : memref<1000000x128xf32, #tpu.memory_space<hbm>> -> memref<64x128xf32, #tpu.memory_space<hbm>>
        %dma_start3A_266 = arith.constant 0 : i32
        %dma_start3A_267 = tpu.memref_slice %arg4[%mul3A_264, %dma_start3A_266] : memref<1000000x128xf32, #tpu.memory_space<hbm>> -> memref<64x128xf32, #tpu.memory_space<hbm>>
        tpu.enqueue_dma source(%arg7 : memref<64x128xf32, #tpu.memory_space<vmem>>) target(%dma_start3A_267 : memref<64x128xf32, #tpu.memory_space<hbm>>) target_semaphore(%arg12 : memref<!tpu.dma_semaphore, #tpu.memory_space<semaphore_mem>>)
        %dma_wait3A = arith.constant 0 : i32
        %dma_wait3A_268 = tpu.memref_slice %arg4[%mul3A_264, %dma_wait3A] : memref<1000000x128xf32, #tpu.memory_space<hbm>> -> memref<64x128xf32, #tpu.memory_space<hbm>>
        %dma_wait3A_269 = arith.constant 0 : i32
        %dma_wait3A_270 = tpu.memref_slice %arg4[%mul3A_264, %dma_wait3A_269] : memref<1000000x128xf32, #tpu.memory_space<hbm>> -> memref<64x128xf32, #tpu.memory_space<hbm>>
        tpu.wait_dma2 semaphore(%arg12 : memref<!tpu.dma_semaphore, #tpu.memory_space<semaphore_mem>>) src(%arg7 : memref<64x128xf32, #tpu.memory_space<vmem>>) dst(%dma_wait3A_270 : memref<64x128xf32, #tpu.memory_space<hbm>>)
      } else {
      }
      %mul3A_209 = arith.constant 2 : i32
      %mul3A_210 = arith.muli %mul3A_209, %scan3A_160 : i32
      %add3A_211 = arith.constant 1 : i32
      %add3A_212 = arith.addi %mul3A_210, %add3A_211 : i32
      %mul3A_213 = arith.constant 32 : i32
      %mul3A_214 = arith.muli %add3A_212, %mul3A_213 : i32
      %add3A_215 = arith.addi %mul3A_214, %add3A : i32
      %lt3A_216 = arith.constant 7812 : i32
      %lt3A_217 = arith.cmpi slt, %add3A_215, %lt3A_216 : i32
      %convert_element_type3A_218 = arith.extui %lt3A_217 : i1 to i32
      %cond3A_219 = arith.constant 0 : i32
      %cond3A_220 = arith.cmpi ne, %convert_element_type3A_218, %cond3A_219 : i32
      scf.if %cond3A_220 {
        %mul3A_260 = arith.constant 32 : i32
        %mul3A_261 = arith.muli %add3A_212, %mul3A_260 : i32
        %add3A_262 = arith.addi %mul3A_261, %add3A : i32
        %mul3A_263 = arith.constant 128 : i32
        %mul3A_264 = arith.muli %add3A_262, %mul3A_263 : i32
        %dma_wait3A = arith.constant 1 : i32
        %dma_wait3A_265 = arith.constant 0 : i32
        %dma_wait3A_266 = arith.constant 0 : i32
        %dma_wait3A_267 = tpu.memref_slice %arg5[%dma_wait3A, %dma_wait3A_265, %dma_wait3A_266] : memref<2x64x128xf32, #tpu.memory_space<vmem>> -> memref<1x64x128xf32, #tpu.memory_space<vmem>>
        %dma_wait3A_268 = tpu.memref_squeeze %dma_wait3A_267 : memref<1x64x128xf32, #tpu.memory_space<vmem>> -> memref<64x128xf32, #tpu.memory_space<vmem>>
        %dma_wait3A_269 = arith.constant 0 : i32
        %dma_wait3A_270 = tpu.memref_slice %arg2[%dma_wait3A_269, %mul3A_264] : memref<64x1000000xf32, #tpu.memory_space<hbm>> -> memref<64x128xf32, #tpu.memory_space<hbm>>
        %dma_wait3A_271 = arith.constant 0 : i32
        %dma_wait3A_272 = arith.constant 0 : i32
        %dma_wait3A_273 = tpu.memref_slice %arg5[%dma_wait3A, %dma_wait3A_271, %dma_wait3A_272] : memref<2x64x128xf32, #tpu.memory_space<vmem>> -> memref<1x64x128xf32, #tpu.memory_space<vmem>>
        %dma_wait3A_274 = tpu.memref_squeeze %dma_wait3A_273 : memref<1x64x128xf32, #tpu.memory_space<vmem>> -> memref<64x128xf32, #tpu.memory_space<vmem>>
        %dma_wait3A_275 = arith.constant 0 : i32
        %dma_wait3A_276 = tpu.memref_slice %arg2[%dma_wait3A_275, %mul3A_264] : memref<64x1000000xf32, #tpu.memory_space<hbm>> -> memref<64x128xf32, #tpu.memory_space<hbm>>
        tpu.wait_dma2 semaphore(%arg9 : memref<!tpu.dma_semaphore, #tpu.memory_space<semaphore_mem>>) src(%dma_wait3A_276 : memref<64x128xf32, #tpu.memory_space<hbm>>) dst(%dma_wait3A_274 : memref<64x128xf32, #tpu.memory_space<vmem>>)
      } else {
      }
      %add3A_221 = arith.constant 1 : i32
      %add3A_222 = arith.addi %add3A_212, %add3A_221 : i32
      %mul3A_223 = arith.constant 32 : i32
      %mul3A_224 = arith.muli %add3A_222, %mul3A_223 : i32
      %add3A_225 = arith.addi %mul3A_224, %add3A : i32
      %lt3A_226 = arith.constant 7812 : i32
      %lt3A_227 = arith.cmpi slt, %add3A_225, %lt3A_226 : i32
      %convert_element_type3A_228 = arith.extui %lt3A_227 : i1 to i32
      %cond3A_229 = arith.constant 0 : i32
      %cond3A_230 = arith.cmpi ne, %convert_element_type3A_228, %cond3A_229 : i32
      scf.if %cond3A_230 {
        %add3A_260 = arith.constant 1 : i32
        %add3A_261 = arith.addi %add3A_212, %add3A_260 : i32
        %mul3A_262 = arith.constant 32 : i32
        %mul3A_263 = arith.muli %add3A_261, %mul3A_262 : i32
        %add3A_264 = arith.addi %mul3A_263, %add3A : i32
        %mul3A_265 = arith.constant 128 : i32
        %mul3A_266 = arith.muli %add3A_264, %mul3A_265 : i32
        %dma_start3A = arith.constant 0 : i32
        %dma_start3A_267 = arith.constant 0 : i32
        %dma_start3A_268 = arith.constant 0 : i32
        %dma_start3A_269 = tpu.memref_slice %arg5[%dma_start3A, %dma_start3A_267, %dma_start3A_268] : memref<2x64x128xf32, #tpu.memory_space<vmem>> -> memref<1x64x128xf32, #tpu.memory_space<vmem>>
        %dma_start3A_270 = tpu.memref_squeeze %dma_start3A_269 : memref<1x64x128xf32, #tpu.memory_space<vmem>> -> memref<64x128xf32, #tpu.memory_space<vmem>>
        %dma_start3A_271 = arith.constant 0 : i32
        %dma_start3A_272 = tpu.memref_slice %arg2[%dma_start3A_271, %mul3A_266] : memref<64x1000000xf32, #tpu.memory_space<hbm>> -> memref<64x128xf32, #tpu.memory_space<hbm>>
        %dma_start3A_273 = arith.constant 0 : i32
        %dma_start3A_274 = arith.constant 0 : i32
        %dma_start3A_275 = tpu.memref_slice %arg5[%dma_start3A, %dma_start3A_273, %dma_start3A_274] : memref<2x64x128xf32, #tpu.memory_space<vmem>> -> memref<1x64x128xf32, #tpu.memory_space<vmem>>
        %dma_start3A_276 = tpu.memref_squeeze %dma_start3A_275 : memref<1x64x128xf32, #tpu.memory_space<vmem>> -> memref<64x128xf32, #tpu.memory_space<vmem>>
        %dma_start3A_277 = arith.constant 0 : i32
        %dma_start3A_278 = tpu.memref_slice %arg2[%dma_start3A_277, %mul3A_266] : memref<64x1000000xf32, #tpu.memory_space<hbm>> -> memref<64x128xf32, #tpu.memory_space<hbm>>
        tpu.enqueue_dma source(%dma_start3A_278 : memref<64x128xf32, #tpu.memory_space<hbm>>) target(%dma_start3A_276 : memref<64x128xf32, #tpu.memory_space<vmem>>) target_semaphore(%arg8 : memref<!tpu.dma_semaphore, #tpu.memory_space<semaphore_mem>>)
      } else {
      }
      %ge3A_231 = arith.constant 2 : i32
      %ge3A_232 = arith.cmpi sge, %add3A_212, %ge3A_231 : i32
      %convert_element_type3A_233 = arith.extui %ge3A_232 : i1 to i32
      %cond3A_234 = arith.constant 0 : i32
      %cond3A_235 = arith.cmpi ne, %convert_element_type3A_233, %cond3A_234 : i32
      scf.if %cond3A_235 {
        %sub3A = arith.constant 2 : i32
        %sub3A_260 = arith.subi %add3A_212, %sub3A : i32
        %mul3A_261 = arith.constant 32 : i32
        %mul3A_262 = arith.muli %sub3A_260, %mul3A_261 : i32
        %add3A_263 = arith.addi %mul3A_262, %add3A : i32
        %lt3A_264 = arith.constant 7812 : i32
        %lt3A_265 = arith.cmpi slt, %add3A_263, %lt3A_264 : i32
        %convert_element_type3A_266 = arith.extui %lt3A_265 : i1 to i32
        %cond3A_267 = arith.constant 0 : i32
        %cond3A_268 = arith.cmpi ne, %convert_element_type3A_266, %cond3A_267 : i32
        scf.if %cond3A_268 {
          %sub3A_269 = arith.constant 2 : i32
          %sub3A_270 = arith.subi %add3A_212, %sub3A_269 : i32
          %mul3A_271 = arith.constant 32 : i32
          %mul3A_272 = arith.muli %sub3A_270, %mul3A_271 : i32
          %add3A_273 = arith.addi %mul3A_272, %add3A : i32
          %mul3A_274 = arith.constant 128 : i32
          %mul3A_275 = arith.muli %add3A_273, %mul3A_274 : i32
          %dma_wait3A = arith.constant 1 : i32
          %dma_wait3A_276 = arith.constant 0 : i32
          %dma_wait3A_277 = arith.constant 0 : i32
          %dma_wait3A_278 = tpu.memref_slice %arg6[%dma_wait3A, %dma_wait3A_276, %dma_wait3A_277] : memref<2x128x128xf32, #tpu.memory_space<vmem>> -> memref<1x128x128xf32, #tpu.memory_space<vmem>>
          %dma_wait3A_279 = tpu.memref_squeeze %dma_wait3A_278 : memref<1x128x128xf32, #tpu.memory_space<vmem>> -> memref<128x128xf32, #tpu.memory_space<vmem>>
          %dma_wait3A_280 = arith.constant 0 : i32
          %dma_wait3A_281 = tpu.memref_slice %arg4[%mul3A_275, %dma_wait3A_280] : memref<1000000x128xf32, #tpu.memory_space<hbm>> -> memref<128x128xf32, #tpu.memory_space<hbm>>
          %dma_wait3A_282 = arith.constant 0 : i32
          %dma_wait3A_283 = tpu.memref_slice %arg4[%mul3A_275, %dma_wait3A_282] : memref<1000000x128xf32, #tpu.memory_space<hbm>> -> memref<128x128xf32, #tpu.memory_space<hbm>>
          %dma_wait3A_284 = arith.constant 0 : i32
          %dma_wait3A_285 = arith.constant 0 : i32
          %dma_wait3A_286 = tpu.memref_slice %arg6[%dma_wait3A, %dma_wait3A_284, %dma_wait3A_285] : memref<2x128x128xf32, #tpu.memory_space<vmem>> -> memref<1x128x128xf32, #tpu.memory_space<vmem>>
          %dma_wait3A_287 = tpu.memref_squeeze %dma_wait3A_286 : memref<1x128x128xf32, #tpu.memory_space<vmem>> -> memref<128x128xf32, #tpu.memory_space<vmem>>
          tpu.wait_dma2 semaphore(%arg11 : memref<!tpu.dma_semaphore, #tpu.memory_space<semaphore_mem>>) src(%dma_wait3A_287 : memref<128x128xf32, #tpu.memory_space<vmem>>) dst(%dma_wait3A_283 : memref<128x128xf32, #tpu.memory_space<hbm>>)
        } else {
        }
      } else {
      }
      %mul3A_236 = arith.constant 32 : i32
      %mul3A_237 = arith.muli %add3A_212, %mul3A_236 : i32
      %add3A_238 = arith.addi %mul3A_237, %add3A : i32
      %lt3A_239 = arith.constant 7812 : i32
      %lt3A_240 = arith.cmpi slt, %add3A_238, %lt3A_239 : i32
      %convert_element_type3A_241 = arith.extui %lt3A_240 : i1 to i32
      %cond3A_242 = arith.constant 0 : i32
      %cond3A_243 = arith.cmpi ne, %convert_element_type3A_241, %cond3A_242 : i32
      scf.if %cond3A_243 {
        %scan3A_260 = arith.constant 0 : i32
        %scan3A_261 = arith.constant 1 : i32
        %scan3A_262 = arith.constant 1 : i32
        %scan3A_263 = arith.constant 0 : i32
        %scan3A_264 = arith.constant 32 : i32
        %scan3A_265 = arith.addi %scan3A_263, %scan3A_264 : i32
        %scan3A_266 = arith.constant 1 : i32
        scf.for %scan3A_285 = %scan3A_263 to %scan3A_265 step %scan3A_266  : i32 {
          %jit3A = arith.constant 4 : i32
          %div3A = arith.divsi %scan3A_285, %jit3A : i32
          %sign3A = arith.constant 0 : i32
          %sign3A_286 = arith.cmpi sgt, %scan3A_285, %sign3A : i32
          %sign3A_287 = arith.extui %sign3A_286 : i1 to i32
          %sign3A_288 = arith.constant 0 : i32
          %sign3A_289 = arith.cmpi slt, %scan3A_285, %sign3A_288 : i32
          %sign3A_290 = arith.extui %sign3A_289 : i1 to i32
          %sign3A_291 = arith.subi %sign3A_287, %sign3A_290 : i32
          %sign3A_292 = arith.constant 0 : i32
          %sign3A_293 = arith.cmpi sgt, %jit3A, %sign3A_292 : i32
          %sign3A_294 = arith.extui %sign3A_293 : i1 to i32
          %sign3A_295 = arith.constant 0 : i32
          %sign3A_296 = arith.cmpi slt, %jit3A, %sign3A_295 : i32
          %sign3A_297 = arith.extui %sign3A_296 : i1 to i32
          %sign3A_298 = arith.subi %sign3A_294, %sign3A_297 : i32
          %ne3A = arith.cmpi ne, %sign3A_291, %sign3A_298 : i32
          %rem3A = arith.remsi %scan3A_285, %jit3A : i32
          %ne3A_299 = arith.constant 0 : i32
          %ne3A_300 = arith.cmpi ne, %rem3A, %ne3A_299 : i32
          %and3A_301 = arith.andi %ne3A, %ne3A_300 : i1
          %sub3A = arith.constant 1 : i32
          %sub3A_302 = arith.subi %div3A, %sub3A : i32
          %select_n3A = arith.select %and3A_301, %sub3A_302, %div3A : i32
          %mul3A_303 = arith.constant 16 : i32
          %mul3A_304 = arith.muli %select_n3A, %mul3A_303 : i32
          %jit3A_305 = arith.constant 4 : i32
          %eq3A = arith.constant 0 : i32
          %eq3A_306 = arith.cmpi eq, %jit3A_305, %eq3A : i32
          %jit3A_307 = arith.constant 1 : i32
          %select_n3A_308 = arith.select %eq3A_306, %jit3A_307, %jit3A_305 : i32
          %rem3A_309 = arith.remsi %scan3A_285, %select_n3A_308 : i32
          %ne3A_310 = arith.constant 0 : i32
          %ne3A_311 = arith.cmpi ne, %rem3A_309, %ne3A_310 : i32
          %lt3A_312 = arith.constant 0 : i32
          %lt3A_313 = arith.cmpi slt, %rem3A_309, %lt3A_312 : i32
          %lt3A_314 = arith.constant 0 : i32
          %lt3A_315 = arith.cmpi slt, %select_n3A_308, %lt3A_314 : i32
          %ne3A_316 = arith.xori %lt3A_313, %lt3A_315 : i1
          %and3A_317 = arith.andi %ne3A_316, %ne3A_311 : i1
          %add3A_318 = arith.addi %rem3A_309, %select_n3A_308 : i32
          %select_n3A_319 = arith.select %and3A_317, %add3A_318, %rem3A_309 : i32
          %mul3A_320 = arith.constant 16 : i32
          %mul3A_321 = arith.muli %select_n3A_319, %mul3A_320 : i32
          %add3A_322 = vector.broadcast %mul3A_304 : i32 to vector<16xi32>
          %add3A_323 = arith.addi %iota3A, %add3A_322 : vector<16xi32>
          %add3A_324 = vector.broadcast %mul3A_321 : i32 to vector<16xi32>
          %add3A_325 = arith.addi %and3A_5, %add3A_324 : vector<16xi32>
          %add3A_326 = vector.broadcast %mul3A_321 : i32 to vector<16xi32>
          %add3A_327 = arith.addi %and3A_11, %add3A_326 : vector<16xi32>
          %add3A_328 = vector.broadcast %mul3A_321 : i32 to vector<16xi32>
          %add3A_329 = arith.addi %and3A_17, %add3A_328 : vector<16xi32>
          %add3A_330 = vector.broadcast %mul3A_321 : i32 to vector<16xi32>
          %add3A_331 = arith.addi %and3A_23, %add3A_330 : vector<16xi32>
          %gather3A = arith.constant 0 : i32
          %gather3A_332 = arith.constant 0 : i32
          %gather3A_333 = tpu.memref_slice %arg5[%scan3A_261, %gather3A, %gather3A_332] : memref<2x64x128xf32, #tpu.memory_space<vmem>> -> memref<1x64x128xf32, #tpu.memory_space<vmem>>
          %gather3A_334 = tpu.memref_squeeze %gather3A_333 : memref<1x64x128xf32, #tpu.memory_space<vmem>> -> memref<64x128xf32, #tpu.memory_space<vmem>>
          %gather3A_335 = tpu.vector_load_idx %gather3A_334[%add3A_325, %add3A_323] : memref<64x128xf32, #tpu.memory_space<vmem>>[vector<16xi32>, vector<16xi32>], vector<16xf32>,
          %gather3A_336 = arith.constant 0 : i32
          %gather3A_337 = arith.constant 0 : i32
          %gather3A_338 = tpu.memref_slice %arg5[%scan3A_261, %gather3A_336, %gather3A_337] : memref<2x64x128xf32, #tpu.memory_space<vmem>> -> memref<1x64x128xf32, #tpu.memory_space<vmem>>
          %gather3A_339 = tpu.memref_squeeze %gather3A_338 : memref<1x64x128xf32, #tpu.memory_space<vmem>> -> memref<64x128xf32, #tpu.memory_space<vmem>>
          %gather3A_340 = tpu.vector_load_idx %gather3A_339[%add3A_327, %add3A_323] : memref<64x128xf32, #tpu.memory_space<vmem>>[vector<16xi32>, vector<16xi32>], vector<16xf32>,
          %gather3A_341 = arith.constant 0 : i32
          %gather3A_342 = arith.constant 0 : i32
          %gather3A_343 = tpu.memref_slice %arg5[%scan3A_261, %gather3A_341, %gather3A_342] : memref<2x64x128xf32, #tpu.memory_space<vmem>> -> memref<1x64x128xf32, #tpu.memory_space<vmem>>
          %gather3A_344 = tpu.memref_squeeze %gather3A_343 : memref<1x64x128xf32, #tpu.memory_space<vmem>> -> memref<64x128xf32, #tpu.memory_space<vmem>>
          %gather3A_345 = tpu.vector_load_idx %gather3A_344[%add3A_329, %add3A_323] : memref<64x128xf32, #tpu.memory_space<vmem>>[vector<16xi32>, vector<16xi32>], vector<16xf32>,
          %gather3A_346 = arith.constant 0 : i32
          %gather3A_347 = arith.constant 0 : i32
          %gather3A_348 = tpu.memref_slice %arg5[%scan3A_261, %gather3A_346, %gather3A_347] : memref<2x64x128xf32, #tpu.memory_space<vmem>> -> memref<1x64x128xf32, #tpu.memory_space<vmem>>
          %gather3A_349 = tpu.memref_squeeze %gather3A_348 : memref<1x64x128xf32, #tpu.memory_space<vmem>> -> memref<64x128xf32, #tpu.memory_space<vmem>>
          %gather3A_350 = tpu.vector_load_idx %gather3A_349[%add3A_331, %add3A_323] : memref<64x128xf32, #tpu.memory_space<vmem>>[vector<16xi32>, vector<16xi32>], vector<16xf32>,
          %scatter3A = arith.constant 0 : i32
          %scatter3A_351 = arith.constant 0 : i32
          %scatter3A_352 = tpu.memref_slice %arg6[%scan3A_262, %scatter3A, %scatter3A_351] : memref<2x128x128xf32, #tpu.memory_space<vmem>> -> memref<1x128x128xf32, #tpu.memory_space<vmem>>
          %scatter3A_353 = tpu.memref_squeeze %scatter3A_352 : memref<1x128x128xf32, #tpu.memory_space<vmem>> -> memref<128x128xf32, #tpu.memory_space<vmem>>
          tpu.vector_store_idx %scatter3A_353[%add3A_323, %add3A_325], %gather3A_335 : memref<128x128xf32, #tpu.memory_space<vmem>>[vector<16xi32>, vector<16xi32>], vector<16xf32>,
          %scatter3A_354 = arith.constant 0 : i32
          %scatter3A_355 = arith.constant 0 : i32
          %scatter3A_356 = tpu.memref_slice %arg6[%scan3A_262, %scatter3A_354, %scatter3A_355] : memref<2x128x128xf32, #tpu.memory_space<vmem>> -> memref<1x128x128xf32, #tpu.memory_space<vmem>>
          %scatter3A_357 = tpu.memref_squeeze %scatter3A_356 : memref<1x128x128xf32, #tpu.memory_space<vmem>> -> memref<128x128xf32, #tpu.memory_space<vmem>>
          tpu.vector_store_idx %scatter3A_357[%add3A_323, %add3A_327], %gather3A_340 : memref<128x128xf32, #tpu.memory_space<vmem>>[vector<16xi32>, vector<16xi32>], vector<16xf32>,
          %scatter3A_358 = arith.constant 0 : i32
          %scatter3A_359 = arith.constant 0 : i32
          %scatter3A_360 = tpu.memref_slice %arg6[%scan3A_262, %scatter3A_358, %scatter3A_359] : memref<2x128x128xf32, #tpu.memory_space<vmem>> -> memref<1x128x128xf32, #tpu.memory_space<vmem>>
          %scatter3A_361 = tpu.memref_squeeze %scatter3A_360 : memref<1x128x128xf32, #tpu.memory_space<vmem>> -> memref<128x128xf32, #tpu.memory_space<vmem>>
          tpu.vector_store_idx %scatter3A_361[%add3A_323, %add3A_329], %gather3A_345 : memref<128x128xf32, #tpu.memory_space<vmem>>[vector<16xi32>, vector<16xi32>], vector<16xf32>,
          %scatter3A_362 = arith.constant 0 : i32
          %scatter3A_363 = arith.constant 0 : i32
          %scatter3A_364 = tpu.memref_slice %arg6[%scan3A_262, %scatter3A_362, %scatter3A_363] : memref<2x128x128xf32, #tpu.memory_space<vmem>> -> memref<1x128x128xf32, #tpu.memory_space<vmem>>
          %scatter3A_365 = tpu.memref_squeeze %scatter3A_364 : memref<1x128x128xf32, #tpu.memory_space<vmem>> -> memref<128x128xf32, #tpu.memory_space<vmem>>
          tpu.vector_store_idx %scatter3A_365[%add3A_323, %add3A_331], %gather3A_350 : memref<128x128xf32, #tpu.memory_space<vmem>>[vector<16xi32>, vector<16xi32>], vector<16xf32>,
          %add3A_366 = vector.broadcast %mul3A_321 : i32 to vector<16xi32>
          %add3A_367 = arith.addi %and3A_29, %add3A_366 : vector<16xi32>
          %add3A_368 = vector.broadcast %mul3A_321 : i32 to vector<16xi32>
          %add3A_369 = arith.addi %and3A_35, %add3A_368 : vector<16xi32>
          %add3A_370 = vector.broadcast %mul3A_321 : i32 to vector<16xi32>
          %add3A_371 = arith.addi %and3A_41, %add3A_370 : vector<16xi32>
          %add3A_372 = vector.broadcast %mul3A_321 : i32 to vector<16xi32>
          %add3A_373 = arith.addi %and3A_47, %add3A_372 : vector<16xi32>
          %gather3A_374 = arith.constant 0 : i32
          %gather3A_375 = arith.constant 0 : i32
          %gather3A_376 = tpu.memref_slice %arg5[%scan3A_261, %gather3A_374, %gather3A_375] : memref<2x64x128xf32, #tpu.memory_space<vmem>> -> memref<1x64x128xf32, #tpu.memory_space<vmem>>
          %gather3A_377 = tpu.memref_squeeze %gather3A_376 : memref<1x64x128xf32, #tpu.memory_space<vmem>> -> memref<64x128xf32, #tpu.memory_space<vmem>>
          %gather3A_378 = tpu.vector_load_idx %gather3A_377[%add3A_367, %add3A_323] : memref<64x128xf32, #tpu.memory_space<vmem>>[vector<16xi32>, vector<16xi32>], vector<16xf32>,
          %gather3A_379 = arith.constant 0 : i32
          %gather3A_380 = arith.constant 0 : i32
          %gather3A_381 = tpu.memref_slice %arg5[%scan3A_261, %gather3A_379, %gather3A_380] : memref<2x64x128xf32, #tpu.memory_space<vmem>> -> memref<1x64x128xf32, #tpu.memory_space<vmem>>
          %gather3A_382 = tpu.memref_squeeze %gather3A_381 : memref<1x64x128xf32, #tpu.memory_space<vmem>> -> memref<64x128xf32, #tpu.memory_space<vmem>>
          %gather3A_383 = tpu.vector_load_idx %gather3A_382[%add3A_369, %add3A_323] : memref<64x128xf32, #tpu.memory_space<vmem>>[vector<16xi32>, vector<16xi32>], vector<16xf32>,
          %gather3A_384 = arith.constant 0 : i32
          %gather3A_385 = arith.constant 0 : i32
          %gather3A_386 = tpu.memref_slice %arg5[%scan3A_261, %gather3A_384, %gather3A_385] : memref<2x64x128xf32, #tpu.memory_space<vmem>> -> memref<1x64x128xf32, #tpu.memory_space<vmem>>
          %gather3A_387 = tpu.memref_squeeze %gather3A_386 : memref<1x64x128xf32, #tpu.memory_space<vmem>> -> memref<64x128xf32, #tpu.memory_space<vmem>>
          %gather3A_388 = tpu.vector_load_idx %gather3A_387[%add3A_371, %add3A_323] : memref<64x128xf32, #tpu.memory_space<vmem>>[vector<16xi32>, vector<16xi32>], vector<16xf32>,
          %gather3A_389 = arith.constant 0 : i32
          %gather3A_390 = arith.constant 0 : i32
          %gather3A_391 = tpu.memref_slice %arg5[%scan3A_261, %gather3A_389, %gather3A_390] : memref<2x64x128xf32, #tpu.memory_space<vmem>> -> memref<1x64x128xf32, #tpu.memory_space<vmem>>
          %gather3A_392 = tpu.memref_squeeze %gather3A_391 : memref<1x64x128xf32, #tpu.memory_space<vmem>> -> memref<64x128xf32, #tpu.memory_space<vmem>>
          %gather3A_393 = tpu.vector_load_idx %gather3A_392[%add3A_373, %add3A_323] : memref<64x128xf32, #tpu.memory_space<vmem>>[vector<16xi32>, vector<16xi32>], vector<16xf32>,
          %scatter3A_394 = arith.constant 0 : i32
          %scatter3A_395 = arith.constant 0 : i32
          %scatter3A_396 = tpu.memref_slice %arg6[%scan3A_262, %scatter3A_394, %scatter3A_395] : memref<2x128x128xf32, #tpu.memory_space<vmem>> -> memref<1x128x128xf32, #tpu.memory_space<vmem>>
          %scatter3A_397 = tpu.memref_squeeze %scatter3A_396 : memref<1x128x128xf32, #tpu.memory_space<vmem>> -> memref<128x128xf32, #tpu.memory_space<vmem>>
          tpu.vector_store_idx %scatter3A_397[%add3A_323, %add3A_367], %gather3A_378 : memref<128x128xf32, #tpu.memory_space<vmem>>[vector<16xi32>, vector<16xi32>], vector<16xf32>,
          %scatter3A_398 = arith.constant 0 : i32
          %scatter3A_399 = arith.constant 0 : i32
          %scatter3A_400 = tpu.memref_slice %arg6[%scan3A_262, %scatter3A_398, %scatter3A_399] : memref<2x128x128xf32, #tpu.memory_space<vmem>> -> memref<1x128x128xf32, #tpu.memory_space<vmem>>
          %scatter3A_401 = tpu.memref_squeeze %scatter3A_400 : memref<1x128x128xf32, #tpu.memory_space<vmem>> -> memref<128x128xf32, #tpu.memory_space<vmem>>
          tpu.vector_store_idx %scatter3A_401[%add3A_323, %add3A_369], %gather3A_383 : memref<128x128xf32, #tpu.memory_space<vmem>>[vector<16xi32>, vector<16xi32>], vector<16xf32>,
          %scatter3A_402 = arith.constant 0 : i32
          %scatter3A_403 = arith.constant 0 : i32
          %scatter3A_404 = tpu.memref_slice %arg6[%scan3A_262, %scatter3A_402, %scatter3A_403] : memref<2x128x128xf32, #tpu.memory_space<vmem>> -> memref<1x128x128xf32, #tpu.memory_space<vmem>>
          %scatter3A_405 = tpu.memref_squeeze %scatter3A_404 : memref<1x128x128xf32, #tpu.memory_space<vmem>> -> memref<128x128xf32, #tpu.memory_space<vmem>>
          tpu.vector_store_idx %scatter3A_405[%add3A_323, %add3A_371], %gather3A_388 : memref<128x128xf32, #tpu.memory_space<vmem>>[vector<16xi32>, vector<16xi32>], vector<16xf32>,
          %scatter3A_406 = arith.constant 0 : i32
          %scatter3A_407 = arith.constant 0 : i32
          %scatter3A_408 = tpu.memref_slice %arg6[%scan3A_262, %scatter3A_406, %scatter3A_407] : memref<2x128x128xf32, #tpu.memory_space<vmem>> -> memref<1x128x128xf32, #tpu.memory_space<vmem>>
          %scatter3A_409 = tpu.memref_squeeze %scatter3A_408 : memref<1x128x128xf32, #tpu.memory_space<vmem>> -> memref<128x128xf32, #tpu.memory_space<vmem>>
          tpu.vector_store_idx %scatter3A_409[%add3A_323, %add3A_373], %gather3A_393 : memref<128x128xf32, #tpu.memory_space<vmem>>[vector<16xi32>, vector<16xi32>], vector<16xf32>,
          %add3A_410 = vector.broadcast %mul3A_321 : i32 to vector<16xi32>
          %add3A_411 = arith.addi %and3A_53, %add3A_410 : vector<16xi32>
          %add3A_412 = vector.broadcast %mul3A_321 : i32 to vector<16xi32>
          %add3A_413 = arith.addi %and3A_59, %add3A_412 : vector<16xi32>
          %add3A_414 = vector.broadcast %mul3A_321 : i32 to vector<16xi32>
          %add3A_415 = arith.addi %and3A_65, %add3A_414 : vector<16xi32>
          %add3A_416 = vector.broadcast %mul3A_321 : i32 to vector<16xi32>
          %add3A_417 = arith.addi %and3A_71, %add3A_416 : vector<16xi32>
          %gather3A_418 = arith.constant 0 : i32
          %gather3A_419 = arith.constant 0 : i32
          %gather3A_420 = tpu.memref_slice %arg5[%scan3A_261, %gather3A_418, %gather3A_419] : memref<2x64x128xf32, #tpu.memory_space<vmem>> -> memref<1x64x128xf32, #tpu.memory_space<vmem>>
          %gather3A_421 = tpu.memref_squeeze %gather3A_420 : memref<1x64x128xf32, #tpu.memory_space<vmem>> -> memref<64x128xf32, #tpu.memory_space<vmem>>
          %gather3A_422 = tpu.vector_load_idx %gather3A_421[%add3A_411, %add3A_323] : memref<64x128xf32, #tpu.memory_space<vmem>>[vector<16xi32>, vector<16xi32>], vector<16xf32>,
          %gather3A_423 = arith.constant 0 : i32
          %gather3A_424 = arith.constant 0 : i32
          %gather3A_425 = tpu.memref_slice %arg5[%scan3A_261, %gather3A_423, %gather3A_424] : memref<2x64x128xf32, #tpu.memory_space<vmem>> -> memref<1x64x128xf32, #tpu.memory_space<vmem>>
          %gather3A_426 = tpu.memref_squeeze %gather3A_425 : memref<1x64x128xf32, #tpu.memory_space<vmem>> -> memref<64x128xf32, #tpu.memory_space<vmem>>
          %gather3A_427 = tpu.vector_load_idx %gather3A_426[%add3A_413, %add3A_323] : memref<64x128xf32, #tpu.memory_space<vmem>>[vector<16xi32>, vector<16xi32>], vector<16xf32>,
          %gather3A_428 = arith.constant 0 : i32
          %gather3A_429 = arith.constant 0 : i32
          %gather3A_430 = tpu.memref_slice %arg5[%scan3A_261, %gather3A_428, %gather3A_429] : memref<2x64x128xf32, #tpu.memory_space<vmem>> -> memref<1x64x128xf32, #tpu.memory_space<vmem>>
          %gather3A_431 = tpu.memref_squeeze %gather3A_430 : memref<1x64x128xf32, #tpu.memory_space<vmem>> -> memref<64x128xf32, #tpu.memory_space<vmem>>
          %gather3A_432 = tpu.vector_load_idx %gather3A_431[%add3A_415, %add3A_323] : memref<64x128xf32, #tpu.memory_space<vmem>>[vector<16xi32>, vector<16xi32>], vector<16xf32>,
          %gather3A_433 = arith.constant 0 : i32
          %gather3A_434 = arith.constant 0 : i32
          %gather3A_435 = tpu.memref_slice %arg5[%scan3A_261, %gather3A_433, %gather3A_434] : memref<2x64x128xf32, #tpu.memory_space<vmem>> -> memref<1x64x128xf32, #tpu.memory_space<vmem>>
          %gather3A_436 = tpu.memref_squeeze %gather3A_435 : memref<1x64x128xf32, #tpu.memory_space<vmem>> -> memref<64x128xf32, #tpu.memory_space<vmem>>
          %gather3A_437 = tpu.vector_load_idx %gather3A_436[%add3A_417, %add3A_323] : memref<64x128xf32, #tpu.memory_space<vmem>>[vector<16xi32>, vector<16xi32>], vector<16xf32>,
          %scatter3A_438 = arith.constant 0 : i32
          %scatter3A_439 = arith.constant 0 : i32
          %scatter3A_440 = tpu.memref_slice %arg6[%scan3A_262, %scatter3A_438, %scatter3A_439] : memref<2x128x128xf32, #tpu.memory_space<vmem>> -> memref<1x128x128xf32, #tpu.memory_space<vmem>>
          %scatter3A_441 = tpu.memref_squeeze %scatter3A_440 : memref<1x128x128xf32, #tpu.memory_space<vmem>> -> memref<128x128xf32, #tpu.memory_space<vmem>>
          tpu.vector_store_idx %scatter3A_441[%add3A_323, %add3A_411], %gather3A_422 : memref<128x128xf32, #tpu.memory_space<vmem>>[vector<16xi32>, vector<16xi32>], vector<16xf32>,
          %scatter3A_442 = arith.constant 0 : i32
          %scatter3A_443 = arith.constant 0 : i32
          %scatter3A_444 = tpu.memref_slice %arg6[%scan3A_262, %scatter3A_442, %scatter3A_443] : memref<2x128x128xf32, #tpu.memory_space<vmem>> -> memref<1x128x128xf32, #tpu.memory_space<vmem>>
          %scatter3A_445 = tpu.memref_squeeze %scatter3A_444 : memref<1x128x128xf32, #tpu.memory_space<vmem>> -> memref<128x128xf32, #tpu.memory_space<vmem>>
          tpu.vector_store_idx %scatter3A_445[%add3A_323, %add3A_413], %gather3A_427 : memref<128x128xf32, #tpu.memory_space<vmem>>[vector<16xi32>, vector<16xi32>], vector<16xf32>,
          %scatter3A_446 = arith.constant 0 : i32
          %scatter3A_447 = arith.constant 0 : i32
          %scatter3A_448 = tpu.memref_slice %arg6[%scan3A_262, %scatter3A_446, %scatter3A_447] : memref<2x128x128xf32, #tpu.memory_space<vmem>> -> memref<1x128x128xf32, #tpu.memory_space<vmem>>
          %scatter3A_449 = tpu.memref_squeeze %scatter3A_448 : memref<1x128x128xf32, #tpu.memory_space<vmem>> -> memref<128x128xf32, #tpu.memory_space<vmem>>
          tpu.vector_store_idx %scatter3A_449[%add3A_323, %add3A_415], %gather3A_432 : memref<128x128xf32, #tpu.memory_space<vmem>>[vector<16xi32>, vector<16xi32>], vector<16xf32>,
          %scatter3A_450 = arith.constant 0 : i32
          %scatter3A_451 = arith.constant 0 : i32
          %scatter3A_452 = tpu.memref_slice %arg6[%scan3A_262, %scatter3A_450, %scatter3A_451] : memref<2x128x128xf32, #tpu.memory_space<vmem>> -> memref<1x128x128xf32, #tpu.memory_space<vmem>>
          %scatter3A_453 = tpu.memref_squeeze %scatter3A_452 : memref<1x128x128xf32, #tpu.memory_space<vmem>> -> memref<128x128xf32, #tpu.memory_space<vmem>>
          tpu.vector_store_idx %scatter3A_453[%add3A_323, %add3A_417], %gather3A_437 : memref<128x128xf32, #tpu.memory_space<vmem>>[vector<16xi32>, vector<16xi32>], vector<16xf32>,
          %add3A_454 = vector.broadcast %mul3A_321 : i32 to vector<16xi32>
          %add3A_455 = arith.addi %and3A_77, %add3A_454 : vector<16xi32>
          %add3A_456 = vector.broadcast %mul3A_321 : i32 to vector<16xi32>
          %add3A_457 = arith.addi %and3A_83, %add3A_456 : vector<16xi32>
          %add3A_458 = vector.broadcast %mul3A_321 : i32 to vector<16xi32>
          %add3A_459 = arith.addi %and3A_89, %add3A_458 : vector<16xi32>
          %add3A_460 = vector.broadcast %mul3A_321 : i32 to vector<16xi32>
          %add3A_461 = arith.addi %and3A_95, %add3A_460 : vector<16xi32>
          %gather3A_462 = arith.constant 0 : i32
          %gather3A_463 = arith.constant 0 : i32
          %gather3A_464 = tpu.memref_slice %arg5[%scan3A_261, %gather3A_462, %gather3A_463] : memref<2x64x128xf32, #tpu.memory_space<vmem>> -> memref<1x64x128xf32, #tpu.memory_space<vmem>>
          %gather3A_465 = tpu.memref_squeeze %gather3A_464 : memref<1x64x128xf32, #tpu.memory_space<vmem>> -> memref<64x128xf32, #tpu.memory_space<vmem>>
          %gather3A_466 = tpu.vector_load_idx %gather3A_465[%add3A_455, %add3A_323] : memref<64x128xf32, #tpu.memory_space<vmem>>[vector<16xi32>, vector<16xi32>], vector<16xf32>,
          %gather3A_467 = arith.constant 0 : i32
          %gather3A_468 = arith.constant 0 : i32
          %gather3A_469 = tpu.memref_slice %arg5[%scan3A_261, %gather3A_467, %gather3A_468] : memref<2x64x128xf32, #tpu.memory_space<vmem>> -> memref<1x64x128xf32, #tpu.memory_space<vmem>>
          %gather3A_470 = tpu.memref_squeeze %gather3A_469 : memref<1x64x128xf32, #tpu.memory_space<vmem>> -> memref<64x128xf32, #tpu.memory_space<vmem>>
          %gather3A_471 = tpu.vector_load_idx %gather3A_470[%add3A_457, %add3A_323] : memref<64x128xf32, #tpu.memory_space<vmem>>[vector<16xi32>, vector<16xi32>], vector<16xf32>,
          %gather3A_472 = arith.constant 0 : i32
          %gather3A_473 = arith.constant 0 : i32
          %gather3A_474 = tpu.memref_slice %arg5[%scan3A_261, %gather3A_472, %gather3A_473] : memref<2x64x128xf32, #tpu.memory_space<vmem>> -> memref<1x64x128xf32, #tpu.memory_space<vmem>>
          %gather3A_475 = tpu.memref_squeeze %gather3A_474 : memref<1x64x128xf32, #tpu.memory_space<vmem>> -> memref<64x128xf32, #tpu.memory_space<vmem>>
          %gather3A_476 = tpu.vector_load_idx %gather3A_475[%add3A_459, %add3A_323] : memref<64x128xf32, #tpu.memory_space<vmem>>[vector<16xi32>, vector<16xi32>], vector<16xf32>,
          %gather3A_477 = arith.constant 0 : i32
          %gather3A_478 = arith.constant 0 : i32
          %gather3A_479 = tpu.memref_slice %arg5[%scan3A_261, %gather3A_477, %gather3A_478] : memref<2x64x128xf32, #tpu.memory_space<vmem>> -> memref<1x64x128xf32, #tpu.memory_space<vmem>>
          %gather3A_480 = tpu.memref_squeeze %gather3A_479 : memref<1x64x128xf32, #tpu.memory_space<vmem>> -> memref<64x128xf32, #tpu.memory_space<vmem>>
          %gather3A_481 = tpu.vector_load_idx %gather3A_480[%add3A_461, %add3A_323] : memref<64x128xf32, #tpu.memory_space<vmem>>[vector<16xi32>, vector<16xi32>], vector<16xf32>,
          %scatter3A_482 = arith.constant 0 : i32
          %scatter3A_483 = arith.constant 0 : i32
          %scatter3A_484 = tpu.memref_slice %arg6[%scan3A_262, %scatter3A_482, %scatter3A_483] : memref<2x128x128xf32, #tpu.memory_space<vmem>> -> memref<1x128x128xf32, #tpu.memory_space<vmem>>
          %scatter3A_485 = tpu.memref_squeeze %scatter3A_484 : memref<1x128x128xf32, #tpu.memory_space<vmem>> -> memref<128x128xf32, #tpu.memory_space<vmem>>
          tpu.vector_store_idx %scatter3A_485[%add3A_323, %add3A_455], %gather3A_466 : memref<128x128xf32, #tpu.memory_space<vmem>>[vector<16xi32>, vector<16xi32>], vector<16xf32>,
          %scatter3A_486 = arith.constant 0 : i32
          %scatter3A_487 = arith.constant 0 : i32
          %scatter3A_488 = tpu.memref_slice %arg6[%scan3A_262, %scatter3A_486, %scatter3A_487] : memref<2x128x128xf32, #tpu.memory_space<vmem>> -> memref<1x128x128xf32, #tpu.memory_space<vmem>>
          %scatter3A_489 = tpu.memref_squeeze %scatter3A_488 : memref<1x128x128xf32, #tpu.memory_space<vmem>> -> memref<128x128xf32, #tpu.memory_space<vmem>>
          tpu.vector_store_idx %scatter3A_489[%add3A_323, %add3A_457], %gather3A_471 : memref<128x128xf32, #tpu.memory_space<vmem>>[vector<16xi32>, vector<16xi32>], vector<16xf32>,
          %scatter3A_490 = arith.constant 0 : i32
          %scatter3A_491 = arith.constant 0 : i32
          %scatter3A_492 = tpu.memref_slice %arg6[%scan3A_262, %scatter3A_490, %scatter3A_491] : memref<2x128x128xf32, #tpu.memory_space<vmem>> -> memref<1x128x128xf32, #tpu.memory_space<vmem>>
          %scatter3A_493 = tpu.memref_squeeze %scatter3A_492 : memref<1x128x128xf32, #tpu.memory_space<vmem>> -> memref<128x128xf32, #tpu.memory_space<vmem>>
          tpu.vector_store_idx %scatter3A_493[%add3A_323, %add3A_459], %gather3A_476 : memref<128x128xf32, #tpu.memory_space<vmem>>[vector<16xi32>, vector<16xi32>], vector<16xf32>,
          %scatter3A_494 = arith.constant 0 : i32
          %scatter3A_495 = arith.constant 0 : i32
          %scatter3A_496 = tpu.memref_slice %arg6[%scan3A_262, %scatter3A_494, %scatter3A_495] : memref<2x128x128xf32, #tpu.memory_space<vmem>> -> memref<1x128x128xf32, #tpu.memory_space<vmem>>
          %scatter3A_497 = tpu.memref_squeeze %scatter3A_496 : memref<1x128x128xf32, #tpu.memory_space<vmem>> -> memref<128x128xf32, #tpu.memory_space<vmem>>
          tpu.vector_store_idx %scatter3A_497[%add3A_323, %add3A_461], %gather3A_481 : memref<128x128xf32, #tpu.memory_space<vmem>>[vector<16xi32>, vector<16xi32>], vector<16xf32>,
        }
        %scan3A_267 = arith.constant 32 : i32
        %mul3A_268 = arith.constant 32 : i32
        %mul3A_269 = arith.muli %add3A_212, %mul3A_268 : i32
        %add3A_270 = arith.addi %mul3A_269, %add3A : i32
        %mul3A_271 = arith.constant 128 : i32
        %mul3A_272 = arith.muli %add3A_270, %mul3A_271 : i32
        %dma_start3A = arith.constant 1 : i32
        %dma_start3A_273 = arith.constant 0 : i32
        %dma_start3A_274 = arith.constant 0 : i32
        %dma_start3A_275 = tpu.memref_slice %arg6[%dma_start3A, %dma_start3A_273, %dma_start3A_274] : memref<2x128x128xf32, #tpu.memory_space<vmem>> -> memref<1x128x128xf32, #tpu.memory_space<vmem>>
        %dma_start3A_276 = tpu.memref_squeeze %dma_start3A_275 : memref<1x128x128xf32, #tpu.memory_space<vmem>> -> memref<128x128xf32, #tpu.memory_space<vmem>>
        %dma_start3A_277 = arith.constant 0 : i32
        %dma_start3A_278 = tpu.memref_slice %arg4[%mul3A_272, %dma_start3A_277] : memref<1000000x128xf32, #tpu.memory_space<hbm>> -> memref<128x128xf32, #tpu.memory_space<hbm>>
        %dma_start3A_279 = arith.constant 0 : i32
        %dma_start3A_280 = tpu.memref_slice %arg4[%mul3A_272, %dma_start3A_279] : memref<1000000x128xf32, #tpu.memory_space<hbm>> -> memref<128x128xf32, #tpu.memory_space<hbm>>
        %dma_start3A_281 = arith.constant 0 : i32
        %dma_start3A_282 = arith.constant 0 : i32
        %dma_start3A_283 = tpu.memref_slice %arg6[%dma_start3A, %dma_start3A_281, %dma_start3A_282] : memref<2x128x128xf32, #tpu.memory_space<vmem>> -> memref<1x128x128xf32, #tpu.memory_space<vmem>>
        %dma_start3A_284 = tpu.memref_squeeze %dma_start3A_283 : memref<1x128x128xf32, #tpu.memory_space<vmem>> -> memref<128x128xf32, #tpu.memory_space<vmem>>
        tpu.enqueue_dma source(%dma_start3A_284 : memref<128x128xf32, #tpu.memory_space<vmem>>) target(%dma_start3A_280 : memref<128x128xf32, #tpu.memory_space<hbm>>) target_semaphore(%arg11 : memref<!tpu.dma_semaphore, #tpu.memory_space<semaphore_mem>>)
      } else {
      }
      %mul3A_244 = arith.constant 32 : i32
      %mul3A_245 = arith.muli %add3A_212, %mul3A_244 : i32
      %add3A_246 = arith.addi %mul3A_245, %add3A : i32
      %lt3A_247 = arith.constant 7813 : i32
      %lt3A_248 = arith.cmpi slt, %add3A_246, %lt3A_247 : i32
      %mul3A_249 = arith.constant 32 : i32
      %mul3A_250 = arith.muli %add3A_212, %mul3A_249 : i32
      %add3A_251 = arith.addi %mul3A_250, %add3A : i32
      %lt3A_252 = arith.constant 7812 : i32
      %lt3A_253 = arith.cmpi slt, %add3A_251, %lt3A_252 : i32
      %not3A_254 = arith.constant true
      %not3A_255 = arith.xori %lt3A_253, %not3A_254 : i1
      %and3A_256 = arith.andi %lt3A_248, %not3A_255 : i1
      %convert_element_type3A_257 = arith.extui %and3A_256 : i1 to i32
      %cond3A_258 = arith.constant 0 : i32
      %cond3A_259 = arith.cmpi ne, %convert_element_type3A_257, %cond3A_258 : i32
      scf.if %cond3A_259 {
        "tpu.region"() ({
          %run_scoped3A = tpu.sem_alloc : memref<!tpu.dma_semaphore, #tpu.memory_space<semaphore_mem>>
          tpu.enqueue_dma source(%arg3 : memref<64x128xf32, #tpu.memory_space<hbm>>) target(%arg7 : memref<64x128xf32, #tpu.memory_space<vmem>>) target_semaphore(%run_scoped3A : memref<!tpu.dma_semaphore, #tpu.memory_space<semaphore_mem>>)
          tpu.wait_dma2 semaphore(%run_scoped3A : memref<!tpu.dma_semaphore, #tpu.memory_space<semaphore_mem>>) src(%arg3 : memref<64x128xf32, #tpu.memory_space<hbm>>) dst(%arg7 : memref<64x128xf32, #tpu.memory_space<vmem>>)
          tpu.yield
        }) : () -> ()
        %mul3A_260 = arith.constant 32 : i32
        %mul3A_261 = arith.muli %add3A_212, %mul3A_260 : i32
        %add3A_262 = arith.addi %mul3A_261, %add3A : i32
        %mul3A_263 = arith.constant 128 : i32
        %mul3A_264 = arith.muli %add3A_262, %mul3A_263 : i32
        %dma_start3A = arith.constant 0 : i32
        %dma_start3A_265 = tpu.memref_slice %arg4[%mul3A_264, %dma_start3A] : memref<1000000x128xf32, #tpu.memory_space<hbm>> -> memref<64x128xf32, #tpu.memory_space<hbm>>
        %dma_start3A_266 = arith.constant 0 : i32
        %dma_start3A_267 = tpu.memref_slice %arg4[%mul3A_264, %dma_start3A_266] : memref<1000000x128xf32, #tpu.memory_space<hbm>> -> memref<64x128xf32, #tpu.memory_space<hbm>>
        tpu.enqueue_dma source(%arg7 : memref<64x128xf32, #tpu.memory_space<vmem>>) target(%dma_start3A_267 : memref<64x128xf32, #tpu.memory_space<hbm>>) target_semaphore(%arg12 : memref<!tpu.dma_semaphore, #tpu.memory_space<semaphore_mem>>)
        %dma_wait3A = arith.constant 0 : i32
        %dma_wait3A_268 = tpu.memref_slice %arg4[%mul3A_264, %dma_wait3A] : memref<1000000x128xf32, #tpu.memory_space<hbm>> -> memref<64x128xf32, #tpu.memory_space<hbm>>
        %dma_wait3A_269 = arith.constant 0 : i32
        %dma_wait3A_270 = tpu.memref_slice %arg4[%mul3A_264, %dma_wait3A_269] : memref<1000000x128xf32, #tpu.memory_space<hbm>> -> memref<64x128xf32, #tpu.memory_space<hbm>>
        tpu.wait_dma2 semaphore(%arg12 : memref<!tpu.dma_semaphore, #tpu.memory_space<semaphore_mem>>) src(%arg7 : memref<64x128xf32, #tpu.memory_space<vmem>>) dst(%dma_wait3A_270 : memref<64x128xf32, #tpu.memory_space<hbm>>)
      } else {
      }
    }
    %scan3A_104 = arith.constant 122 : i32
    %add3A_105 = arith.constant 7808 : i32
    %add3A_106 = arith.addi %add3A_105, %add3A : i32
    %lt3A_107 = arith.constant 7812 : i32
    %lt3A_108 = arith.cmpi slt, %add3A_106, %lt3A_107 : i32
    %convert_element_type3A_109 = arith.extui %lt3A_108 : i1 to i32
    %cond3A_110 = arith.constant 0 : i32
    %cond3A_111 = arith.cmpi ne, %convert_element_type3A_109, %cond3A_110 : i32
    scf.if %cond3A_111 {
      %add3A_160 = arith.constant 7808 : i32
      %add3A_161 = arith.addi %add3A_160, %add3A : i32
      %mul3A_162 = arith.constant 128 : i32
      %mul3A_163 = arith.muli %add3A_161, %mul3A_162 : i32
      %dma_wait3A = arith.constant 0 : i32
      %dma_wait3A_164 = arith.constant 0 : i32
      %dma_wait3A_165 = arith.constant 0 : i32
      %dma_wait3A_166 = tpu.memref_slice %arg5[%dma_wait3A, %dma_wait3A_164, %dma_wait3A_165] : memref<2x64x128xf32, #tpu.memory_space<vmem>> -> memref<1x64x128xf32, #tpu.memory_space<vmem>>
      %dma_wait3A_167 = tpu.memref_squeeze %dma_wait3A_166 : memref<1x64x128xf32, #tpu.memory_space<vmem>> -> memref<64x128xf32, #tpu.memory_space<vmem>>
      %dma_wait3A_168 = arith.constant 0 : i32
      %dma_wait3A_169 = tpu.memref_slice %arg2[%dma_wait3A_168, %mul3A_163] : memref<64x1000000xf32, #tpu.memory_space<hbm>> -> memref<64x128xf32, #tpu.memory_space<hbm>>
      %dma_wait3A_170 = arith.constant 0 : i32
      %dma_wait3A_171 = arith.constant 0 : i32
      %dma_wait3A_172 = tpu.memref_slice %arg5[%dma_wait3A, %dma_wait3A_170, %dma_wait3A_171] : memref<2x64x128xf32, #tpu.memory_space<vmem>> -> memref<1x64x128xf32, #tpu.memory_space<vmem>>
      %dma_wait3A_173 = tpu.memref_squeeze %dma_wait3A_172 : memref<1x64x128xf32, #tpu.memory_space<vmem>> -> memref<64x128xf32, #tpu.memory_space<vmem>>
      %dma_wait3A_174 = arith.constant 0 : i32
      %dma_wait3A_175 = tpu.memref_slice %arg2[%dma_wait3A_174, %mul3A_163] : memref<64x1000000xf32, #tpu.memory_space<hbm>> -> memref<64x128xf32, #tpu.memory_space<hbm>>
      tpu.wait_dma2 semaphore(%arg8 : memref<!tpu.dma_semaphore, #tpu.memory_space<semaphore_mem>>) src(%dma_wait3A_175 : memref<64x128xf32, #tpu.memory_space<hbm>>) dst(%dma_wait3A_173 : memref<64x128xf32, #tpu.memory_space<vmem>>)
    } else {
    }
    %add3A_112 = arith.constant 7840 : i32
    %add3A_113 = arith.addi %add3A_112, %add3A : i32
    %lt3A_114 = arith.constant 7812 : i32
    %lt3A_115 = arith.cmpi slt, %add3A_113, %lt3A_114 : i32
    %convert_element_type3A_116 = arith.extui %lt3A_115 : i1 to i32
    %cond3A_117 = arith.constant 0 : i32
    %cond3A_118 = arith.cmpi ne, %convert_element_type3A_116, %cond3A_117 : i32
    scf.if %cond3A_118 {
      %add3A_160 = arith.constant 7840 : i32
      %add3A_161 = arith.addi %add3A_160, %add3A : i32
      %mul3A_162 = arith.constant 128 : i32
      %mul3A_163 = arith.muli %add3A_161, %mul3A_162 : i32
      %dma_start3A = arith.constant 1 : i32
      %dma_start3A_164 = arith.constant 0 : i32
      %dma_start3A_165 = arith.constant 0 : i32
      %dma_start3A_166 = tpu.memref_slice %arg5[%dma_start3A, %dma_start3A_164, %dma_start3A_165] : memref<2x64x128xf32, #tpu.memory_space<vmem>> -> memref<1x64x128xf32, #tpu.memory_space<vmem>>
      %dma_start3A_167 = tpu.memref_squeeze %dma_start3A_166 : memref<1x64x128xf32, #tpu.memory_space<vmem>> -> memref<64x128xf32, #tpu.memory_space<vmem>>
      %dma_start3A_168 = arith.constant 0 : i32
      %dma_start3A_169 = tpu.memref_slice %arg2[%dma_start3A_168, %mul3A_163] : memref<64x1000000xf32, #tpu.memory_space<hbm>> -> memref<64x128xf32, #tpu.memory_space<hbm>>
      %dma_start3A_170 = arith.constant 0 : i32
      %dma_start3A_171 = arith.constant 0 : i32
      %dma_start3A_172 = tpu.memref_slice %arg5[%dma_start3A, %dma_start3A_170, %dma_start3A_171] : memref<2x64x128xf32, #tpu.memory_space<vmem>> -> memref<1x64x128xf32, #tpu.memory_space<vmem>>
      %dma_start3A_173 = tpu.memref_squeeze %dma_start3A_172 : memref<1x64x128xf32, #tpu.memory_space<vmem>> -> memref<64x128xf32, #tpu.memory_space<vmem>>
      %dma_start3A_174 = arith.constant 0 : i32
      %dma_start3A_175 = tpu.memref_slice %arg2[%dma_start3A_174, %mul3A_163] : memref<64x1000000xf32, #tpu.memory_space<hbm>> -> memref<64x128xf32, #tpu.memory_space<hbm>>
      tpu.enqueue_dma source(%dma_start3A_175 : memref<64x128xf32, #tpu.memory_space<hbm>>) target(%dma_start3A_173 : memref<64x128xf32, #tpu.memory_space<vmem>>) target_semaphore(%arg9 : memref<!tpu.dma_semaphore, #tpu.memory_space<semaphore_mem>>)
    } else {
    }
    %add3A_119 = arith.constant 7744 : i32
    %add3A_120 = arith.addi %add3A_119, %add3A : i32
    %lt3A_121 = arith.constant 7812 : i32
    %lt3A_122 = arith.cmpi slt, %add3A_120, %lt3A_121 : i32
    %convert_element_type3A_123 = arith.extui %lt3A_122 : i1 to i32
    %cond3A_124 = arith.constant 0 : i32
    %cond3A_125 = arith.cmpi ne, %convert_element_type3A_123, %cond3A_124 : i32
    scf.if %cond3A_125 {
      %add3A_160 = arith.constant 7744 : i32
      %add3A_161 = arith.addi %add3A_160, %add3A : i32
      %mul3A_162 = arith.constant 128 : i32
      %mul3A_163 = arith.muli %add3A_161, %mul3A_162 : i32
      %dma_wait3A = arith.constant 0 : i32
      %dma_wait3A_164 = arith.constant 0 : i32
      %dma_wait3A_165 = arith.constant 0 : i32
      %dma_wait3A_166 = tpu.memref_slice %arg6[%dma_wait3A, %dma_wait3A_164, %dma_wait3A_165] : memref<2x128x128xf32, #tpu.memory_space<vmem>> -> memref<1x128x128xf32, #tpu.memory_space<vmem>>
      %dma_wait3A_167 = tpu.memref_squeeze %dma_wait3A_166 : memref<1x128x128xf32, #tpu.memory_space<vmem>> -> memref<128x128xf32, #tpu.memory_space<vmem>>
      %dma_wait3A_168 = arith.constant 0 : i32
      %dma_wait3A_169 = tpu.memref_slice %arg4[%mul3A_163, %dma_wait3A_168] : memref<1000000x128xf32, #tpu.memory_space<hbm>> -> memref<128x128xf32, #tpu.memory_space<hbm>>
      %dma_wait3A_170 = arith.constant 0 : i32
      %dma_wait3A_171 = tpu.memref_slice %arg4[%mul3A_163, %dma_wait3A_170] : memref<1000000x128xf32, #tpu.memory_space<hbm>> -> memref<128x128xf32, #tpu.memory_space<hbm>>
      %dma_wait3A_172 = arith.constant 0 : i32
      %dma_wait3A_173 = arith.constant 0 : i32
      %dma_wait3A_174 = tpu.memref_slice %arg6[%dma_wait3A, %dma_wait3A_172, %dma_wait3A_173] : memref<2x128x128xf32, #tpu.memory_space<vmem>> -> memref<1x128x128xf32, #tpu.memory_space<vmem>>
      %dma_wait3A_175 = tpu.memref_squeeze %dma_wait3A_174 : memref<1x128x128xf32, #tpu.memory_space<vmem>> -> memref<128x128xf32, #tpu.memory_space<vmem>>
      tpu.wait_dma2 semaphore(%arg10 : memref<!tpu.dma_semaphore, #tpu.memory_space<semaphore_mem>>) src(%dma_wait3A_175 : memref<128x128xf32, #tpu.memory_space<vmem>>) dst(%dma_wait3A_171 : memref<128x128xf32, #tpu.memory_space<hbm>>)
    } else {
    }
    %add3A_126 = arith.constant 7808 : i32
    %add3A_127 = arith.addi %add3A_126, %add3A : i32
    %lt3A_128 = arith.constant 7812 : i32
    %lt3A_129 = arith.cmpi slt, %add3A_127, %lt3A_128 : i32
    %convert_element_type3A_130 = arith.extui %lt3A_129 : i1 to i32
    %cond3A_131 = arith.constant 0 : i32
    %cond3A_132 = arith.cmpi ne, %convert_element_type3A_130, %cond3A_131 : i32
    scf.if %cond3A_132 {
      %scan3A_160 = arith.constant 0 : i32
      %scan3A_161 = arith.constant 0 : i32
      %scan3A_162 = arith.constant 0 : i32
      %scan3A_163 = arith.constant 0 : i32
      %scan3A_164 = arith.constant 32 : i32
      %scan3A_165 = arith.addi %scan3A_163, %scan3A_164 : i32
      %scan3A_166 = arith.constant 1 : i32
      scf.for %scan3A_184 = %scan3A_163 to %scan3A_165 step %scan3A_166  : i32 {
        %jit3A = arith.constant 4 : i32
        %div3A = arith.divsi %scan3A_184, %jit3A : i32
        %sign3A = arith.constant 0 : i32
        %sign3A_185 = arith.cmpi sgt, %scan3A_184, %sign3A : i32
        %sign3A_186 = arith.extui %sign3A_185 : i1 to i32
        %sign3A_187 = arith.constant 0 : i32
        %sign3A_188 = arith.cmpi slt, %scan3A_184, %sign3A_187 : i32
        %sign3A_189 = arith.extui %sign3A_188 : i1 to i32
        %sign3A_190 = arith.subi %sign3A_186, %sign3A_189 : i32
        %sign3A_191 = arith.constant 0 : i32
        %sign3A_192 = arith.cmpi sgt, %jit3A, %sign3A_191 : i32
        %sign3A_193 = arith.extui %sign3A_192 : i1 to i32
        %sign3A_194 = arith.constant 0 : i32
        %sign3A_195 = arith.cmpi slt, %jit3A, %sign3A_194 : i32
        %sign3A_196 = arith.extui %sign3A_195 : i1 to i32
        %sign3A_197 = arith.subi %sign3A_193, %sign3A_196 : i32
        %ne3A = arith.cmpi ne, %sign3A_190, %sign3A_197 : i32
        %rem3A = arith.remsi %scan3A_184, %jit3A : i32
        %ne3A_198 = arith.constant 0 : i32
        %ne3A_199 = arith.cmpi ne, %rem3A, %ne3A_198 : i32
        %and3A_200 = arith.andi %ne3A, %ne3A_199 : i1
        %sub3A = arith.constant 1 : i32
        %sub3A_201 = arith.subi %div3A, %sub3A : i32
        %select_n3A = arith.select %and3A_200, %sub3A_201, %div3A : i32
        %mul3A_202 = arith.constant 16 : i32
        %mul3A_203 = arith.muli %select_n3A, %mul3A_202 : i32
        %jit3A_204 = arith.constant 4 : i32
        %eq3A = arith.constant 0 : i32
        %eq3A_205 = arith.cmpi eq, %jit3A_204, %eq3A : i32
        %jit3A_206 = arith.constant 1 : i32
        %select_n3A_207 = arith.select %eq3A_205, %jit3A_206, %jit3A_204 : i32
        %rem3A_208 = arith.remsi %scan3A_184, %select_n3A_207 : i32
        %ne3A_209 = arith.constant 0 : i32
        %ne3A_210 = arith.cmpi ne, %rem3A_208, %ne3A_209 : i32
        %lt3A_211 = arith.constant 0 : i32
        %lt3A_212 = arith.cmpi slt, %rem3A_208, %lt3A_211 : i32
        %lt3A_213 = arith.constant 0 : i32
        %lt3A_214 = arith.cmpi slt, %select_n3A_207, %lt3A_213 : i32
        %ne3A_215 = arith.xori %lt3A_212, %lt3A_214 : i1
        %and3A_216 = arith.andi %ne3A_215, %ne3A_210 : i1
        %add3A_217 = arith.addi %rem3A_208, %select_n3A_207 : i32
        %select_n3A_218 = arith.select %and3A_216, %add3A_217, %rem3A_208 : i32
        %mul3A_219 = arith.constant 16 : i32
        %mul3A_220 = arith.muli %select_n3A_218, %mul3A_219 : i32
        %add3A_221 = vector.broadcast %mul3A_203 : i32 to vector<16xi32>
        %add3A_222 = arith.addi %iota3A, %add3A_221 : vector<16xi32>
        %add3A_223 = vector.broadcast %mul3A_220 : i32 to vector<16xi32>
        %add3A_224 = arith.addi %and3A_5, %add3A_223 : vector<16xi32>
        %add3A_225 = vector.broadcast %mul3A_220 : i32 to vector<16xi32>
        %add3A_226 = arith.addi %and3A_11, %add3A_225 : vector<16xi32>
        %add3A_227 = vector.broadcast %mul3A_220 : i32 to vector<16xi32>
        %add3A_228 = arith.addi %and3A_17, %add3A_227 : vector<16xi32>
        %add3A_229 = vector.broadcast %mul3A_220 : i32 to vector<16xi32>
        %add3A_230 = arith.addi %and3A_23, %add3A_229 : vector<16xi32>
        %gather3A = arith.constant 0 : i32
        %gather3A_231 = arith.constant 0 : i32
        %gather3A_232 = tpu.memref_slice %arg5[%scan3A_161, %gather3A, %gather3A_231] : memref<2x64x128xf32, #tpu.memory_space<vmem>> -> memref<1x64x128xf32, #tpu.memory_space<vmem>>
        %gather3A_233 = tpu.memref_squeeze %gather3A_232 : memref<1x64x128xf32, #tpu.memory_space<vmem>> -> memref<64x128xf32, #tpu.memory_space<vmem>>
        %gather3A_234 = tpu.vector_load_idx %gather3A_233[%add3A_224, %add3A_222] : memref<64x128xf32, #tpu.memory_space<vmem>>[vector<16xi32>, vector<16xi32>], vector<16xf32>,
        %gather3A_235 = arith.constant 0 : i32
        %gather3A_236 = arith.constant 0 : i32
        %gather3A_237 = tpu.memref_slice %arg5[%scan3A_161, %gather3A_235, %gather3A_236] : memref<2x64x128xf32, #tpu.memory_space<vmem>> -> memref<1x64x128xf32, #tpu.memory_space<vmem>>
        %gather3A_238 = tpu.memref_squeeze %gather3A_237 : memref<1x64x128xf32, #tpu.memory_space<vmem>> -> memref<64x128xf32, #tpu.memory_space<vmem>>
        %gather3A_239 = tpu.vector_load_idx %gather3A_238[%add3A_226, %add3A_222] : memref<64x128xf32, #tpu.memory_space<vmem>>[vector<16xi32>, vector<16xi32>], vector<16xf32>,
        %gather3A_240 = arith.constant 0 : i32
        %gather3A_241 = arith.constant 0 : i32
        %gather3A_242 = tpu.memref_slice %arg5[%scan3A_161, %gather3A_240, %gather3A_241] : memref<2x64x128xf32, #tpu.memory_space<vmem>> -> memref<1x64x128xf32, #tpu.memory_space<vmem>>
        %gather3A_243 = tpu.memref_squeeze %gather3A_242 : memref<1x64x128xf32, #tpu.memory_space<vmem>> -> memref<64x128xf32, #tpu.memory_space<vmem>>
        %gather3A_244 = tpu.vector_load_idx %gather3A_243[%add3A_228, %add3A_222] : memref<64x128xf32, #tpu.memory_space<vmem>>[vector<16xi32>, vector<16xi32>], vector<16xf32>,
        %gather3A_245 = arith.constant 0 : i32
        %gather3A_246 = arith.constant 0 : i32
        %gather3A_247 = tpu.memref_slice %arg5[%scan3A_161, %gather3A_245, %gather3A_246] : memref<2x64x128xf32, #tpu.memory_space<vmem>> -> memref<1x64x128xf32, #tpu.memory_space<vmem>>
        %gather3A_248 = tpu.memref_squeeze %gather3A_247 : memref<1x64x128xf32, #tpu.memory_space<vmem>> -> memref<64x128xf32, #tpu.memory_space<vmem>>
        %gather3A_249 = tpu.vector_load_idx %gather3A_248[%add3A_230, %add3A_222] : memref<64x128xf32, #tpu.memory_space<vmem>>[vector<16xi32>, vector<16xi32>], vector<16xf32>,
        %scatter3A = arith.constant 0 : i32
        %scatter3A_250 = arith.constant 0 : i32
        %scatter3A_251 = tpu.memref_slice %arg6[%scan3A_162, %scatter3A, %scatter3A_250] : memref<2x128x128xf32, #tpu.memory_space<vmem>> -> memref<1x128x128xf32, #tpu.memory_space<vmem>>
        %scatter3A_252 = tpu.memref_squeeze %scatter3A_251 : memref<1x128x128xf32, #tpu.memory_space<vmem>> -> memref<128x128xf32, #tpu.memory_space<vmem>>
        tpu.vector_store_idx %scatter3A_252[%add3A_222, %add3A_224], %gather3A_234 : memref<128x128xf32, #tpu.memory_space<vmem>>[vector<16xi32>, vector<16xi32>], vector<16xf32>,
        %scatter3A_253 = arith.constant 0 : i32
        %scatter3A_254 = arith.constant 0 : i32
        %scatter3A_255 = tpu.memref_slice %arg6[%scan3A_162, %scatter3A_253, %scatter3A_254] : memref<2x128x128xf32, #tpu.memory_space<vmem>> -> memref<1x128x128xf32, #tpu.memory_space<vmem>>
        %scatter3A_256 = tpu.memref_squeeze %scatter3A_255 : memref<1x128x128xf32, #tpu.memory_space<vmem>> -> memref<128x128xf32, #tpu.memory_space<vmem>>
        tpu.vector_store_idx %scatter3A_256[%add3A_222, %add3A_226], %gather3A_239 : memref<128x128xf32, #tpu.memory_space<vmem>>[vector<16xi32>, vector<16xi32>], vector<16xf32>,
        %scatter3A_257 = arith.constant 0 : i32
        %scatter3A_258 = arith.constant 0 : i32
        %scatter3A_259 = tpu.memref_slice %arg6[%scan3A_162, %scatter3A_257, %scatter3A_258] : memref<2x128x128xf32, #tpu.memory_space<vmem>> -> memref<1x128x128xf32, #tpu.memory_space<vmem>>
        %scatter3A_260 = tpu.memref_squeeze %scatter3A_259 : memref<1x128x128xf32, #tpu.memory_space<vmem>> -> memref<128x128xf32, #tpu.memory_space<vmem>>
        tpu.vector_store_idx %scatter3A_260[%add3A_222, %add3A_228], %gather3A_244 : memref<128x128xf32, #tpu.memory_space<vmem>>[vector<16xi32>, vector<16xi32>], vector<16xf32>,
        %scatter3A_261 = arith.constant 0 : i32
        %scatter3A_262 = arith.constant 0 : i32
        %scatter3A_263 = tpu.memref_slice %arg6[%scan3A_162, %scatter3A_261, %scatter3A_262] : memref<2x128x128xf32, #tpu.memory_space<vmem>> -> memref<1x128x128xf32, #tpu.memory_space<vmem>>
        %scatter3A_264 = tpu.memref_squeeze %scatter3A_263 : memref<1x128x128xf32, #tpu.memory_space<vmem>> -> memref<128x128xf32, #tpu.memory_space<vmem>>
        tpu.vector_store_idx %scatter3A_264[%add3A_222, %add3A_230], %gather3A_249 : memref<128x128xf32, #tpu.memory_space<vmem>>[vector<16xi32>, vector<16xi32>], vector<16xf32>,
        %add3A_265 = vector.broadcast %mul3A_220 : i32 to vector<16xi32>
        %add3A_266 = arith.addi %and3A_29, %add3A_265 : vector<16xi32>
        %add3A_267 = vector.broadcast %mul3A_220 : i32 to vector<16xi32>
        %add3A_268 = arith.addi %and3A_35, %add3A_267 : vector<16xi32>
        %add3A_269 = vector.broadcast %mul3A_220 : i32 to vector<16xi32>
        %add3A_270 = arith.addi %and3A_41, %add3A_269 : vector<16xi32>
        %add3A_271 = vector.broadcast %mul3A_220 : i32 to vector<16xi32>
        %add3A_272 = arith.addi %and3A_47, %add3A_271 : vector<16xi32>
        %gather3A_273 = arith.constant 0 : i32
        %gather3A_274 = arith.constant 0 : i32
        %gather3A_275 = tpu.memref_slice %arg5[%scan3A_161, %gather3A_273, %gather3A_274] : memref<2x64x128xf32, #tpu.memory_space<vmem>> -> memref<1x64x128xf32, #tpu.memory_space<vmem>>
        %gather3A_276 = tpu.memref_squeeze %gather3A_275 : memref<1x64x128xf32, #tpu.memory_space<vmem>> -> memref<64x128xf32, #tpu.memory_space<vmem>>
        %gather3A_277 = tpu.vector_load_idx %gather3A_276[%add3A_266, %add3A_222] : memref<64x128xf32, #tpu.memory_space<vmem>>[vector<16xi32>, vector<16xi32>], vector<16xf32>,
        %gather3A_278 = arith.constant 0 : i32
        %gather3A_279 = arith.constant 0 : i32
        %gather3A_280 = tpu.memref_slice %arg5[%scan3A_161, %gather3A_278, %gather3A_279] : memref<2x64x128xf32, #tpu.memory_space<vmem>> -> memref<1x64x128xf32, #tpu.memory_space<vmem>>
        %gather3A_281 = tpu.memref_squeeze %gather3A_280 : memref<1x64x128xf32, #tpu.memory_space<vmem>> -> memref<64x128xf32, #tpu.memory_space<vmem>>
        %gather3A_282 = tpu.vector_load_idx %gather3A_281[%add3A_268, %add3A_222] : memref<64x128xf32, #tpu.memory_space<vmem>>[vector<16xi32>, vector<16xi32>], vector<16xf32>,
        %gather3A_283 = arith.constant 0 : i32
        %gather3A_284 = arith.constant 0 : i32
        %gather3A_285 = tpu.memref_slice %arg5[%scan3A_161, %gather3A_283, %gather3A_284] : memref<2x64x128xf32, #tpu.memory_space<vmem>> -> memref<1x64x128xf32, #tpu.memory_space<vmem>>
        %gather3A_286 = tpu.memref_squeeze %gather3A_285 : memref<1x64x128xf32, #tpu.memory_space<vmem>> -> memref<64x128xf32, #tpu.memory_space<vmem>>
        %gather3A_287 = tpu.vector_load_idx %gather3A_286[%add3A_270, %add3A_222] : memref<64x128xf32, #tpu.memory_space<vmem>>[vector<16xi32>, vector<16xi32>], vector<16xf32>,
        %gather3A_288 = arith.constant 0 : i32
        %gather3A_289 = arith.constant 0 : i32
        %gather3A_290 = tpu.memref_slice %arg5[%scan3A_161, %gather3A_288, %gather3A_289] : memref<2x64x128xf32, #tpu.memory_space<vmem>> -> memref<1x64x128xf32, #tpu.memory_space<vmem>>
        %gather3A_291 = tpu.memref_squeeze %gather3A_290 : memref<1x64x128xf32, #tpu.memory_space<vmem>> -> memref<64x128xf32, #tpu.memory_space<vmem>>
        %gather3A_292 = tpu.vector_load_idx %gather3A_291[%add3A_272, %add3A_222] : memref<64x128xf32, #tpu.memory_space<vmem>>[vector<16xi32>, vector<16xi32>], vector<16xf32>,
        %scatter3A_293 = arith.constant 0 : i32
        %scatter3A_294 = arith.constant 0 : i32
        %scatter3A_295 = tpu.memref_slice %arg6[%scan3A_162, %scatter3A_293, %scatter3A_294] : memref<2x128x128xf32, #tpu.memory_space<vmem>> -> memref<1x128x128xf32, #tpu.memory_space<vmem>>
        %scatter3A_296 = tpu.memref_squeeze %scatter3A_295 : memref<1x128x128xf32, #tpu.memory_space<vmem>> -> memref<128x128xf32, #tpu.memory_space<vmem>>
        tpu.vector_store_idx %scatter3A_296[%add3A_222, %add3A_266], %gather3A_277 : memref<128x128xf32, #tpu.memory_space<vmem>>[vector<16xi32>, vector<16xi32>], vector<16xf32>,
        %scatter3A_297 = arith.constant 0 : i32
        %scatter3A_298 = arith.constant 0 : i32
        %scatter3A_299 = tpu.memref_slice %arg6[%scan3A_162, %scatter3A_297, %scatter3A_298] : memref<2x128x128xf32, #tpu.memory_space<vmem>> -> memref<1x128x128xf32, #tpu.memory_space<vmem>>
        %scatter3A_300 = tpu.memref_squeeze %scatter3A_299 : memref<1x128x128xf32, #tpu.memory_space<vmem>> -> memref<128x128xf32, #tpu.memory_space<vmem>>
        tpu.vector_store_idx %scatter3A_300[%add3A_222, %add3A_268], %gather3A_282 : memref<128x128xf32, #tpu.memory_space<vmem>>[vector<16xi32>, vector<16xi32>], vector<16xf32>,
        %scatter3A_301 = arith.constant 0 : i32
        %scatter3A_302 = arith.constant 0 : i32
        %scatter3A_303 = tpu.memref_slice %arg6[%scan3A_162, %scatter3A_301, %scatter3A_302] : memref<2x128x128xf32, #tpu.memory_space<vmem>> -> memref<1x128x128xf32, #tpu.memory_space<vmem>>
        %scatter3A_304 = tpu.memref_squeeze %scatter3A_303 : memref<1x128x128xf32, #tpu.memory_space<vmem>> -> memref<128x128xf32, #tpu.memory_space<vmem>>
        tpu.vector_store_idx %scatter3A_304[%add3A_222, %add3A_270], %gather3A_287 : memref<128x128xf32, #tpu.memory_space<vmem>>[vector<16xi32>, vector<16xi32>], vector<16xf32>,
        %scatter3A_305 = arith.constant 0 : i32
        %scatter3A_306 = arith.constant 0 : i32
        %scatter3A_307 = tpu.memref_slice %arg6[%scan3A_162, %scatter3A_305, %scatter3A_306] : memref<2x128x128xf32, #tpu.memory_space<vmem>> -> memref<1x128x128xf32, #tpu.memory_space<vmem>>
        %scatter3A_308 = tpu.memref_squeeze %scatter3A_307 : memref<1x128x128xf32, #tpu.memory_space<vmem>> -> memref<128x128xf32, #tpu.memory_space<vmem>>
        tpu.vector_store_idx %scatter3A_308[%add3A_222, %add3A_272], %gather3A_292 : memref<128x128xf32, #tpu.memory_space<vmem>>[vector<16xi32>, vector<16xi32>], vector<16xf32>,
        %add3A_309 = vector.broadcast %mul3A_220 : i32 to vector<16xi32>
        %add3A_310 = arith.addi %and3A_53, %add3A_309 : vector<16xi32>
        %add3A_311 = vector.broadcast %mul3A_220 : i32 to vector<16xi32>
        %add3A_312 = arith.addi %and3A_59, %add3A_311 : vector<16xi32>
        %add3A_313 = vector.broadcast %mul3A_220 : i32 to vector<16xi32>
        %add3A_314 = arith.addi %and3A_65, %add3A_313 : vector<16xi32>
        %add3A_315 = vector.broadcast %mul3A_220 : i32 to vector<16xi32>
        %add3A_316 = arith.addi %and3A_71, %add3A_315 : vector<16xi32>
        %gather3A_317 = arith.constant 0 : i32
        %gather3A_318 = arith.constant 0 : i32
        %gather3A_319 = tpu.memref_slice %arg5[%scan3A_161, %gather3A_317, %gather3A_318] : memref<2x64x128xf32, #tpu.memory_space<vmem>> -> memref<1x64x128xf32, #tpu.memory_space<vmem>>
        %gather3A_320 = tpu.memref_squeeze %gather3A_319 : memref<1x64x128xf32, #tpu.memory_space<vmem>> -> memref<64x128xf32, #tpu.memory_space<vmem>>
        %gather3A_321 = tpu.vector_load_idx %gather3A_320[%add3A_310, %add3A_222] : memref<64x128xf32, #tpu.memory_space<vmem>>[vector<16xi32>, vector<16xi32>], vector<16xf32>,
        %gather3A_322 = arith.constant 0 : i32
        %gather3A_323 = arith.constant 0 : i32
        %gather3A_324 = tpu.memref_slice %arg5[%scan3A_161, %gather3A_322, %gather3A_323] : memref<2x64x128xf32, #tpu.memory_space<vmem>> -> memref<1x64x128xf32, #tpu.memory_space<vmem>>
        %gather3A_325 = tpu.memref_squeeze %gather3A_324 : memref<1x64x128xf32, #tpu.memory_space<vmem>> -> memref<64x128xf32, #tpu.memory_space<vmem>>
        %gather3A_326 = tpu.vector_load_idx %gather3A_325[%add3A_312, %add3A_222] : memref<64x128xf32, #tpu.memory_space<vmem>>[vector<16xi32>, vector<16xi32>], vector<16xf32>,
        %gather3A_327 = arith.constant 0 : i32
        %gather3A_328 = arith.constant 0 : i32
        %gather3A_329 = tpu.memref_slice %arg5[%scan3A_161, %gather3A_327, %gather3A_328] : memref<2x64x128xf32, #tpu.memory_space<vmem>> -> memref<1x64x128xf32, #tpu.memory_space<vmem>>
        %gather3A_330 = tpu.memref_squeeze %gather3A_329 : memref<1x64x128xf32, #tpu.memory_space<vmem>> -> memref<64x128xf32, #tpu.memory_space<vmem>>
        %gather3A_331 = tpu.vector_load_idx %gather3A_330[%add3A_314, %add3A_222] : memref<64x128xf32, #tpu.memory_space<vmem>>[vector<16xi32>, vector<16xi32>], vector<16xf32>,
        %gather3A_332 = arith.constant 0 : i32
        %gather3A_333 = arith.constant 0 : i32
        %gather3A_334 = tpu.memref_slice %arg5[%scan3A_161, %gather3A_332, %gather3A_333] : memref<2x64x128xf32, #tpu.memory_space<vmem>> -> memref<1x64x128xf32, #tpu.memory_space<vmem>>
        %gather3A_335 = tpu.memref_squeeze %gather3A_334 : memref<1x64x128xf32, #tpu.memory_space<vmem>> -> memref<64x128xf32, #tpu.memory_space<vmem>>
        %gather3A_336 = tpu.vector_load_idx %gather3A_335[%add3A_316, %add3A_222] : memref<64x128xf32, #tpu.memory_space<vmem>>[vector<16xi32>, vector<16xi32>], vector<16xf32>,
        %scatter3A_337 = arith.constant 0 : i32
        %scatter3A_338 = arith.constant 0 : i32
        %scatter3A_339 = tpu.memref_slice %arg6[%scan3A_162, %scatter3A_337, %scatter3A_338] : memref<2x128x128xf32, #tpu.memory_space<vmem>> -> memref<1x128x128xf32, #tpu.memory_space<vmem>>
        %scatter3A_340 = tpu.memref_squeeze %scatter3A_339 : memref<1x128x128xf32, #tpu.memory_space<vmem>> -> memref<128x128xf32, #tpu.memory_space<vmem>>
        tpu.vector_store_idx %scatter3A_340[%add3A_222, %add3A_310], %gather3A_321 : memref<128x128xf32, #tpu.memory_space<vmem>>[vector<16xi32>, vector<16xi32>], vector<16xf32>,
        %scatter3A_341 = arith.constant 0 : i32
        %scatter3A_342 = arith.constant 0 : i32
        %scatter3A_343 = tpu.memref_slice %arg6[%scan3A_162, %scatter3A_341, %scatter3A_342] : memref<2x128x128xf32, #tpu.memory_space<vmem>> -> memref<1x128x128xf32, #tpu.memory_space<vmem>>
        %scatter3A_344 = tpu.memref_squeeze %scatter3A_343 : memref<1x128x128xf32, #tpu.memory_space<vmem>> -> memref<128x128xf32, #tpu.memory_space<vmem>>
        tpu.vector_store_idx %scatter3A_344[%add3A_222, %add3A_312], %gather3A_326 : memref<128x128xf32, #tpu.memory_space<vmem>>[vector<16xi32>, vector<16xi32>], vector<16xf32>,
        %scatter3A_345 = arith.constant 0 : i32
        %scatter3A_346 = arith.constant 0 : i32
        %scatter3A_347 = tpu.memref_slice %arg6[%scan3A_162, %scatter3A_345, %scatter3A_346] : memref<2x128x128xf32, #tpu.memory_space<vmem>> -> memref<1x128x128xf32, #tpu.memory_space<vmem>>
        %scatter3A_348 = tpu.memref_squeeze %scatter3A_347 : memref<1x128x128xf32, #tpu.memory_space<vmem>> -> memref<128x128xf32, #tpu.memory_space<vmem>>
        tpu.vector_store_idx %scatter3A_348[%add3A_222, %add3A_314], %gather3A_331 : memref<128x128xf32, #tpu.memory_space<vmem>>[vector<16xi32>, vector<16xi32>], vector<16xf32>,
        %scatter3A_349 = arith.constant 0 : i32
        %scatter3A_350 = arith.constant 0 : i32
        %scatter3A_351 = tpu.memref_slice %arg6[%scan3A_162, %scatter3A_349, %scatter3A_350] : memref<2x128x128xf32, #tpu.memory_space<vmem>> -> memref<1x128x128xf32, #tpu.memory_space<vmem>>
        %scatter3A_352 = tpu.memref_squeeze %scatter3A_351 : memref<1x128x128xf32, #tpu.memory_space<vmem>> -> memref<128x128xf32, #tpu.memory_space<vmem>>
        tpu.vector_store_idx %scatter3A_352[%add3A_222, %add3A_316], %gather3A_336 : memref<128x128xf32, #tpu.memory_space<vmem>>[vector<16xi32>, vector<16xi32>], vector<16xf32>,
        %add3A_353 = vector.broadcast %mul3A_220 : i32 to vector<16xi32>
        %add3A_354 = arith.addi %and3A_77, %add3A_353 : vector<16xi32>
        %add3A_355 = vector.broadcast %mul3A_220 : i32 to vector<16xi32>
        %add3A_356 = arith.addi %and3A_83, %add3A_355 : vector<16xi32>
        %add3A_357 = vector.broadcast %mul3A_220 : i32 to vector<16xi32>
        %add3A_358 = arith.addi %and3A_89, %add3A_357 : vector<16xi32>
        %add3A_359 = vector.broadcast %mul3A_220 : i32 to vector<16xi32>
        %add3A_360 = arith.addi %and3A_95, %add3A_359 : vector<16xi32>
        %gather3A_361 = arith.constant 0 : i32
        %gather3A_362 = arith.constant 0 : i32
        %gather3A_363 = tpu.memref_slice %arg5[%scan3A_161, %gather3A_361, %gather3A_362] : memref<2x64x128xf32, #tpu.memory_space<vmem>> -> memref<1x64x128xf32, #tpu.memory_space<vmem>>
        %gather3A_364 = tpu.memref_squeeze %gather3A_363 : memref<1x64x128xf32, #tpu.memory_space<vmem>> -> memref<64x128xf32, #tpu.memory_space<vmem>>
        %gather3A_365 = tpu.vector_load_idx %gather3A_364[%add3A_354, %add3A_222] : memref<64x128xf32, #tpu.memory_space<vmem>>[vector<16xi32>, vector<16xi32>], vector<16xf32>,
        %gather3A_366 = arith.constant 0 : i32
        %gather3A_367 = arith.constant 0 : i32
        %gather3A_368 = tpu.memref_slice %arg5[%scan3A_161, %gather3A_366, %gather3A_367] : memref<2x64x128xf32, #tpu.memory_space<vmem>> -> memref<1x64x128xf32, #tpu.memory_space<vmem>>
        %gather3A_369 = tpu.memref_squeeze %gather3A_368 : memref<1x64x128xf32, #tpu.memory_space<vmem>> -> memref<64x128xf32, #tpu.memory_space<vmem>>
        %gather3A_370 = tpu.vector_load_idx %gather3A_369[%add3A_356, %add3A_222] : memref<64x128xf32, #tpu.memory_space<vmem>>[vector<16xi32>, vector<16xi32>], vector<16xf32>,
        %gather3A_371 = arith.constant 0 : i32
        %gather3A_372 = arith.constant 0 : i32
        %gather3A_373 = tpu.memref_slice %arg5[%scan3A_161, %gather3A_371, %gather3A_372] : memref<2x64x128xf32, #tpu.memory_space<vmem>> -> memref<1x64x128xf32, #tpu.memory_space<vmem>>
        %gather3A_374 = tpu.memref_squeeze %gather3A_373 : memref<1x64x128xf32, #tpu.memory_space<vmem>> -> memref<64x128xf32, #tpu.memory_space<vmem>>
        %gather3A_375 = tpu.vector_load_idx %gather3A_374[%add3A_358, %add3A_222] : memref<64x128xf32, #tpu.memory_space<vmem>>[vector<16xi32>, vector<16xi32>], vector<16xf32>,
        %gather3A_376 = arith.constant 0 : i32
        %gather3A_377 = arith.constant 0 : i32
        %gather3A_378 = tpu.memref_slice %arg5[%scan3A_161, %gather3A_376, %gather3A_377] : memref<2x64x128xf32, #tpu.memory_space<vmem>> -> memref<1x64x128xf32, #tpu.memory_space<vmem>>
        %gather3A_379 = tpu.memref_squeeze %gather3A_378 : memref<1x64x128xf32, #tpu.memory_space<vmem>> -> memref<64x128xf32, #tpu.memory_space<vmem>>
        %gather3A_380 = tpu.vector_load_idx %gather3A_379[%add3A_360, %add3A_222] : memref<64x128xf32, #tpu.memory_space<vmem>>[vector<16xi32>, vector<16xi32>], vector<16xf32>,
        %scatter3A_381 = arith.constant 0 : i32
        %scatter3A_382 = arith.constant 0 : i32
        %scatter3A_383 = tpu.memref_slice %arg6[%scan3A_162, %scatter3A_381, %scatter3A_382] : memref<2x128x128xf32, #tpu.memory_space<vmem>> -> memref<1x128x128xf32, #tpu.memory_space<vmem>>
        %scatter3A_384 = tpu.memref_squeeze %scatter3A_383 : memref<1x128x128xf32, #tpu.memory_space<vmem>> -> memref<128x128xf32, #tpu.memory_space<vmem>>
        tpu.vector_store_idx %scatter3A_384[%add3A_222, %add3A_354], %gather3A_365 : memref<128x128xf32, #tpu.memory_space<vmem>>[vector<16xi32>, vector<16xi32>], vector<16xf32>,
        %scatter3A_385 = arith.constant 0 : i32
        %scatter3A_386 = arith.constant 0 : i32
        %scatter3A_387 = tpu.memref_slice %arg6[%scan3A_162, %scatter3A_385, %scatter3A_386] : memref<2x128x128xf32, #tpu.memory_space<vmem>> -> memref<1x128x128xf32, #tpu.memory_space<vmem>>
        %scatter3A_388 = tpu.memref_squeeze %scatter3A_387 : memref<1x128x128xf32, #tpu.memory_space<vmem>> -> memref<128x128xf32, #tpu.memory_space<vmem>>
        tpu.vector_store_idx %scatter3A_388[%add3A_222, %add3A_356], %gather3A_370 : memref<128x128xf32, #tpu.memory_space<vmem>>[vector<16xi32>, vector<16xi32>], vector<16xf32>,
        %scatter3A_389 = arith.constant 0 : i32
        %scatter3A_390 = arith.constant 0 : i32
        %scatter3A_391 = tpu.memref_slice %arg6[%scan3A_162, %scatter3A_389, %scatter3A_390] : memref<2x128x128xf32, #tpu.memory_space<vmem>> -> memref<1x128x128xf32, #tpu.memory_space<vmem>>
        %scatter3A_392 = tpu.memref_squeeze %scatter3A_391 : memref<1x128x128xf32, #tpu.memory_space<vmem>> -> memref<128x128xf32, #tpu.memory_space<vmem>>
        tpu.vector_store_idx %scatter3A_392[%add3A_222, %add3A_358], %gather3A_375 : memref<128x128xf32, #tpu.memory_space<vmem>>[vector<16xi32>, vector<16xi32>], vector<16xf32>,
        %scatter3A_393 = arith.constant 0 : i32
        %scatter3A_394 = arith.constant 0 : i32
        %scatter3A_395 = tpu.memref_slice %arg6[%scan3A_162, %scatter3A_393, %scatter3A_394] : memref<2x128x128xf32, #tpu.memory_space<vmem>> -> memref<1x128x128xf32, #tpu.memory_space<vmem>>
        %scatter3A_396 = tpu.memref_squeeze %scatter3A_395 : memref<1x128x128xf32, #tpu.memory_space<vmem>> -> memref<128x128xf32, #tpu.memory_space<vmem>>
        tpu.vector_store_idx %scatter3A_396[%add3A_222, %add3A_360], %gather3A_380 : memref<128x128xf32, #tpu.memory_space<vmem>>[vector<16xi32>, vector<16xi32>], vector<16xf32>,
      }
      %scan3A_167 = arith.constant 32 : i32
      %add3A_168 = arith.constant 7808 : i32
      %add3A_169 = arith.addi %add3A_168, %add3A : i32
      %mul3A_170 = arith.constant 128 : i32
      %mul3A_171 = arith.muli %add3A_169, %mul3A_170 : i32
      %dma_start3A = arith.constant 0 : i32
      %dma_start3A_172 = arith.constant 0 : i32
      %dma_start3A_173 = arith.constant 0 : i32
      %dma_start3A_174 = tpu.memref_slice %arg6[%dma_start3A, %dma_start3A_172, %dma_start3A_173] : memref<2x128x128xf32, #tpu.memory_space<vmem>> -> memref<1x128x128xf32, #tpu.memory_space<vmem>>
      %dma_start3A_175 = tpu.memref_squeeze %dma_start3A_174 : memref<1x128x128xf32, #tpu.memory_space<vmem>> -> memref<128x128xf32, #tpu.memory_space<vmem>>
      %dma_start3A_176 = arith.constant 0 : i32
      %dma_start3A_177 = tpu.memref_slice %arg4[%mul3A_171, %dma_start3A_176] : memref<1000000x128xf32, #tpu.memory_space<hbm>> -> memref<128x128xf32, #tpu.memory_space<hbm>>
      %dma_start3A_178 = arith.constant 0 : i32
      %dma_start3A_179 = tpu.memref_slice %arg4[%mul3A_171, %dma_start3A_178] : memref<1000000x128xf32, #tpu.memory_space<hbm>> -> memref<128x128xf32, #tpu.memory_space<hbm>>
      %dma_start3A_180 = arith.constant 0 : i32
      %dma_start3A_181 = arith.constant 0 : i32
      %dma_start3A_182 = tpu.memref_slice %arg6[%dma_start3A, %dma_start3A_180, %dma_start3A_181] : memref<2x128x128xf32, #tpu.memory_space<vmem>> -> memref<1x128x128xf32, #tpu.memory_space<vmem>>
      %dma_start3A_183 = tpu.memref_squeeze %dma_start3A_182 : memref<1x128x128xf32, #tpu.memory_space<vmem>> -> memref<128x128xf32, #tpu.memory_space<vmem>>
      tpu.enqueue_dma source(%dma_start3A_183 : memref<128x128xf32, #tpu.memory_space<vmem>>) target(%dma_start3A_179 : memref<128x128xf32, #tpu.memory_space<hbm>>) target_semaphore(%arg10 : memref<!tpu.dma_semaphore, #tpu.memory_space<semaphore_mem>>)
    } else {
    }
    %add3A_133 = arith.constant 7808 : i32
    %add3A_134 = arith.addi %add3A_133, %add3A : i32
    %lt3A_135 = arith.constant 7813 : i32
    %lt3A_136 = arith.cmpi slt, %add3A_134, %lt3A_135 : i32
    %add3A_137 = arith.constant 7808 : i32
    %add3A_138 = arith.addi %add3A_137, %add3A : i32
    %lt3A_139 = arith.constant 7812 : i32
    %lt3A_140 = arith.cmpi slt, %add3A_138, %lt3A_139 : i32
    %not3A = arith.constant true
    %not3A_141 = arith.xori %lt3A_140, %not3A : i1
    %and3A_142 = arith.andi %lt3A_136, %not3A_141 : i1
    %convert_element_type3A_143 = arith.extui %and3A_142 : i1 to i32
    %cond3A_144 = arith.constant 0 : i32
    %cond3A_145 = arith.cmpi ne, %convert_element_type3A_143, %cond3A_144 : i32
    scf.if %cond3A_145 {
      "tpu.region"() ({
        %run_scoped3A = tpu.sem_alloc : memref<!tpu.dma_semaphore, #tpu.memory_space<semaphore_mem>>
        tpu.enqueue_dma source(%arg3 : memref<64x128xf32, #tpu.memory_space<hbm>>) target(%arg7 : memref<64x128xf32, #tpu.memory_space<vmem>>) target_semaphore(%run_scoped3A : memref<!tpu.dma_semaphore, #tpu.memory_space<semaphore_mem>>)
        tpu.wait_dma2 semaphore(%run_scoped3A : memref<!tpu.dma_semaphore, #tpu.memory_space<semaphore_mem>>) src(%arg3 : memref<64x128xf32, #tpu.memory_space<hbm>>) dst(%arg7 : memref<64x128xf32, #tpu.memory_space<vmem>>)
        tpu.yield
      }) : () -> ()
      %add3A_160 = arith.constant 7808 : i32
      %add3A_161 = arith.addi %add3A_160, %add3A : i32
      %mul3A_162 = arith.constant 128 : i32
      %mul3A_163 = arith.muli %add3A_161, %mul3A_162 : i32
      %dma_start3A = arith.constant 0 : i32
      %dma_start3A_164 = tpu.memref_slice %arg4[%mul3A_163, %dma_start3A] : memref<1000000x128xf32, #tpu.memory_space<hbm>> -> memref<64x128xf32, #tpu.memory_space<hbm>>
      %dma_start3A_165 = arith.constant 0 : i32
      %dma_start3A_166 = tpu.memref_slice %arg4[%mul3A_163, %dma_start3A_165] : memref<1000000x128xf32, #tpu.memory_space<hbm>> -> memref<64x128xf32, #tpu.memory_space<hbm>>
      tpu.enqueue_dma source(%arg7 : memref<64x128xf32, #tpu.memory_space<vmem>>) target(%dma_start3A_166 : memref<64x128xf32, #tpu.memory_space<hbm>>) target_semaphore(%arg12 : memref<!tpu.dma_semaphore, #tpu.memory_space<semaphore_mem>>)
      %dma_wait3A = arith.constant 0 : i32
      %dma_wait3A_167 = tpu.memref_slice %arg4[%mul3A_163, %dma_wait3A] : memref<1000000x128xf32, #tpu.memory_space<hbm>> -> memref<64x128xf32, #tpu.memory_space<hbm>>
      %dma_wait3A_168 = arith.constant 0 : i32
      %dma_wait3A_169 = tpu.memref_slice %arg4[%mul3A_163, %dma_wait3A_168] : memref<1000000x128xf32, #tpu.memory_space<hbm>> -> memref<64x128xf32, #tpu.memory_space<hbm>>
      tpu.wait_dma2 semaphore(%arg12 : memref<!tpu.dma_semaphore, #tpu.memory_space<semaphore_mem>>) src(%arg7 : memref<64x128xf32, #tpu.memory_space<vmem>>) dst(%dma_wait3A_169 : memref<64x128xf32, #tpu.memory_space<hbm>>)
    } else {
    }
    %add3A_146 = arith.constant 7776 : i32
    %add3A_147 = arith.addi %add3A_146, %add3A : i32
    %lt3A_148 = arith.constant 7812 : i32
    %lt3A_149 = arith.cmpi slt, %add3A_147, %lt3A_148 : i32
    %convert_element_type3A_150 = arith.extui %lt3A_149 : i1 to i32
    %cond3A_151 = arith.constant 0 : i32
    %cond3A_152 = arith.cmpi ne, %convert_element_type3A_150, %cond3A_151 : i32
    scf.if %cond3A_152 {
      %add3A_160 = arith.constant 7776 : i32
      %add3A_161 = arith.addi %add3A_160, %add3A : i32
      %mul3A_162 = arith.constant 128 : i32
      %mul3A_163 = arith.muli %add3A_161, %mul3A_162 : i32
      %dma_wait3A = arith.constant 1 : i32
      %dma_wait3A_164 = arith.constant 0 : i32
      %dma_wait3A_165 = arith.constant 0 : i32
      %dma_wait3A_166 = tpu.memref_slice %arg6[%dma_wait3A, %dma_wait3A_164, %dma_wait3A_165] : memref<2x128x128xf32, #tpu.memory_space<vmem>> -> memref<1x128x128xf32, #tpu.memory_space<vmem>>
      %dma_wait3A_167 = tpu.memref_squeeze %dma_wait3A_166 : memref<1x128x128xf32, #tpu.memory_space<vmem>> -> memref<128x128xf32, #tpu.memory_space<vmem>>
      %dma_wait3A_168 = arith.constant 0 : i32
      %dma_wait3A_169 = tpu.memref_slice %arg4[%mul3A_163, %dma_wait3A_168] : memref<1000000x128xf32, #tpu.memory_space<hbm>> -> memref<128x128xf32, #tpu.memory_space<hbm>>
      %dma_wait3A_170 = arith.constant 0 : i32
      %dma_wait3A_171 = tpu.memref_slice %arg4[%mul3A_163, %dma_wait3A_170] : memref<1000000x128xf32, #tpu.memory_space<hbm>> -> memref<128x128xf32, #tpu.memory_space<hbm>>
      %dma_wait3A_172 = arith.constant 0 : i32
      %dma_wait3A_173 = arith.constant 0 : i32
      %dma_wait3A_174 = tpu.memref_slice %arg6[%dma_wait3A, %dma_wait3A_172, %dma_wait3A_173] : memref<2x128x128xf32, #tpu.memory_space<vmem>> -> memref<1x128x128xf32, #tpu.memory_space<vmem>>
      %dma_wait3A_175 = tpu.memref_squeeze %dma_wait3A_174 : memref<1x128x128xf32, #tpu.memory_space<vmem>> -> memref<128x128xf32, #tpu.memory_space<vmem>>
      tpu.wait_dma2 semaphore(%arg11 : memref<!tpu.dma_semaphore, #tpu.memory_space<semaphore_mem>>) src(%dma_wait3A_175 : memref<128x128xf32, #tpu.memory_space<vmem>>) dst(%dma_wait3A_171 : memref<128x128xf32, #tpu.memory_space<hbm>>)
    } else {
    }
    %add3A_153 = arith.constant 7808 : i32
    %add3A_154 = arith.addi %add3A_153, %add3A : i32
    %lt3A_155 = arith.constant 7812 : i32
    %lt3A_156 = arith.cmpi slt, %add3A_154, %lt3A_155 : i32
    %convert_element_type3A_157 = arith.extui %lt3A_156 : i1 to i32
    %cond3A_158 = arith.constant 0 : i32
    %cond3A_159 = arith.cmpi ne, %convert_element_type3A_157, %cond3A_158 : i32
    scf.if %cond3A_159 {
      %add3A_160 = arith.constant 7808 : i32
      %add3A_161 = arith.addi %add3A_160, %add3A : i32
      %mul3A_162 = arith.constant 128 : i32
      %mul3A_163 = arith.muli %add3A_161, %mul3A_162 : i32
      %dma_wait3A = arith.constant 0 : i32
      %dma_wait3A_164 = arith.constant 0 : i32
      %dma_wait3A_165 = arith.constant 0 : i32
      %dma_wait3A_166 = tpu.memref_slice %arg6[%dma_wait3A, %dma_wait3A_164, %dma_wait3A_165] : memref<2x128x128xf32, #tpu.memory_space<vmem>> -> memref<1x128x128xf32, #tpu.memory_space<vmem>>
      %dma_wait3A_167 = tpu.memref_squeeze %dma_wait3A_166 : memref<1x128x128xf32, #tpu.memory_space<vmem>> -> memref<128x128xf32, #tpu.memory_space<vmem>>
      %dma_wait3A_168 = arith.constant 0 : i32
      %dma_wait3A_169 = tpu.memref_slice %arg4[%mul3A_163, %dma_wait3A_168] : memref<1000000x128xf32, #tpu.memory_space<hbm>> -> memref<128x128xf32, #tpu.memory_space<hbm>>
      %dma_wait3A_170 = arith.constant 0 : i32
      %dma_wait3A_171 = tpu.memref_slice %arg4[%mul3A_163, %dma_wait3A_170] : memref<1000000x128xf32, #tpu.memory_space<hbm>> -> memref<128x128xf32, #tpu.memory_space<hbm>>
      %dma_wait3A_172 = arith.constant 0 : i32
      %dma_wait3A_173 = arith.constant 0 : i32
      %dma_wait3A_174 = tpu.memref_slice %arg6[%dma_wait3A, %dma_wait3A_172, %dma_wait3A_173] : memref<2x128x128xf32, #tpu.memory_space<vmem>> -> memref<1x128x128xf32, #tpu.memory_space<vmem>>
      %dma_wait3A_175 = tpu.memref_squeeze %dma_wait3A_174 : memref<1x128x128xf32, #tpu.memory_space<vmem>> -> memref<128x128xf32, #tpu.memory_space<vmem>>
      tpu.wait_dma2 semaphore(%arg10 : memref<!tpu.dma_semaphore, #tpu.memory_space<semaphore_mem>>) src(%dma_wait3A_175 : memref<128x128xf32, #tpu.memory_space<vmem>>) dst(%dma_wait3A_171 : memref<128x128xf32, #tpu.memory_space<hbm>>)
    } else {
    }
    return
  }
}

</mosaic_0001>

<sc_bundles>
// kernel: kernel.4.cloned.1.call-start
scs
__scs_entry_jumppad:
0x0: {  	(pc) =	sbr.rel $0x88, $3  }
0x1: {  	(tag) =	ssettag $0x0;
	lr =	simm.s32 $0x1  }
0x2: {  	[smem:$0x3F9F] =	sst lr;
	_ =	strace $0xD0000000  }
0x3: {  	_ = 	snop  }
0x4: {  	_ = 	snop  }
0x5: {  	_ = 	snop  }
0x6: {  	_ = 	snop  }
0x7: {  	_ = 	snop  }
__scs_overlays_trampoline_lowered:
0x8: {  	[smem:$0x3FAE] =	sst s0  }
0x9: {  	[smem:$0x3FAF] =	sst s1  }
0xa: {  	[smem:$0x3FB0] =	sst s2  }
0xb: {  	[smem:$0x3FB1] =	sst s3  }
0xc: {  	[smem:$0x3FB2] =	sst s4  }
0xd: {  	[smem:$0x3FB3] =	sst s5  }
0xe: {  	[smem:$0x3FB4] =	sst s6  }
0xf: {  	[smem:$0x3FB5] =	sst s7  }
0x10: {  	[smem:$0x3FB6] =	sst s8  }
0x11: {  	[smem:$0x3FB7] =	sst s9;
	s0 =	simm.s32 @!p0 $0x0  }
0x12: {  	s1 =	sld [smem:$0x3F9D];
	s0 =	simm.s32 @p0 $0x1  }
0x13: {  	[smem:$0x3FB8] =	sst s0;
	s0 =	simm.s32 @!p1 $0x0  }
0x14: {  	s2 =	sld [smem:$0x3F9C];
	s0 =	simm.s32 @p1 $0x1  }
0x15: {  	[smem:$0x3FB9] =	sst s0;
	s0 =	simm.s32 @!p2 $0x0  }
0x16: {  	s3 =	sld [smem:$0x3FDB];
	s0 =	simm.s32 @p2 $0x1  }
0x17: {  	s4 =	simm.s32 $0x1BF5;
	[smem:$0x3FBB] =	sst s0  }
0x18: {  	s0 =	sld [smem:$0x3F9E];
	_ =	swait.ge [sflag:s4], $0x0  }
0x19: {  	s7 =	sld [smem:$0x3F9F]  }
0x1a: {  	s8 =	sadd.s32 $0xFFFFE003, lr  }
0x1b: {  	s9 =	sadd.s32 $0xFFFFFEF7, lr;
	s5 =	simm.s32 $0xFFFFFFFF;
	p2 =	slt.u32 s8, $0xFFFFF086  }
0x1c: {  	p1 =	slt.u32 s9, $0xF7A;
	s5 =	simm.s32 @!p2 $0x0  }
0x1d: {  	s5 =	simm.s32 @p1 $0x1;
	p0 =	seq.s32 s7, s2  }
0x1e: {  	s7 =	smul.u32 @!p0 $0xF7A, s2;
	p2 =	seq.s32 @!p0 s5, $0x0  }
0x1f: {  	s9 =	smul.u32 $0xF7A, s1;
	s8 =	simm.s32 @!p0 $0x1BF5;
	p2 =	por !p2, p0  }
0x20: {  	[sflag:s8] =	ssyncset.s32 @!p0 $0xFFFFF086;
	s6 =	sadd.s32 @!p0 s3, s7;
	s7 =	simm.s32 @!p0 $0x108  }
0x21: {  	s3 =	sadd.s32 s3, s9;
	s6 =	sadd.s32 @!p0 $0x88, s6;
	s7 =	simm.s32 @p2 $0x1082  }
0x22: {  	[simem:s7], [sflag:s8] =	dma.local @!p0 [hbm:s6], $0xF7A  }
0x23: {  	s9 =	sor.u32 $0xD0000000, s2;
	s6 =	simm.s32 $0x108;
	_ =	swait.ge @!p0 [sflag:s8], $0x0  }
0x24: {  	s3 =	sadd.s32 $0x88, s3;
	s6 =	simm.s32 @!p1 $0x1082;
	[sflag:s4] =	ssyncset.s32 $0xFFFFF086  }
0x25: {  	[simem:s6], [sflag:s4] =	dma.local [hbm:s3], $0xF7A  }
0x26: {  	[smem:$0x3F9F] =	sst s1;
	(tag) =	ssettag s2;
	_ =	strace s9  }
0x27: {  	s1 =	sld [smem:$0x3FAF]  }
0x28: {  	s2 =	sld [smem:$0x3FB0]  }
0x29: {  	s4 =	sld [smem:$0x3FB2]  }
0x2a: {  	p0 =	seq.s32 s5, $0x0;
	s5 =	sld [smem:$0x3FB3]  }
0x2b: {  	s6 =	sld [smem:$0x3FB4]  }
0x2c: {  	s7 =	sld [smem:$0x3FB5]  }
0x2d: {  	s3 =	simm.s32 $0x108;
	s8 =	sld [smem:$0x3FB6]  }
0x2e: {  	s3 =	simm.s32 @!p0 $0x1082;
	s9 =	sld [smem:$0x3FB7]  }
0x2f: {  	lr =	sadd.s32 s0, s3;
	s0 =	sld [smem:$0x3FAE]  }
0x30: {  	s3 =	sld [smem:$0x3FB1]  }
0x31: {  	[smem:$0x3FBA] =	sst s10  }
0x32: {  	s10 =	sld [smem:$0x3FB8];
	_ =	sdelay $0x3  }
0x33: {  	p0 =	seq.s32 s10, $0x1;
	s10 =	sld [smem:$0x3FBA];
	_ =	sdelay $0x3  }
0x34: {  	[smem:$0x3FBA] =	sst s10  }
0x35: {  	s10 =	sld [smem:$0x3FB9];
	_ =	sdelay $0x3  }
0x36: {  	p1 =	seq.s32 s10, $0x1;
	s10 =	sld [smem:$0x3FBA];
	_ =	sdelay $0x3  }
0x37: {  	[smem:$0x3FBA] =	sst s10  }
0x38: {  	s10 =	sld [smem:$0x3FBB]  }
0x39: {  	_ = 	snop;
	(pc) =	sbr.ind lr, $3  }
0x3a: {  	_ = 	snop  }
0x3b: {  	_ = 	snop  }
0x3c: {  	p2 =	seq.s32 s10, $0x1;
	s10 =	sld [smem:$0x3FBA]  }
0x3d: {  	_ =	shalt  }
0x3e: {  	_ =	shalt  }
0x3f: {  	_ =	shalt  }
0x40: {  	_ =	shalt  }
0x41: {  	_ =	shalt  }
0x42: {  	_ =	shalt  }
0x43: {  	_ =	shalt  }
0x44: {  	_ =	shalt  }
0x45: {  	_ =	shalt  }
0x46: {  	_ =	shalt  }
0x47: {  	_ =	shalt  }
0x48: {  	_ =	shalt  }
0x49: {  	_ =	shalt  }
0x4a: {  	_ =	shalt  }
0x4b: {  	_ =	shalt  }
0x4c: {  	_ =	shalt  }
0x4d: {  	_ =	shalt  }
0x4e: {  	_ =	shalt  }
0x4f: {  	_ =	shalt  }
0x50: {  	_ =	shalt  }
0x51: {  	_ =	shalt  }
0x52: {  	_ =	shalt  }
0x53: {  	_ =	shalt  }
0x54: {  	_ =	shalt  }
0x55: {  	_ =	shalt  }
0x56: {  	_ =	shalt  }
0x57: {  	_ =	shalt  }
0x58: {  	_ =	shalt  }
0x59: {  	_ =	shalt  }
0x5a: {  	_ =	shalt  }
0x5b: {  	_ =	shalt  }
0x5c: {  	_ =	shalt  }
0x5d: {  	_ =	shalt  }
0x5e: {  	_ =	shalt  }
0x5f: {  	_ =	shalt  }
0x60: {  	_ =	shalt  }
0x61: {  	_ =	shalt  }
0x62: {  	_ =	shalt  }
0x63: {  	_ =	shalt  }
0x64: {  	_ =	shalt  }
0x65: {  	_ =	shalt  }
0x66: {  	_ =	shalt  }
0x67: {  	_ =	shalt  }
0x68: {  	_ =	shalt  }
0x69: {  	_ =	shalt  }
0x6a: {  	_ =	shalt  }
0x6b: {  	_ =	shalt  }
0x6c: {  	_ =	shalt  }
0x6d: {  	_ =	shalt  }
0x6e: {  	_ =	shalt  }
0x6f: {  	_ =	shalt  }
0x70: {  	_ =	shalt  }
0x71: {  	_ =	shalt  }
0x72: {  	_ =	shalt  }
0x73: {  	_ =	shalt  }
0x74: {  	_ =	shalt  }
0x75: {  	_ =	shalt  }
0x76: {  	_ =	shalt  }
0x77: {  	_ =	shalt  }
0x78: {  	_ =	shalt  }
0x79: {  	_ =	shalt  }
0x7a: {  	_ =	shalt  }
0x7b: {  	_ =	shalt  }
0x7c: {  	_ =	shalt  }
0x7d: {  	_ =	shalt  }
0x7e: {  	_ =	shalt  }
0x7f: {  	_ =	shalt  }
0x80: {  	_ =	shalt  }
0x81: {  	_ =	shalt  }
0x82: {  	_ =	shalt  }
0x83: {  	_ =	shalt  }
0x84: {  	_ =	shalt  }
0x85: {  	_ =	shalt  }
0x86: {  	_ =	shalt  }
0x87: {  	_ =	shalt  }
.Lfunc_end0:
.L_simem_size_0:
called_computation_lowered:
.L_overlay_start_0:
0x88: {  	s2 =	sld [smem:$0x3FD9]  }
0x89: {  	s3 =	sld [smem:$0x3FFE];
	_ =	sdelay $0x1  }
0x8a: {  	s1 =	srdreg.scid  }
0x8b: {  	s0 =	sand.u32 $0x1, s1  }
0x8c: {  	s17 =	sshll.u32 s0, $0xA;
	s2 =	sadd.s32 s3, s2  }
0x8d: {  	s2 =	sadd.s32 s2, s17  }
0x8e: {  	[smem:$0x3FC6] =	sst s2  }
0x8f: {  	_ = 	snop  }
0x90: {  	s2 =	sld [smem:$0x3FC8]  }
0x91: {  	s18 =	sld [smem:$0x3FD0];
	(tm) =	ssettm $0x1  }
0x92: {  	s4 =	sld [smem:$0x3FFB];
	_ =	sdelay $0x3  }
0x93: {  	_ =	strace s4  }
0x94: {  	s4 =	sld [smem:$0x3FFC];
	_ =	sdelay $0x3  }
0x95: {  	_ =	strace s4  }
0x96: {  	s4 =	sld [smem:$0x3FFD];
	_ =	sdelay $0x3  }
0x97: {  	_ =	strace s4  }
0x98: {  	_ =	strace $0x8FFFFFFF  }
0x99: {  	s19 =	sld [smem:$0x3FDB];
	_ =	sdelay $0x1  }
0x9a: {  	s5 =	simm.s32 $_scs_section_size  }
0x9b: {  	s6 =	simm.s32 $_size__tile_overlayer_lowered;
	s7 =	simm.s32 $_tile_overlayer_lowered  }
0x9c: {  	s22 =	simm.s32 $0x1BFF;
	s21 =	sshll.u32 s7, $0x1;
	s4 =	sadd.s32 s5, s19  }
0x9d: {  	s8 =	simm.s32 $0x0;
	s20 =	sshll.u32 s6, $0x1;
	s6 =	sadd.s32 s21, s4  }
0x9e: {  	[timem:s8], [sflag:s22] =	dma.local [hbm:s6], s20  }
0x9f: {  	_ =	swait.ge [sflag:s22], s20  }
0xa0: {  	s5 =	ssub.s32 $0x0, s20;
	[sflag:s22] =	ssyncset.done $0x0  }
0xa1: {  	[sflag:s22] =	ssyncadd.s32 s5;
	_ =	sdelay $0x1  }
0xa2: {  	s23 =	simm.s32 $0x1B8B  }
0xa3: {  	_ =	swait.ge [sflag:s23], $0x1  }
0xa4: {  	[sflag:s23] =	ssyncset.done $0x0  }
0xa5: {  	s25 =	simm.s32 $0x1B8E;
	s24 =	sld [smem:$0x3FFE];
	[sflag:s23] =	ssyncadd.s32 $0xFFFFFFFF  }
0xa6: {  	s26 =	simm.s32 $execute0_lowered;
	[smem:$0x3FD2] =	sst s25  }
0xa7: {  	s6 =	sshll.u32 s26, $0x1;
	_ =	strace $0x80000046;
	[dreg:$0x1] =	wrdreg $0xFFFFFFFF  }
0xa8: {  	s28 =	simm.s32 $_size_execute0_lowered;
	s4 =	sadd.s32 s4, s6;
	[dreg:$0x0] =	wrdreg $0x0  }
0xa9: {  	s6 =	sshll.u32 s28, $0x1;
	[dreg:$0x2] =	wrdreg s4  }
0xaa: {  	[dreg:$0x3] =	wrdreg s6  }
0xab: {  	[dreg:$0x4] =	wrdreg $0xC0  }
0xac: {  	_ =	task [dreg:s8], $0x5FFFF  }
0xad: {  	[dreg:$0x1] =	wrdreg $0xFFFFFFFF  }
0xae: {  	[dreg:$0x0] =	wrdreg $0x60  }
0xaf: {  	[dreg:$0x2] =	wrdreg s2  }
0xb0: {  	[dreg:$0x3] =	wrdreg s18  }
0xb1: {  	[dreg:$0x4] =	wrdreg s24  }
0xb2: {  	[dreg:$0x5] =	wrdreg $0x9  }
0xb3: {  	_ =	task.clear_ibuf [dreg:s8], $0x6FFFF;
	_ =	strace $0x90000046  }
0xb4: {  	s29 =	simm.s32 $0x9;
	_ =	strace $0x80000048  }
0xb5: {  	_ =	swait.ge [sflag:s29], $0x1  }
0xb6: {  	[sflag:s29] =	ssyncadd.s32 $0xFFFFFFFF  }
0xb7: {  	_ =	strace $0x90000048  }
0xb8: {  	_ =	sfence  }
0xb9: {  	s30 =	sld [smem:$0x0];
	_ =	sdelay $0x2  }
0xba: {  	s31 =	sshll.u32 s1, $0xD;
	s1 =	sshrl.u32 s1, $0x2  }
0xbb: {  	s3 =	sand.u32 $0x4000, s31;
	s1 =	sadd.s32 s1, s30  }
0xbc: {  	s0 =	sor.u32 s3, s0;
	s1 =	sshll.u32 s1, $0x11  }
0xbd: {  	s0 =	sor.u32 s1, s0  }
0xbe: {  	s0 =	sadd.s32 $0x8F2B, s0  }
0xbf: {  	[sflag:s0] =	ssyncadd.remote.s32 $0x1  }
0xc0: {  	_ =	sfence.sel $0xFFFF  }
0xc1: {  	[dreg:$0x0] =	wrdreg $0xFFFFFFFF;
	(pc) =	sbr.abs _section_cstart, $3  }
0xc2: {  	[dreg:$0x1] =	wrdreg $0xFFFFFFFF  }
0xc3: {  	_ =	task.clear_ibuf [dreg:s8], $0x2FFFF;
	_ =	strace $0x9FFFFFFF  }
0xc4: {  	(tm) =	ssettm $0x7FFFFFFF  }
0xc5: {  	_ =	shalt  }
tec
execute0_lowered:
.L_overlay_start_1:
0x0: {  	(tag) =	ssettag $0x1  }
0x1: {  	v0 =	vimm.s32 $0xFEDCBA9  }
0x2: {  	v2 =	vimm.s32 $0x87654321;
	v3 =	vimm.s32 $0x98765432;
	v4 =	vimm.s32 $0x210FEDCB  }
0x3: {  	v5 =	vimm.s32 $0xA9876543;
	v15 =	vimm.s32 $0xCBA98765;
	v17 =	vimm.s32 $0x6543210F  }
0x4: {  	v18 =	vimm.s32 $0xEDCBA987;
	v19 =	vimm.s32 $0xFEDCBA98;
	v20 =	vimm.s32 $0x76543210  }
0x5: {  	v1 =	vunpack.c.l.s4.s8 v0;
	v0 =	vlaneseq.u32;
	v3 =	vunpack.c.l.s4.s8 v3  }
0x6: {  	v4 =	vunpack.c.l.s4.s8 v4;
	v17 =	vunpack.c.l.s4.s8 v17;
	v18 =	vunpack.c.l.s4.s8 v18  }
0x7: {  	v19 =	vunpack.c.l.s4.s8 v19;
	v7 =	vunpack.c.0.s8.s32 v1;
	v1 =	vunpack.c.l.s4.s8 v2  }
0x8: {  	v2 =	vimm.s32 $0x10FEDCBA;
	v10 =	vunpack.c.0.s8.s32 v3;
	v11 =	vunpack.c.0.s8.s32 v4  }
0x9: {  	v17 =	vunpack.c.0.s8.s32 v17;
	v18 =	vunpack.c.0.s8.s32 v18;
	v2 =	vunpack.c.l.s4.s8 v2  }
0xa: {  	v19 =	vunpack.c.0.s8.s32 v19;
	v8 =	vunpack.c.0.s8.s32 v1;
	v1 =	vunpack.c.l.s4.s8 v5  }
0xb: {  	v23 =	vcombine.low v18, v17;
	v9 =	vunpack.c.0.s8.s32 v2;
	v2 =	vimm.s32 $0x3210FEDC  }
0xc: {  	v19 =	vand.u32 $0xF, v19;
	v12 =	vunpack.c.0.s8.s32 v1;
	v1 =	vunpack.c.l.s4.s8 v2  }
0xd: {  	s0 =	rddreg [dreg:$0x0];
	v2 =	vimm.s32 $0xBA987654;
	v3 =	vcombine.low v8, v7;
	v63 =	vcombine.low v7, v8  }
0xe: {  	s1 =	rddreg [dreg:$0x1];
	v8 =	vand.u32 $0xF, v23;
	v4 =	vcombine.low v10, v9;
	v2 =	vunpack.c.l.s4.s8 v2  }
0xf: {  	s9 =	rddreg [dreg:$0x2];
	v10 =	vcombine.low v9, v10;
	v5 =	vcombine.low v12, v11;
	v13 =	vunpack.c.0.s8.s32 v1  }
0x10: {  	s2 =	rddreg [dreg:$0x3];
	v1 =	vimm.s32 $0x43210FED;
	v11 =	vcombine.low v11, v12;
	v14 =	vunpack.c.0.s8.s32 v2  }
0x11: {  	s3 =	simm.s32 $0x0;
	s5 =	srdreg.scid;
	s4 =	stileid.u32;
	v6 =	vunpack.c.l.s4.s8 v1;
	v2 =	vand.u32 $0xF, v4;
	v4 =	vunpack.c.l.s4.s8 v15  }
0x12: {  	s12 =	simm.s32 $0x400;
	s13 =	simm.s32 $0x7A1400;
	s14 =	simm.s32 $0x1;
	v9 =	vand.u32 $0xF, v63;
	v1 =	vand.u32 $0xF, v3;
	v10 =	vand.u32 $0xF, v10  }
0x13: {  	s15 =	simm.s32 $0x2000;
	s16 =	simm.s32 $0x4000;
	s17 =	simm.s32 $0x2;
	v3 =	vand.u32 $0xF, v5;
	v15 =	vunpack.c.0.s8.s32 v6;
	v16 =	vunpack.c.0.s8.s32 v4  }
0x14: {  	s18 =	simm.s32 $0x8000;
	s19 =	simm.s32 $0x3;
	s20 =	simm.s32 $0x4;
	v4 =	vimm.s32 $0x543210FE;
	v6 =	vimm.s32 $0xDCBA9876;
	v12 =	vcombine.low v13, v14  }
0x15: {  	s21 =	simm.s32 $0x0;
	[smem:$0x7FF] =	sst s3;
	s6 =	sand.u32 $0x1, s5;
	v11 =	vand.u32 $0xF, v11;
	v4 =	vunpack.c.l.s4.s8 v4;
	v6 =	vunpack.c.l.s4.s8 v6  }
0x16: {  	s8 =	sshll.u32 s4, $0x1;
	s5 =	sadd.s32 $0x800, s9;
	s9 =	sadd.s32 $0xF42800, s9;
	v5 =	vcombine.low v14, v13;
	v13 =	vcombine.low v15, v16;
	v12 =	vand.u32 $0xF, v12  }
.Ltmp0:
0x17: {  	p0 =	sgt.u32 s4, $0x1;
	s7 =	ssub.s32 $0x2, s6;
	v21 =	vunpack.c.0.s8.s32 v4;
	v22 =	vunpack.c.0.s8.s32 v6;
	v6 =	vunpack.c.l.s4.s8 v20;
	(pc) =	sbr.rel .LBB2_1-.Ltmp0, $4  }
0x18: {  	_ =	strace $0x80000047;
	s6 =	sor.u32 s6, s8;
	s10 =	sshrl.u32 s7, $0x1;
	v4 =	vand.u32 $0xF, v5;
	v5 =	vcombine.low v16, v15;
	v15 =	vcombine.low v17, v18  }
0x19: {  	s30 =	sshll.u32 s6, $0x7;
	s31 =	sshll.u32 s6, $0xB;
	s8 =	sor.u32 $0x40, s6;
	v6 =	vunpack.c.0.s8.s32 v6;
	v62 =	vcombine.low v22, v21;
	v14 =	vcombine.low v21, v22  }
0x1a: {  	p1 =	sne.s32 s6, $0x4;
	s11 =	ssub.s32 s7, s10;
	s10 =	sadd.s32 s31, s5;
	v13 =	vand.u32 $0xF, v13;
	v5 =	vand.u32 $0xF, v5;
	v15 =	vand.u32 $0xF, v15  }
0x1b: {  	s7 =	sadd.s32 s0, s30;
	s10 =	sadd.s32 $0xF40000, s10;
	s11 =	smax.u32 s11, $0x1;
	v6 =	vcombine.low v19, v6;
	v7 =	vand.u32 $0xF, v62;
	v14 =	vand.u32 $0xF, v14  }
.LBB2_11:
0x1c: {  	_ =	swait.ge [sflag:s19], $0x4000  }
0x1d: {  	[sflag:s19] =	ssyncset.done $0x0  }
0x1e: {  	[sflag:s19] =	ssyncadd.s32 $0xFFFFC000  }
.LBB2_12:
0x1f: {  	s22 =	simm.s32 @!p1 $0x0;
	s23 =	simm.s32 @!p1 $0xC000;
	s24 =	simm.s32 @!p1 $0x6  }
0x20: {  	[tilespmem:s23], [sflag:$0x6] =	stream.linear.gather @!p1 [hbm4b:s1+s22], $0x2000, $0x38;
	[tilespmem:$0xE000] =	vst v63  }
0x21: {  	_ =	swait.ge @!p1 [sflag:s24], $0x2000  }
0x22: {  	[sflag:s24] =	ssyncset.done @!p1 $0x0  }
0x23: {  	[sflag:s24] =	ssyncadd.s32 @!p1 $0xFFFFE000  }
0x24: {  	[hbm4b:s9+s22] =	stream.linear.scatter @!p1 [tilespmem:s23], [sflag:$0x5], $0x2000, $0x38;
	[tilespmem:$0xE000] =	vst v63  }
0x25: {  	s22 =	simm.s32 @!p1 $0x5  }
0x26: {  	_ =	swait.ge @!p1 [sflag:s22], $0x2000  }
0x27: {  	[sflag:s22] =	ssyncset.done @!p1 $0x0  }
0x28: {  	s21 =	sadd.s32 $0x1, s21;
	[sflag:s22] =	ssyncadd.s32 @!p1 $0xFFFFE000  }
0x29: {  	p2 =	sne.s32 s21, s11;
	_ =	swait.ge [sflag:s20], $0x4000  }
.Ltmp1:
0x2a: {  	[sflag:s20] =	ssyncset.done $0x0;
	(pc) =	sbr.rel @!p2 .LBB2_13-.Ltmp1, $4  }
0x2b: {  	s22 =	simm.s32 @!p0 $0x3;
	[sflag:s20] =	ssyncadd.s32 $0xFFFFC000  }
0x2c: {  	_ =	swait.ge @!p0 [sflag:s22], $0x4000  }
0x2d: {  	[sflag:s22] =	ssyncset.done @!p0 $0x0  }
0x2e: {  	[sflag:s22] =	ssyncadd.s32 @!p0 $0xFFFFC000  }
.LBB2_1:
0x2f: {  	[tilespmem:s3], [sflag:$0x1] =	stream.strided.gather [hbm4b:s7+s12], $0x2000, s13, s12, $0x38;
	[tilespmem:$0xE000] =	vst v63  }
0x30: {  	s22 =	simm.s32 $0x0  }
.LBB2_2:
0x31: {  	s24 =	sshll.u32 s22, $0x6;
	s28 =	simm.s32 $0x0  }
0x32: {  	s25 =	sor.u32 s6, s24;
	s26 =	sand.u32 $0x30, s28  }
0x33: {  	_ =	swait.ge [sflag:s14], $0x2000;
	s28 =	sand.u32 $0x70, s28;
	s23 =	sor.u32 $0x20, s25;
	v16 =	vor.u32 s26, v0  }
0x34: {  	p2 =	seq.s32 s22, $0x0;
	[sflag:s14] =	ssyncset.done $0x0;
	v17 =	vor.u32 s26, v1;
	v19 =	vor.u32 s28, v0;
	s29 =	sshll.u32 s23, $0x7;
	v18 =	vshll.u32 v16, $0x7  }
0x35: {  	[sflag:s14] =	ssyncadd.s32 $0xFFFFE000;
	v20 =	vor.u32 s26, v2;
	s28 =	simm.s32 @!p2 $0x3;
	v21 =	vshll.u32 v17, $0x7;
	s29 =	sadd.s32 s0, s29;
	v18 =	vor.u32 v19, v18  }
0x36: {  	v23 =	vor.u32 s26, v3;
	v22 =	vshll.u32 v20, $0x7;
	v21 =	vor.u32 v19, v21;
	[tilespmem:s15], [sflag:$0x2] =	stream.strided.gather [hbm4b:s29+s12], $0x2000, s13, s12, $0x38;
	[tilespmem:$0xE000] =	vst v63  }
0x37: {  	v24 =	vshll.u32 v23, $0x7;
	v22 =	vor.u32 v19, v22;
	_ =	swait.ge @!p2 [sflag:s28], $0x4000  }
0x38: {  	v24 =	vor.u32 v19, v24;
	[sflag:s28] =	ssyncset.done @!p2 $0x0  }
0x39: {  	v25 =	vshll.u32 v19, $0x7;
	[sflag:s28] =	ssyncadd.s32 @!p2 $0xFFFFC000  }
0x3a: {  	v16 =	vor.u32 v16, v25;
	v18 =	vld.idx.msk [tilespmem:v18+s3+$0x0], $0xffff  }
0x3b: {  	v17 =	vor.u32 v17, v25;
	v21 =	vld.idx.msk [tilespmem:v21+s3+$0x0], $0xffff  }
0x3c: {  	v26 =	vor.u32 s26, v4;
	v20 =	vor.u32 v20, v25;
	v22 =	vld.idx.msk [tilespmem:v22+s3+$0x0], $0xffff  }
0x3d: {  	v27 =	vor.u32 s26, v5;
	v28 =	vshll.u32 v26, $0x7;
	v23 =	vor.u32 v23, v25;
	v24 =	vld.idx.msk [tilespmem:v24+s3+$0x0], $0xffff  }
0x3e: {  	v29 =	vor.u32 s26, v7;
	v30 =	vshll.u32 v27, $0x7;
	v28 =	vor.u32 v19, v28  }
0x3f: {  	v31 =	vor.u32 s26, v8;
	v32 =	vshll.u32 v29, $0x7;
	v30 =	vor.u32 v19, v30;
	[tilespmem:v16+s16+$0x0] =	vst.idx.msk $0xffff, v18  }
0x40: {  	v16 =	vshll.u32 v31, $0x7;
	v18 =	vor.u32 v19, v32;
	[tilespmem:v17+s16+$0x0] =	vst.idx.msk $0xffff, v21  }
0x41: {  	v16 =	vor.u32 v19, v16;
	[tilespmem:v20+s16+$0x0] =	vst.idx.msk $0xffff, v22  }
0x42: {  	[tilespmem:v23+s16+$0x0] =	vst.idx.msk $0xffff, v24  }
0x43: {  	v17 =	vor.u32 v26, v25;
	v20 =	vld.idx.msk [tilespmem:v28+s3+$0x0], $0xffff  }
0x44: {  	v21 =	vor.u32 v27, v25;
	v22 =	vld.idx.msk [tilespmem:v30+s3+$0x0], $0xffff  }
0x45: {  	v23 =	vor.u32 s26, v6;
	v24 =	vor.u32 v29, v25;
	v18 =	vld.idx.msk [tilespmem:v18+s3+$0x0], $0xffff  }
0x46: {  	v27 =	vor.u32 s26, v9;
	v26 =	vshll.u32 v23, $0x7;
	v28 =	vor.u32 v31, v25;
	v16 =	vld.idx.msk [tilespmem:v16+s3+$0x0], $0xffff  }
0x47: {  	v29 =	vor.u32 s26, v10;
	v30 =	vshll.u32 v27, $0x7;
	v26 =	vor.u32 v19, v26  }
0x48: {  	v31 =	vor.u32 s26, v11;
	v62 =	vshll.u32 v29, $0x7;
	v30 =	vor.u32 v19, v30;
	[tilespmem:v17+s16+$0x0] =	vst.idx.msk $0xffff, v20  }
0x49: {  	s31 =	simm.s32 $0x10;
	v17 =	vshll.u32 v31, $0x7;
	v20 =	vor.u32 v19, v62;
	[tilespmem:v21+s16+$0x0] =	vst.idx.msk $0xffff, v22  }
0x4a: {  	v63 =	vor.u32 s26, v13;
	s28 =	sand.u32 $0x30, s31;
	v35 =	vor.u32 v27, v25;
	v33 =	vor.u32 v19, v17;
	[tilespmem:v24+s16+$0x0] =	vst.idx.msk $0xffff, v18  }
0x4b: {  	v29 =	vor.u32 v29, v25;
	v39 =	vor.u32 v31, v25;
	v31 =	vor.u32 s28, v0;
	[tilespmem:v28+s16+$0x0] =	vst.idx.msk $0xffff, v16  }
0x4c: {  	v21 =	vor.u32 s26, v12;
	v22 =	vshll.u32 v63, $0x7;
	v28 =	vor.u32 v23, v25;
	v26 =	vld.idx.msk [tilespmem:v26+s3+$0x0], $0xffff  }
0x4d: {  	v17 =	vshll.u32 v21, $0x7;
	v18 =	vor.u32 s26, v14;
	v24 =	vor.u32 s26, v15;
	v38 =	vld.idx.msk [tilespmem:v30+s3+$0x0], $0xffff  }
0x4e: {  	v37 =	vor.u32 v19, v22;
	v16 =	vshll.u32 v18, $0x7;
	v23 =	vor.u32 v19, v17;
	v40 =	vld.idx.msk [tilespmem:v20+s3+$0x0], $0xffff  }
0x4f: {  	v17 =	vor.u32 v24, v25;
	v22 =	vor.u32 v19, v16;
	v16 =	vshll.u32 v24, $0x7;
	v24 =	vld.idx.msk [tilespmem:v33+s3+$0x0], $0xffff  }
0x50: {  	v32 =	vor.u32 s28, v3;
	v27 =	vor.u32 s28, v2;
	v36 =	vshll.u32 v31, $0x7  }
0x51: {  	s26 =	simm.s32 $0x4;
	v18 =	vor.u32 v18, v25;
	v30 =	vor.u32 s28, v1;
	v20 =	vor.u32 v21, v25;
	[tilespmem:v28+s16+$0x0] =	vst.idx.msk $0xffff, v26  }
0x52: {  	s29 =	sand.u32 $0x70, s26;
	v21 =	vor.u32 v63, v25;
	v34 =	vshll.u32 v30, $0x7;
	v25 =	vshll.u32 v27, $0x7;
	[tilespmem:v35+s16+$0x0] =	vst.idx.msk $0xffff, v38  }
0x53: {  	v33 =	vor.u32 v19, v16;
	v16 =	vor.u32 s29, v0;
	v19 =	vor.u32 s28, v6;
	[tilespmem:v29+s16+$0x0] =	vst.idx.msk $0xffff, v40  }
0x54: {  	v26 =	vor.u32 v16, v25;
	v28 =	vshll.u32 v32, $0x7;
	v25 =	vor.u32 s28, v4;
	[tilespmem:v39+s16+$0x0] =	vst.idx.msk $0xffff, v24  }
0x55: {  	s29 =	simm.s32 $0x20;
	v29 =	vor.u32 v16, v28;
	v28 =	vor.u32 s28, v5;
	v24 =	vshll.u32 v25, $0x7;
	v35 =	vld.idx.msk [tilespmem:v37+s3+$0x0], $0xffff  }
.LBB2_3:
0x56: {  	p3 =	sne.s32 s29, $0x1F0;
	v36 =	vor.u32 v16, v36;
	v37 =	vor.u32 s28, v7;
	v38 =	vor.u32 s28, v8;
	v23 =	vld.idx.msk [tilespmem:v23+s3+$0x0], $0xffff;
	s30 =	smov.u32 s29;
	s29 =	sadd.s32 $0x10, s29  }
0x57: {  	v41 =	vshll.u32 v19, $0x7;
	v39 =	vshll.u32 v37, $0x7;
	v40 =	vshll.u32 v38, $0x7;
	v22 =	vld.idx.msk [tilespmem:v22+s3+$0x0], $0xffff  }
0x58: {  	v42 =	vor.u32 s28, v9;
	v43 =	vor.u32 s28, v10;
	v44 =	vor.u32 s28, v11;
	v33 =	vld.idx.msk [tilespmem:v33+s3+$0x0], $0xffff  }
0x59: {  	v34 =	vor.u32 v16, v34;
	v45 =	vshll.u32 v42, $0x7;
	v46 =	vshll.u32 v43, $0x7  }
0x5a: {  	v47 =	vshll.u32 v16, $0x7;
	v49 =	vor.u32 s28, v12;
	v48 =	vshll.u32 v44, $0x7  }
0x5b: {  	v50 =	vor.u32 s28, v13;
	v31 =	vor.u32 v31, v47;
	v51 =	vshll.u32 v49, $0x7  }
0x5c: {  	v52 =	vor.u32 s28, v14;
	v30 =	vor.u32 v30, v47;
	v53 =	vshll.u32 v50, $0x7;
	[tilespmem:v20+s16+$0x0] =	vst.idx.msk $0xffff, v23  }
0x5d: {  	v27 =	vor.u32 v27, v47;
	v54 =	vshll.u32 v52, $0x7;
	v20 =	vshll.u32 v28, $0x7;
	[tilespmem:v21+s16+$0x0] =	vst.idx.msk $0xffff, v35  }
0x5e: {  	v55 =	vor.u32 s28, v15;
	v32 =	vor.u32 v32, v47;
	v35 =	vor.u32 v16, v20;
	[tilespmem:v18+s16+$0x0] =	vst.idx.msk $0xffff, v22  }
0x5f: {  	v39 =	vor.u32 v16, v39;
	v40 =	vor.u32 v16, v40;
	[tilespmem:v17+s16+$0x0] =	vst.idx.msk $0xffff, v33  }
0x60: {  	v25 =	vor.u32 v25, v47;
	v28 =	vor.u32 v28, v47;
	v33 =	vor.u32 v37, v47;
	v18 =	vld.idx.msk [tilespmem:v36+s3+$0x0], $0xffff  }
0x61: {  	v37 =	vor.u32 v16, v41;
	v36 =	vor.u32 v38, v47;
	v38 =	vor.u32 v16, v45;
	v34 =	vld.idx.msk [tilespmem:v34+s3+$0x0], $0xffff  }
0x62: {  	v19 =	vor.u32 v19, v47;
	v41 =	vor.u32 v16, v46;
	v45 =	vor.u32 v16, v48;
	v26 =	vld.idx.msk [tilespmem:v26+s3+$0x0], $0xffff  }
0x63: {  	v42 =	vor.u32 v42, v47;
	v43 =	vor.u32 v43, v47;
	v46 =	vor.u32 v16, v53;
	v29 =	vld.idx.msk [tilespmem:v29+s3+$0x0], $0xffff  }
0x64: {  	v44 =	vor.u32 v44, v47;
	v23 =	vor.u32 v16, v51;
	v22 =	vor.u32 v16, v54  }
0x65: {  	v24 =	vor.u32 v16, v24;
	v20 =	vor.u32 v49, v47;
	v17 =	vor.u32 v55, v47  }
0x66: {  	v21 =	vor.u32 v50, v47;
	[tilespmem:v31+s16+$0x0] =	vst.idx.msk $0xffff, v18;
	v18 =	vor.u32 v52, v47  }
0x67: {  	[tilespmem:v30+s16+$0x0] =	vst.idx.msk $0xffff, v34  }
0x68: {  	[tilespmem:v27+s16+$0x0] =	vst.idx.msk $0xffff, v26  }
0x69: {  	[tilespmem:v32+s16+$0x0] =	vst.idx.msk $0xffff, v29  }
0x6a: {  	v24 =	vld.idx.msk [tilespmem:v24+s3+$0x0], $0xffff  }
0x6b: {  	v26 =	vld.idx.msk [tilespmem:v35+s3+$0x0], $0xffff  }
0x6c: {  	v27 =	vld.idx.msk [tilespmem:v39+s3+$0x0], $0xffff  }
0x6d: {  	v29 =	vld.idx.msk [tilespmem:v40+s3+$0x0], $0xffff;
	_ =	sdelay $0x2  }
0x6e: {  	[tilespmem:v25+s16+$0x0] =	vst.idx.msk $0xffff, v24  }
0x6f: {  	[tilespmem:v28+s16+$0x0] =	vst.idx.msk $0xffff, v26  }
0x70: {  	[tilespmem:v33+s16+$0x0] =	vst.idx.msk $0xffff, v27  }
0x71: {  	v24 =	vshll.u32 v55, $0x7;
	[tilespmem:v36+s16+$0x0] =	vst.idx.msk $0xffff, v29  }
0x72: {  	v33 =	vor.u32 v16, v24;
	v25 =	vld.idx.msk [tilespmem:v37+s3+$0x0], $0xffff  }
0x73: {  	v16 =	vld.idx.msk [tilespmem:v38+s3+$0x0], $0xffff  }
0x74: {  	v24 =	vld.idx.msk [tilespmem:v41+s3+$0x0], $0xffff  }
0x75: {  	v28 =	vld.idx.msk [tilespmem:v45+s3+$0x0], $0xffff;
	_ =	sdelay $0x1  }
0x76: {  	s26 =	sadd.s32 $0x4, s26;
	s28 =	sand.u32 $0x30, s30  }
.Ltmp2:
0x77: {  	s30 =	sand.u32 $0x70, s26;
	v31 =	vor.u32 s28, v0;
	v30 =	vor.u32 s28, v1;
	v27 =	vor.u32 s28, v2;
	[tilespmem:v19+s16+$0x0] =	vst.idx.msk $0xffff, v25;
	(pc) =	sbr.rel @p3 .LBB2_3-.Ltmp2, $4  }
0x78: {  	v34 =	vshll.u32 v30, $0x7;
	v36 =	vshll.u32 v31, $0x7;
	v25 =	vshll.u32 v27, $0x7;
	[tilespmem:v42+s16+$0x0] =	vst.idx.msk $0xffff, v16  }
0x79: {  	v32 =	vor.u32 s28, v3;
	v19 =	vor.u32 s28, v6;
	v16 =	vor.u32 s30, v0;
	[tilespmem:v43+s16+$0x0] =	vst.idx.msk $0xffff, v24  }
0x7a: {  	v26 =	vor.u32 v16, v25;
	v24 =	vshll.u32 v32, $0x7;
	v25 =	vor.u32 s28, v4;
	[tilespmem:v44+s16+$0x0] =	vst.idx.msk $0xffff, v28  }
0x7b: {  	v29 =	vor.u32 v16, v24;
	v28 =	vor.u32 s28, v5;
	v24 =	vshll.u32 v25, $0x7;
	v35 =	vld.idx.msk [tilespmem:v46+s3+$0x0], $0xffff  }
0x7c: {  	_ =	sdelay $0x3  }
0x7d: {  	v23 =	vld.idx.msk [tilespmem:v23+s3+$0x0], $0xffff;
	_ =	sdelay $0x1  }
0x7e: {  	v22 =	vld.idx.msk [tilespmem:v22+s3+$0x0], $0xffff  }
0x7f: {  	v33 =	vld.idx.msk [tilespmem:v33+s3+$0x0], $0xffff  }
0x80: {  	v36 =	vor.u32 v16, v36  }
0x81: {  	v34 =	vor.u32 v16, v34;
	[tilespmem:v20+s16+$0x0] =	vst.idx.msk $0xffff, v23  }
0x82: {  	[tilespmem:v21+s16+$0x0] =	vst.idx.msk $0xffff, v35  }
0x83: {  	[tilespmem:v18+s16+$0x0] =	vst.idx.msk $0xffff, v22  }
0x84: {  	v18 =	vshll.u32 v16, $0x7;
	[tilespmem:v17+s16+$0x0] =	vst.idx.msk $0xffff, v33  }
0x85: {  	v17 =	vor.u32 v31, v18;
	v20 =	vld.idx.msk [tilespmem:v36+s3+$0x0], $0xffff  }
0x86: {  	v21 =	vor.u32 v30, v18;
	v22 =	vld.idx.msk [tilespmem:v34+s3+$0x0], $0xffff  }
0x87: {  	v23 =	vor.u32 v27, v18;
	v26 =	vld.idx.msk [tilespmem:v26+s3+$0x0], $0xffff  }
0x88: {  	v27 =	vor.u32 v32, v18;
	v29 =	vld.idx.msk [tilespmem:v29+s3+$0x0], $0xffff  }
0x89: {  	v24 =	vor.u32 v16, v24;
	v30 =	vor.u32 s28, v7;
	v31 =	vshll.u32 v28, $0x7  }
0x8a: {  	v55 =	vor.u32 s28, v8;
	v56 =	vshll.u32 v30, $0x7;
	v31 =	vor.u32 v16, v31;
	[tilespmem:v17+s16+$0x0] =	vst.idx.msk $0xffff, v20  }
0x8b: {  	v17 =	vshll.u32 v55, $0x7;
	v20 =	vor.u32 v16, v56;
	[tilespmem:v21+s16+$0x0] =	vst.idx.msk $0xffff, v22  }
0x8c: {  	v17 =	vor.u32 v16, v17;
	[tilespmem:v23+s16+$0x0] =	vst.idx.msk $0xffff, v26  }
0x8d: {  	[tilespmem:v27+s16+$0x0] =	vst.idx.msk $0xffff, v29  }
0x8e: {  	v21 =	vor.u32 v25, v18;
	v22 =	vld.idx.msk [tilespmem:v24+s3+$0x0], $0xffff  }
0x8f: {  	v23 =	vor.u32 v28, v18;
	v24 =	vld.idx.msk [tilespmem:v31+s3+$0x0], $0xffff  }
0x90: {  	v25 =	vor.u32 v30, v18;
	v20 =	vld.idx.msk [tilespmem:v20+s3+$0x0], $0xffff  }
0x91: {  	v26 =	vshll.u32 v19, $0x7;
	v28 =	vor.u32 v55, v18;
	v27 =	vor.u32 s28, v9;
	v17 =	vld.idx.msk [tilespmem:v17+s3+$0x0], $0xffff  }
0x92: {  	v29 =	vor.u32 s28, v10;
	v26 =	vor.u32 v16, v26;
	v30 =	vshll.u32 v27, $0x7  }
0x93: {  	v31 =	vor.u32 s28, v11;
	v57 =	vshll.u32 v29, $0x7;
	v30 =	vor.u32 v16, v30;
	[tilespmem:v21+s16+$0x0] =	vst.idx.msk $0xffff, v22  }
0x94: {  	v21 =	vshll.u32 v31, $0x7;
	v22 =	vor.u32 v16, v57;
	[tilespmem:v23+s16+$0x0] =	vst.idx.msk $0xffff, v24  }
0x95: {  	v21 =	vor.u32 v16, v21;
	[tilespmem:v25+s16+$0x0] =	vst.idx.msk $0xffff, v20  }
0x96: {  	[tilespmem:v28+s16+$0x0] =	vst.idx.msk $0xffff, v17  }
0x97: {  	v17 =	vor.u32 v19, v18;
	v19 =	vld.idx.msk [tilespmem:v26+s3+$0x0], $0xffff  }
0x98: {  	v20 =	vor.u32 v27, v18;
	v23 =	vld.idx.msk [tilespmem:v30+s3+$0x0], $0xffff  }
0x99: {  	v24 =	vor.u32 s28, v12;
	v25 =	vor.u32 v29, v18;
	v22 =	vld.idx.msk [tilespmem:v22+s3+$0x0], $0xffff  }
0x9a: {  	v27 =	vshll.u32 v24, $0x7;
	v28 =	vor.u32 v31, v18;
	v26 =	vor.u32 s28, v13;
	v21 =	vld.idx.msk [tilespmem:v21+s3+$0x0], $0xffff  }
0x9b: {  	v29 =	vor.u32 s28, v14;
	v27 =	vor.u32 v16, v27;
	v30 =	vshll.u32 v26, $0x7  }
0x9c: {  	v58 =	vor.u32 s28, v15;
	v31 =	vshll.u32 v29, $0x7;
	v30 =	vor.u32 v16, v30;
	[tilespmem:v17+s16+$0x0] =	vst.idx.msk $0xffff, v19  }
0x9d: {  	v17 =	vor.u32 v16, v31;
	v19 =	vshll.u32 v58, $0x7;
	[tilespmem:v20+s16+$0x0] =	vst.idx.msk $0xffff, v23  }
0x9e: {  	v16 =	vor.u32 v16, v19;
	[tilespmem:v25+s16+$0x0] =	vst.idx.msk $0xffff, v22  }
0x9f: {  	[tilespmem:v28+s16+$0x0] =	vst.idx.msk $0xffff, v21  }
0xa0: {  	v19 =	vor.u32 v24, v18;
	v20 =	vld.idx.msk [tilespmem:v27+s3+$0x0], $0xffff  }
0xa1: {  	v21 =	vor.u32 v26, v18;
	v22 =	vld.idx.msk [tilespmem:v30+s3+$0x0], $0xffff  }
0xa2: {  	v23 =	vor.u32 v29, v18;
	v17 =	vld.idx.msk [tilespmem:v17+s3+$0x0], $0xffff  }
0xa3: {  	v18 =	vor.u32 v58, v18;
	v16 =	vld.idx.msk [tilespmem:v16+s3+$0x0], $0xffff;
	_ =	sdelay $0x1  }
0xa4: {  	[tilespmem:v19+s16+$0x0] =	vst.idx.msk $0xffff, v20  }
0xa5: {  	[tilespmem:v21+s16+$0x0] =	vst.idx.msk $0xffff, v22  }
0xa6: {  	s25 =	sshll.u32 s25, $0xB;
	s24 =	sadd.s32 s8, s24;
	s30 =	simm.s32 $0x0;
	[tilespmem:v23+s16+$0x0] =	vst.idx.msk $0xffff, v17  }
0xa7: {  	s25 =	sadd.s32 s5, s25;
	p3 =	sgt.u32 s24, $0x1E83;
	s31 =	sand.u32 $0x30, s30;
	[tilespmem:v18+s16+$0x0] =	vst.idx.msk $0xffff, v16  }
0xa8: {  	[hbm4b:s25+s3] =	stream.linear.scatter [tilespmem:s16], [sflag:$0x3], $0x4000, $0x38;
	[tilespmem:$0xE000] =	vst v63  }
0xa9: {  	s26 =	sshll.u32 @!p3 s24, $0x7;
	s29 =	simm.s32 @!p3 $0x7A1400;
	_ =	swait.ge [sflag:s17], $0x2000  }
0xaa: {  	s26 =	sadd.s32 @!p3 s0, s26;
	v16 =	vor.u32 s31, v0;
	s25 =	sand.u32 $0x70, s30;
	[sflag:s17] =	ssyncset.done $0x0  }
0xab: {  	s28 =	simm.s32 @!p3 $0x400;
	v17 =	vor.u32 s31, v1;
	v18 =	vshll.u32 v16, $0x7;
	v19 =	vor.u32 s25, v0;
	s25 =	simm.s32 @!p3 $0x0;
	[sflag:s17] =	ssyncadd.s32 $0xFFFFE000  }
0xac: {  	v20 =	vor.u32 s31, v2;
	v21 =	vshll.u32 v17, $0x7;
	v18 =	vor.u32 v19, v18;
	[tilespmem:s25], [sflag:$0x1] =	stream.strided.gather @!p3 [hbm4b:s26+s28], $0x2000, s29, s28, $0x38;
	[tilespmem:$0xE000] =	vst v63  }
0xad: {  	v22 =	vshll.u32 v20, $0x7;
	v23 =	vor.u32 s31, v3;
	v21 =	vor.u32 v19, v21;
	s25 =	simm.s32 @!p2 $0x4  }
0xae: {  	v24 =	vshll.u32 v23, $0x7;
	v22 =	vor.u32 v19, v22;
	_ =	swait.ge @!p2 [sflag:s25], $0x4000  }
0xaf: {  	v24 =	vor.u32 v19, v24;
	[sflag:s25] =	ssyncset.done @!p2 $0x0  }
0xb0: {  	v25 =	vshll.u32 v19, $0x7;
	[sflag:s25] =	ssyncadd.s32 @!p2 $0xFFFFC000  }
0xb1: {  	v16 =	vor.u32 v16, v25;
	v18 =	vld.idx.msk [tilespmem:v18+s15+$0x0], $0xffff  }
0xb2: {  	v17 =	vor.u32 v17, v25;
	v21 =	vld.idx.msk [tilespmem:v21+s15+$0x0], $0xffff  }
0xb3: {  	v26 =	vor.u32 s31, v4;
	v20 =	vor.u32 v20, v25;
	v22 =	vld.idx.msk [tilespmem:v22+s15+$0x0], $0xffff  }
0xb4: {  	v27 =	vor.u32 s31, v5;
	v28 =	vshll.u32 v26, $0x7;
	v23 =	vor.u32 v23, v25;
	v24 =	vld.idx.msk [tilespmem:v24+s15+$0x0], $0xffff  }
0xb5: {  	v29 =	vor.u32 s31, v7;
	v30 =	vshll.u32 v27, $0x7;
	v28 =	vor.u32 v19, v28  }
0xb6: {  	v31 =	vor.u32 s31, v8;
	v59 =	vshll.u32 v29, $0x7;
	v30 =	vor.u32 v19, v30;
	[tilespmem:v16+s18+$0x0] =	vst.idx.msk $0xffff, v18  }
0xb7: {  	v16 =	vshll.u32 v31, $0x7;
	v18 =	vor.u32 v19, v59;
	[tilespmem:v17+s18+$0x0] =	vst.idx.msk $0xffff, v21  }
0xb8: {  	v16 =	vor.u32 v19, v16;
	[tilespmem:v20+s18+$0x0] =	vst.idx.msk $0xffff, v22  }
0xb9: {  	[tilespmem:v23+s18+$0x0] =	vst.idx.msk $0xffff, v24  }
0xba: {  	v17 =	vor.u32 v26, v25;
	v20 =	vld.idx.msk [tilespmem:v28+s15+$0x0], $0xffff  }
0xbb: {  	v21 =	vor.u32 v27, v25;
	v22 =	vld.idx.msk [tilespmem:v30+s15+$0x0], $0xffff  }
0xbc: {  	v23 =	vor.u32 s31, v6;
	v24 =	vor.u32 v29, v25;
	v18 =	vld.idx.msk [tilespmem:v18+s15+$0x0], $0xffff  }
0xbd: {  	v27 =	vor.u32 s31, v9;
	v26 =	vshll.u32 v23, $0x7;
	v28 =	vor.u32 v31, v25;
	v16 =	vld.idx.msk [tilespmem:v16+s15+$0x0], $0xffff  }
0xbe: {  	v29 =	vor.u32 s31, v10;
	v30 =	vshll.u32 v27, $0x7;
	v26 =	vor.u32 v19, v26  }
0xbf: {  	v31 =	vor.u32 s31, v11;
	v60 =	vshll.u32 v29, $0x7;
	v30 =	vor.u32 v19, v30;
	[tilespmem:v17+s18+$0x0] =	vst.idx.msk $0xffff, v20  }
0xc0: {  	s30 =	simm.s32 $0x10;
	v17 =	vshll.u32 v31, $0x7;
	v20 =	vor.u32 v19, v60;
	[tilespmem:v21+s18+$0x0] =	vst.idx.msk $0xffff, v22  }
0xc1: {  	v61 =	vor.u32 s31, v13;
	s25 =	sand.u32 $0x30, s30;
	v63 =	vor.u32 v27, v25;
	v62 =	vor.u32 v19, v17;
	[tilespmem:v24+s18+$0x0] =	vst.idx.msk $0xffff, v18  }
0xc2: {  	v29 =	vor.u32 v29, v25;
	v39 =	vor.u32 v31, v25;
	v31 =	vor.u32 s25, v0;
	[tilespmem:v28+s18+$0x0] =	vst.idx.msk $0xffff, v16  }
0xc3: {  	v21 =	vor.u32 s31, v12;
	v22 =	vshll.u32 v61, $0x7;
	v28 =	vor.u32 v23, v25;
	v26 =	vld.idx.msk [tilespmem:v26+s15+$0x0], $0xffff  }
0xc4: {  	v17 =	vshll.u32 v21, $0x7;
	v18 =	vor.u32 s31, v14;
	v24 =	vor.u32 s31, v15;
	v38 =	vld.idx.msk [tilespmem:v30+s15+$0x0], $0xffff  }
0xc5: {  	v37 =	vor.u32 v19, v22;
	v16 =	vshll.u32 v18, $0x7;
	v23 =	vor.u32 v19, v17;
	v40 =	vld.idx.msk [tilespmem:v20+s15+$0x0], $0xffff  }
0xc6: {  	v17 =	vor.u32 v24, v25;
	v22 =	vor.u32 v19, v16;
	v16 =	vshll.u32 v24, $0x7;
	v24 =	vld.idx.msk [tilespmem:v62+s15+$0x0], $0xffff  }
0xc7: {  	v32 =	vor.u32 s25, v3;
	v27 =	vor.u32 s25, v2;
	v36 =	vshll.u32 v31, $0x7  }
0xc8: {  	s24 =	simm.s32 $0x4;
	v18 =	vor.u32 v18, v25;
	v30 =	vor.u32 s25, v1;
	v20 =	vor.u32 v21, v25;
	[tilespmem:v28+s18+$0x0] =	vst.idx.msk $0xffff, v26  }
0xc9: {  	s31 =	sand.u32 $0x70, s24;
	v21 =	vor.u32 v61, v25;
	v33 =	vor.u32 v19, v16;
	v34 =	vshll.u32 v30, $0x7;
	[tilespmem:v63+s18+$0x0] =	vst.idx.msk $0xffff, v38  }
0xca: {  	v25 =	vshll.u32 v27, $0x7;
	v16 =	vor.u32 s31, v0;
	v19 =	vor.u32 s25, v6;
	[tilespmem:v29+s18+$0x0] =	vst.idx.msk $0xffff, v40  }
0xcb: {  	v26 =	vor.u32 v16, v25;
	v28 =	vshll.u32 v32, $0x7;
	v25 =	vor.u32 s25, v4;
	[tilespmem:v39+s18+$0x0] =	vst.idx.msk $0xffff, v24  }
0xcc: {  	s26 =	simm.s32 $0x20;
	v29 =	vor.u32 v16, v28;
	v28 =	vor.u32 s25, v5;
	v24 =	vshll.u32 v25, $0x7;
	v35 =	vld.idx.msk [tilespmem:v37+s15+$0x0], $0xffff  }
.LBB2_5:
0xcd: {  	p2 =	sne.s32 s26, $0x1F0;
	v36 =	vor.u32 v16, v36;
	v37 =	vor.u32 s25, v7;
	v38 =	vor.u32 s25, v8;
	v23 =	vld.idx.msk [tilespmem:v23+s15+$0x0], $0xffff;
	s28 =	smov.u32 s26;
	s26 =	sadd.s32 $0x10, s26  }
0xce: {  	v41 =	vshll.u32 v19, $0x7;
	v39 =	vshll.u32 v37, $0x7;
	v40 =	vshll.u32 v38, $0x7;
	v22 =	vld.idx.msk [tilespmem:v22+s15+$0x0], $0xffff  }
0xcf: {  	v42 =	vor.u32 s25, v9;
	v43 =	vor.u32 s25, v10;
	v44 =	vor.u32 s25, v11;
	v33 =	vld.idx.msk [tilespmem:v33+s15+$0x0], $0xffff  }
0xd0: {  	v34 =	vor.u32 v16, v34;
	v45 =	vshll.u32 v42, $0x7;
	v46 =	vshll.u32 v43, $0x7  }
0xd1: {  	v47 =	vshll.u32 v16, $0x7;
	v49 =	vor.u32 s25, v12;
	v48 =	vshll.u32 v44, $0x7  }
0xd2: {  	v50 =	vor.u32 s25, v13;
	v31 =	vor.u32 v31, v47;
	v51 =	vshll.u32 v49, $0x7  }
0xd3: {  	v52 =	vor.u32 s25, v14;
	v30 =	vor.u32 v30, v47;
	v53 =	vshll.u32 v50, $0x7;
	[tilespmem:v20+s18+$0x0] =	vst.idx.msk $0xffff, v23  }
0xd4: {  	v27 =	vor.u32 v27, v47;
	v54 =	vshll.u32 v52, $0x7;
	v20 =	vshll.u32 v28, $0x7;
	[tilespmem:v21+s18+$0x0] =	vst.idx.msk $0xffff, v35  }
0xd5: {  	v55 =	vor.u32 s25, v15;
	v32 =	vor.u32 v32, v47;
	v35 =	vor.u32 v16, v20;
	[tilespmem:v18+s18+$0x0] =	vst.idx.msk $0xffff, v22  }
0xd6: {  	v39 =	vor.u32 v16, v39;
	v40 =	vor.u32 v16, v40;
	[tilespmem:v17+s18+$0x0] =	vst.idx.msk $0xffff, v33  }
0xd7: {  	v25 =	vor.u32 v25, v47;
	v28 =	vor.u32 v28, v47;
	v33 =	vor.u32 v37, v47;
	v18 =	vld.idx.msk [tilespmem:v36+s15+$0x0], $0xffff  }
0xd8: {  	v37 =	vor.u32 v16, v41;
	v36 =	vor.u32 v38, v47;
	v38 =	vor.u32 v16, v45;
	v34 =	vld.idx.msk [tilespmem:v34+s15+$0x0], $0xffff  }
0xd9: {  	v19 =	vor.u32 v19, v47;
	v41 =	vor.u32 v16, v46;
	v45 =	vor.u32 v16, v48;
	v26 =	vld.idx.msk [tilespmem:v26+s15+$0x0], $0xffff  }
0xda: {  	v42 =	vor.u32 v42, v47;
	v43 =	vor.u32 v43, v47;
	v46 =	vor.u32 v16, v53;
	v29 =	vld.idx.msk [tilespmem:v29+s15+$0x0], $0xffff  }
0xdb: {  	v44 =	vor.u32 v44, v47;
	v23 =	vor.u32 v16, v51;
	v22 =	vor.u32 v16, v54  }
0xdc: {  	v24 =	vor.u32 v16, v24;
	v20 =	vor.u32 v49, v47;
	v17 =	vor.u32 v55, v47  }
0xdd: {  	v21 =	vor.u32 v50, v47;
	[tilespmem:v31+s18+$0x0] =	vst.idx.msk $0xffff, v18;
	v18 =	vor.u32 v52, v47  }
0xde: {  	[tilespmem:v30+s18+$0x0] =	vst.idx.msk $0xffff, v34  }
0xdf: {  	[tilespmem:v27+s18+$0x0] =	vst.idx.msk $0xffff, v26  }
0xe0: {  	[tilespmem:v32+s18+$0x0] =	vst.idx.msk $0xffff, v29  }
0xe1: {  	v24 =	vld.idx.msk [tilespmem:v24+s15+$0x0], $0xffff  }
0xe2: {  	v26 =	vld.idx.msk [tilespmem:v35+s15+$0x0], $0xffff  }
0xe3: {  	v27 =	vld.idx.msk [tilespmem:v39+s15+$0x0], $0xffff  }
0xe4: {  	v29 =	vld.idx.msk [tilespmem:v40+s15+$0x0], $0xffff;
	_ =	sdelay $0x2  }
0xe5: {  	[tilespmem:v25+s18+$0x0] =	vst.idx.msk $0xffff, v24  }
0xe6: {  	[tilespmem:v28+s18+$0x0] =	vst.idx.msk $0xffff, v26  }
0xe7: {  	[tilespmem:v33+s18+$0x0] =	vst.idx.msk $0xffff, v27  }
0xe8: {  	v24 =	vshll.u32 v55, $0x7;
	[tilespmem:v36+s18+$0x0] =	vst.idx.msk $0xffff, v29  }
0xe9: {  	v33 =	vor.u32 v16, v24;
	v25 =	vld.idx.msk [tilespmem:v37+s15+$0x0], $0xffff  }
0xea: {  	v16 =	vld.idx.msk [tilespmem:v38+s15+$0x0], $0xffff  }
0xeb: {  	v24 =	vld.idx.msk [tilespmem:v41+s15+$0x0], $0xffff  }
0xec: {  	v28 =	vld.idx.msk [tilespmem:v45+s15+$0x0], $0xffff;
	_ =	sdelay $0x1  }
0xed: {  	s24 =	sadd.s32 $0x4, s24;
	s25 =	sand.u32 $0x30, s28  }
.Ltmp3:
0xee: {  	s28 =	sand.u32 $0x70, s24;
	v31 =	vor.u32 s25, v0;
	v30 =	vor.u32 s25, v1;
	v27 =	vor.u32 s25, v2;
	[tilespmem:v19+s18+$0x0] =	vst.idx.msk $0xffff, v25;
	(pc) =	sbr.rel @p2 .LBB2_5-.Ltmp3, $4  }
0xef: {  	v34 =	vshll.u32 v30, $0x7;
	v36 =	vshll.u32 v31, $0x7;
	v25 =	vshll.u32 v27, $0x7;
	[tilespmem:v42+s18+$0x0] =	vst.idx.msk $0xffff, v16  }
0xf0: {  	v32 =	vor.u32 s25, v3;
	v19 =	vor.u32 s25, v6;
	v16 =	vor.u32 s28, v0;
	[tilespmem:v43+s18+$0x0] =	vst.idx.msk $0xffff, v24  }
0xf1: {  	v26 =	vor.u32 v16, v25;
	v24 =	vshll.u32 v32, $0x7;
	v25 =	vor.u32 s25, v4;
	[tilespmem:v44+s18+$0x0] =	vst.idx.msk $0xffff, v28  }
0xf2: {  	v29 =	vor.u32 v16, v24;
	v28 =	vor.u32 s25, v5;
	v24 =	vshll.u32 v25, $0x7;
	v35 =	vld.idx.msk [tilespmem:v46+s15+$0x0], $0xffff  }
0xf3: {  	_ =	sdelay $0x3  }
0xf4: {  	v23 =	vld.idx.msk [tilespmem:v23+s15+$0x0], $0xffff;
	_ =	sdelay $0x1  }
0xf5: {  	v22 =	vld.idx.msk [tilespmem:v22+s15+$0x0], $0xffff  }
0xf6: {  	v33 =	vld.idx.msk [tilespmem:v33+s15+$0x0], $0xffff  }
0xf7: {  	v36 =	vor.u32 v16, v36  }
0xf8: {  	v34 =	vor.u32 v16, v34;
	[tilespmem:v20+s18+$0x0] =	vst.idx.msk $0xffff, v23  }
0xf9: {  	[tilespmem:v21+s18+$0x0] =	vst.idx.msk $0xffff, v35  }
0xfa: {  	[tilespmem:v18+s18+$0x0] =	vst.idx.msk $0xffff, v22  }
0xfb: {  	v18 =	vshll.u32 v16, $0x7;
	[tilespmem:v17+s18+$0x0] =	vst.idx.msk $0xffff, v33  }
0xfc: {  	v17 =	vor.u32 v31, v18;
	v20 =	vld.idx.msk [tilespmem:v36+s15+$0x0], $0xffff  }
0xfd: {  	v57 =	vor.u32 v30, v18;
	v22 =	vld.idx.msk [tilespmem:v34+s15+$0x0], $0xffff  }
0xfe: {  	v58 =	vor.u32 v27, v18;
	v26 =	vld.idx.msk [tilespmem:v26+s15+$0x0], $0xffff  }
0xff: {  	v59 =	vor.u32 v32, v18;
	v29 =	vld.idx.msk [tilespmem:v29+s15+$0x0], $0xffff  }
0x100: {  	v60 =	vor.u32 s25, v7;
	v61 =	vshll.u32 v28, $0x7;
	v24 =	vor.u32 v16, v24  }
0x101: {  	v62 =	vor.u32 s25, v8;
	v63 =	vshll.u32 v60, $0x7;
	v31 =	vor.u32 v16, v61;
	[tilespmem:v17+s18+$0x0] =	vst.idx.msk $0xffff, v20  }
0x102: {  	v35 =	vor.u32 v16, v63;
	v17 =	vshll.u32 v62, $0x7;
	[tilespmem:v57+s18+$0x0] =	vst.idx.msk $0xffff, v22  }
0x103: {  	v17 =	vor.u32 v16, v17;
	[tilespmem:v58+s18+$0x0] =	vst.idx.msk $0xffff, v26  }
0x104: {  	[tilespmem:v59+s18+$0x0] =	vst.idx.msk $0xffff, v29  }
0x105: {  	v36 =	vor.u32 v25, v18;
	v22 =	vld.idx.msk [tilespmem:v24+s15+$0x0], $0xffff  }
0x106: {  	v37 =	vor.u32 v28, v18;
	v38 =	vld.idx.msk [tilespmem:v31+s15+$0x0], $0xffff  }
0x107: {  	v39 =	vor.u32 v60, v18;
	v20 =	vld.idx.msk [tilespmem:v35+s15+$0x0], $0xffff  }
0x108: {  	v40 =	vshll.u32 v19, $0x7;
	v41 =	vor.u32 s25, v9;
	v42 =	vor.u32 v62, v18;
	v17 =	vld.idx.msk [tilespmem:v17+s15+$0x0], $0xffff  }
0x109: {  	v43 =	vor.u32 s25, v10;
	v44 =	vshll.u32 v41, $0x7;
	v26 =	vor.u32 v16, v40  }
0x10a: {  	v45 =	vor.u32 s25, v11;
	v46 =	vshll.u32 v43, $0x7;
	v30 =	vor.u32 v16, v44;
	[tilespmem:v36+s18+$0x0] =	vst.idx.msk $0xffff, v22  }
0x10b: {  	v47 =	vshll.u32 v45, $0x7;
	v48 =	vor.u32 v16, v46;
	[tilespmem:v37+s18+$0x0] =	vst.idx.msk $0xffff, v38  }
0x10c: {  	v21 =	vor.u32 v16, v47;
	[tilespmem:v39+s18+$0x0] =	vst.idx.msk $0xffff, v20  }
0x10d: {  	[tilespmem:v42+s18+$0x0] =	vst.idx.msk $0xffff, v17  }
0x10e: {  	v17 =	vor.u32 v19, v18;
	v49 =	vld.idx.msk [tilespmem:v26+s15+$0x0], $0xffff  }
0x10f: {  	v50 =	vor.u32 v41, v18;
	v23 =	vld.idx.msk [tilespmem:v30+s15+$0x0], $0xffff  }
0x110: {  	v51 =	vor.u32 s25, v12;
	v52 =	vor.u32 v43, v18;
	v22 =	vld.idx.msk [tilespmem:v48+s15+$0x0], $0xffff  }
0x111: {  	v53 =	vor.u32 s25, v13;
	v54 =	vshll.u32 v51, $0x7;
	v55 =	vor.u32 v45, v18;
	v21 =	vld.idx.msk [tilespmem:v21+s15+$0x0], $0xffff  }
0x112: {  	v56 =	vor.u32 s25, v14;
	v27 =	vor.u32 v16, v54;
	v57 =	vshll.u32 v53, $0x7  }
0x113: {  	v58 =	vshll.u32 v56, $0x7;
	v59 =	vor.u32 s25, v15;
	v30 =	vor.u32 v16, v57;
	[tilespmem:v17+s18+$0x0] =	vst.idx.msk $0xffff, v49  }
0x114: {  	v60 =	vshll.u32 v59, $0x7;
	v17 =	vor.u32 v16, v58;
	[tilespmem:v50+s18+$0x0] =	vst.idx.msk $0xffff, v23  }
0x115: {  	v16 =	vor.u32 v16, v60;
	[tilespmem:v52+s18+$0x0] =	vst.idx.msk $0xffff, v22  }
0x116: {  	[tilespmem:v55+s18+$0x0] =	vst.idx.msk $0xffff, v21  }
0x117: {  	v61 =	vor.u32 v51, v18;
	v20 =	vld.idx.msk [tilespmem:v27+s15+$0x0], $0xffff  }
0x118: {  	v62 =	vor.u32 v53, v18;
	v22 =	vld.idx.msk [tilespmem:v30+s15+$0x0], $0xffff  }
0x119: {  	v63 =	vor.u32 v56, v18;
	v17 =	vld.idx.msk [tilespmem:v17+s15+$0x0], $0xffff  }
0x11a: {  	s22 =	sadd.s32 $0x1, s22;
	v18 =	vor.u32 v59, v18;
	v16 =	vld.idx.msk [tilespmem:v16+s15+$0x0], $0xffff  }
0x11b: {  	p2 =	sne.s32 s22, $0x7A  }
.Ltmp4:
0x11c: {  	[tilespmem:v61+s18+$0x0] =	vst.idx.msk $0xffff, v20;
	(pc) =	sbr.rel @p2 .LBB2_2-.Ltmp4, $4  }
0x11d: {  	[tilespmem:v62+s18+$0x0] =	vst.idx.msk $0xffff, v22  }
0x11e: {  	s23 =	sshll.u32 s23, $0xB;
	[tilespmem:v63+s18+$0x0] =	vst.idx.msk $0xffff, v17  }
0x11f: {  	s23 =	sadd.s32 s5, s23;
	[tilespmem:v18+s18+$0x0] =	vst.idx.msk $0xffff, v16  }
0x120: {  	[hbm4b:s23+s3] =	stream.linear.scatter [tilespmem:s18], [sflag:$0x4], $0x4000, $0x38;
	[tilespmem:$0xE000] =	vst v63  }
.Ltmp5:
0x121: {  	(pc) =	sbr.rel @p0 .LBB2_11-.Ltmp5, $1  }
0x122: {  	_ =	sdelay $0x3  }
0x123: {  	s23 =	simm.s32 $0x0  }
0x124: {  	s22 =	sand.u32 $0x30, s23  }
0x125: {  	s23 =	sand.u32 $0x70, s23;
	v16 =	vor.u32 s22, v0  }
0x126: {  	_ =	swait.ge [sflag:s14], $0x2000;
	v17 =	vor.u32 s22, v1;
	v19 =	vor.u32 s23, v0;
	v18 =	vshll.u32 v16, $0x7  }
0x127: {  	[sflag:s14] =	ssyncset.done $0x0;
	v20 =	vor.u32 s22, v2;
	v21 =	vshll.u32 v17, $0x7;
	v18 =	vor.u32 v19, v18  }
0x128: {  	[sflag:s14] =	ssyncadd.s32 $0xFFFFE000;
	v23 =	vor.u32 s22, v3;
	v22 =	vshll.u32 v20, $0x7;
	v21 =	vor.u32 v19, v21  }
0x129: {  	_ =	swait.ge [sflag:s19], $0x4000;
	v24 =	vshll.u32 v23, $0x7;
	v22 =	vor.u32 v19, v22  }
0x12a: {  	[sflag:s19] =	ssyncset.done $0x0;
	v24 =	vor.u32 v19, v24  }
0x12b: {  	v25 =	vshll.u32 v19, $0x7;
	[sflag:s19] =	ssyncadd.s32 $0xFFFFC000  }
0x12c: {  	v16 =	vor.u32 v16, v25;
	v18 =	vld.idx.msk [tilespmem:v18+s3+$0x0], $0xffff  }
0x12d: {  	v17 =	vor.u32 v17, v25;
	v21 =	vld.idx.msk [tilespmem:v21+s3+$0x0], $0xffff  }
0x12e: {  	v26 =	vor.u32 s22, v4;
	v20 =	vor.u32 v20, v25;
	v22 =	vld.idx.msk [tilespmem:v22+s3+$0x0], $0xffff  }
0x12f: {  	v27 =	vor.u32 s22, v5;
	v28 =	vshll.u32 v26, $0x7;
	v23 =	vor.u32 v23, v25;
	v24 =	vld.idx.msk [tilespmem:v24+s3+$0x0], $0xffff  }
0x130: {  	v29 =	vor.u32 s22, v7;
	v30 =	vshll.u32 v27, $0x7;
	v28 =	vor.u32 v19, v28  }
0x131: {  	v31 =	vor.u32 s22, v8;
	v32 =	vshll.u32 v29, $0x7;
	v30 =	vor.u32 v19, v30;
	[tilespmem:v16+s16+$0x0] =	vst.idx.msk $0xffff, v18  }
0x132: {  	v16 =	vshll.u32 v31, $0x7;
	v18 =	vor.u32 v19, v32;
	[tilespmem:v17+s16+$0x0] =	vst.idx.msk $0xffff, v21  }
0x133: {  	v16 =	vor.u32 v19, v16;
	[tilespmem:v20+s16+$0x0] =	vst.idx.msk $0xffff, v22  }
0x134: {  	[tilespmem:v23+s16+$0x0] =	vst.idx.msk $0xffff, v24  }
0x135: {  	v17 =	vor.u32 v26, v25;
	v20 =	vld.idx.msk [tilespmem:v28+s3+$0x0], $0xffff  }
0x136: {  	v21 =	vor.u32 v27, v25;
	v22 =	vld.idx.msk [tilespmem:v30+s3+$0x0], $0xffff  }
0x137: {  	v23 =	vor.u32 s22, v6;
	v24 =	vor.u32 v29, v25;
	v18 =	vld.idx.msk [tilespmem:v18+s3+$0x0], $0xffff  }
0x138: {  	v27 =	vor.u32 s22, v9;
	v26 =	vshll.u32 v23, $0x7;
	v28 =	vor.u32 v31, v25;
	v16 =	vld.idx.msk [tilespmem:v16+s3+$0x0], $0xffff  }
0x139: {  	v29 =	vor.u32 s22, v10;
	v30 =	vshll.u32 v27, $0x7;
	v26 =	vor.u32 v19, v26  }
0x13a: {  	v31 =	vor.u32 s22, v11;
	v62 =	vshll.u32 v29, $0x7;
	v30 =	vor.u32 v19, v30;
	[tilespmem:v17+s16+$0x0] =	vst.idx.msk $0xffff, v20  }
0x13b: {  	s31 =	simm.s32 $0x10;
	v17 =	vshll.u32 v31, $0x7;
	v20 =	vor.u32 v19, v62;
	[tilespmem:v21+s16+$0x0] =	vst.idx.msk $0xffff, v22  }
0x13c: {  	v63 =	vor.u32 s22, v13;
	s23 =	sand.u32 $0x30, s31;
	v35 =	vor.u32 v27, v25;
	v33 =	vor.u32 v19, v17;
	[tilespmem:v24+s16+$0x0] =	vst.idx.msk $0xffff, v18  }
0x13d: {  	v29 =	vor.u32 v29, v25;
	v39 =	vor.u32 v31, v25;
	v31 =	vor.u32 s23, v0;
	[tilespmem:v28+s16+$0x0] =	vst.idx.msk $0xffff, v16  }
0x13e: {  	v21 =	vor.u32 s22, v12;
	v22 =	vshll.u32 v63, $0x7;
	v28 =	vor.u32 v23, v25;
	v26 =	vld.idx.msk [tilespmem:v26+s3+$0x0], $0xffff  }
0x13f: {  	v17 =	vshll.u32 v21, $0x7;
	v18 =	vor.u32 s22, v14;
	v24 =	vor.u32 s22, v15;
	v38 =	vld.idx.msk [tilespmem:v30+s3+$0x0], $0xffff  }
0x140: {  	v37 =	vor.u32 v19, v22;
	v16 =	vshll.u32 v18, $0x7;
	v23 =	vor.u32 v19, v17;
	v40 =	vld.idx.msk [tilespmem:v20+s3+$0x0], $0xffff  }
0x141: {  	v17 =	vor.u32 v24, v25;
	v22 =	vor.u32 v19, v16;
	v16 =	vshll.u32 v24, $0x7;
	v24 =	vld.idx.msk [tilespmem:v33+s3+$0x0], $0xffff  }
0x142: {  	v32 =	vor.u32 s23, v3;
	v27 =	vor.u32 s23, v2;
	v36 =	vshll.u32 v31, $0x7  }
0x143: {  	s22 =	simm.s32 $0x4;
	v18 =	vor.u32 v18, v25;
	v30 =	vor.u32 s23, v1;
	v20 =	vor.u32 v21, v25;
	[tilespmem:v28+s16+$0x0] =	vst.idx.msk $0xffff, v26  }
0x144: {  	s24 =	sand.u32 $0x70, s22;
	v21 =	vor.u32 v63, v25;
	v34 =	vshll.u32 v30, $0x7;
	v25 =	vshll.u32 v27, $0x7;
	[tilespmem:v35+s16+$0x0] =	vst.idx.msk $0xffff, v38  }
0x145: {  	v33 =	vor.u32 v19, v16;
	v16 =	vor.u32 s24, v0;
	v19 =	vor.u32 s23, v6;
	[tilespmem:v29+s16+$0x0] =	vst.idx.msk $0xffff, v40  }
0x146: {  	v26 =	vor.u32 v16, v25;
	v28 =	vshll.u32 v32, $0x7;
	v25 =	vor.u32 s23, v4;
	[tilespmem:v39+s16+$0x0] =	vst.idx.msk $0xffff, v24  }
0x147: {  	s24 =	simm.s32 $0x20;
	v29 =	vor.u32 v16, v28;
	v28 =	vor.u32 s23, v5;
	v24 =	vshll.u32 v25, $0x7;
	v35 =	vld.idx.msk [tilespmem:v37+s3+$0x0], $0xffff  }
.LBB2_9:
0x148: {  	p2 =	sne.s32 s24, $0x1F0;
	v36 =	vor.u32 v16, v36;
	v37 =	vor.u32 s23, v7;
	v38 =	vor.u32 s23, v8;
	v23 =	vld.idx.msk [tilespmem:v23+s3+$0x0], $0xffff;
	s25 =	smov.u32 s24;
	s24 =	sadd.s32 $0x10, s24  }
0x149: {  	v41 =	vshll.u32 v19, $0x7;
	v39 =	vshll.u32 v37, $0x7;
	v40 =	vshll.u32 v38, $0x7;
	v22 =	vld.idx.msk [tilespmem:v22+s3+$0x0], $0xffff  }
0x14a: {  	v42 =	vor.u32 s23, v9;
	v43 =	vor.u32 s23, v10;
	v44 =	vor.u32 s23, v11;
	v33 =	vld.idx.msk [tilespmem:v33+s3+$0x0], $0xffff  }
0x14b: {  	v34 =	vor.u32 v16, v34;
	v45 =	vshll.u32 v42, $0x7;
	v46 =	vshll.u32 v43, $0x7  }
0x14c: {  	v47 =	vshll.u32 v16, $0x7;
	v49 =	vor.u32 s23, v12;
	v48 =	vshll.u32 v44, $0x7  }
0x14d: {  	v50 =	vor.u32 s23, v13;
	v31 =	vor.u32 v31, v47;
	v51 =	vshll.u32 v49, $0x7  }
0x14e: {  	v52 =	vor.u32 s23, v14;
	v30 =	vor.u32 v30, v47;
	v53 =	vshll.u32 v50, $0x7;
	[tilespmem:v20+s16+$0x0] =	vst.idx.msk $0xffff, v23  }
0x14f: {  	v27 =	vor.u32 v27, v47;
	v54 =	vshll.u32 v52, $0x7;
	v20 =	vshll.u32 v28, $0x7;
	[tilespmem:v21+s16+$0x0] =	vst.idx.msk $0xffff, v35  }
0x150: {  	v55 =	vor.u32 s23, v15;
	v32 =	vor.u32 v32, v47;
	v35 =	vor.u32 v16, v20;
	[tilespmem:v18+s16+$0x0] =	vst.idx.msk $0xffff, v22  }
0x151: {  	v39 =	vor.u32 v16, v39;
	v40 =	vor.u32 v16, v40;
	[tilespmem:v17+s16+$0x0] =	vst.idx.msk $0xffff, v33  }
0x152: {  	v25 =	vor.u32 v25, v47;
	v28 =	vor.u32 v28, v47;
	v33 =	vor.u32 v37, v47;
	v18 =	vld.idx.msk [tilespmem:v36+s3+$0x0], $0xffff  }
0x153: {  	v37 =	vor.u32 v16, v41;
	v36 =	vor.u32 v38, v47;
	v38 =	vor.u32 v16, v45;
	v34 =	vld.idx.msk [tilespmem:v34+s3+$0x0], $0xffff  }
0x154: {  	v19 =	vor.u32 v19, v47;
	v41 =	vor.u32 v16, v46;
	v45 =	vor.u32 v16, v48;
	v26 =	vld.idx.msk [tilespmem:v26+s3+$0x0], $0xffff  }
0x155: {  	v42 =	vor.u32 v42, v47;
	v43 =	vor.u32 v43, v47;
	v46 =	vor.u32 v16, v53;
	v29 =	vld.idx.msk [tilespmem:v29+s3+$0x0], $0xffff  }
0x156: {  	v44 =	vor.u32 v44, v47;
	v23 =	vor.u32 v16, v51;
	v22 =	vor.u32 v16, v54  }
0x157: {  	v24 =	vor.u32 v16, v24;
	v20 =	vor.u32 v49, v47;
	v17 =	vor.u32 v55, v47  }
0x158: {  	v21 =	vor.u32 v50, v47;
	[tilespmem:v31+s16+$0x0] =	vst.idx.msk $0xffff, v18;
	v18 =	vor.u32 v52, v47  }
0x159: {  	[tilespmem:v30+s16+$0x0] =	vst.idx.msk $0xffff, v34  }
0x15a: {  	[tilespmem:v27+s16+$0x0] =	vst.idx.msk $0xffff, v26  }
0x15b: {  	[tilespmem:v32+s16+$0x0] =	vst.idx.msk $0xffff, v29  }
0x15c: {  	v24 =	vld.idx.msk [tilespmem:v24+s3+$0x0], $0xffff  }
0x15d: {  	v26 =	vld.idx.msk [tilespmem:v35+s3+$0x0], $0xffff  }
0x15e: {  	v27 =	vld.idx.msk [tilespmem:v39+s3+$0x0], $0xffff  }
0x15f: {  	v29 =	vld.idx.msk [tilespmem:v40+s3+$0x0], $0xffff;
	_ =	sdelay $0x2  }
0x160: {  	[tilespmem:v25+s16+$0x0] =	vst.idx.msk $0xffff, v24  }
0x161: {  	[tilespmem:v28+s16+$0x0] =	vst.idx.msk $0xffff, v26  }
0x162: {  	[tilespmem:v33+s16+$0x0] =	vst.idx.msk $0xffff, v27  }
0x163: {  	v24 =	vshll.u32 v55, $0x7;
	[tilespmem:v36+s16+$0x0] =	vst.idx.msk $0xffff, v29  }
0x164: {  	v33 =	vor.u32 v16, v24;
	v25 =	vld.idx.msk [tilespmem:v37+s3+$0x0], $0xffff  }
0x165: {  	v16 =	vld.idx.msk [tilespmem:v38+s3+$0x0], $0xffff  }
0x166: {  	v24 =	vld.idx.msk [tilespmem:v41+s3+$0x0], $0xffff  }
0x167: {  	v28 =	vld.idx.msk [tilespmem:v45+s3+$0x0], $0xffff;
	_ =	sdelay $0x1  }
0x168: {  	s22 =	sadd.s32 $0x4, s22;
	s23 =	sand.u32 $0x30, s25  }
.Ltmp6:
0x169: {  	s25 =	sand.u32 $0x70, s22;
	v31 =	vor.u32 s23, v0;
	v30 =	vor.u32 s23, v1;
	v27 =	vor.u32 s23, v2;
	[tilespmem:v19+s16+$0x0] =	vst.idx.msk $0xffff, v25;
	(pc) =	sbr.rel @p2 .LBB2_9-.Ltmp6, $4  }
0x16a: {  	v34 =	vshll.u32 v30, $0x7;
	v36 =	vshll.u32 v31, $0x7;
	v25 =	vshll.u32 v27, $0x7;
	[tilespmem:v42+s16+$0x0] =	vst.idx.msk $0xffff, v16  }
0x16b: {  	v32 =	vor.u32 s23, v3;
	v19 =	vor.u32 s23, v6;
	v16 =	vor.u32 s25, v0;
	[tilespmem:v43+s16+$0x0] =	vst.idx.msk $0xffff, v24  }
0x16c: {  	v26 =	vor.u32 v16, v25;
	v24 =	vshll.u32 v32, $0x7;
	v25 =	vor.u32 s23, v4;
	[tilespmem:v44+s16+$0x0] =	vst.idx.msk $0xffff, v28  }
0x16d: {  	v29 =	vor.u32 v16, v24;
	v28 =	vor.u32 s23, v5;
	v24 =	vshll.u32 v25, $0x7;
	v35 =	vld.idx.msk [tilespmem:v46+s3+$0x0], $0xffff  }
0x16e: {  	_ =	sdelay $0x3  }
0x16f: {  	v23 =	vld.idx.msk [tilespmem:v23+s3+$0x0], $0xffff;
	_ =	sdelay $0x1  }
0x170: {  	v22 =	vld.idx.msk [tilespmem:v22+s3+$0x0], $0xffff  }
0x171: {  	v33 =	vld.idx.msk [tilespmem:v33+s3+$0x0], $0xffff  }
0x172: {  	v36 =	vor.u32 v16, v36  }
0x173: {  	v34 =	vor.u32 v16, v34;
	[tilespmem:v20+s16+$0x0] =	vst.idx.msk $0xffff, v23  }
0x174: {  	[tilespmem:v21+s16+$0x0] =	vst.idx.msk $0xffff, v35  }
0x175: {  	[tilespmem:v18+s16+$0x0] =	vst.idx.msk $0xffff, v22  }
0x176: {  	v18 =	vshll.u32 v16, $0x7;
	[tilespmem:v17+s16+$0x0] =	vst.idx.msk $0xffff, v33  }
0x177: {  	v17 =	vor.u32 v31, v18;
	v20 =	vld.idx.msk [tilespmem:v36+s3+$0x0], $0xffff  }
0x178: {  	v57 =	vor.u32 v30, v18;
	v22 =	vld.idx.msk [tilespmem:v34+s3+$0x0], $0xffff  }
0x179: {  	v58 =	vor.u32 v27, v18;
	v26 =	vld.idx.msk [tilespmem:v26+s3+$0x0], $0xffff  }
0x17a: {  	v59 =	vor.u32 v32, v18;
	v29 =	vld.idx.msk [tilespmem:v29+s3+$0x0], $0xffff  }
0x17b: {  	v60 =	vor.u32 s23, v7;
	v61 =	vshll.u32 v28, $0x7;
	v24 =	vor.u32 v16, v24  }
0x17c: {  	v62 =	vor.u32 s23, v8;
	v63 =	vshll.u32 v60, $0x7;
	v31 =	vor.u32 v16, v61;
	[tilespmem:v17+s16+$0x0] =	vst.idx.msk $0xffff, v20  }
0x17d: {  	v35 =	vor.u32 v16, v63;
	v17 =	vshll.u32 v62, $0x7;
	[tilespmem:v57+s16+$0x0] =	vst.idx.msk $0xffff, v22  }
0x17e: {  	v17 =	vor.u32 v16, v17;
	[tilespmem:v58+s16+$0x0] =	vst.idx.msk $0xffff, v26  }
0x17f: {  	[tilespmem:v59+s16+$0x0] =	vst.idx.msk $0xffff, v29  }
0x180: {  	v36 =	vor.u32 v25, v18;
	v22 =	vld.idx.msk [tilespmem:v24+s3+$0x0], $0xffff  }
0x181: {  	v37 =	vor.u32 v28, v18;
	v38 =	vld.idx.msk [tilespmem:v31+s3+$0x0], $0xffff  }
0x182: {  	v39 =	vor.u32 v60, v18;
	v20 =	vld.idx.msk [tilespmem:v35+s3+$0x0], $0xffff  }
0x183: {  	v40 =	vshll.u32 v19, $0x7;
	v41 =	vor.u32 s23, v9;
	v42 =	vor.u32 v62, v18;
	v17 =	vld.idx.msk [tilespmem:v17+s3+$0x0], $0xffff  }
0x184: {  	v43 =	vor.u32 s23, v10;
	v44 =	vshll.u32 v41, $0x7;
	v26 =	vor.u32 v16, v40  }
0x185: {  	v45 =	vor.u32 s23, v11;
	v46 =	vshll.u32 v43, $0x7;
	v30 =	vor.u32 v16, v44;
	[tilespmem:v36+s16+$0x0] =	vst.idx.msk $0xffff, v22  }
0x186: {  	v47 =	vshll.u32 v45, $0x7;
	v48 =	vor.u32 v16, v46;
	[tilespmem:v37+s16+$0x0] =	vst.idx.msk $0xffff, v38  }
0x187: {  	v21 =	vor.u32 v16, v47;
	[tilespmem:v39+s16+$0x0] =	vst.idx.msk $0xffff, v20  }
0x188: {  	[tilespmem:v42+s16+$0x0] =	vst.idx.msk $0xffff, v17  }
0x189: {  	v17 =	vor.u32 v19, v18;
	v49 =	vld.idx.msk [tilespmem:v26+s3+$0x0], $0xffff  }
0x18a: {  	v50 =	vor.u32 v41, v18;
	v23 =	vld.idx.msk [tilespmem:v30+s3+$0x0], $0xffff  }
0x18b: {  	v51 =	vor.u32 s23, v12;
	v52 =	vor.u32 v43, v18;
	v22 =	vld.idx.msk [tilespmem:v48+s3+$0x0], $0xffff  }
0x18c: {  	v53 =	vor.u32 s23, v13;
	v54 =	vshll.u32 v51, $0x7;
	v55 =	vor.u32 v45, v18;
	v21 =	vld.idx.msk [tilespmem:v21+s3+$0x0], $0xffff  }
0x18d: {  	v56 =	vor.u32 s23, v14;
	v27 =	vor.u32 v16, v54;
	v57 =	vshll.u32 v53, $0x7  }
0x18e: {  	v58 =	vshll.u32 v56, $0x7;
	v59 =	vor.u32 s23, v15;
	v30 =	vor.u32 v16, v57;
	[tilespmem:v17+s16+$0x0] =	vst.idx.msk $0xffff, v49  }
0x18f: {  	v60 =	vshll.u32 v59, $0x7;
	v17 =	vor.u32 v16, v58;
	[tilespmem:v50+s16+$0x0] =	vst.idx.msk $0xffff, v23  }
0x190: {  	v16 =	vor.u32 v16, v60;
	[tilespmem:v52+s16+$0x0] =	vst.idx.msk $0xffff, v22  }
0x191: {  	[tilespmem:v55+s16+$0x0] =	vst.idx.msk $0xffff, v21  }
0x192: {  	v61 =	vor.u32 v51, v18;
	v20 =	vld.idx.msk [tilespmem:v27+s3+$0x0], $0xffff  }
0x193: {  	v62 =	vor.u32 v53, v18;
	v22 =	vld.idx.msk [tilespmem:v30+s3+$0x0], $0xffff  }
0x194: {  	v63 =	vor.u32 v56, v18;
	v17 =	vld.idx.msk [tilespmem:v17+s3+$0x0], $0xffff  }
0x195: {  	v18 =	vor.u32 v59, v18;
	v16 =	vld.idx.msk [tilespmem:v16+s3+$0x0], $0xffff;
	_ =	sdelay $0x1  }
.Ltmp7:
0x196: {  	[tilespmem:v61+s16+$0x0] =	vst.idx.msk $0xffff, v20;
	(pc) =	sbr.rel .LBB2_12-.Ltmp7, $4  }
0x197: {  	[tilespmem:v62+s16+$0x0] =	vst.idx.msk $0xffff, v22  }
0x198: {  	[tilespmem:v63+s16+$0x0] =	vst.idx.msk $0xffff, v17  }
0x199: {  	[tilespmem:v18+s16+$0x0] =	vst.idx.msk $0xffff, v16  }
0x19a: {  	[hbm4b:s10+s3] =	stream.linear.scatter [tilespmem:s16], [sflag:$0x3], $0x4000, $0x38;
	[tilespmem:$0xE000] =	vst v63  }
.LBB2_13:
0x19b: {  	_ =	sfence.sel $0x180000  }
0x19c: {  	[bflag:$0x0] =	sbarrier.arrive $0xFFFF  }
0x19d: {  	p0 =	sne.s32 s4, $0x0;
	_ =	strace $0x90000047  }
0x19e: {  	s0 =	sadd.s32 @!p0 $0x100000, s2;
	[bflag:$0x2] =	sbarrier.arrive $0xFFFF  }
0x19f: {  	[sflag:s0] =	ssyncadd.tile.s32 @!p0 $0x1;
	_ =	shalt  }
.Lfunc_end2:
_tile_overlayer_lowered:
.L_overlay_start_2:
0x1a0: {  	(tag) =	ssettag $0x2  }
0x1a1: {  	s0 =	rddreg [dreg:$0x0];
	s2 =	stileid.u32  }
0x1a2: {  	s1 =	rddreg [dreg:$0x1];
	p0 =	sne.s32 s2, $0x0  }
0x1a3: {  	s3 =	rddreg [dreg:$0x2];
	[bflag:$0x3] =	sbarrier.arrive $0xFFFF;
	s2 =	simm.s32 @!p0 $0x1C06  }
0x1a4: {  	[timem:s3], [sflag:s2] =	dma.local @!p0 [hbm:s0], s1  }
0x1a5: {  	s0 =	simm.s32 @!p0 $0x6  }
0x1a6: {  	_ =	swait.ge @!p0 [sflag:s0], s1  }
0x1a7: {  	s1 =	ssub.s32 @!p0 $0x0, s1;
	[sflag:s0] =	ssyncset.done @!p0 $0x0  }
0x1a8: {  	[sflag:s0] =	ssyncadd.s32 @!p0 s1  }
0x1a9: {  	[bflag:$0x3] =	sbarrier.arrive $0xFFFF  }
0x1aa: {  	_ =	shalt  }

// kernel: kernel.7.cloned.1.call-start
scs
__scs_entry_jumppad:
0x0: {  	(pc) =	sbr.rel $0x88, $3  }
0x1: {  	(tag) =	ssettag $0x0;
	lr =	simm.s32 $0x1  }
0x2: {  	[smem:$0x3F9F] =	sst lr;
	_ =	strace $0xD0000000  }
0x3: {  	_ = 	snop  }
0x4: {  	_ = 	snop  }
0x5: {  	_ = 	snop  }
0x6: {  	_ = 	snop  }
0x7: {  	_ = 	snop  }
__scs_overlays_trampoline_lowered:
0x8: {  	[smem:$0x3FAE] =	sst s0  }
0x9: {  	[smem:$0x3FAF] =	sst s1  }
0xa: {  	[smem:$0x3FB0] =	sst s2  }
0xb: {  	[smem:$0x3FB1] =	sst s3  }
0xc: {  	[smem:$0x3FB2] =	sst s4  }
0xd: {  	[smem:$0x3FB3] =	sst s5  }
0xe: {  	[smem:$0x3FB4] =	sst s6  }
0xf: {  	[smem:$0x3FB5] =	sst s7  }
0x10: {  	[smem:$0x3FB6] =	sst s8  }
0x11: {  	[smem:$0x3FB7] =	sst s9;
	s0 =	simm.s32 @!p0 $0x0  }
0x12: {  	s1 =	sld [smem:$0x3F9D];
	s0 =	simm.s32 @p0 $0x1  }
0x13: {  	[smem:$0x3FB8] =	sst s0;
	s0 =	simm.s32 @!p1 $0x0  }
0x14: {  	s2 =	sld [smem:$0x3F9C];
	s0 =	simm.s32 @p1 $0x1  }
0x15: {  	[smem:$0x3FB9] =	sst s0;
	s0 =	simm.s32 @!p2 $0x0  }
0x16: {  	s3 =	sld [smem:$0x3FDB];
	s0 =	simm.s32 @p2 $0x1  }
0x17: {  	s4 =	simm.s32 $0x1BF5;
	[smem:$0x3FBB] =	sst s0  }
0x18: {  	s0 =	sld [smem:$0x3F9E];
	_ =	swait.ge [sflag:s4], $0x0  }
0x19: {  	s7 =	sld [smem:$0x3F9F]  }
0x1a: {  	s8 =	sadd.s32 $0xFFFFE003, lr  }
0x1b: {  	s9 =	sadd.s32 $0xFFFFFEF7, lr;
	s5 =	simm.s32 $0xFFFFFFFF;
	p2 =	slt.u32 s8, $0xFFFFF086  }
0x1c: {  	p1 =	slt.u32 s9, $0xF7A;
	s5 =	simm.s32 @!p2 $0x0  }
0x1d: {  	s5 =	simm.s32 @p1 $0x1;
	p0 =	seq.s32 s7, s2  }
0x1e: {  	s7 =	smul.u32 @!p0 $0xF7A, s2;
	p2 =	seq.s32 @!p0 s5, $0x0  }
0x1f: {  	s9 =	smul.u32 $0xF7A, s1;
	s8 =	simm.s32 @!p0 $0x1BF5;
	p2 =	por !p2, p0  }
0x20: {  	[sflag:s8] =	ssyncset.s32 @!p0 $0xFFFFF086;
	s6 =	sadd.s32 @!p0 s3, s7;
	s7 =	simm.s32 @!p0 $0x108  }
0x21: {  	s3 =	sadd.s32 s3, s9;
	s6 =	sadd.s32 @!p0 $0x88, s6;
	s7 =	simm.s32 @p2 $0x1082  }
0x22: {  	[simem:s7], [sflag:s8] =	dma.local @!p0 [hbm:s6], $0xF7A  }
0x23: {  	s9 =	sor.u32 $0xD0000000, s2;
	s6 =	simm.s32 $0x108;
	_ =	swait.ge @!p0 [sflag:s8], $0x0  }
0x24: {  	s3 =	sadd.s32 $0x88, s3;
	s6 =	simm.s32 @!p1 $0x1082;
	[sflag:s4] =	ssyncset.s32 $0xFFFFF086  }
0x25: {  	[simem:s6], [sflag:s4] =	dma.local [hbm:s3], $0xF7A  }
0x26: {  	[smem:$0x3F9F] =	sst s1;
	(tag) =	ssettag s2;
	_ =	strace s9  }
0x27: {  	s1 =	sld [smem:$0x3FAF]  }
0x28: {  	s2 =	sld [smem:$0x3FB0]  }
0x29: {  	s4 =	sld [smem:$0x3FB2]  }
0x2a: {  	p0 =	seq.s32 s5, $0x0;
	s5 =	sld [smem:$0x3FB3]  }
0x2b: {  	s6 =	sld [smem:$0x3FB4]  }
0x2c: {  	s7 =	sld [smem:$0x3FB5]  }
0x2d: {  	s3 =	simm.s32 $0x108;
	s8 =	sld [smem:$0x3FB6]  }
0x2e: {  	s3 =	simm.s32 @!p0 $0x1082;
	s9 =	sld [smem:$0x3FB7]  }
0x2f: {  	lr =	sadd.s32 s0, s3;
	s0 =	sld [smem:$0x3FAE]  }
0x30: {  	s3 =	sld [smem:$0x3FB1]  }
0x31: {  	[smem:$0x3FBA] =	sst s10  }
0x32: {  	s10 =	sld [smem:$0x3FB8];
	_ =	sdelay $0x3  }
0x33: {  	p0 =	seq.s32 s10, $0x1;
	s10 =	sld [smem:$0x3FBA];
	_ =	sdelay $0x3  }
0x34: {  	[smem:$0x3FBA] =	sst s10  }
0x35: {  	s10 =	sld [smem:$0x3FB9];
	_ =	sdelay $0x3  }
0x36: {  	p1 =	seq.s32 s10, $0x1;
	s10 =	sld [smem:$0x3FBA];
	_ =	sdelay $0x3  }
0x37: {  	[smem:$0x3FBA] =	sst s10  }
0x38: {  	s10 =	sld [smem:$0x3FBB]  }
0x39: {  	_ = 	snop;
	(pc) =	sbr.ind lr, $3  }
0x3a: {  	_ = 	snop  }
0x3b: {  	_ = 	snop  }
0x3c: {  	p2 =	seq.s32 s10, $0x1;
	s10 =	sld [smem:$0x3FBA]  }
0x3d: {  	_ =	shalt  }
0x3e: {  	_ =	shalt  }
0x3f: {  	_ =	shalt  }
0x40: {  	_ =	shalt  }
0x41: {  	_ =	shalt  }
0x42: {  	_ =	shalt  }
0x43: {  	_ =	shalt  }
0x44: {  	_ =	shalt  }
0x45: {  	_ =	shalt  }
0x46: {  	_ =	shalt  }
0x47: {  	_ =	shalt  }
0x48: {  	_ =	shalt  }
0x49: {  	_ =	shalt  }
0x4a: {  	_ =	shalt  }
0x4b: {  	_ =	shalt  }
0x4c: {  	_ =	shalt  }
0x4d: {  	_ =	shalt  }
0x4e: {  	_ =	shalt  }
0x4f: {  	_ =	shalt  }
0x50: {  	_ =	shalt  }
0x51: {  	_ =	shalt  }
0x52: {  	_ =	shalt  }
0x53: {  	_ =	shalt  }
0x54: {  	_ =	shalt  }
0x55: {  	_ =	shalt  }
0x56: {  	_ =	shalt  }
0x57: {  	_ =	shalt  }
0x58: {  	_ =	shalt  }
0x59: {  	_ =	shalt  }
0x5a: {  	_ =	shalt  }
0x5b: {  	_ =	shalt  }
0x5c: {  	_ =	shalt  }
0x5d: {  	_ =	shalt  }
0x5e: {  	_ =	shalt  }
0x5f: {  	_ =	shalt  }
0x60: {  	_ =	shalt  }
0x61: {  	_ =	shalt  }
0x62: {  	_ =	shalt  }
0x63: {  	_ =	shalt  }
0x64: {  	_ =	shalt  }
0x65: {  	_ =	shalt  }
0x66: {  	_ =	shalt  }
0x67: {  	_ =	shalt  }
0x68: {  	_ =	shalt  }
0x69: {  	_ =	shalt  }
0x6a: {  	_ =	shalt  }
0x6b: {  	_ =	shalt  }
0x6c: {  	_ =	shalt  }
0x6d: {  	_ =	shalt  }
0x6e: {  	_ =	shalt  }
0x6f: {  	_ =	shalt  }
0x70: {  	_ =	shalt  }
0x71: {  	_ =	shalt  }
0x72: {  	_ =	shalt  }
0x73: {  	_ =	shalt  }
0x74: {  	_ =	shalt  }
0x75: {  	_ =	shalt  }
0x76: {  	_ =	shalt  }
0x77: {  	_ =	shalt  }
0x78: {  	_ =	shalt  }
0x79: {  	_ =	shalt  }
0x7a: {  	_ =	shalt  }
0x7b: {  	_ =	shalt  }
0x7c: {  	_ =	shalt  }
0x7d: {  	_ =	shalt  }
0x7e: {  	_ =	shalt  }
0x7f: {  	_ =	shalt  }
0x80: {  	_ =	shalt  }
0x81: {  	_ =	shalt  }
0x82: {  	_ =	shalt  }
0x83: {  	_ =	shalt  }
0x84: {  	_ =	shalt  }
0x85: {  	_ =	shalt  }
0x86: {  	_ =	shalt  }
0x87: {  	_ =	shalt  }
.Lfunc_end0:
.L_simem_size_0:
called_computation.1_lowered:
.L_overlay_start_0:
0x88: {  	s2 =	sld [smem:$0x3FD9]  }
0x89: {  	s3 =	sld [smem:$0x3FFE];
	_ =	sdelay $0x1  }
0x8a: {  	s1 =	srdreg.scid  }
0x8b: {  	s0 =	sand.u32 $0x1, s1  }
0x8c: {  	s17 =	sshll.u32 s0, $0xA;
	s2 =	sadd.s32 s3, s2  }
0x8d: {  	s2 =	sadd.s32 s2, s17  }
0x8e: {  	[smem:$0x3FC6] =	sst s2  }
0x8f: {  	_ = 	snop  }
0x90: {  	s2 =	sld [smem:$0x3FC9]  }
0x91: {  	s18 =	sld [smem:$0x3FD0];
	(tm) =	ssettm $0x1  }
0x92: {  	s4 =	sld [smem:$0x3FFB];
	_ =	sdelay $0x3  }
0x93: {  	_ =	strace s4  }
0x94: {  	s4 =	sld [smem:$0x3FFC];
	_ =	sdelay $0x3  }
0x95: {  	_ =	strace s4  }
0x96: {  	s4 =	sld [smem:$0x3FFD];
	_ =	sdelay $0x3  }
0x97: {  	_ =	strace s4  }
0x98: {  	_ =	strace $0x8FFFFFFF  }
0x99: {  	s19 =	sld [smem:$0x3FDB];
	_ =	sdelay $0x1  }
0x9a: {  	s5 =	simm.s32 $_scs_section_size  }
0x9b: {  	s6 =	simm.s32 $_size__tile_overlayer_lowered;
	s7 =	simm.s32 $_tile_overlayer_lowered  }
0x9c: {  	s22 =	simm.s32 $0x1BFF;
	s21 =	sshll.u32 s7, $0x1;
	s4 =	sadd.s32 s5, s19  }
0x9d: {  	s8 =	simm.s32 $0x0;
	s20 =	sshll.u32 s6, $0x1;
	s6 =	sadd.s32 s21, s4  }
0x9e: {  	[timem:s8], [sflag:s22] =	dma.local [hbm:s6], s20  }
0x9f: {  	_ =	swait.ge [sflag:s22], s20  }
0xa0: {  	s5 =	ssub.s32 $0x0, s20;
	[sflag:s22] =	ssyncset.done $0x0  }
0xa1: {  	[sflag:s22] =	ssyncadd.s32 s5;
	_ =	sdelay $0x1  }
0xa2: {  	s23 =	simm.s32 $0x1B8B  }
0xa3: {  	_ =	swait.ge [sflag:s23], $0x1  }
0xa4: {  	[sflag:s23] =	ssyncset.done $0x0  }
0xa5: {  	s25 =	simm.s32 $0x1B8E;
	s24 =	sld [smem:$0x3FFE];
	[sflag:s23] =	ssyncadd.s32 $0xFFFFFFFF  }
0xa6: {  	s26 =	simm.s32 $execute0_lowered;
	[smem:$0x3FD2] =	sst s25  }
0xa7: {  	s6 =	sshll.u32 s26, $0x1;
	_ =	strace $0x80000049;
	[dreg:$0x1] =	wrdreg $0xFFFFFFFF  }
0xa8: {  	s28 =	simm.s32 $_size_execute0_lowered;
	s4 =	sadd.s32 s4, s6;
	[dreg:$0x0] =	wrdreg $0x0  }
0xa9: {  	s6 =	sshll.u32 s28, $0x1;
	[dreg:$0x2] =	wrdreg s4  }
0xaa: {  	[dreg:$0x3] =	wrdreg s6  }
0xab: {  	[dreg:$0x4] =	wrdreg $0xC0  }
0xac: {  	_ =	task [dreg:s8], $0x5FFFF  }
0xad: {  	[dreg:$0x1] =	wrdreg $0xFFFFFFFF  }
0xae: {  	[dreg:$0x0] =	wrdreg $0x60  }
0xaf: {  	[dreg:$0x2] =	wrdreg s24  }
0xb0: {  	[dreg:$0x3] =	wrdreg s2  }
0xb1: {  	[dreg:$0x4] =	wrdreg s18  }
0xb2: {  	[dreg:$0x5] =	wrdreg $0x9  }
0xb3: {  	_ =	task.clear_ibuf [dreg:s8], $0x6FFFF;
	_ =	strace $0x90000049  }
0xb4: {  	s29 =	simm.s32 $0x9;
	_ =	strace $0x8000004B  }
0xb5: {  	_ =	swait.ge [sflag:s29], $0x1  }
0xb6: {  	[sflag:s29] =	ssyncadd.s32 $0xFFFFFFFF  }
0xb7: {  	_ =	strace $0x9000004B  }
0xb8: {  	_ =	sfence  }
0xb9: {  	s30 =	sld [smem:$0x0];
	_ =	sdelay $0x2  }
0xba: {  	s31 =	sshll.u32 s1, $0xD;
	s1 =	sshrl.u32 s1, $0x2  }
0xbb: {  	s3 =	sand.u32 $0x4000, s31;
	s1 =	sadd.s32 s1, s30  }
0xbc: {  	s0 =	sor.u32 s3, s0;
	s1 =	sshll.u32 s1, $0x11  }
0xbd: {  	s0 =	sor.u32 s1, s0  }
0xbe: {  	s0 =	sadd.s32 $0x8F2B, s0  }
0xbf: {  	[sflag:s0] =	ssyncadd.remote.s32 $0x1  }
0xc0: {  	_ =	sfence.sel $0xFFFF  }
0xc1: {  	[dreg:$0x0] =	wrdreg $0xFFFFFFFF;
	(pc) =	sbr.abs _section_cstart, $3  }
0xc2: {  	[dreg:$0x1] =	wrdreg $0xFFFFFFFF  }
0xc3: {  	_ =	task.clear_ibuf [dreg:s8], $0x2FFFF;
	_ =	strace $0x9FFFFFFF  }
0xc4: {  	(tm) =	ssettm $0x7FFFFFFF  }
0xc5: {  	_ =	shalt  }
tec
execute0_lowered:
.L_overlay_start_1:
0x0: {  	(tag) =	ssettag $0x1  }
0x1: {  	v0 =	vimm.s32 $0xFEDCBA9  }
0x2: {  	v2 =	vimm.s32 $0x87654321;
	v3 =	vimm.s32 $0x98765432;
	v4 =	vimm.s32 $0x210FEDCB  }
0x3: {  	v5 =	vimm.s32 $0xA9876543;
	v15 =	vimm.s32 $0xCBA98765;
	v17 =	vimm.s32 $0x6543210F  }
0x4: {  	v18 =	vimm.s32 $0xEDCBA987;
	v19 =	vimm.s32 $0xFEDCBA98;
	v20 =	vimm.s32 $0x76543210  }
0x5: {  	v1 =	vunpack.c.l.s4.s8 v0;
	v0 =	vlaneseq.u32;
	v3 =	vunpack.c.l.s4.s8 v3  }
0x6: {  	v4 =	vunpack.c.l.s4.s8 v4;
	v17 =	vunpack.c.l.s4.s8 v17;
	v18 =	vunpack.c.l.s4.s8 v18  }
0x7: {  	v19 =	vunpack.c.l.s4.s8 v19;
	v7 =	vunpack.c.0.s8.s32 v1;
	v1 =	vunpack.c.l.s4.s8 v2  }
0x8: {  	v2 =	vimm.s32 $0x10FEDCBA;
	v10 =	vunpack.c.0.s8.s32 v3;
	v11 =	vunpack.c.0.s8.s32 v4  }
0x9: {  	s1 =	rddreg [dreg:$0x0];
	v17 =	vunpack.c.0.s8.s32 v17;
	v18 =	vunpack.c.0.s8.s32 v18;
	v2 =	vunpack.c.l.s4.s8 v2  }
0xa: {  	s0 =	rddreg [dreg:$0x1];
	v19 =	vunpack.c.0.s8.s32 v19;
	v8 =	vunpack.c.0.s8.s32 v1;
	v1 =	vunpack.c.l.s4.s8 v5  }
0xb: {  	s7 =	rddreg [dreg:$0x2];
	v23 =	vcombine.low v18, v17;
	v9 =	vunpack.c.0.s8.s32 v2;
	v2 =	vimm.s32 $0x3210FEDC  }
0xc: {  	s2 =	srdreg.scid;
	s3 =	stileid.u32;
	v19 =	vand.u32 $0xF, v19;
	v12 =	vunpack.c.0.s8.s32 v1;
	v1 =	vunpack.c.l.s4.s8 v2  }
0xd: {  	s5 =	simm.s32 $0x0;
	s15 =	simm.s32 $0x80;
	s19 =	simm.s32 $0x200;
	v2 =	vimm.s32 $0xBA987654;
	v3 =	vcombine.low v8, v7;
	v63 =	vcombine.low v7, v8  }
0xe: {  	s28 =	simm.s32 $0x8000;
	s29 =	simm.s32 $0x6;
	s30 =	simm.s32 $0x4;
	v8 =	vand.u32 $0xF, v23;
	v4 =	vcombine.low v10, v9;
	v2 =	vunpack.c.l.s4.s8 v2  }
0xf: {  	s31 =	simm.s32 $0xC200;
	s8 =	simm.s32 $0x14200;
	s9 =	simm.s32 $0x8;
	v10 =	vcombine.low v9, v10;
	v5 =	vcombine.low v12, v11;
	v13 =	vunpack.c.0.s8.s32 v1  }
0x10: {  	s10 =	simm.s32 $0x16200;
	s14 =	simm.s32 $0x9;
	s2 =	sand.u32 $0x1, s2;
	v1 =	vimm.s32 $0x43210FED;
	v11 =	vcombine.low v11, v12;
	v14 =	vunpack.c.0.s8.s32 v2  }
0x11: {  	s3 =	sshll.u32 s3, $0xB;
	[smem:$0x7FF] =	sst s5;
	s6 =	sadd.s32 $0x800, s1;
	v6 =	vunpack.c.l.s4.s8 v1;
	v2 =	vand.u32 $0xF, v4;
	v4 =	vunpack.c.l.s4.s8 v15  }
0x12: {  	s26 =	sadd.s32 $0x8000, s7;
	s12 =	sadd.s32 $0x10000, s7;
	s13 =	sadd.s32 $0x18000, s7;
	v9 =	vand.u32 $0xF, v63;
	v1 =	vand.u32 $0xF, v3;
	v10 =	vand.u32 $0xF, v10  }
0x13: {  	s7 =	simm.s32 $0x0;
	s4 =	sshll.u32 s2, $0xA;
	s2 =	ssub.s32 $0x2, s2;
	v3 =	vand.u32 $0xF, v5;
	v15 =	vunpack.c.0.s8.s32 v6;
	v16 =	vunpack.c.0.s8.s32 v4  }
0x14: {  	_ =	strace $0x8000004A;
	[dreg:$0x8] =	wrdreg s26;
	s5 =	sor.u32 s4, s3;
	v4 =	vimm.s32 $0x543210FE;
	v6 =	vimm.s32 $0xDCBA9876;
	v12 =	vcombine.low v13, v14  }
0x15: {  	s26 =	simm.s32 $0x400;
	s21 =	sshrl.u32 s2, $0x1;
	s4 =	sshrl.u32 s5, $0x3;
	v11 =	vand.u32 $0xF, v11;
	v4 =	vunpack.c.l.s4.s8 v4;
	v6 =	vunpack.c.l.s4.s8 v6  }
0x16: {  	s3 =	simm.s32 $0x7;
	s22 =	ssub.s32 s2, s21;
	s23 =	sadd.s32 s0, s4;
	v5 =	vcombine.low v14, v13;
	v13 =	vcombine.low v15, v16;
	v12 =	vand.u32 $0xF, v12  }
0x17: {  	s21 =	simm.s32 $0x4200;
	s1 =	smax.u32 s22, $0x1;
	[dreg:$0x4] =	wrdreg s23;
	v21 =	vunpack.c.0.s8.s32 v4;
	v22 =	vunpack.c.0.s8.s32 v6;
	v6 =	vunpack.c.l.s4.s8 v20  }
0x18: {  	s22 =	simm.s32 $0x5;
	s24 =	sadd.s32 $0x10, s23;
	[dreg:$0x9] =	wrdreg s1;
	v4 =	vand.u32 $0xF, v5;
	v5 =	vcombine.low v16, v15;
	v15 =	vcombine.low v17, v18  }
0x19: {  	s25 =	sadd.s32 $0x20, s23;
	s2 =	sadd.s32 $0x30, s23;
	[dreg:$0x5] =	wrdreg s24;
	v6 =	vunpack.c.0.s8.s32 v6;
	v62 =	vcombine.low v22, v21;
	v14 =	vcombine.low v21, v22  }
0x1a: {  	s23 =	simm.s32 $0x3;
	s1 =	simm.s32 $0x12200;
	[dreg:$0x6] =	wrdreg s25;
	v13 =	vand.u32 $0xF, v13;
	v5 =	vand.u32 $0xF, v5;
	v15 =	vand.u32 $0xF, v15  }
0x1b: {  	[dreg:$0x7] =	wrdreg s2;
	s24 =	simm.s32 $0x8200;
	s25 =	simm.s32 $0x10200;
	v6 =	vcombine.low v19, v6;
	v7 =	vand.u32 $0xF, v62;
	v14 =	vand.u32 $0xF, v14  }
.LBB2_1:
0x1c: {  	[dreg:$0xa] =	wrdreg s7  }
0x1d: {  	s2 =	simm.s32 $0x0;
	s4 =	rddreg [dreg:$0x4]  }
0x1e: {  	[tilespmem:s2], [sflag:$0x1] =	stream.linear.gather [hbm4b:s4+s2], $0x80, $0x38;
	[tilespmem:$0x18200] =	vst v63  }
0x1f: {  	s20 =	rddreg [dreg:$0x5]  }
0x20: {  	[tilespmem:s15], [sflag:$0x2] =	stream.linear.gather [hbm4b:s20+s2], $0x80, $0x38;
	[tilespmem:$0x18200] =	vst v63  }
0x21: {  	s7 =	rddreg [dreg:$0x6];
	s11 =	simm.s32 $0x100  }
0x22: {  	[tilespmem:s11], [sflag:$0x3] =	stream.linear.gather [hbm4b:s7+s2], $0x80, $0x38;
	[tilespmem:$0x18200] =	vst v63  }
0x23: {  	s16 =	rddreg [dreg:$0x7];
	s17 =	simm.s32 $0x180;
	s18 =	simm.s32 $0x1  }
0x24: {  	[tilespmem:s17], [sflag:$0x4] =	stream.linear.gather [hbm4b:s16+s2], $0x80, $0x38;
	[tilespmem:$0x18200] =	vst v63  }
0x25: {  	_ =	swait.ge [sflag:s18], $0x80  }
0x26: {  	[sflag:s18] =	ssyncset.done $0x0  }
0x27: {  	s20 =	simm.s32 $0x2;
	[sflag:s18] =	ssyncadd.s32 $0xFFFFFF80  }
0x28: {  	[tilespmem:s19], [sflag:$0x5] =	stream.indirect.gather [hbm4b:s6+s15], $0x80, s2, s15, $0xb8;
	[tilespmem:$0x18200] =	vst v63  }
0x29: {  	_ =	swait.ge [sflag:s20], $0x80  }
0x2a: {  	[sflag:s20] =	ssyncset.done $0x0  }
0x2b: {  	s4 =	simm.s32 $0x0;
	[sflag:s20] =	ssyncadd.s32 $0xFFFFFF80  }
0x2c: {  	[tilespmem:s21], [sflag:$0x6] =	stream.indirect.gather [hbm4b:s6+s15], $0x80, s15, s15, $0xb8;
	[tilespmem:$0x18200] =	vst v63  }
.LBB2_2:
0x2d: {  	_ =	swait.ge [sflag:s22], $0x4000  }
0x2e: {  	[sflag:s22] =	ssyncset.done $0x0  }
0x2f: {  	[sflag:s22] =	ssyncadd.s32 $0xFFFFC000  }
0x30: {  	_ =	swait.ge [sflag:s23], $0x80  }
0x31: {  	s2 =	simm.s32 $0x100;
	[sflag:s23] =	ssyncset.done $0x0  }
0x32: {  	s7 =	sshll.u32 s4, $0x2;
	p0 =	seq.s32 s4, $0x31;
	[sflag:s23] =	ssyncadd.s32 $0xFFFFFF80  }
0x33: {  	[tilespmem:s24], [sflag:$0x7] =	stream.indirect.gather [hbm4b:s6+s15], $0x80, s2, s15, $0xb8;
	[tilespmem:$0x18200] =	vst v63  }
0x34: {  	s2 =	sadd.s32 @!p0 $0x4, s7  }
0x35: {  	p1 =	seq.s32 @!p0 s4, $0x0;
	s16 =	sshll.u32 @!p0 s2, $0x7;
	s2 =	sshll.u32 @!p0 s2, $0xC  }
0x36: {  	p1 =	por p0, !p1;
	s16 =	sand.u32 @!p0 $0x200, s16;
	s2 =	sand.u32 @!p0 $0x1F8000, s2  }
.Ltmp0:
0x37: {  	s2 =	sor.u32 @!p0 s2, s16;
	(pc) =	sbr.rel @!p1 .LBB2_3-.Ltmp0, $4  }
0x38: {  	s2 =	sor.u32 @!p0 s5, s2  }
0x39: {  	s2 =	sshrl.u32 @!p0 s2, $0x3  }
0x3a: {  	s16 =	simm.s32 @!p0 $0x0;
	s2 =	sadd.s32 @!p0 s0, s2  }
0x3b: {  	[tilespmem:s16], [sflag:$0x1] =	stream.linear.gather @!p0 [hbm4b:s2+s16], $0x80, $0x38;
	[tilespmem:$0x18200] =	vst v63  }
.Ltmp1:
0x3c: {  	(pc) =	sbr.rel .LBB2_5-.Ltmp1, $4  }
0x3d: {  	_ = 	snop  }
0x3e: {  	_ =	swait.ge [sflag:s14], $0x2000  }
0x3f: {  	[sflag:s14] =	ssyncset.done $0x0  }
0x40: {  	p1 =	por $0x0, $0x0;
	[sflag:s14] =	ssyncadd.s32 $0xFFFFE000  }
.LBB2_3:
0x41: {  	p1 =	por @!p0 $0x1, $0x1  }
.LBB2_5:
0x42: {  	s2 =	simm.s32 $0x0  }
0x43: {  	s16 =	sand.u32 $0x70, s2  }
0x44: {  	s2 =	sand.u32 $0x30, s2;
	v16 =	vor.u32 s16, v0  }
0x45: {  	v17 =	vor.u32 s2, v0;
	v18 =	vshll.u32 v16, $0x7  }
0x46: {  	v19 =	vor.u32 s2, v1;
	v20 =	vor.u32 v17, v18  }
0x47: {  	v21 =	vor.u32 s2, v2;
	v22 =	vor.u32 v19, v18  }
0x48: {  	v23 =	vor.u32 s2, v3;
	v24 =	vor.u32 v21, v18  }
0x49: {  	v25 =	vor.u32 v23, v18  }
0x4a: {  	v17 =	vshll.u32 v17, $0x7  }
0x4b: {  	v19 =	vshll.u32 v19, $0x7;
	v17 =	vor.u32 v16, v17;
	v20 =	vld.idx.msk [tilespmem:v20+s19+$0x0], $0xffff  }
0x4c: {  	v21 =	vshll.u32 v21, $0x7;
	v19 =	vor.u32 v16, v19;
	v22 =	vld.idx.msk [tilespmem:v22+s19+$0x0], $0xffff  }
0x4d: {  	v23 =	vshll.u32 v23, $0x7;
	v21 =	vor.u32 v16, v21;
	v24 =	vld.idx.msk [tilespmem:v24+s19+$0x0], $0xffff  }
0x4e: {  	v26 =	vor.u32 s2, v4;
	v23 =	vor.u32 v16, v23;
	v25 =	vld.idx.msk [tilespmem:v25+s19+$0x0], $0xffff  }
0x4f: {  	v27 =	vor.u32 s2, v5;
	v28 =	vor.u32 v26, v18  }
0x50: {  	[tilespmem:v17+s25+$0x0] =	vst.idx.msk $0xffff, v20;
	v17 =	vor.u32 s2, v7;
	v20 =	vor.u32 v27, v18  }
0x51: {  	[tilespmem:v19+s25+$0x0] =	vst.idx.msk $0xffff, v22;
	v19 =	vor.u32 s2, v8;
	v22 =	vor.u32 v17, v18  }
0x52: {  	[tilespmem:v21+s25+$0x0] =	vst.idx.msk $0xffff, v24;
	v21 =	vor.u32 v19, v18  }
0x53: {  	[tilespmem:v23+s25+$0x0] =	vst.idx.msk $0xffff, v25;
	v23 =	vshll.u32 v26, $0x7  }
0x54: {  	v25 =	vshll.u32 v27, $0x7;
	v24 =	vld.idx.msk [tilespmem:v28+s19+$0x0], $0xffff;
	v23 =	vor.u32 v16, v23  }
0x55: {  	v17 =	vshll.u32 v17, $0x7;
	v25 =	vor.u32 v16, v25;
	v20 =	vld.idx.msk [tilespmem:v20+s19+$0x0], $0xffff  }
0x56: {  	v17 =	vor.u32 v16, v17;
	v19 =	vshll.u32 v19, $0x7;
	v22 =	vld.idx.msk [tilespmem:v22+s19+$0x0], $0xffff  }
0x57: {  	v26 =	vor.u32 s2, v6;
	v19 =	vor.u32 v16, v19;
	v21 =	vld.idx.msk [tilespmem:v21+s19+$0x0], $0xffff  }
0x58: {  	v27 =	vor.u32 s2, v9;
	v28 =	vor.u32 v26, v18  }
0x59: {  	[tilespmem:v23+s25+$0x0] =	vst.idx.msk $0xffff, v24;
	v23 =	vor.u32 s2, v10;
	v24 =	vor.u32 v27, v18  }
0x5a: {  	[tilespmem:v25+s25+$0x0] =	vst.idx.msk $0xffff, v20;
	v20 =	vor.u32 s2, v11;
	v25 =	vor.u32 v23, v18  }
0x5b: {  	[tilespmem:v17+s25+$0x0] =	vst.idx.msk $0xffff, v22;
	v17 =	vor.u32 v20, v18  }
0x5c: {  	[tilespmem:v19+s25+$0x0] =	vst.idx.msk $0xffff, v21;
	v19 =	vshll.u32 v26, $0x7  }
0x5d: {  	v22 =	vshll.u32 v27, $0x7;
	v21 =	vld.idx.msk [tilespmem:v28+s19+$0x0], $0xffff;
	v19 =	vor.u32 v16, v19  }
0x5e: {  	v23 =	vshll.u32 v23, $0x7;
	v22 =	vor.u32 v16, v22;
	v24 =	vld.idx.msk [tilespmem:v24+s19+$0x0], $0xffff  }
0x5f: {  	v23 =	vor.u32 v16, v23;
	v20 =	vshll.u32 v20, $0x7;
	v25 =	vld.idx.msk [tilespmem:v25+s19+$0x0], $0xffff  }
0x60: {  	v20 =	vor.u32 v16, v20;
	v26 =	vor.u32 s2, v12;
	v17 =	vld.idx.msk [tilespmem:v17+s19+$0x0], $0xffff  }
0x61: {  	v27 =	vor.u32 s2, v13;
	v28 =	vor.u32 v26, v18  }
0x62: {  	[tilespmem:v19+s25+$0x0] =	vst.idx.msk $0xffff, v21;
	v19 =	vor.u32 s2, v14;
	v21 =	vor.u32 v27, v18  }
0x63: {  	[tilespmem:v22+s25+$0x0] =	vst.idx.msk $0xffff, v24;
	v22 =	vor.u32 v19, v18;
	v24 =	vor.u32 s2, v15  }
0x64: {  	[tilespmem:v23+s25+$0x0] =	vst.idx.msk $0xffff, v25;
	v18 =	vor.u32 v24, v18  }
0x65: {  	[tilespmem:v20+s25+$0x0] =	vst.idx.msk $0xffff, v17;
	v17 =	vshll.u32 v26, $0x7  }
0x66: {  	s16 =	simm.s32 $0x4;
	v23 =	vld.idx.msk [tilespmem:v28+s19+$0x0], $0xffff;
	v29 =	vor.u32 v16, v17;
	v17 =	vshll.u32 v27, $0x7  }
0x67: {  	s20 =	simm.s32 $0x10;
	s17 =	sand.u32 $0x70, s16;
	v19 =	vshll.u32 v19, $0x7;
	v20 =	vshll.u32 v24, $0x7;
	v30 =	vld.idx.msk [tilespmem:v21+s19+$0x0], $0xffff;
	v31 =	vor.u32 v16, v17  }
0x68: {  	s2 =	sand.u32 $0x30, s20;
	v32 =	vor.u32 v16, v19;
	v20 =	vor.u32 v16, v20;
	v16 =	vor.u32 s17, v0;
	v33 =	vld.idx.msk [tilespmem:v22+s19+$0x0], $0xffff  }
0x69: {  	v19 =	vor.u32 s2, v2;
	v24 =	vor.u32 s2, v0;
	v17 =	vshll.u32 v16, $0x7;
	v26 =	vld.idx.msk [tilespmem:v18+s19+$0x0], $0xffff  }
0x6a: {  	v21 =	vor.u32 s2, v3;
	v18 =	vor.u32 s2, v1;
	v28 =	vor.u32 v24, v17  }
0x6b: {  	v25 =	vor.u32 v21, v17;
	v27 =	vor.u32 v18, v17;
	v18 =	vshll.u32 v18, $0x7;
	[tilespmem:v29+s25+$0x0] =	vst.idx.msk $0xffff, v23  }
0x6c: {  	v29 =	vor.u32 v19, v17;
	v22 =	vor.u32 v16, v18;
	v18 =	vshll.u32 v19, $0x7;
	[tilespmem:v31+s25+$0x0] =	vst.idx.msk $0xffff, v30  }
0x6d: {  	s17 =	simm.s32 $0x20;
	v19 =	vor.u32 s2, v5;
	v23 =	vor.u32 v16, v18;
	v18 =	vor.u32 s2, v6;
	[tilespmem:v32+s25+$0x0] =	vst.idx.msk $0xffff, v33  }
.LBB2_6:
0x6e: {  	p2 =	sne.s32 s17, $0x1F0;
	[tilespmem:v20+s25+$0x0] =	vst.idx.msk $0xffff, v26;
	s18 =	smov.u32 s17;
	s17 =	sadd.s32 $0x10, s17  }
0x6f: {  	v24 =	vshll.u32 v24, $0x7;
	v20 =	vld.idx.msk [tilespmem:v28+s19+$0x0], $0xffff  }
0x70: {  	v24 =	vor.u32 v16, v24;
	v26 =	vld.idx.msk [tilespmem:v27+s19+$0x0], $0xffff  }
0x71: {  	v27 =	vld.idx.msk [tilespmem:v29+s19+$0x0], $0xffff  }
0x72: {  	v21 =	vshll.u32 v21, $0x7;
	v25 =	vld.idx.msk [tilespmem:v25+s19+$0x0], $0xffff  }
0x73: {  	v21 =	vor.u32 v16, v21;
	v28 =	vor.u32 s2, v4  }
0x74: {  	v29 =	vor.u32 v28, v17  }
0x75: {  	[tilespmem:v24+s25+$0x0] =	vst.idx.msk $0xffff, v20;
	v20 =	vor.u32 s2, v7;
	v24 =	vor.u32 v19, v17  }
0x76: {  	[tilespmem:v22+s25+$0x0] =	vst.idx.msk $0xffff, v26;
	v22 =	vor.u32 s2, v8;
	v26 =	vor.u32 v20, v17  }
0x77: {  	[tilespmem:v23+s25+$0x0] =	vst.idx.msk $0xffff, v27;
	v23 =	vor.u32 v22, v17  }
0x78: {  	[tilespmem:v21+s25+$0x0] =	vst.idx.msk $0xffff, v25  }
0x79: {  	v25 =	vshll.u32 v28, $0x7;
	v21 =	vld.idx.msk [tilespmem:v29+s19+$0x0], $0xffff  }
0x7a: {  	v19 =	vshll.u32 v19, $0x7;
	v25 =	vor.u32 v16, v25;
	v24 =	vld.idx.msk [tilespmem:v24+s19+$0x0], $0xffff  }
0x7b: {  	v19 =	vor.u32 v16, v19;
	v20 =	vshll.u32 v20, $0x7;
	v26 =	vld.idx.msk [tilespmem:v26+s19+$0x0], $0xffff  }
0x7c: {  	v20 =	vor.u32 v16, v20;
	v22 =	vshll.u32 v22, $0x7;
	v23 =	vld.idx.msk [tilespmem:v23+s19+$0x0], $0xffff  }
0x7d: {  	v22 =	vor.u32 v16, v22  }
0x7e: {  	v27 =	vor.u32 s2, v9;
	v28 =	vor.u32 v18, v17  }
0x7f: {  	[tilespmem:v25+s25+$0x0] =	vst.idx.msk $0xffff, v21;
	v21 =	vor.u32 s2, v10;
	v25 =	vor.u32 v27, v17  }
0x80: {  	[tilespmem:v19+s25+$0x0] =	vst.idx.msk $0xffff, v24;
	v19 =	vor.u32 s2, v11;
	v24 =	vor.u32 v21, v17  }
0x81: {  	[tilespmem:v20+s25+$0x0] =	vst.idx.msk $0xffff, v26;
	v20 =	vor.u32 v19, v17  }
0x82: {  	[tilespmem:v22+s25+$0x0] =	vst.idx.msk $0xffff, v23  }
0x83: {  	v18 =	vshll.u32 v18, $0x7;
	v22 =	vld.idx.msk [tilespmem:v28+s19+$0x0], $0xffff  }
0x84: {  	v18 =	vor.u32 v16, v18;
	v23 =	vld.idx.msk [tilespmem:v25+s19+$0x0], $0xffff;
	v25 =	vshll.u32 v27, $0x7  }
0x85: {  	v21 =	vshll.u32 v21, $0x7;
	v24 =	vld.idx.msk [tilespmem:v24+s19+$0x0], $0xffff;
	v25 =	vor.u32 v16, v25  }
0x86: {  	v21 =	vor.u32 v16, v21;
	v19 =	vshll.u32 v19, $0x7;
	v20 =	vld.idx.msk [tilespmem:v20+s19+$0x0], $0xffff  }
0x87: {  	v26 =	vor.u32 s2, v12;
	v19 =	vor.u32 v16, v19  }
0x88: {  	v28 =	vor.u32 v26, v17;
	v27 =	vor.u32 s2, v13  }
0x89: {  	[tilespmem:v18+s25+$0x0] =	vst.idx.msk $0xffff, v22;
	v18 =	vor.u32 s2, v14;
	v22 =	vor.u32 v27, v17  }
0x8a: {  	[tilespmem:v25+s25+$0x0] =	vst.idx.msk $0xffff, v23;
	v23 =	vor.u32 s2, v15;
	v25 =	vor.u32 v18, v17;
	v18 =	vshll.u32 v18, $0x7  }
0x8b: {  	[tilespmem:v21+s25+$0x0] =	vst.idx.msk $0xffff, v24;
	v17 =	vor.u32 v23, v17;
	v30 =	vor.u32 v16, v18;
	v18 =	vshll.u32 v23, $0x7  }
0x8c: {  	[tilespmem:v19+s25+$0x0] =	vst.idx.msk $0xffff, v20;
	v20 =	vor.u32 v16, v18  }
0x8d: {  	v19 =	vshll.u32 v26, $0x7;
	v18 =	vld.idx.msk [tilespmem:v28+s19+$0x0], $0xffff  }
0x8e: {  	s16 =	sadd.s32 $0x4, s16;
	v21 =	vshll.u32 v27, $0x7;
	v19 =	vor.u32 v16, v19;
	v23 =	vld.idx.msk [tilespmem:v22+s19+$0x0], $0xffff  }
0x8f: {  	s20 =	sand.u32 $0x70, s16;
	v32 =	vor.u32 v16, v21;
	v31 =	vld.idx.msk [tilespmem:v25+s19+$0x0], $0xffff  }
0x90: {  	s2 =	sand.u32 $0x30, s18;
	v16 =	vor.u32 s20, v0;
	v26 =	vld.idx.msk [tilespmem:v17+s19+$0x0], $0xffff  }
.Ltmp2:
0x91: {  	v24 =	vor.u32 s2, v0;
	v21 =	vor.u32 s2, v3;
	v17 =	vshll.u32 v16, $0x7;
	(pc) =	sbr.rel @p2 .LBB2_6-.Ltmp2, $4  }
0x92: {  	v33 =	vor.u32 s2, v2;
	v22 =	vor.u32 s2, v1;
	v28 =	vor.u32 v24, v17  }
0x93: {  	v27 =	vor.u32 v22, v17;
	v25 =	vor.u32 v21, v17;
	v22 =	vshll.u32 v22, $0x7;
	[tilespmem:v19+s25+$0x0] =	vst.idx.msk $0xffff, v18  }
0x94: {  	v29 =	vor.u32 v33, v17;
	v22 =	vor.u32 v16, v22;
	v18 =	vshll.u32 v33, $0x7;
	[tilespmem:v32+s25+$0x0] =	vst.idx.msk $0xffff, v23  }
0x95: {  	v19 =	vor.u32 s2, v5;
	v23 =	vor.u32 v16, v18;
	v18 =	vor.u32 s2, v6;
	[tilespmem:v30+s25+$0x0] =	vst.idx.msk $0xffff, v31  }
0x96: {  	_ =	sdelay $0x3  }
0x97: {  	[tilespmem:v20+s25+$0x0] =	vst.idx.msk $0xffff, v26;
	v20 =	vshll.u32 v24, $0x7  }
0x98: {  	v24 =	vld.idx.msk [tilespmem:v28+s19+$0x0], $0xffff;
	v20 =	vor.u32 v16, v20  }
0x99: {  	v26 =	vld.idx.msk [tilespmem:v27+s19+$0x0], $0xffff  }
0x9a: {  	v21 =	vshll.u32 v21, $0x7;
	v27 =	vld.idx.msk [tilespmem:v29+s19+$0x0], $0xffff  }
0x9b: {  	v25 =	vld.idx.msk [tilespmem:v25+s19+$0x0], $0xffff;
	v21 =	vor.u32 v16, v21;
	v28 =	vor.u32 s2, v4  }
0x9c: {  	v29 =	vor.u32 v28, v17  }
0x9d: {  	[tilespmem:v20+s25+$0x0] =	vst.idx.msk $0xffff, v24;
	v20 =	vor.u32 s2, v7;
	v24 =	vor.u32 v19, v17  }
0x9e: {  	[tilespmem:v22+s25+$0x0] =	vst.idx.msk $0xffff, v26;
	v22 =	vor.u32 s2, v8;
	v26 =	vor.u32 v20, v17  }
0x9f: {  	[tilespmem:v23+s25+$0x0] =	vst.idx.msk $0xffff, v27;
	v23 =	vor.u32 v22, v17  }
0xa0: {  	[tilespmem:v21+s25+$0x0] =	vst.idx.msk $0xffff, v25;
	v21 =	vshll.u32 v28, $0x7  }
0xa1: {  	v19 =	vshll.u32 v19, $0x7;
	v25 =	vld.idx.msk [tilespmem:v29+s19+$0x0], $0xffff;
	v21 =	vor.u32 v16, v21  }
0xa2: {  	v19 =	vor.u32 v16, v19;
	v20 =	vshll.u32 v20, $0x7;
	v24 =	vld.idx.msk [tilespmem:v24+s19+$0x0], $0xffff  }
0xa3: {  	v20 =	vor.u32 v16, v20;
	v22 =	vshll.u32 v22, $0x7;
	v26 =	vld.idx.msk [tilespmem:v26+s19+$0x0], $0xffff  }
0xa4: {  	v22 =	vor.u32 v16, v22;
	v23 =	vld.idx.msk [tilespmem:v23+s19+$0x0], $0xffff  }
0xa5: {  	v27 =	vor.u32 s2, v9;
	v28 =	vor.u32 v18, v17  }
0xa6: {  	[tilespmem:v21+s25+$0x0] =	vst.idx.msk $0xffff, v25;
	v21 =	vor.u32 s2, v10;
	v25 =	vor.u32 v27, v17  }
0xa7: {  	[tilespmem:v19+s25+$0x0] =	vst.idx.msk $0xffff, v24;
	v19 =	vor.u32 s2, v11;
	v24 =	vor.u32 v21, v17  }
0xa8: {  	[tilespmem:v20+s25+$0x0] =	vst.idx.msk $0xffff, v26;
	v20 =	vor.u32 v19, v17  }
0xa9: {  	v18 =	vshll.u32 v18, $0x7;
	[tilespmem:v22+s25+$0x0] =	vst.idx.msk $0xffff, v23  }
0xaa: {  	v18 =	vor.u32 v16, v18;
	v23 =	vshll.u32 v27, $0x7;
	v22 =	vld.idx.msk [tilespmem:v28+s19+$0x0], $0xffff  }
0xab: {  	v21 =	vshll.u32 v21, $0x7;
	v23 =	vor.u32 v16, v23;
	v25 =	vld.idx.msk [tilespmem:v25+s19+$0x0], $0xffff  }
0xac: {  	v21 =	vor.u32 v16, v21;
	v19 =	vshll.u32 v19, $0x7;
	v24 =	vld.idx.msk [tilespmem:v24+s19+$0x0], $0xffff  }
0xad: {  	v26 =	vor.u32 s2, v12;
	v19 =	vor.u32 v16, v19;
	v20 =	vld.idx.msk [tilespmem:v20+s19+$0x0], $0xffff  }
0xae: {  	v27 =	vor.u32 s2, v13;
	v28 =	vor.u32 v26, v17  }
0xaf: {  	[tilespmem:v18+s25+$0x0] =	vst.idx.msk $0xffff, v22;
	v18 =	vor.u32 s2, v14;
	v22 =	vor.u32 v27, v17  }
0xb0: {  	[tilespmem:v23+s25+$0x0] =	vst.idx.msk $0xffff, v25;
	v23 =	vor.u32 s2, v15;
	v25 =	vor.u32 v18, v17  }
0xb1: {  	[tilespmem:v21+s25+$0x0] =	vst.idx.msk $0xffff, v24;
	v17 =	vor.u32 v23, v17  }
0xb2: {  	[tilespmem:v19+s25+$0x0] =	vst.idx.msk $0xffff, v20;
	v19 =	vshll.u32 v26, $0x7  }
0xb3: {  	v21 =	vshll.u32 v27, $0x7;
	v20 =	vld.idx.msk [tilespmem:v28+s19+$0x0], $0xffff;
	v19 =	vor.u32 v16, v19  }
0xb4: {  	v18 =	vshll.u32 v18, $0x7;
	v21 =	vor.u32 v16, v21;
	v22 =	vld.idx.msk [tilespmem:v22+s19+$0x0], $0xffff  }
0xb5: {  	v18 =	vor.u32 v16, v18;
	v23 =	vshll.u32 v23, $0x7;
	v24 =	vld.idx.msk [tilespmem:v25+s19+$0x0], $0xffff  }
0xb6: {  	v16 =	vor.u32 v16, v23;
	v17 =	vld.idx.msk [tilespmem:v17+s19+$0x0], $0xffff;
	_ =	sdelay $0x1  }
0xb7: {  	s18 =	sshll.u32 s4, $0x14;
	[tilespmem:v19+s25+$0x0] =	vst.idx.msk $0xffff, v20  }
0xb8: {  	s2 =	sor.u32 s5, s18;
	[tilespmem:v21+s25+$0x0] =	vst.idx.msk $0xffff, v22  }
0xb9: {  	s11 =	rddreg [dreg:$0x2];
	s2 =	sshrl.u32 s2, $0x3;
	[tilespmem:v18+s25+$0x0] =	vst.idx.msk $0xffff, v24  }
0xba: {  	s16 =	sadd.s32 s11, s2;
	[tilespmem:v16+s25+$0x0] =	vst.idx.msk $0xffff, v17  }
0xbb: {  	[hbm4b:s16+s26] =	stream.strided.scatter [tilespmem:s25], [sflag:$0x9], $0x2000, s28, s26, $0x38;
	[tilespmem:$0x18200] =	vst v63  }
0xbc: {  	_ =	swait.ge [sflag:s29], $0x4000  }
0xbd: {  	s20 =	simm.s32 $0x180;
	s16 =	sadd.s32 @!p0 $0x5, s7;
	[sflag:s29] =	ssyncset.done $0x0  }
0xbe: {  	s17 =	sshll.u32 @!p0 s16, $0x7;
	s16 =	sshll.u32 @!p0 s16, $0xC;
	[sflag:s29] =	ssyncadd.s32 $0xFFFFC000  }
0xbf: {  	s17 =	sand.u32 @!p0 $0x280, s17;
	s16 =	sand.u32 @!p0 $0x1F8000, s16;
	_ =	swait.ge [sflag:s30], $0x80  }
0xc0: {  	s11 =	simm.s32 $0x0;
	s16 =	sor.u32 @!p0 s16, s17;
	[sflag:s30] =	ssyncset.done $0x0  }
0xc1: {  	s18 =	sand.u32 $0x70, s11;
	s16 =	sor.u32 @!p0 s5, s16;
	[sflag:s30] =	ssyncadd.s32 $0xFFFFFF80  }
0xc2: {  	[tilespmem:s31], [sflag:$0x8] =	stream.indirect.gather [hbm4b:s6+s15], $0x80, s20, s15, $0xb8;
	[tilespmem:$0x18200] =	vst v63  }
0xc3: {  	s11 =	sand.u32 $0x30, s11;
	v16 =	vor.u32 s18, v0;
	s20 =	sshrl.u32 @!p0 s16, $0x3  }
0xc4: {  	s18 =	simm.s32 @!p0 $0x0;
	v17 =	vor.u32 s11, v0;
	v18 =	vshll.u32 v16, $0x7;
	s17 =	sadd.s32 @!p0 s0, s20;
	s20 =	simm.s32 @!p0 $0x80  }
0xc5: {  	v19 =	vor.u32 s11, v1;
	v20 =	vor.u32 v17, v18;
	[tilespmem:s20], [sflag:$0x2] =	stream.linear.gather @!p0 [hbm4b:s17+s18], $0x80, $0x38;
	[tilespmem:$0x18200] =	vst v63  }
0xc6: {  	v21 =	vor.u32 s11, v2;
	v22 =	vor.u32 v19, v18;
	s17 =	simm.s32 @!p1 $0xA  }
0xc7: {  	v23 =	vor.u32 s11, v3;
	v24 =	vor.u32 v21, v18;
	_ =	swait.ge @!p1 [sflag:s17], $0x2000  }
0xc8: {  	v25 =	vor.u32 v23, v18;
	[sflag:s17] =	ssyncset.done @!p1 $0x0  }
0xc9: {  	v17 =	vshll.u32 v17, $0x7;
	[sflag:s17] =	ssyncadd.s32 @!p1 $0xFFFFE000  }
0xca: {  	v19 =	vshll.u32 v19, $0x7;
	v17 =	vor.u32 v16, v17;
	v20 =	vld.idx.msk [tilespmem:v20+s21+$0x0], $0xffff  }
0xcb: {  	v21 =	vshll.u32 v21, $0x7;
	v19 =	vor.u32 v16, v19;
	v22 =	vld.idx.msk [tilespmem:v22+s21+$0x0], $0xffff  }
0xcc: {  	v23 =	vshll.u32 v23, $0x7;
	v21 =	vor.u32 v16, v21;
	v24 =	vld.idx.msk [tilespmem:v24+s21+$0x0], $0xffff  }
0xcd: {  	v26 =	vor.u32 s11, v4;
	v23 =	vor.u32 v16, v23;
	v25 =	vld.idx.msk [tilespmem:v25+s21+$0x0], $0xffff  }
0xce: {  	v27 =	vor.u32 s11, v5;
	v28 =	vor.u32 v26, v18  }
0xcf: {  	[tilespmem:v17+s1+$0x0] =	vst.idx.msk $0xffff, v20;
	v17 =	vor.u32 s11, v7;
	v20 =	vor.u32 v27, v18  }
0xd0: {  	[tilespmem:v19+s1+$0x0] =	vst.idx.msk $0xffff, v22;
	v19 =	vor.u32 s11, v8;
	v22 =	vor.u32 v17, v18  }
0xd1: {  	[tilespmem:v21+s1+$0x0] =	vst.idx.msk $0xffff, v24;
	v21 =	vor.u32 v19, v18  }
0xd2: {  	[tilespmem:v23+s1+$0x0] =	vst.idx.msk $0xffff, v25;
	v23 =	vshll.u32 v26, $0x7  }
0xd3: {  	v25 =	vshll.u32 v27, $0x7;
	v24 =	vld.idx.msk [tilespmem:v28+s21+$0x0], $0xffff;
	v23 =	vor.u32 v16, v23  }
0xd4: {  	v17 =	vshll.u32 v17, $0x7;
	v25 =	vor.u32 v16, v25;
	v20 =	vld.idx.msk [tilespmem:v20+s21+$0x0], $0xffff  }
0xd5: {  	v17 =	vor.u32 v16, v17;
	v19 =	vshll.u32 v19, $0x7;
	v22 =	vld.idx.msk [tilespmem:v22+s21+$0x0], $0xffff  }
0xd6: {  	v26 =	vor.u32 s11, v6;
	v19 =	vor.u32 v16, v19;
	v21 =	vld.idx.msk [tilespmem:v21+s21+$0x0], $0xffff  }
0xd7: {  	v27 =	vor.u32 s11, v9;
	v28 =	vor.u32 v26, v18  }
0xd8: {  	[tilespmem:v23+s1+$0x0] =	vst.idx.msk $0xffff, v24;
	v23 =	vor.u32 s11, v10;
	v24 =	vor.u32 v27, v18  }
0xd9: {  	[tilespmem:v25+s1+$0x0] =	vst.idx.msk $0xffff, v20;
	v20 =	vor.u32 s11, v11;
	v25 =	vor.u32 v23, v18  }
0xda: {  	[tilespmem:v17+s1+$0x0] =	vst.idx.msk $0xffff, v22;
	v17 =	vor.u32 v20, v18  }
0xdb: {  	[tilespmem:v19+s1+$0x0] =	vst.idx.msk $0xffff, v21;
	v19 =	vshll.u32 v26, $0x7  }
0xdc: {  	v22 =	vshll.u32 v27, $0x7;
	v21 =	vld.idx.msk [tilespmem:v28+s21+$0x0], $0xffff;
	v19 =	vor.u32 v16, v19  }
0xdd: {  	v23 =	vshll.u32 v23, $0x7;
	v22 =	vor.u32 v16, v22;
	v24 =	vld.idx.msk [tilespmem:v24+s21+$0x0], $0xffff  }
0xde: {  	v23 =	vor.u32 v16, v23;
	v20 =	vshll.u32 v20, $0x7;
	v25 =	vld.idx.msk [tilespmem:v25+s21+$0x0], $0xffff  }
0xdf: {  	v20 =	vor.u32 v16, v20;
	v26 =	vor.u32 s11, v12;
	v17 =	vld.idx.msk [tilespmem:v17+s21+$0x0], $0xffff  }
0xe0: {  	v27 =	vor.u32 s11, v13;
	v28 =	vor.u32 v26, v18  }
0xe1: {  	[tilespmem:v19+s1+$0x0] =	vst.idx.msk $0xffff, v21;
	v19 =	vor.u32 s11, v14;
	v21 =	vor.u32 v27, v18  }
0xe2: {  	[tilespmem:v22+s1+$0x0] =	vst.idx.msk $0xffff, v24;
	v22 =	vor.u32 v19, v18;
	v24 =	vor.u32 s11, v15  }
0xe3: {  	[tilespmem:v23+s1+$0x0] =	vst.idx.msk $0xffff, v25;
	v18 =	vor.u32 v24, v18  }
0xe4: {  	[tilespmem:v20+s1+$0x0] =	vst.idx.msk $0xffff, v17;
	v17 =	vshll.u32 v26, $0x7  }
0xe5: {  	s17 =	simm.s32 $0x4;
	v23 =	vld.idx.msk [tilespmem:v28+s21+$0x0], $0xffff;
	v29 =	vor.u32 v16, v17;
	v17 =	vshll.u32 v27, $0x7  }
0xe6: {  	s18 =	simm.s32 $0x10;
	s20 =	sand.u32 $0x70, s17;
	v19 =	vshll.u32 v19, $0x7;
	v20 =	vshll.u32 v24, $0x7;
	v30 =	vld.idx.msk [tilespmem:v21+s21+$0x0], $0xffff;
	v31 =	vor.u32 v16, v17  }
0xe7: {  	s16 =	sand.u32 $0x30, s18;
	v32 =	vor.u32 v16, v19;
	v20 =	vor.u32 v16, v20;
	v16 =	vor.u32 s20, v0;
	v33 =	vld.idx.msk [tilespmem:v22+s21+$0x0], $0xffff  }
0xe8: {  	v19 =	vor.u32 s16, v2;
	v24 =	vor.u32 s16, v0;
	v17 =	vshll.u32 v16, $0x7;
	v26 =	vld.idx.msk [tilespmem:v18+s21+$0x0], $0xffff  }
0xe9: {  	v21 =	vor.u32 s16, v3;
	v18 =	vor.u32 s16, v1;
	v28 =	vor.u32 v24, v17  }
0xea: {  	v25 =	vor.u32 v21, v17;
	v27 =	vor.u32 v18, v17;
	v18 =	vshll.u32 v18, $0x7;
	[tilespmem:v29+s1+$0x0] =	vst.idx.msk $0xffff, v23  }
0xeb: {  	v29 =	vor.u32 v19, v17;
	v22 =	vor.u32 v16, v18;
	v18 =	vshll.u32 v19, $0x7;
	[tilespmem:v31+s1+$0x0] =	vst.idx.msk $0xffff, v30  }
0xec: {  	s18 =	simm.s32 $0x20;
	v19 =	vor.u32 s16, v5;
	v23 =	vor.u32 v16, v18;
	v18 =	vor.u32 s16, v6;
	[tilespmem:v32+s1+$0x0] =	vst.idx.msk $0xffff, v33  }
.LBB2_8:
0xed: {  	p2 =	sne.s32 s18, $0x1F0;
	[tilespmem:v20+s1+$0x0] =	vst.idx.msk $0xffff, v26;
	s20 =	smov.u32 s18;
	s18 =	sadd.s32 $0x10, s18  }
0xee: {  	v24 =	vshll.u32 v24, $0x7;
	v20 =	vld.idx.msk [tilespmem:v28+s21+$0x0], $0xffff  }
0xef: {  	v24 =	vor.u32 v16, v24;
	v26 =	vld.idx.msk [tilespmem:v27+s21+$0x0], $0xffff  }
0xf0: {  	v27 =	vld.idx.msk [tilespmem:v29+s21+$0x0], $0xffff  }
0xf1: {  	v21 =	vshll.u32 v21, $0x7;
	v25 =	vld.idx.msk [tilespmem:v25+s21+$0x0], $0xffff  }
0xf2: {  	v21 =	vor.u32 v16, v21;
	v28 =	vor.u32 s16, v4  }
0xf3: {  	v29 =	vor.u32 v28, v17  }
0xf4: {  	[tilespmem:v24+s1+$0x0] =	vst.idx.msk $0xffff, v20;
	v20 =	vor.u32 s16, v7;
	v24 =	vor.u32 v19, v17  }
0xf5: {  	[tilespmem:v22+s1+$0x0] =	vst.idx.msk $0xffff, v26;
	v22 =	vor.u32 s16, v8;
	v26 =	vor.u32 v20, v17  }
0xf6: {  	[tilespmem:v23+s1+$0x0] =	vst.idx.msk $0xffff, v27;
	v23 =	vor.u32 v22, v17  }
0xf7: {  	[tilespmem:v21+s1+$0x0] =	vst.idx.msk $0xffff, v25  }
0xf8: {  	v25 =	vshll.u32 v28, $0x7;
	v21 =	vld.idx.msk [tilespmem:v29+s21+$0x0], $0xffff  }
0xf9: {  	v19 =	vshll.u32 v19, $0x7;
	v25 =	vor.u32 v16, v25;
	v24 =	vld.idx.msk [tilespmem:v24+s21+$0x0], $0xffff  }
0xfa: {  	v19 =	vor.u32 v16, v19;
	v20 =	vshll.u32 v20, $0x7;
	v26 =	vld.idx.msk [tilespmem:v26+s21+$0x0], $0xffff  }
0xfb: {  	v20 =	vor.u32 v16, v20;
	v22 =	vshll.u32 v22, $0x7;
	v23 =	vld.idx.msk [tilespmem:v23+s21+$0x0], $0xffff  }
0xfc: {  	v22 =	vor.u32 v16, v22  }
0xfd: {  	v27 =	vor.u32 s16, v9;
	v28 =	vor.u32 v18, v17  }
0xfe: {  	[tilespmem:v25+s1+$0x0] =	vst.idx.msk $0xffff, v21;
	v21 =	vor.u32 s16, v10;
	v25 =	vor.u32 v27, v17  }
0xff: {  	[tilespmem:v19+s1+$0x0] =	vst.idx.msk $0xffff, v24;
	v19 =	vor.u32 s16, v11;
	v24 =	vor.u32 v21, v17  }
0x100: {  	[tilespmem:v20+s1+$0x0] =	vst.idx.msk $0xffff, v26;
	v20 =	vor.u32 v19, v17  }
0x101: {  	[tilespmem:v22+s1+$0x0] =	vst.idx.msk $0xffff, v23  }
0x102: {  	v18 =	vshll.u32 v18, $0x7;
	v22 =	vld.idx.msk [tilespmem:v28+s21+$0x0], $0xffff  }
0x103: {  	v18 =	vor.u32 v16, v18;
	v23 =	vld.idx.msk [tilespmem:v25+s21+$0x0], $0xffff;
	v25 =	vshll.u32 v27, $0x7  }
0x104: {  	v21 =	vshll.u32 v21, $0x7;
	v24 =	vld.idx.msk [tilespmem:v24+s21+$0x0], $0xffff;
	v25 =	vor.u32 v16, v25  }
0x105: {  	v21 =	vor.u32 v16, v21;
	v19 =	vshll.u32 v19, $0x7;
	v20 =	vld.idx.msk [tilespmem:v20+s21+$0x0], $0xffff  }
0x106: {  	v26 =	vor.u32 s16, v12;
	v19 =	vor.u32 v16, v19  }
0x107: {  	v28 =	vor.u32 v26, v17;
	v27 =	vor.u32 s16, v13  }
0x108: {  	[tilespmem:v18+s1+$0x0] =	vst.idx.msk $0xffff, v22;
	v18 =	vor.u32 s16, v14;
	v22 =	vor.u32 v27, v17  }
0x109: {  	[tilespmem:v25+s1+$0x0] =	vst.idx.msk $0xffff, v23;
	v23 =	vor.u32 s16, v15;
	v25 =	vor.u32 v18, v17;
	v18 =	vshll.u32 v18, $0x7  }
0x10a: {  	[tilespmem:v21+s1+$0x0] =	vst.idx.msk $0xffff, v24;
	v17 =	vor.u32 v23, v17;
	v30 =	vor.u32 v16, v18;
	v18 =	vshll.u32 v23, $0x7  }
0x10b: {  	[tilespmem:v19+s1+$0x0] =	vst.idx.msk $0xffff, v20;
	v20 =	vor.u32 v16, v18  }
0x10c: {  	v19 =	vshll.u32 v26, $0x7;
	v18 =	vld.idx.msk [tilespmem:v28+s21+$0x0], $0xffff  }
0x10d: {  	s17 =	sadd.s32 $0x4, s17;
	v21 =	vshll.u32 v27, $0x7;
	v19 =	vor.u32 v16, v19;
	v23 =	vld.idx.msk [tilespmem:v22+s21+$0x0], $0xffff  }
0x10e: {  	s11 =	sand.u32 $0x70, s17;
	v32 =	vor.u32 v16, v21;
	v31 =	vld.idx.msk [tilespmem:v25+s21+$0x0], $0xffff  }
0x10f: {  	s16 =	sand.u32 $0x30, s20;
	v16 =	vor.u32 s11, v0;
	v26 =	vld.idx.msk [tilespmem:v17+s21+$0x0], $0xffff  }
.Ltmp3:
0x110: {  	v24 =	vor.u32 s16, v0;
	v21 =	vor.u32 s16, v3;
	v17 =	vshll.u32 v16, $0x7;
	(pc) =	sbr.rel @p2 .LBB2_8-.Ltmp3, $4  }
0x111: {  	v33 =	vor.u32 s16, v2;
	v22 =	vor.u32 s16, v1;
	v28 =	vor.u32 v24, v17  }
0x112: {  	v27 =	vor.u32 v22, v17;
	v25 =	vor.u32 v21, v17;
	v22 =	vshll.u32 v22, $0x7;
	[tilespmem:v19+s1+$0x0] =	vst.idx.msk $0xffff, v18  }
0x113: {  	v29 =	vor.u32 v33, v17;
	v22 =	vor.u32 v16, v22;
	v18 =	vshll.u32 v33, $0x7;
	[tilespmem:v32+s1+$0x0] =	vst.idx.msk $0xffff, v23  }
0x114: {  	v19 =	vor.u32 s16, v5;
	v23 =	vor.u32 v16, v18;
	v18 =	vor.u32 s16, v6;
	[tilespmem:v30+s1+$0x0] =	vst.idx.msk $0xffff, v31  }
0x115: {  	_ =	sdelay $0x3  }
0x116: {  	[tilespmem:v20+s1+$0x0] =	vst.idx.msk $0xffff, v26;
	v20 =	vshll.u32 v24, $0x7  }
0x117: {  	v24 =	vld.idx.msk [tilespmem:v28+s21+$0x0], $0xffff;
	v20 =	vor.u32 v16, v20  }
0x118: {  	v26 =	vld.idx.msk [tilespmem:v27+s21+$0x0], $0xffff  }
0x119: {  	v21 =	vshll.u32 v21, $0x7;
	v27 =	vld.idx.msk [tilespmem:v29+s21+$0x0], $0xffff  }
0x11a: {  	v25 =	vld.idx.msk [tilespmem:v25+s21+$0x0], $0xffff;
	v21 =	vor.u32 v16, v21;
	v28 =	vor.u32 s16, v4  }
0x11b: {  	v29 =	vor.u32 v28, v17  }
0x11c: {  	[tilespmem:v20+s1+$0x0] =	vst.idx.msk $0xffff, v24;
	v20 =	vor.u32 s16, v7;
	v24 =	vor.u32 v19, v17  }
0x11d: {  	[tilespmem:v22+s1+$0x0] =	vst.idx.msk $0xffff, v26;
	v22 =	vor.u32 s16, v8;
	v26 =	vor.u32 v20, v17  }
0x11e: {  	[tilespmem:v23+s1+$0x0] =	vst.idx.msk $0xffff, v27;
	v23 =	vor.u32 v22, v17  }
0x11f: {  	[tilespmem:v21+s1+$0x0] =	vst.idx.msk $0xffff, v25;
	v21 =	vshll.u32 v28, $0x7  }
0x120: {  	v19 =	vshll.u32 v19, $0x7;
	v25 =	vld.idx.msk [tilespmem:v29+s21+$0x0], $0xffff;
	v21 =	vor.u32 v16, v21  }
0x121: {  	v19 =	vor.u32 v16, v19;
	v20 =	vshll.u32 v20, $0x7;
	v24 =	vld.idx.msk [tilespmem:v24+s21+$0x0], $0xffff  }
0x122: {  	v20 =	vor.u32 v16, v20;
	v22 =	vshll.u32 v22, $0x7;
	v26 =	vld.idx.msk [tilespmem:v26+s21+$0x0], $0xffff  }
0x123: {  	v22 =	vor.u32 v16, v22;
	v23 =	vld.idx.msk [tilespmem:v23+s21+$0x0], $0xffff  }
0x124: {  	v27 =	vor.u32 s16, v9;
	v28 =	vor.u32 v18, v17  }
0x125: {  	[tilespmem:v21+s1+$0x0] =	vst.idx.msk $0xffff, v25;
	v21 =	vor.u32 s16, v10;
	v25 =	vor.u32 v27, v17  }
0x126: {  	[tilespmem:v19+s1+$0x0] =	vst.idx.msk $0xffff, v24;
	v19 =	vor.u32 s16, v11;
	v24 =	vor.u32 v21, v17  }
0x127: {  	[tilespmem:v20+s1+$0x0] =	vst.idx.msk $0xffff, v26;
	v20 =	vor.u32 v19, v17  }
0x128: {  	v18 =	vshll.u32 v18, $0x7;
	[tilespmem:v22+s1+$0x0] =	vst.idx.msk $0xffff, v23  }
0x129: {  	v18 =	vor.u32 v16, v18;
	v23 =	vshll.u32 v27, $0x7;
	v22 =	vld.idx.msk [tilespmem:v28+s21+$0x0], $0xffff  }
0x12a: {  	v21 =	vshll.u32 v21, $0x7;
	v23 =	vor.u32 v16, v23;
	v25 =	vld.idx.msk [tilespmem:v25+s21+$0x0], $0xffff  }
0x12b: {  	v21 =	vor.u32 v16, v21;
	v19 =	vshll.u32 v19, $0x7;
	v24 =	vld.idx.msk [tilespmem:v24+s21+$0x0], $0xffff  }
0x12c: {  	v26 =	vor.u32 s16, v12;
	v19 =	vor.u32 v16, v19;
	v20 =	vld.idx.msk [tilespmem:v20+s21+$0x0], $0xffff  }
0x12d: {  	v27 =	vor.u32 s16, v13;
	v28 =	vor.u32 v26, v17  }
0x12e: {  	[tilespmem:v18+s1+$0x0] =	vst.idx.msk $0xffff, v22;
	v18 =	vor.u32 s16, v14;
	v22 =	vor.u32 v27, v17  }
0x12f: {  	[tilespmem:v23+s1+$0x0] =	vst.idx.msk $0xffff, v25;
	v23 =	vor.u32 s16, v15;
	v25 =	vor.u32 v18, v17  }
0x130: {  	[tilespmem:v21+s1+$0x0] =	vst.idx.msk $0xffff, v24;
	v17 =	vor.u32 v23, v17  }
0x131: {  	[tilespmem:v19+s1+$0x0] =	vst.idx.msk $0xffff, v20;
	v19 =	vshll.u32 v26, $0x7  }
0x132: {  	v21 =	vshll.u32 v27, $0x7;
	v20 =	vld.idx.msk [tilespmem:v28+s21+$0x0], $0xffff;
	v19 =	vor.u32 v16, v19  }
0x133: {  	v18 =	vshll.u32 v18, $0x7;
	v21 =	vor.u32 v16, v21;
	v22 =	vld.idx.msk [tilespmem:v22+s21+$0x0], $0xffff  }
0x134: {  	v18 =	vor.u32 v16, v18;
	v23 =	vshll.u32 v23, $0x7;
	v24 =	vld.idx.msk [tilespmem:v25+s21+$0x0], $0xffff  }
0x135: {  	v16 =	vor.u32 v16, v23;
	v17 =	vld.idx.msk [tilespmem:v17+s21+$0x0], $0xffff;
	_ =	sdelay $0x1  }
0x136: {  	[tilespmem:v19+s1+$0x0] =	vst.idx.msk $0xffff, v20  }
0x137: {  	[tilespmem:v21+s1+$0x0] =	vst.idx.msk $0xffff, v22  }
0x138: {  	s11 =	rddreg [dreg:$0x8];
	[tilespmem:v18+s1+$0x0] =	vst.idx.msk $0xffff, v24  }
0x139: {  	s11 =	sadd.s32 s2, s11;
	[tilespmem:v16+s1+$0x0] =	vst.idx.msk $0xffff, v17  }
0x13a: {  	[hbm4b:s11+s26] =	stream.strided.scatter [tilespmem:s1], [sflag:$0xA], $0x2000, s28, s26, $0x38;
	[tilespmem:$0x18200] =	vst v63  }
0x13b: {  	_ =	swait.ge [sflag:s3], $0x4000  }
0x13c: {  	[sflag:s3] =	ssyncset.done $0x0  }
0x13d: {  	s11 =	simm.s32 @!p0 $0x1;
	[sflag:s3] =	ssyncadd.s32 $0xFFFFC000  }
0x13e: {  	_ =	swait.ge @!p0 [sflag:s11], $0x80  }
0x13f: {  	s17 =	simm.s32 @!p0 $0x200;
	[sflag:s11] =	ssyncset.done @!p0 $0x0  }
0x140: {  	s16 =	simm.s32 @!p0 $0x0;
	[sflag:s11] =	ssyncadd.s32 @!p0 $0xFFFFFF80;
	s11 =	simm.s32 @!p0 $0x80  }
0x141: {  	[tilespmem:s17], [sflag:$0x5] =	stream.indirect.gather @!p0 [hbm4b:s6+s11], $0x80, s16, s11, $0xb8;
	[tilespmem:$0x18200] =	vst v63  }
0x142: {  	s11 =	sadd.s32 @!p0 $0x6, s7  }
0x143: {  	s17 =	sshll.u32 @!p0 s11, $0x7;
	s11 =	sshll.u32 @!p0 s11, $0xC  }
0x144: {  	s17 =	sand.u32 @!p0 $0x300, s17;
	s11 =	sand.u32 @!p0 $0x1F8000, s11  }
0x145: {  	s11 =	sor.u32 @!p0 s11, s17  }
0x146: {  	s11 =	sor.u32 @!p0 s5, s11  }
0x147: {  	s11 =	sshrl.u32 @!p0 s11, $0x3  }
0x148: {  	s20 =	simm.s32 $0x0;
	s17 =	simm.s32 @!p0 $0x100;
	s11 =	sadd.s32 @!p0 s0, s11  }
0x149: {  	[tilespmem:s17], [sflag:$0x3] =	stream.linear.gather @!p0 [hbm4b:s11+s16], $0x80, $0x38;
	[tilespmem:$0x18200] =	vst v63  }
0x14a: {  	s16 =	sand.u32 $0x70, s20  }
0x14b: {  	s18 =	sand.u32 $0x30, s20;
	v16 =	vor.u32 s16, v0  }
0x14c: {  	v17 =	vor.u32 s18, v0;
	v18 =	vshll.u32 v16, $0x7  }
0x14d: {  	p1 =	por p0, !p1;
	v19 =	vor.u32 s18, v1;
	v20 =	vor.u32 v17, v18  }
0x14e: {  	v21 =	vor.u32 s18, v2;
	s11 =	simm.s32 @p1 $0xB;
	v22 =	vor.u32 v19, v18  }
0x14f: {  	v23 =	vor.u32 s18, v3;
	_ =	swait.ge @p1 [sflag:s11], $0x2000;
	v24 =	vor.u32 v21, v18  }
0x150: {  	[sflag:s11] =	ssyncset.done @p1 $0x0;
	v25 =	vor.u32 v23, v18  }
0x151: {  	[sflag:s11] =	ssyncadd.s32 @p1 $0xFFFFE000;
	v17 =	vshll.u32 v17, $0x7  }
0x152: {  	v19 =	vshll.u32 v19, $0x7;
	v17 =	vor.u32 v16, v17;
	v20 =	vld.idx.msk [tilespmem:v20+s24+$0x0], $0xffff  }
0x153: {  	v21 =	vshll.u32 v21, $0x7;
	v19 =	vor.u32 v16, v19;
	v22 =	vld.idx.msk [tilespmem:v22+s24+$0x0], $0xffff  }
0x154: {  	v23 =	vshll.u32 v23, $0x7;
	v21 =	vor.u32 v16, v21;
	v24 =	vld.idx.msk [tilespmem:v24+s24+$0x0], $0xffff  }
0x155: {  	v26 =	vor.u32 s18, v4;
	v23 =	vor.u32 v16, v23;
	v25 =	vld.idx.msk [tilespmem:v25+s24+$0x0], $0xffff  }
0x156: {  	v27 =	vor.u32 s18, v5;
	v28 =	vor.u32 v26, v18  }
0x157: {  	[tilespmem:v17+s8+$0x0] =	vst.idx.msk $0xffff, v20;
	v17 =	vor.u32 s18, v7;
	v20 =	vor.u32 v27, v18  }
0x158: {  	[tilespmem:v19+s8+$0x0] =	vst.idx.msk $0xffff, v22;
	v19 =	vor.u32 s18, v8;
	v22 =	vor.u32 v17, v18  }
0x159: {  	[tilespmem:v21+s8+$0x0] =	vst.idx.msk $0xffff, v24;
	v21 =	vor.u32 v19, v18  }
0x15a: {  	[tilespmem:v23+s8+$0x0] =	vst.idx.msk $0xffff, v25;
	v23 =	vshll.u32 v26, $0x7  }
0x15b: {  	v25 =	vshll.u32 v27, $0x7;
	v24 =	vld.idx.msk [tilespmem:v28+s24+$0x0], $0xffff;
	v23 =	vor.u32 v16, v23  }
0x15c: {  	v17 =	vshll.u32 v17, $0x7;
	v25 =	vor.u32 v16, v25;
	v20 =	vld.idx.msk [tilespmem:v20+s24+$0x0], $0xffff  }
0x15d: {  	v17 =	vor.u32 v16, v17;
	v19 =	vshll.u32 v19, $0x7;
	v22 =	vld.idx.msk [tilespmem:v22+s24+$0x0], $0xffff  }
0x15e: {  	v26 =	vor.u32 s18, v6;
	v19 =	vor.u32 v16, v19;
	v21 =	vld.idx.msk [tilespmem:v21+s24+$0x0], $0xffff  }
0x15f: {  	v27 =	vor.u32 s18, v9;
	v28 =	vor.u32 v26, v18  }
0x160: {  	[tilespmem:v23+s8+$0x0] =	vst.idx.msk $0xffff, v24;
	v23 =	vor.u32 s18, v10;
	v24 =	vor.u32 v27, v18  }
0x161: {  	[tilespmem:v25+s8+$0x0] =	vst.idx.msk $0xffff, v20;
	v20 =	vor.u32 s18, v11;
	v25 =	vor.u32 v23, v18  }
0x162: {  	[tilespmem:v17+s8+$0x0] =	vst.idx.msk $0xffff, v22;
	v17 =	vor.u32 v20, v18  }
0x163: {  	[tilespmem:v19+s8+$0x0] =	vst.idx.msk $0xffff, v21;
	v19 =	vshll.u32 v26, $0x7  }
0x164: {  	v22 =	vshll.u32 v27, $0x7;
	v21 =	vld.idx.msk [tilespmem:v28+s24+$0x0], $0xffff;
	v19 =	vor.u32 v16, v19  }
0x165: {  	v23 =	vshll.u32 v23, $0x7;
	v22 =	vor.u32 v16, v22;
	v24 =	vld.idx.msk [tilespmem:v24+s24+$0x0], $0xffff  }
0x166: {  	v23 =	vor.u32 v16, v23;
	v20 =	vshll.u32 v20, $0x7;
	v25 =	vld.idx.msk [tilespmem:v25+s24+$0x0], $0xffff  }
0x167: {  	v20 =	vor.u32 v16, v20;
	v26 =	vor.u32 s18, v12;
	v17 =	vld.idx.msk [tilespmem:v17+s24+$0x0], $0xffff  }
0x168: {  	v27 =	vor.u32 s18, v13;
	v28 =	vor.u32 v26, v18  }
0x169: {  	[tilespmem:v19+s8+$0x0] =	vst.idx.msk $0xffff, v21;
	v19 =	vor.u32 s18, v14;
	v21 =	vor.u32 v27, v18  }
0x16a: {  	[tilespmem:v22+s8+$0x0] =	vst.idx.msk $0xffff, v24;
	v22 =	vor.u32 v19, v18;
	v24 =	vor.u32 s18, v15  }
0x16b: {  	[tilespmem:v23+s8+$0x0] =	vst.idx.msk $0xffff, v25;
	v18 =	vor.u32 v24, v18  }
0x16c: {  	[tilespmem:v20+s8+$0x0] =	vst.idx.msk $0xffff, v17;
	v17 =	vshll.u32 v26, $0x7  }
0x16d: {  	s17 =	simm.s32 $0x4;
	v23 =	vld.idx.msk [tilespmem:v28+s24+$0x0], $0xffff;
	v29 =	vor.u32 v16, v17;
	v17 =	vshll.u32 v27, $0x7  }
0x16e: {  	s20 =	simm.s32 $0x10;
	v19 =	vshll.u32 v19, $0x7;
	s18 =	sand.u32 $0x70, s17;
	v20 =	vshll.u32 v24, $0x7;
	v30 =	vld.idx.msk [tilespmem:v21+s24+$0x0], $0xffff;
	v31 =	vor.u32 v16, v17  }
0x16f: {  	s16 =	sand.u32 $0x30, s20;
	v32 =	vor.u32 v16, v19;
	v20 =	vor.u32 v16, v20;
	v16 =	vor.u32 s18, v0;
	v33 =	vld.idx.msk [tilespmem:v22+s24+$0x0], $0xffff  }
0x170: {  	v19 =	vor.u32 s16, v2;
	v24 =	vor.u32 s16, v0;
	v17 =	vshll.u32 v16, $0x7;
	v26 =	vld.idx.msk [tilespmem:v18+s24+$0x0], $0xffff  }
0x171: {  	v21 =	vor.u32 s16, v3;
	v18 =	vor.u32 s16, v1;
	v28 =	vor.u32 v24, v17  }
0x172: {  	v25 =	vor.u32 v21, v17;
	v27 =	vor.u32 v18, v17;
	v18 =	vshll.u32 v18, $0x7;
	[tilespmem:v29+s8+$0x0] =	vst.idx.msk $0xffff, v23  }
0x173: {  	v29 =	vor.u32 v19, v17;
	v22 =	vor.u32 v16, v18;
	v18 =	vshll.u32 v19, $0x7;
	[tilespmem:v31+s8+$0x0] =	vst.idx.msk $0xffff, v30  }
0x174: {  	s18 =	simm.s32 $0x20;
	v19 =	vor.u32 s16, v5;
	v23 =	vor.u32 v16, v18;
	v18 =	vor.u32 s16, v6;
	[tilespmem:v32+s8+$0x0] =	vst.idx.msk $0xffff, v33  }
.LBB2_10:
0x175: {  	p2 =	sne.s32 s18, $0x1F0;
	[tilespmem:v20+s8+$0x0] =	vst.idx.msk $0xffff, v26;
	s20 =	smov.u32 s18;
	s18 =	sadd.s32 $0x10, s18  }
0x176: {  	v24 =	vshll.u32 v24, $0x7;
	v20 =	vld.idx.msk [tilespmem:v28+s24+$0x0], $0xffff  }
0x177: {  	v24 =	vor.u32 v16, v24;
	v26 =	vld.idx.msk [tilespmem:v27+s24+$0x0], $0xffff  }
0x178: {  	v27 =	vld.idx.msk [tilespmem:v29+s24+$0x0], $0xffff  }
0x179: {  	v21 =	vshll.u32 v21, $0x7;
	v25 =	vld.idx.msk [tilespmem:v25+s24+$0x0], $0xffff  }
0x17a: {  	v21 =	vor.u32 v16, v21;
	v28 =	vor.u32 s16, v4  }
0x17b: {  	v29 =	vor.u32 v28, v17  }
0x17c: {  	[tilespmem:v24+s8+$0x0] =	vst.idx.msk $0xffff, v20;
	v20 =	vor.u32 s16, v7;
	v24 =	vor.u32 v19, v17  }
0x17d: {  	[tilespmem:v22+s8+$0x0] =	vst.idx.msk $0xffff, v26;
	v22 =	vor.u32 s16, v8;
	v26 =	vor.u32 v20, v17  }
0x17e: {  	[tilespmem:v23+s8+$0x0] =	vst.idx.msk $0xffff, v27;
	v23 =	vor.u32 v22, v17  }
0x17f: {  	[tilespmem:v21+s8+$0x0] =	vst.idx.msk $0xffff, v25  }
0x180: {  	v25 =	vshll.u32 v28, $0x7;
	v21 =	vld.idx.msk [tilespmem:v29+s24+$0x0], $0xffff  }
0x181: {  	v19 =	vshll.u32 v19, $0x7;
	v25 =	vor.u32 v16, v25;
	v24 =	vld.idx.msk [tilespmem:v24+s24+$0x0], $0xffff  }
0x182: {  	v19 =	vor.u32 v16, v19;
	v20 =	vshll.u32 v20, $0x7;
	v26 =	vld.idx.msk [tilespmem:v26+s24+$0x0], $0xffff  }
0x183: {  	v20 =	vor.u32 v16, v20;
	v22 =	vshll.u32 v22, $0x7;
	v23 =	vld.idx.msk [tilespmem:v23+s24+$0x0], $0xffff  }
0x184: {  	v22 =	vor.u32 v16, v22  }
0x185: {  	v27 =	vor.u32 s16, v9;
	v28 =	vor.u32 v18, v17  }
0x186: {  	[tilespmem:v25+s8+$0x0] =	vst.idx.msk $0xffff, v21;
	v21 =	vor.u32 s16, v10;
	v25 =	vor.u32 v27, v17  }
0x187: {  	[tilespmem:v19+s8+$0x0] =	vst.idx.msk $0xffff, v24;
	v19 =	vor.u32 s16, v11;
	v24 =	vor.u32 v21, v17  }
0x188: {  	[tilespmem:v20+s8+$0x0] =	vst.idx.msk $0xffff, v26;
	v20 =	vor.u32 v19, v17  }
0x189: {  	[tilespmem:v22+s8+$0x0] =	vst.idx.msk $0xffff, v23  }
0x18a: {  	v18 =	vshll.u32 v18, $0x7;
	v22 =	vld.idx.msk [tilespmem:v28+s24+$0x0], $0xffff  }
0x18b: {  	v18 =	vor.u32 v16, v18;
	v23 =	vld.idx.msk [tilespmem:v25+s24+$0x0], $0xffff;
	v25 =	vshll.u32 v27, $0x7  }
0x18c: {  	v21 =	vshll.u32 v21, $0x7;
	v24 =	vld.idx.msk [tilespmem:v24+s24+$0x0], $0xffff;
	v25 =	vor.u32 v16, v25  }
0x18d: {  	v21 =	vor.u32 v16, v21;
	v19 =	vshll.u32 v19, $0x7;
	v20 =	vld.idx.msk [tilespmem:v20+s24+$0x0], $0xffff  }
0x18e: {  	v26 =	vor.u32 s16, v12;
	v19 =	vor.u32 v16, v19  }
0x18f: {  	v28 =	vor.u32 v26, v17;
	v27 =	vor.u32 s16, v13  }
0x190: {  	[tilespmem:v18+s8+$0x0] =	vst.idx.msk $0xffff, v22;
	v18 =	vor.u32 s16, v14;
	v22 =	vor.u32 v27, v17  }
0x191: {  	[tilespmem:v25+s8+$0x0] =	vst.idx.msk $0xffff, v23;
	v23 =	vor.u32 s16, v15;
	v25 =	vor.u32 v18, v17;
	v18 =	vshll.u32 v18, $0x7  }
0x192: {  	[tilespmem:v21+s8+$0x0] =	vst.idx.msk $0xffff, v24;
	v17 =	vor.u32 v23, v17;
	v30 =	vor.u32 v16, v18;
	v18 =	vshll.u32 v23, $0x7  }
0x193: {  	[tilespmem:v19+s8+$0x0] =	vst.idx.msk $0xffff, v20;
	v20 =	vor.u32 v16, v18  }
0x194: {  	v19 =	vshll.u32 v26, $0x7;
	v18 =	vld.idx.msk [tilespmem:v28+s24+$0x0], $0xffff  }
0x195: {  	s17 =	sadd.s32 $0x4, s17;
	v21 =	vshll.u32 v27, $0x7;
	v19 =	vor.u32 v16, v19;
	v23 =	vld.idx.msk [tilespmem:v22+s24+$0x0], $0xffff  }
0x196: {  	s11 =	sand.u32 $0x70, s17;
	v32 =	vor.u32 v16, v21;
	v31 =	vld.idx.msk [tilespmem:v25+s24+$0x0], $0xffff  }
0x197: {  	s16 =	sand.u32 $0x30, s20;
	v16 =	vor.u32 s11, v0;
	v26 =	vld.idx.msk [tilespmem:v17+s24+$0x0], $0xffff  }
.Ltmp4:
0x198: {  	v24 =	vor.u32 s16, v0;
	v21 =	vor.u32 s16, v3;
	v17 =	vshll.u32 v16, $0x7;
	(pc) =	sbr.rel @p2 .LBB2_10-.Ltmp4, $4  }
0x199: {  	v33 =	vor.u32 s16, v2;
	v22 =	vor.u32 s16, v1;
	v28 =	vor.u32 v24, v17  }
0x19a: {  	v27 =	vor.u32 v22, v17;
	v25 =	vor.u32 v21, v17;
	v22 =	vshll.u32 v22, $0x7;
	[tilespmem:v19+s8+$0x0] =	vst.idx.msk $0xffff, v18  }
0x19b: {  	v29 =	vor.u32 v33, v17;
	v22 =	vor.u32 v16, v22;
	v18 =	vshll.u32 v33, $0x7;
	[tilespmem:v32+s8+$0x0] =	vst.idx.msk $0xffff, v23  }
0x19c: {  	v19 =	vor.u32 s16, v5;
	v23 =	vor.u32 v16, v18;
	v18 =	vor.u32 s16, v6;
	[tilespmem:v30+s8+$0x0] =	vst.idx.msk $0xffff, v31  }
0x19d: {  	_ =	sdelay $0x3  }
0x19e: {  	[tilespmem:v20+s8+$0x0] =	vst.idx.msk $0xffff, v26;
	v20 =	vshll.u32 v24, $0x7  }
0x19f: {  	v24 =	vld.idx.msk [tilespmem:v28+s24+$0x0], $0xffff;
	v20 =	vor.u32 v16, v20  }
0x1a0: {  	v26 =	vld.idx.msk [tilespmem:v27+s24+$0x0], $0xffff  }
0x1a1: {  	v21 =	vshll.u32 v21, $0x7;
	v27 =	vld.idx.msk [tilespmem:v29+s24+$0x0], $0xffff  }
0x1a2: {  	v25 =	vld.idx.msk [tilespmem:v25+s24+$0x0], $0xffff;
	v21 =	vor.u32 v16, v21;
	v28 =	vor.u32 s16, v4  }
0x1a3: {  	v29 =	vor.u32 v28, v17  }
0x1a4: {  	[tilespmem:v20+s8+$0x0] =	vst.idx.msk $0xffff, v24;
	v20 =	vor.u32 s16, v7;
	v24 =	vor.u32 v19, v17  }
0x1a5: {  	[tilespmem:v22+s8+$0x0] =	vst.idx.msk $0xffff, v26;
	v22 =	vor.u32 s16, v8;
	v26 =	vor.u32 v20, v17  }
0x1a6: {  	[tilespmem:v23+s8+$0x0] =	vst.idx.msk $0xffff, v27;
	v23 =	vor.u32 v22, v17  }
0x1a7: {  	[tilespmem:v21+s8+$0x0] =	vst.idx.msk $0xffff, v25;
	v21 =	vshll.u32 v28, $0x7  }
0x1a8: {  	v19 =	vshll.u32 v19, $0x7;
	v25 =	vld.idx.msk [tilespmem:v29+s24+$0x0], $0xffff;
	v21 =	vor.u32 v16, v21  }
0x1a9: {  	v19 =	vor.u32 v16, v19;
	v20 =	vshll.u32 v20, $0x7;
	v24 =	vld.idx.msk [tilespmem:v24+s24+$0x0], $0xffff  }
0x1aa: {  	v20 =	vor.u32 v16, v20;
	v22 =	vshll.u32 v22, $0x7;
	v26 =	vld.idx.msk [tilespmem:v26+s24+$0x0], $0xffff  }
0x1ab: {  	v22 =	vor.u32 v16, v22;
	v23 =	vld.idx.msk [tilespmem:v23+s24+$0x0], $0xffff  }
0x1ac: {  	v27 =	vor.u32 s16, v9;
	v28 =	vor.u32 v18, v17  }
0x1ad: {  	[tilespmem:v21+s8+$0x0] =	vst.idx.msk $0xffff, v25;
	v21 =	vor.u32 s16, v10;
	v25 =	vor.u32 v27, v17  }
0x1ae: {  	[tilespmem:v19+s8+$0x0] =	vst.idx.msk $0xffff, v24;
	v19 =	vor.u32 s16, v11;
	v24 =	vor.u32 v21, v17  }
0x1af: {  	[tilespmem:v20+s8+$0x0] =	vst.idx.msk $0xffff, v26;
	v20 =	vor.u32 v19, v17  }
0x1b0: {  	v18 =	vshll.u32 v18, $0x7;
	[tilespmem:v22+s8+$0x0] =	vst.idx.msk $0xffff, v23  }
0x1b1: {  	v18 =	vor.u32 v16, v18;
	v23 =	vshll.u32 v27, $0x7;
	v22 =	vld.idx.msk [tilespmem:v28+s24+$0x0], $0xffff  }
0x1b2: {  	v21 =	vshll.u32 v21, $0x7;
	v23 =	vor.u32 v16, v23;
	v25 =	vld.idx.msk [tilespmem:v25+s24+$0x0], $0xffff  }
0x1b3: {  	v21 =	vor.u32 v16, v21;
	v19 =	vshll.u32 v19, $0x7;
	v24 =	vld.idx.msk [tilespmem:v24+s24+$0x0], $0xffff  }
0x1b4: {  	v26 =	vor.u32 s16, v12;
	v19 =	vor.u32 v16, v19;
	v20 =	vld.idx.msk [tilespmem:v20+s24+$0x0], $0xffff  }
0x1b5: {  	v27 =	vor.u32 s16, v13;
	v28 =	vor.u32 v26, v17  }
0x1b6: {  	[tilespmem:v18+s8+$0x0] =	vst.idx.msk $0xffff, v22;
	v18 =	vor.u32 s16, v14;
	v22 =	vor.u32 v27, v17  }
0x1b7: {  	[tilespmem:v23+s8+$0x0] =	vst.idx.msk $0xffff, v25;
	v23 =	vor.u32 s16, v15;
	v25 =	vor.u32 v18, v17  }
0x1b8: {  	[tilespmem:v21+s8+$0x0] =	vst.idx.msk $0xffff, v24;
	v17 =	vor.u32 v23, v17  }
0x1b9: {  	[tilespmem:v19+s8+$0x0] =	vst.idx.msk $0xffff, v20;
	v19 =	vshll.u32 v26, $0x7  }
0x1ba: {  	v21 =	vshll.u32 v27, $0x7;
	v20 =	vld.idx.msk [tilespmem:v28+s24+$0x0], $0xffff;
	v19 =	vor.u32 v16, v19  }
0x1bb: {  	v18 =	vshll.u32 v18, $0x7;
	v21 =	vor.u32 v16, v21;
	v22 =	vld.idx.msk [tilespmem:v22+s24+$0x0], $0xffff  }
0x1bc: {  	v18 =	vor.u32 v16, v18;
	v23 =	vshll.u32 v23, $0x7;
	v24 =	vld.idx.msk [tilespmem:v25+s24+$0x0], $0xffff  }
0x1bd: {  	v16 =	vor.u32 v16, v23;
	v17 =	vld.idx.msk [tilespmem:v17+s24+$0x0], $0xffff;
	_ =	sdelay $0x1  }
0x1be: {  	[tilespmem:v19+s8+$0x0] =	vst.idx.msk $0xffff, v20  }
0x1bf: {  	[tilespmem:v21+s8+$0x0] =	vst.idx.msk $0xffff, v22  }
0x1c0: {  	[tilespmem:v18+s8+$0x0] =	vst.idx.msk $0xffff, v24  }
0x1c1: {  	s11 =	sadd.s32 s2, s12;
	[tilespmem:v16+s8+$0x0] =	vst.idx.msk $0xffff, v17  }
0x1c2: {  	[hbm4b:s11+s26] =	stream.strided.scatter [tilespmem:s8], [sflag:$0xB], $0x2000, s28, s26, $0x38;
	[tilespmem:$0x18200] =	vst v63  }
0x1c3: {  	_ =	swait.ge [sflag:s9], $0x4000  }
0x1c4: {  	[sflag:s9] =	ssyncset.done $0x0  }
0x1c5: {  	s11 =	simm.s32 @!p0 $0x2;
	[sflag:s9] =	ssyncadd.s32 $0xFFFFC000  }
0x1c6: {  	_ =	swait.ge @!p0 [sflag:s11], $0x80  }
0x1c7: {  	s7 =	sadd.s32 @!p0 $0x7, s7;
	[sflag:s11] =	ssyncset.done @!p0 $0x0  }
0x1c8: {  	s16 =	simm.s32 @!p0 $0x4200;
	[sflag:s11] =	ssyncadd.s32 @!p0 $0xFFFFFF80;
	s11 =	simm.s32 @!p0 $0x80  }
0x1c9: {  	[tilespmem:s16], [sflag:$0x6] =	stream.indirect.gather @!p0 [hbm4b:s6+s11], $0x80, s11, s11, $0xb8;
	[tilespmem:$0x18200] =	vst v63  }
0x1ca: {  	s11 =	sshll.u32 @!p0 s7, $0x7;
	s7 =	sshll.u32 @!p0 s7, $0xC  }
0x1cb: {  	s11 =	sand.u32 @!p0 $0x380, s11;
	s7 =	sand.u32 @!p0 $0x1F8000, s7  }
0x1cc: {  	s7 =	sor.u32 @!p0 s7, s11  }
0x1cd: {  	s7 =	sor.u32 @!p0 s5, s7  }
0x1ce: {  	s7 =	sshrl.u32 @!p0 s7, $0x3  }
0x1cf: {  	s16 =	simm.s32 @!p0 $0x180;
	s11 =	simm.s32 @!p0 $0x0;
	s7 =	sadd.s32 @!p0 s0, s7  }
0x1d0: {  	[tilespmem:s16], [sflag:$0x4] =	stream.linear.gather @!p0 [hbm4b:s7+s11], $0x80, $0x38;
	[tilespmem:$0x18200] =	vst v63  }
0x1d1: {  	s7 =	simm.s32 @p1 $0xC  }
0x1d2: {  	s16 =	simm.s32 $0x0;
	_ =	swait.ge @p1 [sflag:s7], $0x2000  }
0x1d3: {  	s17 =	sand.u32 $0x70, s16;
	[sflag:s7] =	ssyncset.done @p1 $0x0  }
0x1d4: {  	v16 =	vor.u32 s17, v0;
	[sflag:s7] =	ssyncadd.s32 @p1 $0xFFFFE000;
	s7 =	sand.u32 $0x30, s16  }
0x1d5: {  	v18 =	vshll.u32 v16, $0x7;
	v17 =	vor.u32 s7, v0  }
0x1d6: {  	v19 =	vor.u32 s7, v1;
	v20 =	vor.u32 v17, v18  }
0x1d7: {  	v21 =	vor.u32 s7, v2;
	v22 =	vor.u32 v19, v18  }
0x1d8: {  	v23 =	vor.u32 s7, v3;
	v24 =	vor.u32 v21, v18  }
0x1d9: {  	v25 =	vor.u32 v23, v18  }
0x1da: {  	v17 =	vshll.u32 v17, $0x7  }
0x1db: {  	v19 =	vshll.u32 v19, $0x7;
	v17 =	vor.u32 v16, v17;
	v20 =	vld.idx.msk [tilespmem:v20+s31+$0x0], $0xffff  }
0x1dc: {  	v21 =	vshll.u32 v21, $0x7;
	v19 =	vor.u32 v16, v19;
	v22 =	vld.idx.msk [tilespmem:v22+s31+$0x0], $0xffff  }
0x1dd: {  	v23 =	vshll.u32 v23, $0x7;
	v21 =	vor.u32 v16, v21;
	v24 =	vld.idx.msk [tilespmem:v24+s31+$0x0], $0xffff  }
0x1de: {  	v26 =	vor.u32 s7, v4;
	v23 =	vor.u32 v16, v23;
	v25 =	vld.idx.msk [tilespmem:v25+s31+$0x0], $0xffff  }
0x1df: {  	v27 =	vor.u32 s7, v5;
	v28 =	vor.u32 v26, v18  }
0x1e0: {  	[tilespmem:v17+s10+$0x0] =	vst.idx.msk $0xffff, v20;
	v17 =	vor.u32 s7, v7;
	v20 =	vor.u32 v27, v18  }
0x1e1: {  	[tilespmem:v19+s10+$0x0] =	vst.idx.msk $0xffff, v22;
	v19 =	vor.u32 s7, v8;
	v22 =	vor.u32 v17, v18  }
0x1e2: {  	[tilespmem:v21+s10+$0x0] =	vst.idx.msk $0xffff, v24;
	v21 =	vor.u32 v19, v18  }
0x1e3: {  	[tilespmem:v23+s10+$0x0] =	vst.idx.msk $0xffff, v25;
	v23 =	vshll.u32 v26, $0x7  }
0x1e4: {  	v25 =	vshll.u32 v27, $0x7;
	v24 =	vld.idx.msk [tilespmem:v28+s31+$0x0], $0xffff;
	v23 =	vor.u32 v16, v23  }
0x1e5: {  	v17 =	vshll.u32 v17, $0x7;
	v25 =	vor.u32 v16, v25;
	v20 =	vld.idx.msk [tilespmem:v20+s31+$0x0], $0xffff  }
0x1e6: {  	v17 =	vor.u32 v16, v17;
	v19 =	vshll.u32 v19, $0x7;
	v22 =	vld.idx.msk [tilespmem:v22+s31+$0x0], $0xffff  }
0x1e7: {  	v26 =	vor.u32 s7, v6;
	v19 =	vor.u32 v16, v19;
	v21 =	vld.idx.msk [tilespmem:v21+s31+$0x0], $0xffff  }
0x1e8: {  	v27 =	vor.u32 s7, v9;
	v28 =	vor.u32 v26, v18  }
0x1e9: {  	[tilespmem:v23+s10+$0x0] =	vst.idx.msk $0xffff, v24;
	v23 =	vor.u32 s7, v10;
	v24 =	vor.u32 v27, v18  }
0x1ea: {  	[tilespmem:v25+s10+$0x0] =	vst.idx.msk $0xffff, v20;
	v20 =	vor.u32 s7, v11;
	v25 =	vor.u32 v23, v18  }
0x1eb: {  	[tilespmem:v17+s10+$0x0] =	vst.idx.msk $0xffff, v22;
	v17 =	vor.u32 v20, v18  }
0x1ec: {  	[tilespmem:v19+s10+$0x0] =	vst.idx.msk $0xffff, v21;
	v19 =	vshll.u32 v26, $0x7  }
0x1ed: {  	v22 =	vshll.u32 v27, $0x7;
	v21 =	vld.idx.msk [tilespmem:v28+s31+$0x0], $0xffff;
	v19 =	vor.u32 v16, v19  }
0x1ee: {  	v23 =	vshll.u32 v23, $0x7;
	v22 =	vor.u32 v16, v22;
	v24 =	vld.idx.msk [tilespmem:v24+s31+$0x0], $0xffff  }
0x1ef: {  	v23 =	vor.u32 v16, v23;
	v20 =	vshll.u32 v20, $0x7;
	v25 =	vld.idx.msk [tilespmem:v25+s31+$0x0], $0xffff  }
0x1f0: {  	v20 =	vor.u32 v16, v20;
	v26 =	vor.u32 s7, v12;
	v17 =	vld.idx.msk [tilespmem:v17+s31+$0x0], $0xffff  }
0x1f1: {  	v27 =	vor.u32 s7, v13;
	v28 =	vor.u32 v26, v18  }
0x1f2: {  	[tilespmem:v19+s10+$0x0] =	vst.idx.msk $0xffff, v21;
	v19 =	vor.u32 s7, v14;
	v21 =	vor.u32 v27, v18  }
0x1f3: {  	[tilespmem:v22+s10+$0x0] =	vst.idx.msk $0xffff, v24;
	v22 =	vor.u32 v19, v18;
	v24 =	vor.u32 s7, v15  }
0x1f4: {  	[tilespmem:v23+s10+$0x0] =	vst.idx.msk $0xffff, v25;
	v18 =	vor.u32 v24, v18  }
0x1f5: {  	[tilespmem:v20+s10+$0x0] =	vst.idx.msk $0xffff, v17;
	v17 =	vshll.u32 v26, $0x7  }
0x1f6: {  	s16 =	simm.s32 $0x4;
	v23 =	vld.idx.msk [tilespmem:v28+s31+$0x0], $0xffff;
	v29 =	vor.u32 v16, v17;
	v17 =	vshll.u32 v27, $0x7  }
0x1f7: {  	s18 =	simm.s32 $0x10;
	s20 =	sand.u32 $0x70, s16;
	v19 =	vshll.u32 v19, $0x7;
	v20 =	vshll.u32 v24, $0x7;
	v30 =	vld.idx.msk [tilespmem:v21+s31+$0x0], $0xffff;
	v31 =	vor.u32 v16, v17  }
0x1f8: {  	s7 =	sand.u32 $0x30, s18;
	v32 =	vor.u32 v16, v19;
	v20 =	vor.u32 v16, v20;
	v16 =	vor.u32 s20, v0;
	v33 =	vld.idx.msk [tilespmem:v22+s31+$0x0], $0xffff  }
0x1f9: {  	v19 =	vor.u32 s7, v2;
	v24 =	vor.u32 s7, v0;
	v17 =	vshll.u32 v16, $0x7;
	v26 =	vld.idx.msk [tilespmem:v18+s31+$0x0], $0xffff  }
0x1fa: {  	v21 =	vor.u32 s7, v3;
	v18 =	vor.u32 s7, v1;
	v28 =	vor.u32 v24, v17  }
0x1fb: {  	v25 =	vor.u32 v21, v17;
	v27 =	vor.u32 v18, v17;
	v18 =	vshll.u32 v18, $0x7;
	[tilespmem:v29+s10+$0x0] =	vst.idx.msk $0xffff, v23  }
0x1fc: {  	v29 =	vor.u32 v19, v17;
	v22 =	vor.u32 v16, v18;
	v18 =	vshll.u32 v19, $0x7;
	[tilespmem:v31+s10+$0x0] =	vst.idx.msk $0xffff, v30  }
0x1fd: {  	s17 =	simm.s32 $0x20;
	v19 =	vor.u32 s7, v5;
	v23 =	vor.u32 v16, v18;
	v18 =	vor.u32 s7, v6;
	[tilespmem:v32+s10+$0x0] =	vst.idx.msk $0xffff, v33  }
.LBB2_12:
0x1fe: {  	p0 =	sne.s32 s17, $0x1F0;
	[tilespmem:v20+s10+$0x0] =	vst.idx.msk $0xffff, v26;
	s18 =	smov.u32 s17;
	s17 =	sadd.s32 $0x10, s17  }
0x1ff: {  	v24 =	vshll.u32 v24, $0x7;
	v20 =	vld.idx.msk [tilespmem:v28+s31+$0x0], $0xffff  }
0x200: {  	v24 =	vor.u32 v16, v24;
	v26 =	vld.idx.msk [tilespmem:v27+s31+$0x0], $0xffff  }
0x201: {  	v27 =	vld.idx.msk [tilespmem:v29+s31+$0x0], $0xffff  }
0x202: {  	v21 =	vshll.u32 v21, $0x7;
	v25 =	vld.idx.msk [tilespmem:v25+s31+$0x0], $0xffff  }
0x203: {  	v21 =	vor.u32 v16, v21;
	v28 =	vor.u32 s7, v4  }
0x204: {  	v29 =	vor.u32 v28, v17  }
0x205: {  	[tilespmem:v24+s10+$0x0] =	vst.idx.msk $0xffff, v20;
	v20 =	vor.u32 s7, v7;
	v24 =	vor.u32 v19, v17  }
0x206: {  	[tilespmem:v22+s10+$0x0] =	vst.idx.msk $0xffff, v26;
	v22 =	vor.u32 s7, v8;
	v26 =	vor.u32 v20, v17  }
0x207: {  	[tilespmem:v23+s10+$0x0] =	vst.idx.msk $0xffff, v27;
	v23 =	vor.u32 v22, v17  }
0x208: {  	[tilespmem:v21+s10+$0x0] =	vst.idx.msk $0xffff, v25  }
0x209: {  	v25 =	vshll.u32 v28, $0x7;
	v21 =	vld.idx.msk [tilespmem:v29+s31+$0x0], $0xffff  }
0x20a: {  	v19 =	vshll.u32 v19, $0x7;
	v25 =	vor.u32 v16, v25;
	v24 =	vld.idx.msk [tilespmem:v24+s31+$0x0], $0xffff  }
0x20b: {  	v19 =	vor.u32 v16, v19;
	v20 =	vshll.u32 v20, $0x7;
	v26 =	vld.idx.msk [tilespmem:v26+s31+$0x0], $0xffff  }
0x20c: {  	v20 =	vor.u32 v16, v20;
	v22 =	vshll.u32 v22, $0x7;
	v23 =	vld.idx.msk [tilespmem:v23+s31+$0x0], $0xffff  }
0x20d: {  	v22 =	vor.u32 v16, v22  }
0x20e: {  	v27 =	vor.u32 s7, v9;
	v28 =	vor.u32 v18, v17  }
0x20f: {  	[tilespmem:v25+s10+$0x0] =	vst.idx.msk $0xffff, v21;
	v21 =	vor.u32 s7, v10;
	v25 =	vor.u32 v27, v17  }
0x210: {  	[tilespmem:v19+s10+$0x0] =	vst.idx.msk $0xffff, v24;
	v19 =	vor.u32 s7, v11;
	v24 =	vor.u32 v21, v17  }
0x211: {  	[tilespmem:v20+s10+$0x0] =	vst.idx.msk $0xffff, v26;
	v20 =	vor.u32 v19, v17  }
0x212: {  	[tilespmem:v22+s10+$0x0] =	vst.idx.msk $0xffff, v23  }
0x213: {  	v18 =	vshll.u32 v18, $0x7;
	v22 =	vld.idx.msk [tilespmem:v28+s31+$0x0], $0xffff  }
0x214: {  	v18 =	vor.u32 v16, v18;
	v23 =	vld.idx.msk [tilespmem:v25+s31+$0x0], $0xffff;
	v25 =	vshll.u32 v27, $0x7  }
0x215: {  	v21 =	vshll.u32 v21, $0x7;
	v24 =	vld.idx.msk [tilespmem:v24+s31+$0x0], $0xffff;
	v25 =	vor.u32 v16, v25  }
0x216: {  	v21 =	vor.u32 v16, v21;
	v19 =	vshll.u32 v19, $0x7;
	v20 =	vld.idx.msk [tilespmem:v20+s31+$0x0], $0xffff  }
0x217: {  	v26 =	vor.u32 s7, v12;
	v19 =	vor.u32 v16, v19  }
0x218: {  	v28 =	vor.u32 v26, v17;
	v27 =	vor.u32 s7, v13  }
0x219: {  	[tilespmem:v18+s10+$0x0] =	vst.idx.msk $0xffff, v22;
	v18 =	vor.u32 s7, v14;
	v22 =	vor.u32 v27, v17  }
0x21a: {  	[tilespmem:v25+s10+$0x0] =	vst.idx.msk $0xffff, v23;
	v23 =	vor.u32 s7, v15;
	v25 =	vor.u32 v18, v17;
	v18 =	vshll.u32 v18, $0x7  }
0x21b: {  	[tilespmem:v21+s10+$0x0] =	vst.idx.msk $0xffff, v24;
	v17 =	vor.u32 v23, v17;
	v30 =	vor.u32 v16, v18;
	v18 =	vshll.u32 v23, $0x7  }
0x21c: {  	[tilespmem:v19+s10+$0x0] =	vst.idx.msk $0xffff, v20;
	v20 =	vor.u32 v16, v18  }
0x21d: {  	v19 =	vshll.u32 v26, $0x7;
	v18 =	vld.idx.msk [tilespmem:v28+s31+$0x0], $0xffff  }
0x21e: {  	s16 =	sadd.s32 $0x4, s16;
	v21 =	vshll.u32 v27, $0x7;
	v19 =	vor.u32 v16, v19;
	v23 =	vld.idx.msk [tilespmem:v22+s31+$0x0], $0xffff  }
0x21f: {  	s11 =	sand.u32 $0x70, s16;
	v32 =	vor.u32 v16, v21;
	v31 =	vld.idx.msk [tilespmem:v25+s31+$0x0], $0xffff  }
0x220: {  	s7 =	sand.u32 $0x30, s18;
	v16 =	vor.u32 s11, v0;
	v26 =	vld.idx.msk [tilespmem:v17+s31+$0x0], $0xffff  }
.Ltmp5:
0x221: {  	v24 =	vor.u32 s7, v0;
	v21 =	vor.u32 s7, v3;
	v17 =	vshll.u32 v16, $0x7;
	(pc) =	sbr.rel @p0 .LBB2_12-.Ltmp5, $4  }
0x222: {  	v33 =	vor.u32 s7, v2;
	v22 =	vor.u32 s7, v1;
	v28 =	vor.u32 v24, v17  }
0x223: {  	v27 =	vor.u32 v22, v17;
	v25 =	vor.u32 v21, v17;
	v22 =	vshll.u32 v22, $0x7;
	[tilespmem:v19+s10+$0x0] =	vst.idx.msk $0xffff, v18  }
0x224: {  	v29 =	vor.u32 v33, v17;
	v22 =	vor.u32 v16, v22;
	v18 =	vshll.u32 v33, $0x7;
	[tilespmem:v32+s10+$0x0] =	vst.idx.msk $0xffff, v23  }
0x225: {  	v19 =	vor.u32 s7, v5;
	v23 =	vor.u32 v16, v18;
	v18 =	vor.u32 s7, v6;
	[tilespmem:v30+s10+$0x0] =	vst.idx.msk $0xffff, v31  }
0x226: {  	_ =	sdelay $0x3  }
0x227: {  	[tilespmem:v20+s10+$0x0] =	vst.idx.msk $0xffff, v26;
	v34 =	vshll.u32 v24, $0x7  }
0x228: {  	v35 =	vld.idx.msk [tilespmem:v28+s31+$0x0], $0xffff;
	v20 =	vor.u32 v16, v34  }
0x229: {  	v26 =	vld.idx.msk [tilespmem:v27+s31+$0x0], $0xffff  }
0x22a: {  	v21 =	vshll.u32 v21, $0x7;
	v36 =	vld.idx.msk [tilespmem:v29+s31+$0x0], $0xffff  }
0x22b: {  	v37 =	vor.u32 s7, v4;
	v25 =	vld.idx.msk [tilespmem:v25+s31+$0x0], $0xffff;
	v21 =	vor.u32 v16, v21  }
0x22c: {  	v38 =	vor.u32 v37, v17  }
0x22d: {  	v39 =	vor.u32 s7, v7;
	v40 =	vor.u32 v19, v17;
	[tilespmem:v20+s10+$0x0] =	vst.idx.msk $0xffff, v35  }
0x22e: {  	v41 =	vor.u32 s7, v8;
	v42 =	vor.u32 v39, v17;
	[tilespmem:v22+s10+$0x0] =	vst.idx.msk $0xffff, v26  }
0x22f: {  	v43 =	vor.u32 v41, v17;
	[tilespmem:v23+s10+$0x0] =	vst.idx.msk $0xffff, v36  }
0x230: {  	v44 =	vshll.u32 v37, $0x7;
	[tilespmem:v21+s10+$0x0] =	vst.idx.msk $0xffff, v25  }
0x231: {  	v45 =	vshll.u32 v19, $0x7;
	v21 =	vor.u32 v16, v44;
	v25 =	vld.idx.msk [tilespmem:v38+s31+$0x0], $0xffff  }
0x232: {  	v19 =	vor.u32 v16, v45;
	v20 =	vshll.u32 v39, $0x7;
	v24 =	vld.idx.msk [tilespmem:v40+s31+$0x0], $0xffff  }
0x233: {  	v20 =	vor.u32 v16, v20;
	v22 =	vshll.u32 v41, $0x7;
	v26 =	vld.idx.msk [tilespmem:v42+s31+$0x0], $0xffff  }
0x234: {  	v22 =	vor.u32 v16, v22;
	v23 =	vld.idx.msk [tilespmem:v43+s31+$0x0], $0xffff  }
0x235: {  	v46 =	vor.u32 s7, v9;
	v47 =	vor.u32 v18, v17  }
0x236: {  	v48 =	vor.u32 s7, v10;
	v49 =	vor.u32 v46, v17;
	[tilespmem:v21+s10+$0x0] =	vst.idx.msk $0xffff, v25  }
0x237: {  	v50 =	vor.u32 s7, v11;
	v51 =	vor.u32 v48, v17;
	[tilespmem:v19+s10+$0x0] =	vst.idx.msk $0xffff, v24  }
0x238: {  	v52 =	vor.u32 v50, v17;
	[tilespmem:v20+s10+$0x0] =	vst.idx.msk $0xffff, v26  }
0x239: {  	v53 =	vshll.u32 v18, $0x7;
	[tilespmem:v22+s10+$0x0] =	vst.idx.msk $0xffff, v23  }
0x23a: {  	v18 =	vor.u32 v16, v53;
	v54 =	vshll.u32 v46, $0x7;
	v22 =	vld.idx.msk [tilespmem:v47+s31+$0x0], $0xffff  }
0x23b: {  	v21 =	vshll.u32 v48, $0x7;
	v23 =	vor.u32 v16, v54;
	v25 =	vld.idx.msk [tilespmem:v49+s31+$0x0], $0xffff  }
0x23c: {  	v21 =	vor.u32 v16, v21;
	v19 =	vshll.u32 v50, $0x7;
	v24 =	vld.idx.msk [tilespmem:v51+s31+$0x0], $0xffff  }
0x23d: {  	v55 =	vor.u32 s7, v12;
	v19 =	vor.u32 v16, v19;
	v20 =	vld.idx.msk [tilespmem:v52+s31+$0x0], $0xffff  }
0x23e: {  	v56 =	vor.u32 s7, v13;
	v57 =	vor.u32 v55, v17  }
0x23f: {  	v58 =	vor.u32 s7, v14;
	v59 =	vor.u32 v56, v17;
	[tilespmem:v18+s10+$0x0] =	vst.idx.msk $0xffff, v22  }
0x240: {  	v60 =	vor.u32 s7, v15;
	v61 =	vor.u32 v58, v17;
	[tilespmem:v23+s10+$0x0] =	vst.idx.msk $0xffff, v25  }
0x241: {  	v17 =	vor.u32 v60, v17;
	[tilespmem:v21+s10+$0x0] =	vst.idx.msk $0xffff, v24  }
0x242: {  	v62 =	vshll.u32 v55, $0x7;
	[tilespmem:v19+s10+$0x0] =	vst.idx.msk $0xffff, v20  }
0x243: {  	v63 =	vshll.u32 v56, $0x7;
	v19 =	vor.u32 v16, v62;
	v20 =	vld.idx.msk [tilespmem:v57+s31+$0x0], $0xffff  }
0x244: {  	v18 =	vshll.u32 v58, $0x7;
	v21 =	vor.u32 v16, v63;
	v22 =	vld.idx.msk [tilespmem:v59+s31+$0x0], $0xffff  }
0x245: {  	v18 =	vor.u32 v16, v18;
	v23 =	vshll.u32 v60, $0x7;
	v24 =	vld.idx.msk [tilespmem:v61+s31+$0x0], $0xffff  }
0x246: {  	s4 =	sadd.s32 $0x1, s4;
	v16 =	vor.u32 v16, v23;
	v17 =	vld.idx.msk [tilespmem:v17+s31+$0x0], $0xffff  }
0x247: {  	p0 =	sne.s32 s4, $0x32  }
.Ltmp6:
0x248: {  	[tilespmem:v19+s10+$0x0] =	vst.idx.msk $0xffff, v20;
	(pc) =	sbr.rel @p0 .LBB2_2-.Ltmp6, $4  }
0x249: {  	[tilespmem:v21+s10+$0x0] =	vst.idx.msk $0xffff, v22  }
0x24a: {  	[tilespmem:v18+s10+$0x0] =	vst.idx.msk $0xffff, v24  }
0x24b: {  	s2 =	sadd.s32 s2, s13;
	[tilespmem:v16+s10+$0x0] =	vst.idx.msk $0xffff, v17  }
0x24c: {  	[hbm4b:s2+s26] =	stream.strided.scatter [tilespmem:s10], [sflag:$0xC], $0x2000, s28, s26, $0x38;
	[tilespmem:$0x18200] =	vst v63  }
0x24d: {  	_ =	swait.ge [sflag:s14], $0x2000  }
0x24e: {  	[sflag:s14] =	ssyncset.done $0x0  }
0x24f: {  	s2 =	simm.s32 $0xA;
	[sflag:s14] =	ssyncadd.s32 $0xFFFFE000  }
0x250: {  	_ =	swait.ge [sflag:s2], $0x2000  }
0x251: {  	[sflag:s2] =	ssyncset.done $0x0  }
0x252: {  	s18 =	simm.s32 $0xB;
	[sflag:s2] =	ssyncadd.s32 $0xFFFFE000  }
0x253: {  	_ =	swait.ge [sflag:s18], $0x2000  }
0x254: {  	[sflag:s18] =	ssyncset.done $0x0  }
0x255: {  	s4 =	simm.s32 $0xC;
	[sflag:s18] =	ssyncadd.s32 $0xFFFFE000  }
0x256: {  	_ =	swait.ge [sflag:s4], $0x2000  }
0x257: {  	s7 =	rddreg [dreg:$0xa]  }
0x258: {  	s20 =	rddreg [dreg:$0x9];
	s7 =	sadd.s32 $0x1, s7  }
0x259: {  	p0 =	sne.s32 s7, s20  }
.Ltmp7:
0x25a: {  	_ = 	snop;
	(pc) =	sbr.rel @p0 .LBB2_1-.Ltmp7, $3  }
0x25b: {  	_ =	sdelay $0x1  }
0x25c: {  	[sflag:s4] =	ssyncset.done $0x0  }
0x25d: {  	[sflag:s4] =	ssyncadd.s32 $0xFFFFE000  }
0x25e: {  	_ =	sfence.sel $0x180000  }
0x25f: {  	[bflag:$0x0] =	sbarrier.arrive $0xFFFF  }
0x260: {  	_ =	strace $0x9000004A  }
0x261: {  	s0 =	stileid.u32;
	[bflag:$0x2] =	sbarrier.arrive $0xFFFF  }
0x262: {  	p0 =	sne.s32 s0, $0x0;
	s0 =	rddreg [dreg:$0x3]  }
0x263: {  	s0 =	sadd.s32 @!p0 $0x100000, s0  }
0x264: {  	[sflag:s0] =	ssyncadd.tile.s32 @!p0 $0x1;
	_ =	shalt  }
.Lfunc_end2:
_tile_overlayer_lowered:
.L_overlay_start_2:
0x265: {  	(tag) =	ssettag $0x2  }
0x266: {  	s0 =	rddreg [dreg:$0x0];
	s2 =	stileid.u32  }
0x267: {  	s1 =	rddreg [dreg:$0x1];
	p0 =	sne.s32 s2, $0x0  }
0x268: {  	s3 =	rddreg [dreg:$0x2];
	[bflag:$0x3] =	sbarrier.arrive $0xFFFF;
	s2 =	simm.s32 @!p0 $0x1C0D  }
0x269: {  	[timem:s3], [sflag:s2] =	dma.local @!p0 [hbm:s0], s1  }
0x26a: {  	s0 =	simm.s32 @!p0 $0xD  }
0x26b: {  	_ =	swait.ge @!p0 [sflag:s0], s1  }
0x26c: {  	s1 =	ssub.s32 @!p0 $0x0, s1;
	[sflag:s0] =	ssyncset.done @!p0 $0x0  }
0x26d: {  	[sflag:s0] =	ssyncadd.s32 @!p0 s1  }
0x26e: {  	[bflag:$0x3] =	sbarrier.arrive $0xFFFF  }
0x26f: {  	_ =	shalt  }

</sc_bundles>
